<compile_context>
chip_gen: v7x
topology: tpu7x:2x2x1
jax: 0.10.2.dev20260603
libtpu: 0.0.44.dev20260713+nightly
codegen_flags: <defaults>
</compile_context>

<pallas_src>
import jax
import jax.numpy as jnp
from jax import lax
from jax.experimental import pallas as pl
from jax.experimental.pallas import tpu as pltpu
from jax.experimental.pallas import tpu_sc as plsc

D_MODEL = 1024
D_FF = 4096
N_PRIM = 64
RANK = 64
TOP_K = 8
N_TOK = 4096

_NEG = -3.0e38
_BIG_I = 0x7FFFFFFF



def _topk_one(src, i_out, w_out, logits_v, idx_v, wgt_v):
  lane = lax.iota(jnp.int32, 16)
  pltpu.sync_copy(src, logits_v)
  vs = [logits_v[pl.ds(16 * i, 16)] for i in range(N_PRIM // 16)]
  ids = [lane + 16 * i for i in range(N_PRIM // 16)]
  sel_val = jnp.full((16,), _NEG, jnp.float32)
  sel_idx = jnp.zeros((16,), jnp.int32)
  for j in range(TOP_K):
    m = jnp.max(vs[0])
    for v in vs[1:]:
      m = jnp.maximum(m, jnp.max(v))
    t = jnp.int32(_BIG_I)
    for v, iv in zip(vs, ids):
      t = jnp.minimum(t, jnp.min(jnp.where(v == m, iv, _BIG_I)))
    sel_val = jnp.where(lane == j, m, sel_val)
    sel_idx = jnp.where(lane == j, t, sel_idx)
    vs = [jnp.where(iv == t, _NEG, v) for v, iv in zip(vs, ids)]
  m0 = jnp.max(sel_val)
  e = jnp.where(lane < TOP_K, jnp.exp(sel_val - m0), 0.0)
  s = jnp.sum(e)
  idx_v[...] = sel_idx
  wgt_v[...] = e / s
  pltpu.sync_copy(idx_v, i_out)
  pltpu.sync_copy(wgt_v, w_out)


def _sc_topk_body(l1_hbm, l2_hbm, i1_out, w1_out, i2_out, w2_out,
                  logits_v, idx_v, wgt_v):
  cid = lax.axis_index("c")
  sid = lax.axis_index("s")

  @pl.when(jnp.logical_and(cid == 0, sid == 0))
  def _():
    _topk_one(l1_hbm, i1_out, w1_out, logits_v, idx_v, wgt_v)

  @pl.when(jnp.logical_and(cid == 1, sid == 0))
  def _():
    _topk_one(l2_hbm, i2_out, w2_out, logits_v, idx_v, wgt_v)


def _sc_topk(l1, l2):
  f = pl.kernel(
      _sc_topk_body,
      out_type=(
          jax.ShapeDtypeStruct((16,), jnp.int32),
          jax.ShapeDtypeStruct((16,), jnp.float32),
          jax.ShapeDtypeStruct((16,), jnp.int32),
          jax.ShapeDtypeStruct((16,), jnp.float32),
      ),
      mesh=plsc.VectorSubcoreMesh(core_axis_name="c", subcore_axis_name="s"),
      compiler_params=pltpu.CompilerParams(needs_layout_passes=False),
      scratch_types=[
          pltpu.VMEM((N_PRIM,), jnp.float32),
          pltpu.VMEM((16,), jnp.int32),
          pltpu.VMEM((16,), jnp.float32),
      ],
  )
  return f(l1, l2)



ROWS = 1024
NT_STEPS = N_TOK // ROWS
KR = TOP_K * RANK
FCHUNK = 4096

_NT = (((1,), (1,)), ((), ()))

_GC1 = -2.0 * 0.7978845608028654
_GC3 = _GC1 * 0.044715


def _gelu_tanh(u):
  y = (_GC1 + _GC3 * (u * u)) * u
  return u / (1.0 + jnp.exp(y))


def _ffn_body(i1_ref, i2_ref, x_ref, a1t_hbm, b1_hbm, a2t_hbm, b2_hbm,
              w1_ref, w2_ref, out_ref,
              a1s, b1s, a2s, b2s, a1b, b1b, a2b, b2b, sem):
  t = pl.program_id(0)

  @pl.when(t == 0)
  def _prep():
    copies = []
    for k in range(TOP_K):
      i1k = i1_ref[k]
      i2k = i2_ref[k]
      copies.append(pltpu.make_async_copy(a1t_hbm.at[i1k], a1s.at[k], sem))
      copies.append(pltpu.make_async_copy(b1_hbm.at[i1k], b1s.at[k], sem))
      copies.append(pltpu.make_async_copy(a2t_hbm.at[i2k], a2s.at[k], sem))
      copies.append(pltpu.make_async_copy(b2_hbm.at[i2k], b2s.at[k], sem))
    for c in copies:
      c.start()
    for c in copies:
      c.wait()
    a1b[...] = jnp.concatenate(
        [a1s[k].astype(jnp.bfloat16) for k in range(TOP_K)], axis=0)
    b1b[...] = jnp.concatenate(
        [(b1s[k] * w1_ref[k]).astype(jnp.bfloat16) for k in range(TOP_K)],
        axis=0)
    a2b[...] = jnp.concatenate(
        [a2s[k].astype(jnp.bfloat16) for k in range(TOP_K)], axis=0)
    b2b[...] = jnp.concatenate(
        [(b2s[k] * w2_ref[k]).astype(jnp.bfloat16) for k in range(TOP_K)],
        axis=0)

  xb = x_ref[...].astype(jnp.bfloat16)
  xa = lax.dot_general(xb, a1b[...], _NT, preferred_element_type=jnp.float32)
  xa = xa.astype(jnp.bfloat16)
  ha = None
  for c in range(D_FF // FCHUNK):
    sl = pl.ds(c * FCHUNK, FCHUNK)
    u = jnp.dot(xa, b1b[:, sl], preferred_element_type=jnp.float32)
    g = jax.nn.gelu(u).astype(jnp.bfloat16)
    p = lax.dot_general(g, a2b[:, sl], _NT,
                        preferred_element_type=jnp.float32)
    ha = p if ha is None else ha + p
  out_ref[...] = jnp.dot(ha.astype(jnp.bfloat16), b2b[...],
                         preferred_element_type=jnp.float32)


def _ffn(i1, i2, x, a1t, fc1_B, a2t, fc2_B, w1, w2):
  grid = (NT_STEPS,)
  return pl.pallas_call(
      _ffn_body,
      grid_spec=pltpu.PrefetchScalarGridSpec(
          num_scalar_prefetch=2,
          grid=grid,
          in_specs=[
              pl.BlockSpec((ROWS, D_MODEL), lambda t, i1, i2: (t, 0)),
              pl.BlockSpec(memory_space=pltpu.HBM),
              pl.BlockSpec(memory_space=pltpu.HBM),
              pl.BlockSpec(memory_space=pltpu.HBM),
              pl.BlockSpec(memory_space=pltpu.HBM),
              pl.BlockSpec(memory_space=pltpu.SMEM),
              pl.BlockSpec(memory_space=pltpu.SMEM),
          ],
          out_specs=pl.BlockSpec((ROWS, D_MODEL), lambda t, i1, i2: (t, 0)),
          scratch_shapes=[
              pltpu.VMEM((TOP_K, RANK, D_MODEL), jnp.float32),
              pltpu.VMEM((TOP_K, RANK, D_FF), jnp.float32),
              pltpu.VMEM((TOP_K, RANK, D_FF), jnp.float32),
              pltpu.VMEM((TOP_K, RANK, D_MODEL), jnp.float32),
              pltpu.VMEM((KR, D_MODEL), jnp.bfloat16),
              pltpu.VMEM((KR, D_FF), jnp.bfloat16),
              pltpu.VMEM((KR, D_FF), jnp.bfloat16),
              pltpu.VMEM((KR, D_MODEL), jnp.bfloat16),
              pltpu.SemaphoreType.DMA,
          ],
      ),
      out_shape=jax.ShapeDtypeStruct((N_TOK, D_MODEL), jnp.float32),
      compiler_params=pltpu.CompilerParams(
          dimension_semantics=("arbitrary",),
          vmem_limit_bytes=120 * 1024 * 1024,
      ),
  )(i1, i2, x, a1t, fc1_B, a2t, fc2_B, w1, w2)


def kernel(x, fc1_logits, fc1_A, fc1_B, fc2_logits, fc2_A, fc2_B):
  i1p, w1p, i2p, w2p = _sc_topk(fc1_logits, fc2_logits)
  a1t = jnp.transpose(fc1_A, (0, 2, 1))
  a2t = jnp.transpose(fc2_A, (0, 2, 1))
  return _ffn(i1p, i2p, x, a1t, fc1_B, a2t, fc2_B, w1p, w2p)

# --- scband reference (transcript-rebuilt; emitter-appended) ---
"""Pipeline reference for scband-compositional-ffn-6167573037667 (READ-ONLY COPY).

The authoritative reference and input builder live on the scoring server;
editing this copy changes nothing except your own understanding.
"""

import jax, jax.numpy as jnp
import numpy as np

D_MODEL = 1024
D_FF = 4096
N_PRIM = 64
RANK = 64
TOP_K = 8
TEMP = 1.0
N_TOK = 4096


def setup_inputs(seed: int = 0) -> dict:
    key = jax.random.key(seed)
    ks = jax.random.split(key, 7)
    x = jax.random.normal(ks[0], (N_TOK, D_MODEL), dtype=jnp.float32)
    fc1_logits = jax.random.normal(ks[1], (N_PRIM,), dtype=jnp.float32)
    fc1_A = jax.random.normal(ks[2], (N_PRIM, D_MODEL, RANK), dtype=jnp.float32) * 0.02
    fc1_B = jax.random.normal(ks[3], (N_PRIM, RANK, D_FF), dtype=jnp.float32) * 0.02
    fc2_logits = jax.random.normal(ks[4], (N_PRIM,), dtype=jnp.float32)
    fc2_A = jax.random.normal(ks[5], (N_PRIM, D_FF, RANK), dtype=jnp.float32) * 0.02
    fc2_B = jax.random.normal(ks[6], (N_PRIM, RANK, D_MODEL), dtype=jnp.float32) * 0.02
    return {
        'x': x,
        'fc1_logits': fc1_logits,
        'fc1_A': fc1_A,
        'fc1_B': fc1_B,
        'fc2_logits': fc2_logits,
        'fc2_A': fc2_A,
        'fc2_B': fc2_B,
    }


def reference(x, fc1_logits, fc1_A, fc1_B, fc2_logits, fc2_A, fc2_B):
    # fc1: top-k primitive selection over shared bank, softmax composition weights
    v1, i1 = jax.lax.top_k(fc1_logits, TOP_K)
    w1 = jax.nn.softmax(v1 / TEMP)
    A1 = jnp.take(fc1_A, i1, axis=0)   # [k, d_model, r]
    B1 = jnp.take(fc1_B, i1, axis=0)   # [k, r, d_ff]
    W1 = jnp.einsum('k,kdr,krf->df', w1, A1, B1)  # composed fc1 weight [d_model, d_ff]
    h = jax.nn.gelu(x @ W1)
    # dropout is identity in eval mode
    # fc2: independent top-k selection
    v2, i2 = jax.lax.top_k(fc2_logits, TOP_K)
    w2 = jax.nn.softmax(v2 / TEMP)
    A2 = jnp.take(fc2_A, i2, axis=0)   # [k, d_ff, r]
    B2 = jnp.take(fc2_B, i2, axis=0)   # [k, r, d_model]
    W2 = jnp.einsum('k,kfr,krd->fd', w2, A2, B2)  # composed fc2 weight [d_ff, d_model]
    out = h @ W2
    return out

if __name__ == "__main__":
    import jax
    _d = setup_inputs()
    print(jax.jit(kernel)(*tuple(_d.values())))

</pallas_src>

<mosaic_0001>
#map = affine_map<(d0, d1) -> (0)>
module attributes {stable_mosaic.version = 14 : i64} {
  func.func @_sc_topk_body(%arg0: i32, %arg1: i32, %arg2: memref<64xf32, #tpu.memory_space<hbm>>, %arg3: memref<64xf32, #tpu.memory_space<hbm>>, %arg4: memref<16xi32, #tpu.memory_space<hbm>>, %arg5: memref<16xf32, #tpu.memory_space<hbm>>, %arg6: memref<16xi32, #tpu.memory_space<hbm>>, %arg7: memref<16xf32, #tpu.memory_space<hbm>>, %arg8: memref<64xf32, #tpu.memory_space<vmem>>, %arg9: memref<16xi32, #tpu.memory_space<vmem>>, %arg10: memref<16xf32, #tpu.memory_space<vmem>>) attributes {dimension_semantics = [#tpu.dimension_semantics<core_parallel>, #tpu.dimension_semantics<subcore_parallel>], iteration_bounds = array<i64: 2, 16>, scalar_prefetch = 0 : i64, scratch_operands = 3 : i64, tpu.core_type = #tpu.core_type<sc_vector_subcore>, window_params = [{transform_indices = #map}, {transform_indices = #map}, {transform_indices = #map}, {transform_indices = #map}, {transform_indices = #map}, {transform_indices = #map}]} {
    %eq3A = arith.constant 0 : i32
    %eq3A_0 = arith.cmpi eq, %arg0, %eq3A : i32
    %eq3A_1 = arith.constant 0 : i32
    %eq3A_2 = arith.cmpi eq, %arg1, %eq3A_1 : i32
    %and3A = arith.andi %eq3A_0, %eq3A_2 : i1
    %convert_element_type3A = arith.extui %and3A : i1 to i32
    %cond3A = arith.constant 0 : i32
    %cond3A_3 = arith.cmpi ne, %convert_element_type3A, %cond3A : i32
    scf.if %cond3A_3 {
      %iota3A = tpu.iota {dimensions = array<i32: 0>} : vector<16xi32>
      "tpu.region"() ({
        %run_scoped3A = tpu.sem_alloc : memref<!tpu.dma_semaphore, #tpu.memory_space<semaphore_mem>>
        tpu.enqueue_dma source(%arg2 : memref<64xf32, #tpu.memory_space<hbm>>) target(%arg8 : memref<64xf32, #tpu.memory_space<vmem>>) target_semaphore(%run_scoped3A : memref<!tpu.dma_semaphore, #tpu.memory_space<semaphore_mem>>)
        tpu.wait_dma2 semaphore(%run_scoped3A : memref<!tpu.dma_semaphore, #tpu.memory_space<semaphore_mem>>) src(%arg2 : memref<64xf32, #tpu.memory_space<hbm>>) dst(%arg8 : memref<64xf32, #tpu.memory_space<vmem>>)
        tpu.yield
      }) : () -> ()
      %get3A = arith.constant 0 : index
      %get3A_12 = tpu.vector_load %arg8[%get3A] {strides = array<i32>} : memref<64xf32, #tpu.memory_space<vmem>>, vector<16xf32>,
      %get3A_13 = arith.constant 16 : index
      %get3A_14 = tpu.vector_load %arg8[%get3A_13] {strides = array<i32>} : memref<64xf32, #tpu.memory_space<vmem>>, vector<16xf32>,
      %get3A_15 = arith.constant 32 : index
      %get3A_16 = tpu.vector_load %arg8[%get3A_15] {strides = array<i32>} : memref<64xf32, #tpu.memory_space<vmem>>, vector<16xf32>,
      %get3A_17 = arith.constant 48 : index
      %get3A_18 = tpu.vector_load %arg8[%get3A_17] {strides = array<i32>} : memref<64xf32, #tpu.memory_space<vmem>>, vector<16xf32>,
      %add3A = arith.constant 0 : i32
      %add3A_19 = vector.broadcast %add3A : i32 to vector<16xi32>
      %add3A_20 = arith.addi %iota3A, %add3A_19 : vector<16xi32>
      %add3A_21 = arith.constant 16 : i32
      %add3A_22 = vector.broadcast %add3A_21 : i32 to vector<16xi32>
      %add3A_23 = arith.addi %iota3A, %add3A_22 : vector<16xi32>
      %add3A_24 = arith.constant 32 : i32
      %add3A_25 = vector.broadcast %add3A_24 : i32 to vector<16xi32>
      %add3A_26 = arith.addi %iota3A, %add3A_25 : vector<16xi32>
      %add3A_27 = arith.constant 48 : i32
      %add3A_28 = vector.broadcast %add3A_27 : i32 to vector<16xi32>
      %add3A_29 = arith.addi %iota3A, %add3A_28 : vector<16xi32>
      %broadcast_in_dim3A = arith.constant -3.000000e+38 : f32
      %broadcast_in_dim3A_30 = vector.broadcast %broadcast_in_dim3A : f32 to vector<16xf32>
      %broadcast_in_dim3A_31 = arith.constant 0 : i32
      %broadcast_in_dim3A_32 = vector.broadcast %broadcast_in_dim3A_31 : i32 to vector<16xi32>
      %reduce_max3A = arith.constant true
      %reduce_max3A_33 = vector.broadcast %reduce_max3A : i1 to vector<16xi1>
      %reduce_max3A_34 = tpu.scan <max>, %get3A_12 masked %reduce_max3A_33 : vector<16xf32>, vector<16xi1> -> vector<16xf32>
      %reduce_max3A_35 = vector.extract %reduce_max3A_34[15] : f32 from vector<16xf32>
      %reduce_max3A_36 = arith.constant true
      %reduce_max3A_37 = vector.broadcast %reduce_max3A_36 : i1 to vector<16xi1>
      %reduce_max3A_38 = tpu.scan <max>, %get3A_14 masked %reduce_max3A_37 : vector<16xf32>, vector<16xi1> -> vector<16xf32>
      %reduce_max3A_39 = vector.extract %reduce_max3A_38[15] : f32 from vector<16xf32>
      %max3A = arith.maximumf %reduce_max3A_35, %reduce_max3A_39 : f32
      %reduce_max3A_40 = arith.constant true
      %reduce_max3A_41 = vector.broadcast %reduce_max3A_40 : i1 to vector<16xi1>
      %reduce_max3A_42 = tpu.scan <max>, %get3A_16 masked %reduce_max3A_41 : vector<16xf32>, vector<16xi1> -> vector<16xf32>
      %reduce_max3A_43 = vector.extract %reduce_max3A_42[15] : f32 from vector<16xf32>
      %max3A_44 = arith.maximumf %max3A, %reduce_max3A_43 : f32
      %reduce_max3A_45 = arith.constant true
      %reduce_max3A_46 = vector.broadcast %reduce_max3A_45 : i1 to vector<16xi1>
      %reduce_max3A_47 = tpu.scan <max>, %get3A_18 masked %reduce_max3A_46 : vector<16xf32>, vector<16xi1> -> vector<16xf32>
      %reduce_max3A_48 = vector.extract %reduce_max3A_47[15] : f32 from vector<16xf32>
      %max3A_49 = arith.maximumf %max3A_44, %reduce_max3A_48 : f32
      %eq3A_50 = vector.broadcast %max3A_49 : f32 to vector<16xf32>
      %eq3A_51 = arith.cmpf oeq, %get3A_12, %eq3A_50 : vector<16xf32>
      %jit3A = arith.constant 2147483647 : i32
      %broadcast_in_dim3A_52 = vector.broadcast %jit3A : i32 to vector<16xi32>
      %select_n3A = arith.select %eq3A_51, %add3A_20, %broadcast_in_dim3A_52 : vector<16xi1>, vector<16xi32>
      %reduce_min3A = arith.constant true
      %reduce_min3A_53 = vector.broadcast %reduce_min3A : i1 to vector<16xi1>
      %reduce_min3A_54 = arith.constant -2147483648 : i32
      %reduce_min3A_55 = vector.broadcast %reduce_min3A_54 : i32 to vector<16xi32>
      %reduce_min3A_56 = arith.xori %select_n3A, %reduce_min3A_55 : vector<16xi32>
      %reduce_min3A_57 = tpu.scan <min>, %reduce_min3A_56 masked %reduce_min3A_53 : vector<16xi32>, vector<16xi1> -> vector<16xi32>
      %reduce_min3A_58 = arith.xori %reduce_min3A_57, %reduce_min3A_55 : vector<16xi32>
      %reduce_min3A_59 = vector.extract %reduce_min3A_58[15] : i32 from vector<16xi32>
      %min3A = arith.constant 2147483647 : i32
      %min3A_60 = arith.minsi %min3A, %reduce_min3A_59 : i32
      %eq3A_61 = vector.broadcast %max3A_49 : f32 to vector<16xf32>
      %eq3A_62 = arith.cmpf oeq, %get3A_14, %eq3A_61 : vector<16xf32>
      %jit3A_63 = arith.constant 2147483647 : i32
      %broadcast_in_dim3A_64 = vector.broadcast %jit3A_63 : i32 to vector<16xi32>
      %select_n3A_65 = arith.select %eq3A_62, %add3A_23, %broadcast_in_dim3A_64 : vector<16xi1>, vector<16xi32>
      %reduce_min3A_66 = arith.constant true
      %reduce_min3A_67 = vector.broadcast %reduce_min3A_66 : i1 to vector<16xi1>
      %reduce_min3A_68 = arith.constant -2147483648 : i32
      %reduce_min3A_69 = vector.broadcast %reduce_min3A_68 : i32 to vector<16xi32>
      %reduce_min3A_70 = arith.xori %select_n3A_65, %reduce_min3A_69 : vector<16xi32>
      %reduce_min3A_71 = tpu.scan <min>, %reduce_min3A_70 masked %reduce_min3A_67 : vector<16xi32>, vector<16xi1> -> vector<16xi32>
      %reduce_min3A_72 = arith.xori %reduce_min3A_71, %reduce_min3A_69 : vector<16xi32>
      %reduce_min3A_73 = vector.extract %reduce_min3A_72[15] : i32 from vector<16xi32>
      %min3A_74 = arith.minsi %min3A_60, %reduce_min3A_73 : i32
      %eq3A_75 = vector.broadcast %max3A_49 : f32 to vector<16xf32>
      %eq3A_76 = arith.cmpf oeq, %get3A_16, %eq3A_75 : vector<16xf32>
      %jit3A_77 = arith.constant 2147483647 : i32
      %broadcast_in_dim3A_78 = vector.broadcast %jit3A_77 : i32 to vector<16xi32>
      %select_n3A_79 = arith.select %eq3A_76, %add3A_26, %broadcast_in_dim3A_78 : vector<16xi1>, vector<16xi32>
      %reduce_min3A_80 = arith.constant true
      %reduce_min3A_81 = vector.broadcast %reduce_min3A_80 : i1 to vector<16xi1>
      %reduce_min3A_82 = arith.constant -2147483648 : i32
      %reduce_min3A_83 = vector.broadcast %reduce_min3A_82 : i32 to vector<16xi32>
      %reduce_min3A_84 = arith.xori %select_n3A_79, %reduce_min3A_83 : vector<16xi32>
      %reduce_min3A_85 = tpu.scan <min>, %reduce_min3A_84 masked %reduce_min3A_81 : vector<16xi32>, vector<16xi1> -> vector<16xi32>
      %reduce_min3A_86 = arith.xori %reduce_min3A_85, %reduce_min3A_83 : vector<16xi32>
      %reduce_min3A_87 = vector.extract %reduce_min3A_86[15] : i32 from vector<16xi32>
      %min3A_88 = arith.minsi %min3A_74, %reduce_min3A_87 : i32
      %eq3A_89 = vector.broadcast %max3A_49 : f32 to vector<16xf32>
      %eq3A_90 = arith.cmpf oeq, %get3A_18, %eq3A_89 : vector<16xf32>
      %jit3A_91 = arith.constant 2147483647 : i32
      %broadcast_in_dim3A_92 = vector.broadcast %jit3A_91 : i32 to vector<16xi32>
      %select_n3A_93 = arith.select %eq3A_90, %add3A_29, %broadcast_in_dim3A_92 : vector<16xi1>, vector<16xi32>
      %reduce_min3A_94 = arith.constant true
      %reduce_min3A_95 = vector.broadcast %reduce_min3A_94 : i1 to vector<16xi1>
      %reduce_min3A_96 = arith.constant -2147483648 : i32
      %reduce_min3A_97 = vector.broadcast %reduce_min3A_96 : i32 to vector<16xi32>
      %reduce_min3A_98 = arith.xori %select_n3A_93, %reduce_min3A_97 : vector<16xi32>
      %reduce_min3A_99 = tpu.scan <min>, %reduce_min3A_98 masked %reduce_min3A_95 : vector<16xi32>, vector<16xi1> -> vector<16xi32>
      %reduce_min3A_100 = arith.xori %reduce_min3A_99, %reduce_min3A_97 : vector<16xi32>
      %reduce_min3A_101 = vector.extract %reduce_min3A_100[15] : i32 from vector<16xi32>
      %min3A_102 = arith.minsi %min3A_88, %reduce_min3A_101 : i32
      %eq3A_103 = arith.constant 0 : i32
      %eq3A_104 = vector.broadcast %eq3A_103 : i32 to vector<16xi32>
      %eq3A_105 = arith.cmpi eq, %iota3A, %eq3A_104 : vector<16xi32>
      %broadcast_in_dim3A_106 = vector.broadcast %max3A_49 : f32 to vector<16xf32>
      %select_n3A_107 = arith.select %eq3A_105, %broadcast_in_dim3A_106, %broadcast_in_dim3A_30 : vector<16xi1>, vector<16xf32>
      %eq3A_108 = arith.constant 0 : i32
      %eq3A_109 = vector.broadcast %eq3A_108 : i32 to vector<16xi32>
      %eq3A_110 = arith.cmpi eq, %iota3A, %eq3A_109 : vector<16xi32>
      %broadcast_in_dim3A_111 = vector.broadcast %min3A_102 : i32 to vector<16xi32>
      %select_n3A_112 = arith.select %eq3A_110, %broadcast_in_dim3A_111, %broadcast_in_dim3A_32 : vector<16xi1>, vector<16xi32>
      %eq3A_113 = vector.broadcast %min3A_102 : i32 to vector<16xi32>
      %eq3A_114 = arith.cmpi eq, %add3A_20, %eq3A_113 : vector<16xi32>
      %jit3A_115 = arith.constant -3.000000e+38 : f32
      %broadcast_in_dim3A_116 = vector.broadcast %jit3A_115 : f32 to vector<16xf32>
      %select_n3A_117 = arith.select %eq3A_114, %broadcast_in_dim3A_116, %get3A_12 : vector<16xi1>, vector<16xf32>
      %eq3A_118 = vector.broadcast %min3A_102 : i32 to vector<16xi32>
      %eq3A_119 = arith.cmpi eq, %add3A_23, %eq3A_118 : vector<16xi32>
      %jit3A_120 = arith.constant -3.000000e+38 : f32
      %broadcast_in_dim3A_121 = vector.broadcast %jit3A_120 : f32 to vector<16xf32>
      %select_n3A_122 = arith.select %eq3A_119, %broadcast_in_dim3A_121, %get3A_14 : vector<16xi1>, vector<16xf32>
      %eq3A_123 = vector.broadcast %min3A_102 : i32 to vector<16xi32>
      %eq3A_124 = arith.cmpi eq, %add3A_26, %eq3A_123 : vector<16xi32>
      %jit3A_125 = arith.constant -3.000000e+38 : f32
      %broadcast_in_dim3A_126 = vector.broadcast %jit3A_125 : f32 to vector<16xf32>
      %select_n3A_127 = arith.select %eq3A_124, %broadcast_in_dim3A_126, %get3A_16 : vector<16xi1>, vector<16xf32>
      %eq3A_128 = vector.broadcast %min3A_102 : i32 to vector<16xi32>
      %eq3A_129 = arith.cmpi eq, %add3A_29, %eq3A_128 : vector<16xi32>
      %jit3A_130 = arith.constant -3.000000e+38 : f32
      %broadcast_in_dim3A_131 = vector.broadcast %jit3A_130 : f32 to vector<16xf32>
      %select_n3A_132 = arith.select %eq3A_129, %broadcast_in_dim3A_131, %get3A_18 : vector<16xi1>, vector<16xf32>
      %reduce_max3A_133 = arith.constant true
      %reduce_max3A_134 = vector.broadcast %reduce_max3A_133 : i1 to vector<16xi1>
      %reduce_max3A_135 = tpu.scan <max>, %select_n3A_117 masked %reduce_max3A_134 : vector<16xf32>, vector<16xi1> -> vector<16xf32>
      %reduce_max3A_136 = vector.extract %reduce_max3A_135[15] : f32 from vector<16xf32>
      %reduce_max3A_137 = arith.constant true
      %reduce_max3A_138 = vector.broadcast %reduce_max3A_137 : i1 to vector<16xi1>
      %reduce_max3A_139 = tpu.scan <max>, %select_n3A_122 masked %reduce_max3A_138 : vector<16xf32>, vector<16xi1> -> vector<16xf32>
      %reduce_max3A_140 = vector.extract %reduce_max3A_139[15] : f32 from vector<16xf32>
      %max3A_141 = arith.maximumf %reduce_max3A_136, %reduce_max3A_140 : f32
      %reduce_max3A_142 = arith.constant true
      %reduce_max3A_143 = vector.broadcast %reduce_max3A_142 : i1 to vector<16xi1>
      %reduce_max3A_144 = tpu.scan <max>, %select_n3A_127 masked %reduce_max3A_143 : vector<16xf32>, vector<16xi1> -> vector<16xf32>
      %reduce_max3A_145 = vector.extract %reduce_max3A_144[15] : f32 from vector<16xf32>
      %max3A_146 = arith.maximumf %max3A_141, %reduce_max3A_145 : f32
      %reduce_max3A_147 = arith.constant true
      %reduce_max3A_148 = vector.broadcast %reduce_max3A_147 : i1 to vector<16xi1>
      %reduce_max3A_149 = tpu.scan <max>, %select_n3A_132 masked %reduce_max3A_148 : vector<16xf32>, vector<16xi1> -> vector<16xf32>
      %reduce_max3A_150 = vector.extract %reduce_max3A_149[15] : f32 from vector<16xf32>
      %max3A_151 = arith.maximumf %max3A_146, %reduce_max3A_150 : f32
      %eq3A_152 = vector.broadcast %max3A_151 : f32 to vector<16xf32>
      %eq3A_153 = arith.cmpf oeq, %select_n3A_117, %eq3A_152 : vector<16xf32>
      %jit3A_154 = arith.constant 2147483647 : i32
      %broadcast_in_dim3A_155 = vector.broadcast %jit3A_154 : i32 to vector<16xi32>
      %select_n3A_156 = arith.select %eq3A_153, %add3A_20, %broadcast_in_dim3A_155 : vector<16xi1>, vector<16xi32>
      %reduce_min3A_157 = arith.constant true
      %reduce_min3A_158 = vector.broadcast %reduce_min3A_157 : i1 to vector<16xi1>
      %reduce_min3A_159 = arith.constant -2147483648 : i32
      %reduce_min3A_160 = vector.broadcast %reduce_min3A_159 : i32 to vector<16xi32>
      %reduce_min3A_161 = arith.xori %select_n3A_156, %reduce_min3A_160 : vector<16xi32>
      %reduce_min3A_162 = tpu.scan <min>, %reduce_min3A_161 masked %reduce_min3A_158 : vector<16xi32>, vector<16xi1> -> vector<16xi32>
      %reduce_min3A_163 = arith.xori %reduce_min3A_162, %reduce_min3A_160 : vector<16xi32>
      %reduce_min3A_164 = vector.extract %reduce_min3A_163[15] : i32 from vector<16xi32>
      %min3A_165 = arith.constant 2147483647 : i32
      %min3A_166 = arith.minsi %min3A_165, %reduce_min3A_164 : i32
      %eq3A_167 = vector.broadcast %max3A_151 : f32 to vector<16xf32>
      %eq3A_168 = arith.cmpf oeq, %select_n3A_122, %eq3A_167 : vector<16xf32>
      %jit3A_169 = arith.constant 2147483647 : i32
      %broadcast_in_dim3A_170 = vector.broadcast %jit3A_169 : i32 to vector<16xi32>
      %select_n3A_171 = arith.select %eq3A_168, %add3A_23, %broadcast_in_dim3A_170 : vector<16xi1>, vector<16xi32>
      %reduce_min3A_172 = arith.constant true
      %reduce_min3A_173 = vector.broadcast %reduce_min3A_172 : i1 to vector<16xi1>
      %reduce_min3A_174 = arith.constant -2147483648 : i32
      %reduce_min3A_175 = vector.broadcast %reduce_min3A_174 : i32 to vector<16xi32>
      %reduce_min3A_176 = arith.xori %select_n3A_171, %reduce_min3A_175 : vector<16xi32>
      %reduce_min3A_177 = tpu.scan <min>, %reduce_min3A_176 masked %reduce_min3A_173 : vector<16xi32>, vector<16xi1> -> vector<16xi32>
      %reduce_min3A_178 = arith.xori %reduce_min3A_177, %reduce_min3A_175 : vector<16xi32>
      %reduce_min3A_179 = vector.extract %reduce_min3A_178[15] : i32 from vector<16xi32>
      %min3A_180 = arith.minsi %min3A_166, %reduce_min3A_179 : i32
      %eq3A_181 = vector.broadcast %max3A_151 : f32 to vector<16xf32>
      %eq3A_182 = arith.cmpf oeq, %select_n3A_127, %eq3A_181 : vector<16xf32>
      %jit3A_183 = arith.constant 2147483647 : i32
      %broadcast_in_dim3A_184 = vector.broadcast %jit3A_183 : i32 to vector<16xi32>
      %select_n3A_185 = arith.select %eq3A_182, %add3A_26, %broadcast_in_dim3A_184 : vector<16xi1>, vector<16xi32>
      %reduce_min3A_186 = arith.constant true
      %reduce_min3A_187 = vector.broadcast %reduce_min3A_186 : i1 to vector<16xi1>
      %reduce_min3A_188 = arith.constant -2147483648 : i32
      %reduce_min3A_189 = vector.broadcast %reduce_min3A_188 : i32 to vector<16xi32>
      %reduce_min3A_190 = arith.xori %select_n3A_185, %reduce_min3A_189 : vector<16xi32>
      %reduce_min3A_191 = tpu.scan <min>, %reduce_min3A_190 masked %reduce_min3A_187 : vector<16xi32>, vector<16xi1> -> vector<16xi32>
      %reduce_min3A_192 = arith.xori %reduce_min3A_191, %reduce_min3A_189 : vector<16xi32>
      %reduce_min3A_193 = vector.extract %reduce_min3A_192[15] : i32 from vector<16xi32>
      %min3A_194 = arith.minsi %min3A_180, %reduce_min3A_193 : i32
      %eq3A_195 = vector.broadcast %max3A_151 : f32 to vector<16xf32>
      %eq3A_196 = arith.cmpf oeq, %select_n3A_132, %eq3A_195 : vector<16xf32>
      %jit3A_197 = arith.constant 2147483647 : i32
      %broadcast_in_dim3A_198 = vector.broadcast %jit3A_197 : i32 to vector<16xi32>
      %select_n3A_199 = arith.select %eq3A_196, %add3A_29, %broadcast_in_dim3A_198 : vector<16xi1>, vector<16xi32>
      %reduce_min3A_200 = arith.constant true
      %reduce_min3A_201 = vector.broadcast %reduce_min3A_200 : i1 to vector<16xi1>
      %reduce_min3A_202 = arith.constant -2147483648 : i32
      %reduce_min3A_203 = vector.broadcast %reduce_min3A_202 : i32 to vector<16xi32>
      %reduce_min3A_204 = arith.xori %select_n3A_199, %reduce_min3A_203 : vector<16xi32>
      %reduce_min3A_205 = tpu.scan <min>, %reduce_min3A_204 masked %reduce_min3A_201 : vector<16xi32>, vector<16xi1> -> vector<16xi32>
      %reduce_min3A_206 = arith.xori %reduce_min3A_205, %reduce_min3A_203 : vector<16xi32>
      %reduce_min3A_207 = vector.extract %reduce_min3A_206[15] : i32 from vector<16xi32>
      %min3A_208 = arith.minsi %min3A_194, %reduce_min3A_207 : i32
      %eq3A_209 = arith.constant 1 : i32
      %eq3A_210 = vector.broadcast %eq3A_209 : i32 to vector<16xi32>
      %eq3A_211 = arith.cmpi eq, %iota3A, %eq3A_210 : vector<16xi32>
      %broadcast_in_dim3A_212 = vector.broadcast %max3A_151 : f32 to vector<16xf32>
      %select_n3A_213 = arith.select %eq3A_211, %broadcast_in_dim3A_212, %select_n3A_107 : vector<16xi1>, vector<16xf32>
      %eq3A_214 = arith.constant 1 : i32
      %eq3A_215 = vector.broadcast %eq3A_214 : i32 to vector<16xi32>
      %eq3A_216 = arith.cmpi eq, %iota3A, %eq3A_215 : vector<16xi32>
      %broadcast_in_dim3A_217 = vector.broadcast %min3A_208 : i32 to vector<16xi32>
      %select_n3A_218 = arith.select %eq3A_216, %broadcast_in_dim3A_217, %select_n3A_112 : vector<16xi1>, vector<16xi32>
      %eq3A_219 = vector.broadcast %min3A_208 : i32 to vector<16xi32>
      %eq3A_220 = arith.cmpi eq, %add3A_20, %eq3A_219 : vector<16xi32>
      %jit3A_221 = arith.constant -3.000000e+38 : f32
      %broadcast_in_dim3A_222 = vector.broadcast %jit3A_221 : f32 to vector<16xf32>
      %select_n3A_223 = arith.select %eq3A_220, %broadcast_in_dim3A_222, %select_n3A_117 : vector<16xi1>, vector<16xf32>
      %eq3A_224 = vector.broadcast %min3A_208 : i32 to vector<16xi32>
      %eq3A_225 = arith.cmpi eq, %add3A_23, %eq3A_224 : vector<16xi32>
      %jit3A_226 = arith.constant -3.000000e+38 : f32
      %broadcast_in_dim3A_227 = vector.broadcast %jit3A_226 : f32 to vector<16xf32>
      %select_n3A_228 = arith.select %eq3A_225, %broadcast_in_dim3A_227, %select_n3A_122 : vector<16xi1>, vector<16xf32>
      %eq3A_229 = vector.broadcast %min3A_208 : i32 to vector<16xi32>
      %eq3A_230 = arith.cmpi eq, %add3A_26, %eq3A_229 : vector<16xi32>
      %jit3A_231 = arith.constant -3.000000e+38 : f32
      %broadcast_in_dim3A_232 = vector.broadcast %jit3A_231 : f32 to vector<16xf32>
      %select_n3A_233 = arith.select %eq3A_230, %broadcast_in_dim3A_232, %select_n3A_127 : vector<16xi1>, vector<16xf32>
      %eq3A_234 = vector.broadcast %min3A_208 : i32 to vector<16xi32>
      %eq3A_235 = arith.cmpi eq, %add3A_29, %eq3A_234 : vector<16xi32>
      %jit3A_236 = arith.constant -3.000000e+38 : f32
      %broadcast_in_dim3A_237 = vector.broadcast %jit3A_236 : f32 to vector<16xf32>
      %select_n3A_238 = arith.select %eq3A_235, %broadcast_in_dim3A_237, %select_n3A_132 : vector<16xi1>, vector<16xf32>
      %reduce_max3A_239 = arith.constant true
      %reduce_max3A_240 = vector.broadcast %reduce_max3A_239 : i1 to vector<16xi1>
      %reduce_max3A_241 = tpu.scan <max>, %select_n3A_223 masked %reduce_max3A_240 : vector<16xf32>, vector<16xi1> -> vector<16xf32>
      %reduce_max3A_242 = vector.extract %reduce_max3A_241[15] : f32 from vector<16xf32>
      %reduce_max3A_243 = arith.constant true
      %reduce_max3A_244 = vector.broadcast %reduce_max3A_243 : i1 to vector<16xi1>
      %reduce_max3A_245 = tpu.scan <max>, %select_n3A_228 masked %reduce_max3A_244 : vector<16xf32>, vector<16xi1> -> vector<16xf32>
      %reduce_max3A_246 = vector.extract %reduce_max3A_245[15] : f32 from vector<16xf32>
      %max3A_247 = arith.maximumf %reduce_max3A_242, %reduce_max3A_246 : f32
      %reduce_max3A_248 = arith.constant true
      %reduce_max3A_249 = vector.broadcast %reduce_max3A_248 : i1 to vector<16xi1>
      %reduce_max3A_250 = tpu.scan <max>, %select_n3A_233 masked %reduce_max3A_249 : vector<16xf32>, vector<16xi1> -> vector<16xf32>
      %reduce_max3A_251 = vector.extract %reduce_max3A_250[15] : f32 from vector<16xf32>
      %max3A_252 = arith.maximumf %max3A_247, %reduce_max3A_251 : f32
      %reduce_max3A_253 = arith.constant true
      %reduce_max3A_254 = vector.broadcast %reduce_max3A_253 : i1 to vector<16xi1>
      %reduce_max3A_255 = tpu.scan <max>, %select_n3A_238 masked %reduce_max3A_254 : vector<16xf32>, vector<16xi1> -> vector<16xf32>
      %reduce_max3A_256 = vector.extract %reduce_max3A_255[15] : f32 from vector<16xf32>
      %max3A_257 = arith.maximumf %max3A_252, %reduce_max3A_256 : f32
      %eq3A_258 = vector.broadcast %max3A_257 : f32 to vector<16xf32>
      %eq3A_259 = arith.cmpf oeq, %select_n3A_223, %eq3A_258 : vector<16xf32>
      %jit3A_260 = arith.constant 2147483647 : i32
      %broadcast_in_dim3A_261 = vector.broadcast %jit3A_260 : i32 to vector<16xi32>
      %select_n3A_262 = arith.select %eq3A_259, %add3A_20, %broadcast_in_dim3A_261 : vector<16xi1>, vector<16xi32>
      %reduce_min3A_263 = arith.constant true
      %reduce_min3A_264 = vector.broadcast %reduce_min3A_263 : i1 to vector<16xi1>
      %reduce_min3A_265 = arith.constant -2147483648 : i32
      %reduce_min3A_266 = vector.broadcast %reduce_min3A_265 : i32 to vector<16xi32>
      %reduce_min3A_267 = arith.xori %select_n3A_262, %reduce_min3A_266 : vector<16xi32>
      %reduce_min3A_268 = tpu.scan <min>, %reduce_min3A_267 masked %reduce_min3A_264 : vector<16xi32>, vector<16xi1> -> vector<16xi32>
      %reduce_min3A_269 = arith.xori %reduce_min3A_268, %reduce_min3A_266 : vector<16xi32>
      %reduce_min3A_270 = vector.extract %reduce_min3A_269[15] : i32 from vector<16xi32>
      %min3A_271 = arith.constant 2147483647 : i32
      %min3A_272 = arith.minsi %min3A_271, %reduce_min3A_270 : i32
      %eq3A_273 = vector.broadcast %max3A_257 : f32 to vector<16xf32>
      %eq3A_274 = arith.cmpf oeq, %select_n3A_228, %eq3A_273 : vector<16xf32>
      %jit3A_275 = arith.constant 2147483647 : i32
      %broadcast_in_dim3A_276 = vector.broadcast %jit3A_275 : i32 to vector<16xi32>
      %select_n3A_277 = arith.select %eq3A_274, %add3A_23, %broadcast_in_dim3A_276 : vector<16xi1>, vector<16xi32>
      %reduce_min3A_278 = arith.constant true
      %reduce_min3A_279 = vector.broadcast %reduce_min3A_278 : i1 to vector<16xi1>
      %reduce_min3A_280 = arith.constant -2147483648 : i32
      %reduce_min3A_281 = vector.broadcast %reduce_min3A_280 : i32 to vector<16xi32>
      %reduce_min3A_282 = arith.xori %select_n3A_277, %reduce_min3A_281 : vector<16xi32>
      %reduce_min3A_283 = tpu.scan <min>, %reduce_min3A_282 masked %reduce_min3A_279 : vector<16xi32>, vector<16xi1> -> vector<16xi32>
      %reduce_min3A_284 = arith.xori %reduce_min3A_283, %reduce_min3A_281 : vector<16xi32>
      %reduce_min3A_285 = vector.extract %reduce_min3A_284[15] : i32 from vector<16xi32>
      %min3A_286 = arith.minsi %min3A_272, %reduce_min3A_285 : i32
      %eq3A_287 = vector.broadcast %max3A_257 : f32 to vector<16xf32>
      %eq3A_288 = arith.cmpf oeq, %select_n3A_233, %eq3A_287 : vector<16xf32>
      %jit3A_289 = arith.constant 2147483647 : i32
      %broadcast_in_dim3A_290 = vector.broadcast %jit3A_289 : i32 to vector<16xi32>
      %select_n3A_291 = arith.select %eq3A_288, %add3A_26, %broadcast_in_dim3A_290 : vector<16xi1>, vector<16xi32>
      %reduce_min3A_292 = arith.constant true
      %reduce_min3A_293 = vector.broadcast %reduce_min3A_292 : i1 to vector<16xi1>
      %reduce_min3A_294 = arith.constant -2147483648 : i32
      %reduce_min3A_295 = vector.broadcast %reduce_min3A_294 : i32 to vector<16xi32>
      %reduce_min3A_296 = arith.xori %select_n3A_291, %reduce_min3A_295 : vector<16xi32>
      %reduce_min3A_297 = tpu.scan <min>, %reduce_min3A_296 masked %reduce_min3A_293 : vector<16xi32>, vector<16xi1> -> vector<16xi32>
      %reduce_min3A_298 = arith.xori %reduce_min3A_297, %reduce_min3A_295 : vector<16xi32>
      %reduce_min3A_299 = vector.extract %reduce_min3A_298[15] : i32 from vector<16xi32>
      %min3A_300 = arith.minsi %min3A_286, %reduce_min3A_299 : i32
      %eq3A_301 = vector.broadcast %max3A_257 : f32 to vector<16xf32>
      %eq3A_302 = arith.cmpf oeq, %select_n3A_238, %eq3A_301 : vector<16xf32>
      %jit3A_303 = arith.constant 2147483647 : i32
      %broadcast_in_dim3A_304 = vector.broadcast %jit3A_303 : i32 to vector<16xi32>
      %select_n3A_305 = arith.select %eq3A_302, %add3A_29, %broadcast_in_dim3A_304 : vector<16xi1>, vector<16xi32>
      %reduce_min3A_306 = arith.constant true
      %reduce_min3A_307 = vector.broadcast %reduce_min3A_306 : i1 to vector<16xi1>
      %reduce_min3A_308 = arith.constant -2147483648 : i32
      %reduce_min3A_309 = vector.broadcast %reduce_min3A_308 : i32 to vector<16xi32>
      %reduce_min3A_310 = arith.xori %select_n3A_305, %reduce_min3A_309 : vector<16xi32>
      %reduce_min3A_311 = tpu.scan <min>, %reduce_min3A_310 masked %reduce_min3A_307 : vector<16xi32>, vector<16xi1> -> vector<16xi32>
      %reduce_min3A_312 = arith.xori %reduce_min3A_311, %reduce_min3A_309 : vector<16xi32>
      %reduce_min3A_313 = vector.extract %reduce_min3A_312[15] : i32 from vector<16xi32>
      %min3A_314 = arith.minsi %min3A_300, %reduce_min3A_313 : i32
      %eq3A_315 = arith.constant 2 : i32
      %eq3A_316 = vector.broadcast %eq3A_315 : i32 to vector<16xi32>
      %eq3A_317 = arith.cmpi eq, %iota3A, %eq3A_316 : vector<16xi32>
      %broadcast_in_dim3A_318 = vector.broadcast %max3A_257 : f32 to vector<16xf32>
      %select_n3A_319 = arith.select %eq3A_317, %broadcast_in_dim3A_318, %select_n3A_213 : vector<16xi1>, vector<16xf32>
      %eq3A_320 = arith.constant 2 : i32
      %eq3A_321 = vector.broadcast %eq3A_320 : i32 to vector<16xi32>
      %eq3A_322 = arith.cmpi eq, %iota3A, %eq3A_321 : vector<16xi32>
      %broadcast_in_dim3A_323 = vector.broadcast %min3A_314 : i32 to vector<16xi32>
      %select_n3A_324 = arith.select %eq3A_322, %broadcast_in_dim3A_323, %select_n3A_218 : vector<16xi1>, vector<16xi32>
      %eq3A_325 = vector.broadcast %min3A_314 : i32 to vector<16xi32>
      %eq3A_326 = arith.cmpi eq, %add3A_20, %eq3A_325 : vector<16xi32>
      %jit3A_327 = arith.constant -3.000000e+38 : f32
      %broadcast_in_dim3A_328 = vector.broadcast %jit3A_327 : f32 to vector<16xf32>
      %select_n3A_329 = arith.select %eq3A_326, %broadcast_in_dim3A_328, %select_n3A_223 : vector<16xi1>, vector<16xf32>
      %eq3A_330 = vector.broadcast %min3A_314 : i32 to vector<16xi32>
      %eq3A_331 = arith.cmpi eq, %add3A_23, %eq3A_330 : vector<16xi32>
      %jit3A_332 = arith.constant -3.000000e+38 : f32
      %broadcast_in_dim3A_333 = vector.broadcast %jit3A_332 : f32 to vector<16xf32>
      %select_n3A_334 = arith.select %eq3A_331, %broadcast_in_dim3A_333, %select_n3A_228 : vector<16xi1>, vector<16xf32>
      %eq3A_335 = vector.broadcast %min3A_314 : i32 to vector<16xi32>
      %eq3A_336 = arith.cmpi eq, %add3A_26, %eq3A_335 : vector<16xi32>
      %jit3A_337 = arith.constant -3.000000e+38 : f32
      %broadcast_in_dim3A_338 = vector.broadcast %jit3A_337 : f32 to vector<16xf32>
      %select_n3A_339 = arith.select %eq3A_336, %broadcast_in_dim3A_338, %select_n3A_233 : vector<16xi1>, vector<16xf32>
      %eq3A_340 = vector.broadcast %min3A_314 : i32 to vector<16xi32>
      %eq3A_341 = arith.cmpi eq, %add3A_29, %eq3A_340 : vector<16xi32>
      %jit3A_342 = arith.constant -3.000000e+38 : f32
      %broadcast_in_dim3A_343 = vector.broadcast %jit3A_342 : f32 to vector<16xf32>
      %select_n3A_344 = arith.select %eq3A_341, %broadcast_in_dim3A_343, %select_n3A_238 : vector<16xi1>, vector<16xf32>
      %reduce_max3A_345 = arith.constant true
      %reduce_max3A_346 = vector.broadcast %reduce_max3A_345 : i1 to vector<16xi1>
      %reduce_max3A_347 = tpu.scan <max>, %select_n3A_329 masked %reduce_max3A_346 : vector<16xf32>, vector<16xi1> -> vector<16xf32>
      %reduce_max3A_348 = vector.extract %reduce_max3A_347[15] : f32 from vector<16xf32>
      %reduce_max3A_349 = arith.constant true
      %reduce_max3A_350 = vector.broadcast %reduce_max3A_349 : i1 to vector<16xi1>
      %reduce_max3A_351 = tpu.scan <max>, %select_n3A_334 masked %reduce_max3A_350 : vector<16xf32>, vector<16xi1> -> vector<16xf32>
      %reduce_max3A_352 = vector.extract %reduce_max3A_351[15] : f32 from vector<16xf32>
      %max3A_353 = arith.maximumf %reduce_max3A_348, %reduce_max3A_352 : f32
      %reduce_max3A_354 = arith.constant true
      %reduce_max3A_355 = vector.broadcast %reduce_max3A_354 : i1 to vector<16xi1>
      %reduce_max3A_356 = tpu.scan <max>, %select_n3A_339 masked %reduce_max3A_355 : vector<16xf32>, vector<16xi1> -> vector<16xf32>
      %reduce_max3A_357 = vector.extract %reduce_max3A_356[15] : f32 from vector<16xf32>
      %max3A_358 = arith.maximumf %max3A_353, %reduce_max3A_357 : f32
      %reduce_max3A_359 = arith.constant true
      %reduce_max3A_360 = vector.broadcast %reduce_max3A_359 : i1 to vector<16xi1>
      %reduce_max3A_361 = tpu.scan <max>, %select_n3A_344 masked %reduce_max3A_360 : vector<16xf32>, vector<16xi1> -> vector<16xf32>
      %reduce_max3A_362 = vector.extract %reduce_max3A_361[15] : f32 from vector<16xf32>
      %max3A_363 = arith.maximumf %max3A_358, %reduce_max3A_362 : f32
      %eq3A_364 = vector.broadcast %max3A_363 : f32 to vector<16xf32>
      %eq3A_365 = arith.cmpf oeq, %select_n3A_329, %eq3A_364 : vector<16xf32>
      %jit3A_366 = arith.constant 2147483647 : i32
      %broadcast_in_dim3A_367 = vector.broadcast %jit3A_366 : i32 to vector<16xi32>
      %select_n3A_368 = arith.select %eq3A_365, %add3A_20, %broadcast_in_dim3A_367 : vector<16xi1>, vector<16xi32>
      %reduce_min3A_369 = arith.constant true
      %reduce_min3A_370 = vector.broadcast %reduce_min3A_369 : i1 to vector<16xi1>
      %reduce_min3A_371 = arith.constant -2147483648 : i32
      %reduce_min3A_372 = vector.broadcast %reduce_min3A_371 : i32 to vector<16xi32>
      %reduce_min3A_373 = arith.xori %select_n3A_368, %reduce_min3A_372 : vector<16xi32>
      %reduce_min3A_374 = tpu.scan <min>, %reduce_min3A_373 masked %reduce_min3A_370 : vector<16xi32>, vector<16xi1> -> vector<16xi32>
      %reduce_min3A_375 = arith.xori %reduce_min3A_374, %reduce_min3A_372 : vector<16xi32>
      %reduce_min3A_376 = vector.extract %reduce_min3A_375[15] : i32 from vector<16xi32>
      %min3A_377 = arith.constant 2147483647 : i32
      %min3A_378 = arith.minsi %min3A_377, %reduce_min3A_376 : i32
      %eq3A_379 = vector.broadcast %max3A_363 : f32 to vector<16xf32>
      %eq3A_380 = arith.cmpf oeq, %select_n3A_334, %eq3A_379 : vector<16xf32>
      %jit3A_381 = arith.constant 2147483647 : i32
      %broadcast_in_dim3A_382 = vector.broadcast %jit3A_381 : i32 to vector<16xi32>
      %select_n3A_383 = arith.select %eq3A_380, %add3A_23, %broadcast_in_dim3A_382 : vector<16xi1>, vector<16xi32>
      %reduce_min3A_384 = arith.constant true
      %reduce_min3A_385 = vector.broadcast %reduce_min3A_384 : i1 to vector<16xi1>
      %reduce_min3A_386 = arith.constant -2147483648 : i32
      %reduce_min3A_387 = vector.broadcast %reduce_min3A_386 : i32 to vector<16xi32>
      %reduce_min3A_388 = arith.xori %select_n3A_383, %reduce_min3A_387 : vector<16xi32>
      %reduce_min3A_389 = tpu.scan <min>, %reduce_min3A_388 masked %reduce_min3A_385 : vector<16xi32>, vector<16xi1> -> vector<16xi32>
      %reduce_min3A_390 = arith.xori %reduce_min3A_389, %reduce_min3A_387 : vector<16xi32>
      %reduce_min3A_391 = vector.extract %reduce_min3A_390[15] : i32 from vector<16xi32>
      %min3A_392 = arith.minsi %min3A_378, %reduce_min3A_391 : i32
      %eq3A_393 = vector.broadcast %max3A_363 : f32 to vector<16xf32>
      %eq3A_394 = arith.cmpf oeq, %select_n3A_339, %eq3A_393 : vector<16xf32>
      %jit3A_395 = arith.constant 2147483647 : i32
      %broadcast_in_dim3A_396 = vector.broadcast %jit3A_395 : i32 to vector<16xi32>
      %select_n3A_397 = arith.select %eq3A_394, %add3A_26, %broadcast_in_dim3A_396 : vector<16xi1>, vector<16xi32>
      %reduce_min3A_398 = arith.constant true
      %reduce_min3A_399 = vector.broadcast %reduce_min3A_398 : i1 to vector<16xi1>
      %reduce_min3A_400 = arith.constant -2147483648 : i32
      %reduce_min3A_401 = vector.broadcast %reduce_min3A_400 : i32 to vector<16xi32>
      %reduce_min3A_402 = arith.xori %select_n3A_397, %reduce_min3A_401 : vector<16xi32>
      %reduce_min3A_403 = tpu.scan <min>, %reduce_min3A_402 masked %reduce_min3A_399 : vector<16xi32>, vector<16xi1> -> vector<16xi32>
      %reduce_min3A_404 = arith.xori %reduce_min3A_403, %reduce_min3A_401 : vector<16xi32>
      %reduce_min3A_405 = vector.extract %reduce_min3A_404[15] : i32 from vector<16xi32>
      %min3A_406 = arith.minsi %min3A_392, %reduce_min3A_405 : i32
      %eq3A_407 = vector.broadcast %max3A_363 : f32 to vector<16xf32>
      %eq3A_408 = arith.cmpf oeq, %select_n3A_344, %eq3A_407 : vector<16xf32>
      %jit3A_409 = arith.constant 2147483647 : i32
      %broadcast_in_dim3A_410 = vector.broadcast %jit3A_409 : i32 to vector<16xi32>
      %select_n3A_411 = arith.select %eq3A_408, %add3A_29, %broadcast_in_dim3A_410 : vector<16xi1>, vector<16xi32>
      %reduce_min3A_412 = arith.constant true
      %reduce_min3A_413 = vector.broadcast %reduce_min3A_412 : i1 to vector<16xi1>
      %reduce_min3A_414 = arith.constant -2147483648 : i32
      %reduce_min3A_415 = vector.broadcast %reduce_min3A_414 : i32 to vector<16xi32>
      %reduce_min3A_416 = arith.xori %select_n3A_411, %reduce_min3A_415 : vector<16xi32>
      %reduce_min3A_417 = tpu.scan <min>, %reduce_min3A_416 masked %reduce_min3A_413 : vector<16xi32>, vector<16xi1> -> vector<16xi32>
      %reduce_min3A_418 = arith.xori %reduce_min3A_417, %reduce_min3A_415 : vector<16xi32>
      %reduce_min3A_419 = vector.extract %reduce_min3A_418[15] : i32 from vector<16xi32>
      %min3A_420 = arith.minsi %min3A_406, %reduce_min3A_419 : i32
      %eq3A_421 = arith.constant 3 : i32
      %eq3A_422 = vector.broadcast %eq3A_421 : i32 to vector<16xi32>
      %eq3A_423 = arith.cmpi eq, %iota3A, %eq3A_422 : vector<16xi32>
      %broadcast_in_dim3A_424 = vector.broadcast %max3A_363 : f32 to vector<16xf32>
      %select_n3A_425 = arith.select %eq3A_423, %broadcast_in_dim3A_424, %select_n3A_319 : vector<16xi1>, vector<16xf32>
      %eq3A_426 = arith.constant 3 : i32
      %eq3A_427 = vector.broadcast %eq3A_426 : i32 to vector<16xi32>
      %eq3A_428 = arith.cmpi eq, %iota3A, %eq3A_427 : vector<16xi32>
      %broadcast_in_dim3A_429 = vector.broadcast %min3A_420 : i32 to vector<16xi32>
      %select_n3A_430 = arith.select %eq3A_428, %broadcast_in_dim3A_429, %select_n3A_324 : vector<16xi1>, vector<16xi32>
      %eq3A_431 = vector.broadcast %min3A_420 : i32 to vector<16xi32>
      %eq3A_432 = arith.cmpi eq, %add3A_20, %eq3A_431 : vector<16xi32>
      %jit3A_433 = arith.constant -3.000000e+38 : f32
      %broadcast_in_dim3A_434 = vector.broadcast %jit3A_433 : f32 to vector<16xf32>
      %select_n3A_435 = arith.select %eq3A_432, %broadcast_in_dim3A_434, %select_n3A_329 : vector<16xi1>, vector<16xf32>
      %eq3A_436 = vector.broadcast %min3A_420 : i32 to vector<16xi32>
      %eq3A_437 = arith.cmpi eq, %add3A_23, %eq3A_436 : vector<16xi32>
      %jit3A_438 = arith.constant -3.000000e+38 : f32
      %broadcast_in_dim3A_439 = vector.broadcast %jit3A_438 : f32 to vector<16xf32>
      %select_n3A_440 = arith.select %eq3A_437, %broadcast_in_dim3A_439, %select_n3A_334 : vector<16xi1>, vector<16xf32>
      %eq3A_441 = vector.broadcast %min3A_420 : i32 to vector<16xi32>
      %eq3A_442 = arith.cmpi eq, %add3A_26, %eq3A_441 : vector<16xi32>
      %jit3A_443 = arith.constant -3.000000e+38 : f32
      %broadcast_in_dim3A_444 = vector.broadcast %jit3A_443 : f32 to vector<16xf32>
      %select_n3A_445 = arith.select %eq3A_442, %broadcast_in_dim3A_444, %select_n3A_339 : vector<16xi1>, vector<16xf32>
      %eq3A_446 = vector.broadcast %min3A_420 : i32 to vector<16xi32>
      %eq3A_447 = arith.cmpi eq, %add3A_29, %eq3A_446 : vector<16xi32>
      %jit3A_448 = arith.constant -3.000000e+38 : f32
      %broadcast_in_dim3A_449 = vector.broadcast %jit3A_448 : f32 to vector<16xf32>
      %select_n3A_450 = arith.select %eq3A_447, %broadcast_in_dim3A_449, %select_n3A_344 : vector<16xi1>, vector<16xf32>
      %reduce_max3A_451 = arith.constant true
      %reduce_max3A_452 = vector.broadcast %reduce_max3A_451 : i1 to vector<16xi1>
      %reduce_max3A_453 = tpu.scan <max>, %select_n3A_435 masked %reduce_max3A_452 : vector<16xf32>, vector<16xi1> -> vector<16xf32>
      %reduce_max3A_454 = vector.extract %reduce_max3A_453[15] : f32 from vector<16xf32>
      %reduce_max3A_455 = arith.constant true
      %reduce_max3A_456 = vector.broadcast %reduce_max3A_455 : i1 to vector<16xi1>
      %reduce_max3A_457 = tpu.scan <max>, %select_n3A_440 masked %reduce_max3A_456 : vector<16xf32>, vector<16xi1> -> vector<16xf32>
      %reduce_max3A_458 = vector.extract %reduce_max3A_457[15] : f32 from vector<16xf32>
      %max3A_459 = arith.maximumf %reduce_max3A_454, %reduce_max3A_458 : f32
      %reduce_max3A_460 = arith.constant true
      %reduce_max3A_461 = vector.broadcast %reduce_max3A_460 : i1 to vector<16xi1>
      %reduce_max3A_462 = tpu.scan <max>, %select_n3A_445 masked %reduce_max3A_461 : vector<16xf32>, vector<16xi1> -> vector<16xf32>
      %reduce_max3A_463 = vector.extract %reduce_max3A_462[15] : f32 from vector<16xf32>
      %max3A_464 = arith.maximumf %max3A_459, %reduce_max3A_463 : f32
      %reduce_max3A_465 = arith.constant true
      %reduce_max3A_466 = vector.broadcast %reduce_max3A_465 : i1 to vector<16xi1>
      %reduce_max3A_467 = tpu.scan <max>, %select_n3A_450 masked %reduce_max3A_466 : vector<16xf32>, vector<16xi1> -> vector<16xf32>
      %reduce_max3A_468 = vector.extract %reduce_max3A_467[15] : f32 from vector<16xf32>
      %max3A_469 = arith.maximumf %max3A_464, %reduce_max3A_468 : f32
      %eq3A_470 = vector.broadcast %max3A_469 : f32 to vector<16xf32>
      %eq3A_471 = arith.cmpf oeq, %select_n3A_435, %eq3A_470 : vector<16xf32>
      %jit3A_472 = arith.constant 2147483647 : i32
      %broadcast_in_dim3A_473 = vector.broadcast %jit3A_472 : i32 to vector<16xi32>
      %select_n3A_474 = arith.select %eq3A_471, %add3A_20, %broadcast_in_dim3A_473 : vector<16xi1>, vector<16xi32>
      %reduce_min3A_475 = arith.constant true
      %reduce_min3A_476 = vector.broadcast %reduce_min3A_475 : i1 to vector<16xi1>
      %reduce_min3A_477 = arith.constant -2147483648 : i32
      %reduce_min3A_478 = vector.broadcast %reduce_min3A_477 : i32 to vector<16xi32>
      %reduce_min3A_479 = arith.xori %select_n3A_474, %reduce_min3A_478 : vector<16xi32>
      %reduce_min3A_480 = tpu.scan <min>, %reduce_min3A_479 masked %reduce_min3A_476 : vector<16xi32>, vector<16xi1> -> vector<16xi32>
      %reduce_min3A_481 = arith.xori %reduce_min3A_480, %reduce_min3A_478 : vector<16xi32>
      %reduce_min3A_482 = vector.extract %reduce_min3A_481[15] : i32 from vector<16xi32>
      %min3A_483 = arith.constant 2147483647 : i32
      %min3A_484 = arith.minsi %min3A_483, %reduce_min3A_482 : i32
      %eq3A_485 = vector.broadcast %max3A_469 : f32 to vector<16xf32>
      %eq3A_486 = arith.cmpf oeq, %select_n3A_440, %eq3A_485 : vector<16xf32>
      %jit3A_487 = arith.constant 2147483647 : i32
      %broadcast_in_dim3A_488 = vector.broadcast %jit3A_487 : i32 to vector<16xi32>
      %select_n3A_489 = arith.select %eq3A_486, %add3A_23, %broadcast_in_dim3A_488 : vector<16xi1>, vector<16xi32>
      %reduce_min3A_490 = arith.constant true
      %reduce_min3A_491 = vector.broadcast %reduce_min3A_490 : i1 to vector<16xi1>
      %reduce_min3A_492 = arith.constant -2147483648 : i32
      %reduce_min3A_493 = vector.broadcast %reduce_min3A_492 : i32 to vector<16xi32>
      %reduce_min3A_494 = arith.xori %select_n3A_489, %reduce_min3A_493 : vector<16xi32>
      %reduce_min3A_495 = tpu.scan <min>, %reduce_min3A_494 masked %reduce_min3A_491 : vector<16xi32>, vector<16xi1> -> vector<16xi32>
      %reduce_min3A_496 = arith.xori %reduce_min3A_495, %reduce_min3A_493 : vector<16xi32>
      %reduce_min3A_497 = vector.extract %reduce_min3A_496[15] : i32 from vector<16xi32>
      %min3A_498 = arith.minsi %min3A_484, %reduce_min3A_497 : i32
      %eq3A_499 = vector.broadcast %max3A_469 : f32 to vector<16xf32>
      %eq3A_500 = arith.cmpf oeq, %select_n3A_445, %eq3A_499 : vector<16xf32>
      %jit3A_501 = arith.constant 2147483647 : i32
      %broadcast_in_dim3A_502 = vector.broadcast %jit3A_501 : i32 to vector<16xi32>
      %select_n3A_503 = arith.select %eq3A_500, %add3A_26, %broadcast_in_dim3A_502 : vector<16xi1>, vector<16xi32>
      %reduce_min3A_504 = arith.constant true
      %reduce_min3A_505 = vector.broadcast %reduce_min3A_504 : i1 to vector<16xi1>
      %reduce_min3A_506 = arith.constant -2147483648 : i32
      %reduce_min3A_507 = vector.broadcast %reduce_min3A_506 : i32 to vector<16xi32>
      %reduce_min3A_508 = arith.xori %select_n3A_503, %reduce_min3A_507 : vector<16xi32>
      %reduce_min3A_509 = tpu.scan <min>, %reduce_min3A_508 masked %reduce_min3A_505 : vector<16xi32>, vector<16xi1> -> vector<16xi32>
      %reduce_min3A_510 = arith.xori %reduce_min3A_509, %reduce_min3A_507 : vector<16xi32>
      %reduce_min3A_511 = vector.extract %reduce_min3A_510[15] : i32 from vector<16xi32>
      %min3A_512 = arith.minsi %min3A_498, %reduce_min3A_511 : i32
      %eq3A_513 = vector.broadcast %max3A_469 : f32 to vector<16xf32>
      %eq3A_514 = arith.cmpf oeq, %select_n3A_450, %eq3A_513 : vector<16xf32>
      %jit3A_515 = arith.constant 2147483647 : i32
      %broadcast_in_dim3A_516 = vector.broadcast %jit3A_515 : i32 to vector<16xi32>
      %select_n3A_517 = arith.select %eq3A_514, %add3A_29, %broadcast_in_dim3A_516 : vector<16xi1>, vector<16xi32>
      %reduce_min3A_518 = arith.constant true
      %reduce_min3A_519 = vector.broadcast %reduce_min3A_518 : i1 to vector<16xi1>
      %reduce_min3A_520 = arith.constant -2147483648 : i32
      %reduce_min3A_521 = vector.broadcast %reduce_min3A_520 : i32 to vector<16xi32>
      %reduce_min3A_522 = arith.xori %select_n3A_517, %reduce_min3A_521 : vector<16xi32>
      %reduce_min3A_523 = tpu.scan <min>, %reduce_min3A_522 masked %reduce_min3A_519 : vector<16xi32>, vector<16xi1> -> vector<16xi32>
      %reduce_min3A_524 = arith.xori %reduce_min3A_523, %reduce_min3A_521 : vector<16xi32>
      %reduce_min3A_525 = vector.extract %reduce_min3A_524[15] : i32 from vector<16xi32>
      %min3A_526 = arith.minsi %min3A_512, %reduce_min3A_525 : i32
      %eq3A_527 = arith.constant 4 : i32
      %eq3A_528 = vector.broadcast %eq3A_527 : i32 to vector<16xi32>
      %eq3A_529 = arith.cmpi eq, %iota3A, %eq3A_528 : vector<16xi32>
      %broadcast_in_dim3A_530 = vector.broadcast %max3A_469 : f32 to vector<16xf32>
      %select_n3A_531 = arith.select %eq3A_529, %broadcast_in_dim3A_530, %select_n3A_425 : vector<16xi1>, vector<16xf32>
      %eq3A_532 = arith.constant 4 : i32
      %eq3A_533 = vector.broadcast %eq3A_532 : i32 to vector<16xi32>
      %eq3A_534 = arith.cmpi eq, %iota3A, %eq3A_533 : vector<16xi32>
      %broadcast_in_dim3A_535 = vector.broadcast %min3A_526 : i32 to vector<16xi32>
      %select_n3A_536 = arith.select %eq3A_534, %broadcast_in_dim3A_535, %select_n3A_430 : vector<16xi1>, vector<16xi32>
      %eq3A_537 = vector.broadcast %min3A_526 : i32 to vector<16xi32>
      %eq3A_538 = arith.cmpi eq, %add3A_20, %eq3A_537 : vector<16xi32>
      %jit3A_539 = arith.constant -3.000000e+38 : f32
      %broadcast_in_dim3A_540 = vector.broadcast %jit3A_539 : f32 to vector<16xf32>
      %select_n3A_541 = arith.select %eq3A_538, %broadcast_in_dim3A_540, %select_n3A_435 : vector<16xi1>, vector<16xf32>
      %eq3A_542 = vector.broadcast %min3A_526 : i32 to vector<16xi32>
      %eq3A_543 = arith.cmpi eq, %add3A_23, %eq3A_542 : vector<16xi32>
      %jit3A_544 = arith.constant -3.000000e+38 : f32
      %broadcast_in_dim3A_545 = vector.broadcast %jit3A_544 : f32 to vector<16xf32>
      %select_n3A_546 = arith.select %eq3A_543, %broadcast_in_dim3A_545, %select_n3A_440 : vector<16xi1>, vector<16xf32>
      %eq3A_547 = vector.broadcast %min3A_526 : i32 to vector<16xi32>
      %eq3A_548 = arith.cmpi eq, %add3A_26, %eq3A_547 : vector<16xi32>
      %jit3A_549 = arith.constant -3.000000e+38 : f32
      %broadcast_in_dim3A_550 = vector.broadcast %jit3A_549 : f32 to vector<16xf32>
      %select_n3A_551 = arith.select %eq3A_548, %broadcast_in_dim3A_550, %select_n3A_445 : vector<16xi1>, vector<16xf32>
      %eq3A_552 = vector.broadcast %min3A_526 : i32 to vector<16xi32>
      %eq3A_553 = arith.cmpi eq, %add3A_29, %eq3A_552 : vector<16xi32>
      %jit3A_554 = arith.constant -3.000000e+38 : f32
      %broadcast_in_dim3A_555 = vector.broadcast %jit3A_554 : f32 to vector<16xf32>
      %select_n3A_556 = arith.select %eq3A_553, %broadcast_in_dim3A_555, %select_n3A_450 : vector<16xi1>, vector<16xf32>
      %reduce_max3A_557 = arith.constant true
      %reduce_max3A_558 = vector.broadcast %reduce_max3A_557 : i1 to vector<16xi1>
      %reduce_max3A_559 = tpu.scan <max>, %select_n3A_541 masked %reduce_max3A_558 : vector<16xf32>, vector<16xi1> -> vector<16xf32>
      %reduce_max3A_560 = vector.extract %reduce_max3A_559[15] : f32 from vector<16xf32>
      %reduce_max3A_561 = arith.constant true
      %reduce_max3A_562 = vector.broadcast %reduce_max3A_561 : i1 to vector<16xi1>
      %reduce_max3A_563 = tpu.scan <max>, %select_n3A_546 masked %reduce_max3A_562 : vector<16xf32>, vector<16xi1> -> vector<16xf32>
      %reduce_max3A_564 = vector.extract %reduce_max3A_563[15] : f32 from vector<16xf32>
      %max3A_565 = arith.maximumf %reduce_max3A_560, %reduce_max3A_564 : f32
      %reduce_max3A_566 = arith.constant true
      %reduce_max3A_567 = vector.broadcast %reduce_max3A_566 : i1 to vector<16xi1>
      %reduce_max3A_568 = tpu.scan <max>, %select_n3A_551 masked %reduce_max3A_567 : vector<16xf32>, vector<16xi1> -> vector<16xf32>
      %reduce_max3A_569 = vector.extract %reduce_max3A_568[15] : f32 from vector<16xf32>
      %max3A_570 = arith.maximumf %max3A_565, %reduce_max3A_569 : f32
      %reduce_max3A_571 = arith.constant true
      %reduce_max3A_572 = vector.broadcast %reduce_max3A_571 : i1 to vector<16xi1>
      %reduce_max3A_573 = tpu.scan <max>, %select_n3A_556 masked %reduce_max3A_572 : vector<16xf32>, vector<16xi1> -> vector<16xf32>
      %reduce_max3A_574 = vector.extract %reduce_max3A_573[15] : f32 from vector<16xf32>
      %max3A_575 = arith.maximumf %max3A_570, %reduce_max3A_574 : f32
      %eq3A_576 = vector.broadcast %max3A_575 : f32 to vector<16xf32>
      %eq3A_577 = arith.cmpf oeq, %select_n3A_541, %eq3A_576 : vector<16xf32>
      %jit3A_578 = arith.constant 2147483647 : i32
      %broadcast_in_dim3A_579 = vector.broadcast %jit3A_578 : i32 to vector<16xi32>
      %select_n3A_580 = arith.select %eq3A_577, %add3A_20, %broadcast_in_dim3A_579 : vector<16xi1>, vector<16xi32>
      %reduce_min3A_581 = arith.constant true
      %reduce_min3A_582 = vector.broadcast %reduce_min3A_581 : i1 to vector<16xi1>
      %reduce_min3A_583 = arith.constant -2147483648 : i32
      %reduce_min3A_584 = vector.broadcast %reduce_min3A_583 : i32 to vector<16xi32>
      %reduce_min3A_585 = arith.xori %select_n3A_580, %reduce_min3A_584 : vector<16xi32>
      %reduce_min3A_586 = tpu.scan <min>, %reduce_min3A_585 masked %reduce_min3A_582 : vector<16xi32>, vector<16xi1> -> vector<16xi32>
      %reduce_min3A_587 = arith.xori %reduce_min3A_586, %reduce_min3A_584 : vector<16xi32>
      %reduce_min3A_588 = vector.extract %reduce_min3A_587[15] : i32 from vector<16xi32>
      %min3A_589 = arith.constant 2147483647 : i32
      %min3A_590 = arith.minsi %min3A_589, %reduce_min3A_588 : i32
      %eq3A_591 = vector.broadcast %max3A_575 : f32 to vector<16xf32>
      %eq3A_592 = arith.cmpf oeq, %select_n3A_546, %eq3A_591 : vector<16xf32>
      %jit3A_593 = arith.constant 2147483647 : i32
      %broadcast_in_dim3A_594 = vector.broadcast %jit3A_593 : i32 to vector<16xi32>
      %select_n3A_595 = arith.select %eq3A_592, %add3A_23, %broadcast_in_dim3A_594 : vector<16xi1>, vector<16xi32>
      %reduce_min3A_596 = arith.constant true
      %reduce_min3A_597 = vector.broadcast %reduce_min3A_596 : i1 to vector<16xi1>
      %reduce_min3A_598 = arith.constant -2147483648 : i32
      %reduce_min3A_599 = vector.broadcast %reduce_min3A_598 : i32 to vector<16xi32>
      %reduce_min3A_600 = arith.xori %select_n3A_595, %reduce_min3A_599 : vector<16xi32>
      %reduce_min3A_601 = tpu.scan <min>, %reduce_min3A_600 masked %reduce_min3A_597 : vector<16xi32>, vector<16xi1> -> vector<16xi32>
      %reduce_min3A_602 = arith.xori %reduce_min3A_601, %reduce_min3A_599 : vector<16xi32>
      %reduce_min3A_603 = vector.extract %reduce_min3A_602[15] : i32 from vector<16xi32>
      %min3A_604 = arith.minsi %min3A_590, %reduce_min3A_603 : i32
      %eq3A_605 = vector.broadcast %max3A_575 : f32 to vector<16xf32>
      %eq3A_606 = arith.cmpf oeq, %select_n3A_551, %eq3A_605 : vector<16xf32>
      %jit3A_607 = arith.constant 2147483647 : i32
      %broadcast_in_dim3A_608 = vector.broadcast %jit3A_607 : i32 to vector<16xi32>
      %select_n3A_609 = arith.select %eq3A_606, %add3A_26, %broadcast_in_dim3A_608 : vector<16xi1>, vector<16xi32>
      %reduce_min3A_610 = arith.constant true
      %reduce_min3A_611 = vector.broadcast %reduce_min3A_610 : i1 to vector<16xi1>
      %reduce_min3A_612 = arith.constant -2147483648 : i32
      %reduce_min3A_613 = vector.broadcast %reduce_min3A_612 : i32 to vector<16xi32>
      %reduce_min3A_614 = arith.xori %select_n3A_609, %reduce_min3A_613 : vector<16xi32>
      %reduce_min3A_615 = tpu.scan <min>, %reduce_min3A_614 masked %reduce_min3A_611 : vector<16xi32>, vector<16xi1> -> vector<16xi32>
      %reduce_min3A_616 = arith.xori %reduce_min3A_615, %reduce_min3A_613 : vector<16xi32>
      %reduce_min3A_617 = vector.extract %reduce_min3A_616[15] : i32 from vector<16xi32>
      %min3A_618 = arith.minsi %min3A_604, %reduce_min3A_617 : i32
      %eq3A_619 = vector.broadcast %max3A_575 : f32 to vector<16xf32>
      %eq3A_620 = arith.cmpf oeq, %select_n3A_556, %eq3A_619 : vector<16xf32>
      %jit3A_621 = arith.constant 2147483647 : i32
      %broadcast_in_dim3A_622 = vector.broadcast %jit3A_621 : i32 to vector<16xi32>
      %select_n3A_623 = arith.select %eq3A_620, %add3A_29, %broadcast_in_dim3A_622 : vector<16xi1>, vector<16xi32>
      %reduce_min3A_624 = arith.constant true
      %reduce_min3A_625 = vector.broadcast %reduce_min3A_624 : i1 to vector<16xi1>
      %reduce_min3A_626 = arith.constant -2147483648 : i32
      %reduce_min3A_627 = vector.broadcast %reduce_min3A_626 : i32 to vector<16xi32>
      %reduce_min3A_628 = arith.xori %select_n3A_623, %reduce_min3A_627 : vector<16xi32>
      %reduce_min3A_629 = tpu.scan <min>, %reduce_min3A_628 masked %reduce_min3A_625 : vector<16xi32>, vector<16xi1> -> vector<16xi32>
      %reduce_min3A_630 = arith.xori %reduce_min3A_629, %reduce_min3A_627 : vector<16xi32>
      %reduce_min3A_631 = vector.extract %reduce_min3A_630[15] : i32 from vector<16xi32>
      %min3A_632 = arith.minsi %min3A_618, %reduce_min3A_631 : i32
      %eq3A_633 = arith.constant 5 : i32
      %eq3A_634 = vector.broadcast %eq3A_633 : i32 to vector<16xi32>
      %eq3A_635 = arith.cmpi eq, %iota3A, %eq3A_634 : vector<16xi32>
      %broadcast_in_dim3A_636 = vector.broadcast %max3A_575 : f32 to vector<16xf32>
      %select_n3A_637 = arith.select %eq3A_635, %broadcast_in_dim3A_636, %select_n3A_531 : vector<16xi1>, vector<16xf32>
      %eq3A_638 = arith.constant 5 : i32
      %eq3A_639 = vector.broadcast %eq3A_638 : i32 to vector<16xi32>
      %eq3A_640 = arith.cmpi eq, %iota3A, %eq3A_639 : vector<16xi32>
      %broadcast_in_dim3A_641 = vector.broadcast %min3A_632 : i32 to vector<16xi32>
      %select_n3A_642 = arith.select %eq3A_640, %broadcast_in_dim3A_641, %select_n3A_536 : vector<16xi1>, vector<16xi32>
      %eq3A_643 = vector.broadcast %min3A_632 : i32 to vector<16xi32>
      %eq3A_644 = arith.cmpi eq, %add3A_20, %eq3A_643 : vector<16xi32>
      %jit3A_645 = arith.constant -3.000000e+38 : f32
      %broadcast_in_dim3A_646 = vector.broadcast %jit3A_645 : f32 to vector<16xf32>
      %select_n3A_647 = arith.select %eq3A_644, %broadcast_in_dim3A_646, %select_n3A_541 : vector<16xi1>, vector<16xf32>
      %eq3A_648 = vector.broadcast %min3A_632 : i32 to vector<16xi32>
      %eq3A_649 = arith.cmpi eq, %add3A_23, %eq3A_648 : vector<16xi32>
      %jit3A_650 = arith.constant -3.000000e+38 : f32
      %broadcast_in_dim3A_651 = vector.broadcast %jit3A_650 : f32 to vector<16xf32>
      %select_n3A_652 = arith.select %eq3A_649, %broadcast_in_dim3A_651, %select_n3A_546 : vector<16xi1>, vector<16xf32>
      %eq3A_653 = vector.broadcast %min3A_632 : i32 to vector<16xi32>
      %eq3A_654 = arith.cmpi eq, %add3A_26, %eq3A_653 : vector<16xi32>
      %jit3A_655 = arith.constant -3.000000e+38 : f32
      %broadcast_in_dim3A_656 = vector.broadcast %jit3A_655 : f32 to vector<16xf32>
      %select_n3A_657 = arith.select %eq3A_654, %broadcast_in_dim3A_656, %select_n3A_551 : vector<16xi1>, vector<16xf32>
      %eq3A_658 = vector.broadcast %min3A_632 : i32 to vector<16xi32>
      %eq3A_659 = arith.cmpi eq, %add3A_29, %eq3A_658 : vector<16xi32>
      %jit3A_660 = arith.constant -3.000000e+38 : f32
      %broadcast_in_dim3A_661 = vector.broadcast %jit3A_660 : f32 to vector<16xf32>
      %select_n3A_662 = arith.select %eq3A_659, %broadcast_in_dim3A_661, %select_n3A_556 : vector<16xi1>, vector<16xf32>
      %reduce_max3A_663 = arith.constant true
      %reduce_max3A_664 = vector.broadcast %reduce_max3A_663 : i1 to vector<16xi1>
      %reduce_max3A_665 = tpu.scan <max>, %select_n3A_647 masked %reduce_max3A_664 : vector<16xf32>, vector<16xi1> -> vector<16xf32>
      %reduce_max3A_666 = vector.extract %reduce_max3A_665[15] : f32 from vector<16xf32>
      %reduce_max3A_667 = arith.constant true
      %reduce_max3A_668 = vector.broadcast %reduce_max3A_667 : i1 to vector<16xi1>
      %reduce_max3A_669 = tpu.scan <max>, %select_n3A_652 masked %reduce_max3A_668 : vector<16xf32>, vector<16xi1> -> vector<16xf32>
      %reduce_max3A_670 = vector.extract %reduce_max3A_669[15] : f32 from vector<16xf32>
      %max3A_671 = arith.maximumf %reduce_max3A_666, %reduce_max3A_670 : f32
      %reduce_max3A_672 = arith.constant true
      %reduce_max3A_673 = vector.broadcast %reduce_max3A_672 : i1 to vector<16xi1>
      %reduce_max3A_674 = tpu.scan <max>, %select_n3A_657 masked %reduce_max3A_673 : vector<16xf32>, vector<16xi1> -> vector<16xf32>
      %reduce_max3A_675 = vector.extract %reduce_max3A_674[15] : f32 from vector<16xf32>
      %max3A_676 = arith.maximumf %max3A_671, %reduce_max3A_675 : f32
      %reduce_max3A_677 = arith.constant true
      %reduce_max3A_678 = vector.broadcast %reduce_max3A_677 : i1 to vector<16xi1>
      %reduce_max3A_679 = tpu.scan <max>, %select_n3A_662 masked %reduce_max3A_678 : vector<16xf32>, vector<16xi1> -> vector<16xf32>
      %reduce_max3A_680 = vector.extract %reduce_max3A_679[15] : f32 from vector<16xf32>
      %max3A_681 = arith.maximumf %max3A_676, %reduce_max3A_680 : f32
      %eq3A_682 = vector.broadcast %max3A_681 : f32 to vector<16xf32>
      %eq3A_683 = arith.cmpf oeq, %select_n3A_647, %eq3A_682 : vector<16xf32>
      %jit3A_684 = arith.constant 2147483647 : i32
      %broadcast_in_dim3A_685 = vector.broadcast %jit3A_684 : i32 to vector<16xi32>
      %select_n3A_686 = arith.select %eq3A_683, %add3A_20, %broadcast_in_dim3A_685 : vector<16xi1>, vector<16xi32>
      %reduce_min3A_687 = arith.constant true
      %reduce_min3A_688 = vector.broadcast %reduce_min3A_687 : i1 to vector<16xi1>
      %reduce_min3A_689 = arith.constant -2147483648 : i32
      %reduce_min3A_690 = vector.broadcast %reduce_min3A_689 : i32 to vector<16xi32>
      %reduce_min3A_691 = arith.xori %select_n3A_686, %reduce_min3A_690 : vector<16xi32>
      %reduce_min3A_692 = tpu.scan <min>, %reduce_min3A_691 masked %reduce_min3A_688 : vector<16xi32>, vector<16xi1> -> vector<16xi32>
      %reduce_min3A_693 = arith.xori %reduce_min3A_692, %reduce_min3A_690 : vector<16xi32>
      %reduce_min3A_694 = vector.extract %reduce_min3A_693[15] : i32 from vector<16xi32>
      %min3A_695 = arith.constant 2147483647 : i32
      %min3A_696 = arith.minsi %min3A_695, %reduce_min3A_694 : i32
      %eq3A_697 = vector.broadcast %max3A_681 : f32 to vector<16xf32>
      %eq3A_698 = arith.cmpf oeq, %select_n3A_652, %eq3A_697 : vector<16xf32>
      %jit3A_699 = arith.constant 2147483647 : i32
      %broadcast_in_dim3A_700 = vector.broadcast %jit3A_699 : i32 to vector<16xi32>
      %select_n3A_701 = arith.select %eq3A_698, %add3A_23, %broadcast_in_dim3A_700 : vector<16xi1>, vector<16xi32>
      %reduce_min3A_702 = arith.constant true
      %reduce_min3A_703 = vector.broadcast %reduce_min3A_702 : i1 to vector<16xi1>
      %reduce_min3A_704 = arith.constant -2147483648 : i32
      %reduce_min3A_705 = vector.broadcast %reduce_min3A_704 : i32 to vector<16xi32>
      %reduce_min3A_706 = arith.xori %select_n3A_701, %reduce_min3A_705 : vector<16xi32>
      %reduce_min3A_707 = tpu.scan <min>, %reduce_min3A_706 masked %reduce_min3A_703 : vector<16xi32>, vector<16xi1> -> vector<16xi32>
      %reduce_min3A_708 = arith.xori %reduce_min3A_707, %reduce_min3A_705 : vector<16xi32>
      %reduce_min3A_709 = vector.extract %reduce_min3A_708[15] : i32 from vector<16xi32>
      %min3A_710 = arith.minsi %min3A_696, %reduce_min3A_709 : i32
      %eq3A_711 = vector.broadcast %max3A_681 : f32 to vector<16xf32>
      %eq3A_712 = arith.cmpf oeq, %select_n3A_657, %eq3A_711 : vector<16xf32>
      %jit3A_713 = arith.constant 2147483647 : i32
      %broadcast_in_dim3A_714 = vector.broadcast %jit3A_713 : i32 to vector<16xi32>
      %select_n3A_715 = arith.select %eq3A_712, %add3A_26, %broadcast_in_dim3A_714 : vector<16xi1>, vector<16xi32>
      %reduce_min3A_716 = arith.constant true
      %reduce_min3A_717 = vector.broadcast %reduce_min3A_716 : i1 to vector<16xi1>
      %reduce_min3A_718 = arith.constant -2147483648 : i32
      %reduce_min3A_719 = vector.broadcast %reduce_min3A_718 : i32 to vector<16xi32>
      %reduce_min3A_720 = arith.xori %select_n3A_715, %reduce_min3A_719 : vector<16xi32>
      %reduce_min3A_721 = tpu.scan <min>, %reduce_min3A_720 masked %reduce_min3A_717 : vector<16xi32>, vector<16xi1> -> vector<16xi32>
      %reduce_min3A_722 = arith.xori %reduce_min3A_721, %reduce_min3A_719 : vector<16xi32>
      %reduce_min3A_723 = vector.extract %reduce_min3A_722[15] : i32 from vector<16xi32>
      %min3A_724 = arith.minsi %min3A_710, %reduce_min3A_723 : i32
      %eq3A_725 = vector.broadcast %max3A_681 : f32 to vector<16xf32>
      %eq3A_726 = arith.cmpf oeq, %select_n3A_662, %eq3A_725 : vector<16xf32>
      %jit3A_727 = arith.constant 2147483647 : i32
      %broadcast_in_dim3A_728 = vector.broadcast %jit3A_727 : i32 to vector<16xi32>
      %select_n3A_729 = arith.select %eq3A_726, %add3A_29, %broadcast_in_dim3A_728 : vector<16xi1>, vector<16xi32>
      %reduce_min3A_730 = arith.constant true
      %reduce_min3A_731 = vector.broadcast %reduce_min3A_730 : i1 to vector<16xi1>
      %reduce_min3A_732 = arith.constant -2147483648 : i32
      %reduce_min3A_733 = vector.broadcast %reduce_min3A_732 : i32 to vector<16xi32>
      %reduce_min3A_734 = arith.xori %select_n3A_729, %reduce_min3A_733 : vector<16xi32>
      %reduce_min3A_735 = tpu.scan <min>, %reduce_min3A_734 masked %reduce_min3A_731 : vector<16xi32>, vector<16xi1> -> vector<16xi32>
      %reduce_min3A_736 = arith.xori %reduce_min3A_735, %reduce_min3A_733 : vector<16xi32>
      %reduce_min3A_737 = vector.extract %reduce_min3A_736[15] : i32 from vector<16xi32>
      %min3A_738 = arith.minsi %min3A_724, %reduce_min3A_737 : i32
      %eq3A_739 = arith.constant 6 : i32
      %eq3A_740 = vector.broadcast %eq3A_739 : i32 to vector<16xi32>
      %eq3A_741 = arith.cmpi eq, %iota3A, %eq3A_740 : vector<16xi32>
      %broadcast_in_dim3A_742 = vector.broadcast %max3A_681 : f32 to vector<16xf32>
      %select_n3A_743 = arith.select %eq3A_741, %broadcast_in_dim3A_742, %select_n3A_637 : vector<16xi1>, vector<16xf32>
      %eq3A_744 = arith.constant 6 : i32
      %eq3A_745 = vector.broadcast %eq3A_744 : i32 to vector<16xi32>
      %eq3A_746 = arith.cmpi eq, %iota3A, %eq3A_745 : vector<16xi32>
      %broadcast_in_dim3A_747 = vector.broadcast %min3A_738 : i32 to vector<16xi32>
      %select_n3A_748 = arith.select %eq3A_746, %broadcast_in_dim3A_747, %select_n3A_642 : vector<16xi1>, vector<16xi32>
      %eq3A_749 = vector.broadcast %min3A_738 : i32 to vector<16xi32>
      %eq3A_750 = arith.cmpi eq, %add3A_20, %eq3A_749 : vector<16xi32>
      %jit3A_751 = arith.constant -3.000000e+38 : f32
      %broadcast_in_dim3A_752 = vector.broadcast %jit3A_751 : f32 to vector<16xf32>
      %select_n3A_753 = arith.select %eq3A_750, %broadcast_in_dim3A_752, %select_n3A_647 : vector<16xi1>, vector<16xf32>
      %eq3A_754 = vector.broadcast %min3A_738 : i32 to vector<16xi32>
      %eq3A_755 = arith.cmpi eq, %add3A_23, %eq3A_754 : vector<16xi32>
      %jit3A_756 = arith.constant -3.000000e+38 : f32
      %broadcast_in_dim3A_757 = vector.broadcast %jit3A_756 : f32 to vector<16xf32>
      %select_n3A_758 = arith.select %eq3A_755, %broadcast_in_dim3A_757, %select_n3A_652 : vector<16xi1>, vector<16xf32>
      %eq3A_759 = vector.broadcast %min3A_738 : i32 to vector<16xi32>
      %eq3A_760 = arith.cmpi eq, %add3A_26, %eq3A_759 : vector<16xi32>
      %jit3A_761 = arith.constant -3.000000e+38 : f32
      %broadcast_in_dim3A_762 = vector.broadcast %jit3A_761 : f32 to vector<16xf32>
      %select_n3A_763 = arith.select %eq3A_760, %broadcast_in_dim3A_762, %select_n3A_657 : vector<16xi1>, vector<16xf32>
      %eq3A_764 = vector.broadcast %min3A_738 : i32 to vector<16xi32>
      %eq3A_765 = arith.cmpi eq, %add3A_29, %eq3A_764 : vector<16xi32>
      %jit3A_766 = arith.constant -3.000000e+38 : f32
      %broadcast_in_dim3A_767 = vector.broadcast %jit3A_766 : f32 to vector<16xf32>
      %select_n3A_768 = arith.select %eq3A_765, %broadcast_in_dim3A_767, %select_n3A_662 : vector<16xi1>, vector<16xf32>
      %reduce_max3A_769 = arith.constant true
      %reduce_max3A_770 = vector.broadcast %reduce_max3A_769 : i1 to vector<16xi1>
      %reduce_max3A_771 = tpu.scan <max>, %select_n3A_753 masked %reduce_max3A_770 : vector<16xf32>, vector<16xi1> -> vector<16xf32>
      %reduce_max3A_772 = vector.extract %reduce_max3A_771[15] : f32 from vector<16xf32>
      %reduce_max3A_773 = arith.constant true
      %reduce_max3A_774 = vector.broadcast %reduce_max3A_773 : i1 to vector<16xi1>
      %reduce_max3A_775 = tpu.scan <max>, %select_n3A_758 masked %reduce_max3A_774 : vector<16xf32>, vector<16xi1> -> vector<16xf32>
      %reduce_max3A_776 = vector.extract %reduce_max3A_775[15] : f32 from vector<16xf32>
      %max3A_777 = arith.maximumf %reduce_max3A_772, %reduce_max3A_776 : f32
      %reduce_max3A_778 = arith.constant true
      %reduce_max3A_779 = vector.broadcast %reduce_max3A_778 : i1 to vector<16xi1>
      %reduce_max3A_780 = tpu.scan <max>, %select_n3A_763 masked %reduce_max3A_779 : vector<16xf32>, vector<16xi1> -> vector<16xf32>
      %reduce_max3A_781 = vector.extract %reduce_max3A_780[15] : f32 from vector<16xf32>
      %max3A_782 = arith.maximumf %max3A_777, %reduce_max3A_781 : f32
      %reduce_max3A_783 = arith.constant true
      %reduce_max3A_784 = vector.broadcast %reduce_max3A_783 : i1 to vector<16xi1>
      %reduce_max3A_785 = tpu.scan <max>, %select_n3A_768 masked %reduce_max3A_784 : vector<16xf32>, vector<16xi1> -> vector<16xf32>
      %reduce_max3A_786 = vector.extract %reduce_max3A_785[15] : f32 from vector<16xf32>
      %max3A_787 = arith.maximumf %max3A_782, %reduce_max3A_786 : f32
      %eq3A_788 = vector.broadcast %max3A_787 : f32 to vector<16xf32>
      %eq3A_789 = arith.cmpf oeq, %select_n3A_753, %eq3A_788 : vector<16xf32>
      %jit3A_790 = arith.constant 2147483647 : i32
      %broadcast_in_dim3A_791 = vector.broadcast %jit3A_790 : i32 to vector<16xi32>
      %select_n3A_792 = arith.select %eq3A_789, %add3A_20, %broadcast_in_dim3A_791 : vector<16xi1>, vector<16xi32>
      %reduce_min3A_793 = arith.constant true
      %reduce_min3A_794 = vector.broadcast %reduce_min3A_793 : i1 to vector<16xi1>
      %reduce_min3A_795 = arith.constant -2147483648 : i32
      %reduce_min3A_796 = vector.broadcast %reduce_min3A_795 : i32 to vector<16xi32>
      %reduce_min3A_797 = arith.xori %select_n3A_792, %reduce_min3A_796 : vector<16xi32>
      %reduce_min3A_798 = tpu.scan <min>, %reduce_min3A_797 masked %reduce_min3A_794 : vector<16xi32>, vector<16xi1> -> vector<16xi32>
      %reduce_min3A_799 = arith.xori %reduce_min3A_798, %reduce_min3A_796 : vector<16xi32>
      %reduce_min3A_800 = vector.extract %reduce_min3A_799[15] : i32 from vector<16xi32>
      %min3A_801 = arith.constant 2147483647 : i32
      %min3A_802 = arith.minsi %min3A_801, %reduce_min3A_800 : i32
      %eq3A_803 = vector.broadcast %max3A_787 : f32 to vector<16xf32>
      %eq3A_804 = arith.cmpf oeq, %select_n3A_758, %eq3A_803 : vector<16xf32>
      %jit3A_805 = arith.constant 2147483647 : i32
      %broadcast_in_dim3A_806 = vector.broadcast %jit3A_805 : i32 to vector<16xi32>
      %select_n3A_807 = arith.select %eq3A_804, %add3A_23, %broadcast_in_dim3A_806 : vector<16xi1>, vector<16xi32>
      %reduce_min3A_808 = arith.constant true
      %reduce_min3A_809 = vector.broadcast %reduce_min3A_808 : i1 to vector<16xi1>
      %reduce_min3A_810 = arith.constant -2147483648 : i32
      %reduce_min3A_811 = vector.broadcast %reduce_min3A_810 : i32 to vector<16xi32>
      %reduce_min3A_812 = arith.xori %select_n3A_807, %reduce_min3A_811 : vector<16xi32>
      %reduce_min3A_813 = tpu.scan <min>, %reduce_min3A_812 masked %reduce_min3A_809 : vector<16xi32>, vector<16xi1> -> vector<16xi32>
      %reduce_min3A_814 = arith.xori %reduce_min3A_813, %reduce_min3A_811 : vector<16xi32>
      %reduce_min3A_815 = vector.extract %reduce_min3A_814[15] : i32 from vector<16xi32>
      %min3A_816 = arith.minsi %min3A_802, %reduce_min3A_815 : i32
      %eq3A_817 = vector.broadcast %max3A_787 : f32 to vector<16xf32>
      %eq3A_818 = arith.cmpf oeq, %select_n3A_763, %eq3A_817 : vector<16xf32>
      %jit3A_819 = arith.constant 2147483647 : i32
      %broadcast_in_dim3A_820 = vector.broadcast %jit3A_819 : i32 to vector<16xi32>
      %select_n3A_821 = arith.select %eq3A_818, %add3A_26, %broadcast_in_dim3A_820 : vector<16xi1>, vector<16xi32>
      %reduce_min3A_822 = arith.constant true
      %reduce_min3A_823 = vector.broadcast %reduce_min3A_822 : i1 to vector<16xi1>
      %reduce_min3A_824 = arith.constant -2147483648 : i32
      %reduce_min3A_825 = vector.broadcast %reduce_min3A_824 : i32 to vector<16xi32>
      %reduce_min3A_826 = arith.xori %select_n3A_821, %reduce_min3A_825 : vector<16xi32>
      %reduce_min3A_827 = tpu.scan <min>, %reduce_min3A_826 masked %reduce_min3A_823 : vector<16xi32>, vector<16xi1> -> vector<16xi32>
      %reduce_min3A_828 = arith.xori %reduce_min3A_827, %reduce_min3A_825 : vector<16xi32>
      %reduce_min3A_829 = vector.extract %reduce_min3A_828[15] : i32 from vector<16xi32>
      %min3A_830 = arith.minsi %min3A_816, %reduce_min3A_829 : i32
      %eq3A_831 = vector.broadcast %max3A_787 : f32 to vector<16xf32>
      %eq3A_832 = arith.cmpf oeq, %select_n3A_768, %eq3A_831 : vector<16xf32>
      %jit3A_833 = arith.constant 2147483647 : i32
      %broadcast_in_dim3A_834 = vector.broadcast %jit3A_833 : i32 to vector<16xi32>
      %select_n3A_835 = arith.select %eq3A_832, %add3A_29, %broadcast_in_dim3A_834 : vector<16xi1>, vector<16xi32>
      %reduce_min3A_836 = arith.constant true
      %reduce_min3A_837 = vector.broadcast %reduce_min3A_836 : i1 to vector<16xi1>
      %reduce_min3A_838 = arith.constant -2147483648 : i32
      %reduce_min3A_839 = vector.broadcast %reduce_min3A_838 : i32 to vector<16xi32>
      %reduce_min3A_840 = arith.xori %select_n3A_835, %reduce_min3A_839 : vector<16xi32>
      %reduce_min3A_841 = tpu.scan <min>, %reduce_min3A_840 masked %reduce_min3A_837 : vector<16xi32>, vector<16xi1> -> vector<16xi32>
      %reduce_min3A_842 = arith.xori %reduce_min3A_841, %reduce_min3A_839 : vector<16xi32>
      %reduce_min3A_843 = vector.extract %reduce_min3A_842[15] : i32 from vector<16xi32>
      %min3A_844 = arith.minsi %min3A_830, %reduce_min3A_843 : i32
      %eq3A_845 = arith.constant 7 : i32
      %eq3A_846 = vector.broadcast %eq3A_845 : i32 to vector<16xi32>
      %eq3A_847 = arith.cmpi eq, %iota3A, %eq3A_846 : vector<16xi32>
      %broadcast_in_dim3A_848 = vector.broadcast %max3A_787 : f32 to vector<16xf32>
      %select_n3A_849 = arith.select %eq3A_847, %broadcast_in_dim3A_848, %select_n3A_743 : vector<16xi1>, vector<16xf32>
      %eq3A_850 = arith.constant 7 : i32
      %eq3A_851 = vector.broadcast %eq3A_850 : i32 to vector<16xi32>
      %eq3A_852 = arith.cmpi eq, %iota3A, %eq3A_851 : vector<16xi32>
      %broadcast_in_dim3A_853 = vector.broadcast %min3A_844 : i32 to vector<16xi32>
      %select_n3A_854 = arith.select %eq3A_852, %broadcast_in_dim3A_853, %select_n3A_748 : vector<16xi1>, vector<16xi32>
      %eq3A_855 = vector.broadcast %min3A_844 : i32 to vector<16xi32>
      %eq3A_856 = arith.cmpi eq, %add3A_20, %eq3A_855 : vector<16xi32>
      %jit3A_857 = arith.constant -3.000000e+38 : f32
      %broadcast_in_dim3A_858 = vector.broadcast %jit3A_857 : f32 to vector<16xf32>
      %select_n3A_859 = arith.select %eq3A_856, %broadcast_in_dim3A_858, %select_n3A_753 : vector<16xi1>, vector<16xf32>
      %eq3A_860 = vector.broadcast %min3A_844 : i32 to vector<16xi32>
      %eq3A_861 = arith.cmpi eq, %add3A_23, %eq3A_860 : vector<16xi32>
      %jit3A_862 = arith.constant -3.000000e+38 : f32
      %broadcast_in_dim3A_863 = vector.broadcast %jit3A_862 : f32 to vector<16xf32>
      %select_n3A_864 = arith.select %eq3A_861, %broadcast_in_dim3A_863, %select_n3A_758 : vector<16xi1>, vector<16xf32>
      %eq3A_865 = vector.broadcast %min3A_844 : i32 to vector<16xi32>
      %eq3A_866 = arith.cmpi eq, %add3A_26, %eq3A_865 : vector<16xi32>
      %jit3A_867 = arith.constant -3.000000e+38 : f32
      %broadcast_in_dim3A_868 = vector.broadcast %jit3A_867 : f32 to vector<16xf32>
      %select_n3A_869 = arith.select %eq3A_866, %broadcast_in_dim3A_868, %select_n3A_763 : vector<16xi1>, vector<16xf32>
      %eq3A_870 = vector.broadcast %min3A_844 : i32 to vector<16xi32>
      %eq3A_871 = arith.cmpi eq, %add3A_29, %eq3A_870 : vector<16xi32>
      %jit3A_872 = arith.constant -3.000000e+38 : f32
      %broadcast_in_dim3A_873 = vector.broadcast %jit3A_872 : f32 to vector<16xf32>
      %select_n3A_874 = arith.select %eq3A_871, %broadcast_in_dim3A_873, %select_n3A_768 : vector<16xi1>, vector<16xf32>
      %reduce_max3A_875 = arith.constant true
      %reduce_max3A_876 = vector.broadcast %reduce_max3A_875 : i1 to vector<16xi1>
      %reduce_max3A_877 = tpu.scan <max>, %select_n3A_849 masked %reduce_max3A_876 : vector<16xf32>, vector<16xi1> -> vector<16xf32>
      %reduce_max3A_878 = vector.extract %reduce_max3A_877[15] : f32 from vector<16xf32>
      %lt3A = arith.constant 8 : i32
      %lt3A_879 = vector.broadcast %lt3A : i32 to vector<16xi32>
      %lt3A_880 = arith.cmpi slt, %iota3A, %lt3A_879 : vector<16xi32>
      %sub3A = vector.broadcast %reduce_max3A_878 : f32 to vector<16xf32>
      %sub3A_881 = arith.subf %select_n3A_849, %sub3A : vector<16xf32>
      %exp3A = math.exp %sub3A_881 : vector<16xf32>
      %jit3A_882 = arith.constant 0.000000e+00 : f32
      %broadcast_in_dim3A_883 = vector.broadcast %jit3A_882 : f32 to vector<16xf32>
      %select_n3A_884 = arith.select %lt3A_880, %exp3A, %broadcast_in_dim3A_883 : vector<16xi1>, vector<16xf32>
      %reduce_sum3A = arith.constant true
      %reduce_sum3A_885 = vector.broadcast %reduce_sum3A : i1 to vector<16xi1>
      %reduce_sum3A_886 = tpu.scan <sum>, %select_n3A_884 masked %reduce_sum3A_885 : vector<16xf32>, vector<16xi1> -> vector<16xf32>
      %reduce_sum3A_887 = vector.extract %reduce_sum3A_886[15] : f32 from vector<16xf32>
      %swap3A = arith.constant 0 : index
      %swap3A_888 = tpu.vector_load %arg9[%swap3A] {strides = array<i32>} : memref<16xi32, #tpu.memory_space<vmem>>, vector<16xi32>,
      tpu.vector_store %arg9[%swap3A], %select_n3A_854 {strides = array<i32>} : memref<16xi32, #tpu.memory_space<vmem>>, vector<16xi32>,
      %div3A = vector.broadcast %reduce_sum3A_887 : f32 to vector<16xf32>
      %div3A_889 = arith.divf %select_n3A_884, %div3A : vector<16xf32>
      %swap3A_890 = arith.constant 0 : index
      %swap3A_891 = tpu.vector_load %arg10[%swap3A_890] {strides = array<i32>} : memref<16xf32, #tpu.memory_space<vmem>>, vector<16xf32>,
      tpu.vector_store %arg10[%swap3A_890], %div3A_889 {strides = array<i32>} : memref<16xf32, #tpu.memory_space<vmem>>, vector<16xf32>,
      "tpu.region"() ({
        %run_scoped3A = tpu.sem_alloc : memref<!tpu.dma_semaphore, #tpu.memory_space<semaphore_mem>>
        tpu.enqueue_dma source(%arg9 : memref<16xi32, #tpu.memory_space<vmem>>) target(%arg4 : memref<16xi32, #tpu.memory_space<hbm>>) target_semaphore(%run_scoped3A : memref<!tpu.dma_semaphore, #tpu.memory_space<semaphore_mem>>)
        tpu.wait_dma2 semaphore(%run_scoped3A : memref<!tpu.dma_semaphore, #tpu.memory_space<semaphore_mem>>) src(%arg9 : memref<16xi32, #tpu.memory_space<vmem>>) dst(%arg4 : memref<16xi32, #tpu.memory_space<hbm>>)
        tpu.yield
      }) : () -> ()
      "tpu.region"() ({
        %run_scoped3A = tpu.sem_alloc : memref<!tpu.dma_semaphore, #tpu.memory_space<semaphore_mem>>
        tpu.enqueue_dma source(%arg10 : memref<16xf32, #tpu.memory_space<vmem>>) target(%arg5 : memref<16xf32, #tpu.memory_space<hbm>>) target_semaphore(%run_scoped3A : memref<!tpu.dma_semaphore, #tpu.memory_space<semaphore_mem>>)
        tpu.wait_dma2 semaphore(%run_scoped3A : memref<!tpu.dma_semaphore, #tpu.memory_space<semaphore_mem>>) src(%arg10 : memref<16xf32, #tpu.memory_space<vmem>>) dst(%arg5 : memref<16xf32, #tpu.memory_space<hbm>>)
        tpu.yield
      }) : () -> ()
    } else {
    }
    %eq3A_4 = arith.constant 1 : i32
    %eq3A_5 = arith.cmpi eq, %arg0, %eq3A_4 : i32
    %eq3A_6 = arith.constant 0 : i32
    %eq3A_7 = arith.cmpi eq, %arg1, %eq3A_6 : i32
    %and3A_8 = arith.andi %eq3A_5, %eq3A_7 : i1
    %convert_element_type3A_9 = arith.extui %and3A_8 : i1 to i32
    %cond3A_10 = arith.constant 0 : i32
    %cond3A_11 = arith.cmpi ne, %convert_element_type3A_9, %cond3A_10 : i32
    scf.if %cond3A_11 {
      %iota3A = tpu.iota {dimensions = array<i32: 0>} : vector<16xi32>
      "tpu.region"() ({
        %run_scoped3A = tpu.sem_alloc : memref<!tpu.dma_semaphore, #tpu.memory_space<semaphore_mem>>
        tpu.enqueue_dma source(%arg3 : memref<64xf32, #tpu.memory_space<hbm>>) target(%arg8 : memref<64xf32, #tpu.memory_space<vmem>>) target_semaphore(%run_scoped3A : memref<!tpu.dma_semaphore, #tpu.memory_space<semaphore_mem>>)
        tpu.wait_dma2 semaphore(%run_scoped3A : memref<!tpu.dma_semaphore, #tpu.memory_space<semaphore_mem>>) src(%arg3 : memref<64xf32, #tpu.memory_space<hbm>>) dst(%arg8 : memref<64xf32, #tpu.memory_space<vmem>>)
        tpu.yield
      }) : () -> ()
      %get3A = arith.constant 0 : index
      %get3A_12 = tpu.vector_load %arg8[%get3A] {strides = array<i32>} : memref<64xf32, #tpu.memory_space<vmem>>, vector<16xf32>,
      %get3A_13 = arith.constant 16 : index
      %get3A_14 = tpu.vector_load %arg8[%get3A_13] {strides = array<i32>} : memref<64xf32, #tpu.memory_space<vmem>>, vector<16xf32>,
      %get3A_15 = arith.constant 32 : index
      %get3A_16 = tpu.vector_load %arg8[%get3A_15] {strides = array<i32>} : memref<64xf32, #tpu.memory_space<vmem>>, vector<16xf32>,
      %get3A_17 = arith.constant 48 : index
      %get3A_18 = tpu.vector_load %arg8[%get3A_17] {strides = array<i32>} : memref<64xf32, #tpu.memory_space<vmem>>, vector<16xf32>,
      %add3A = arith.constant 0 : i32
      %add3A_19 = vector.broadcast %add3A : i32 to vector<16xi32>
      %add3A_20 = arith.addi %iota3A, %add3A_19 : vector<16xi32>
      %add3A_21 = arith.constant 16 : i32
      %add3A_22 = vector.broadcast %add3A_21 : i32 to vector<16xi32>
      %add3A_23 = arith.addi %iota3A, %add3A_22 : vector<16xi32>
      %add3A_24 = arith.constant 32 : i32
      %add3A_25 = vector.broadcast %add3A_24 : i32 to vector<16xi32>
      %add3A_26 = arith.addi %iota3A, %add3A_25 : vector<16xi32>
      %add3A_27 = arith.constant 48 : i32
      %add3A_28 = vector.broadcast %add3A_27 : i32 to vector<16xi32>
      %add3A_29 = arith.addi %iota3A, %add3A_28 : vector<16xi32>
      %broadcast_in_dim3A = arith.constant -3.000000e+38 : f32
      %broadcast_in_dim3A_30 = vector.broadcast %broadcast_in_dim3A : f32 to vector<16xf32>
      %broadcast_in_dim3A_31 = arith.constant 0 : i32
      %broadcast_in_dim3A_32 = vector.broadcast %broadcast_in_dim3A_31 : i32 to vector<16xi32>
      %reduce_max3A = arith.constant true
      %reduce_max3A_33 = vector.broadcast %reduce_max3A : i1 to vector<16xi1>
      %reduce_max3A_34 = tpu.scan <max>, %get3A_12 masked %reduce_max3A_33 : vector<16xf32>, vector<16xi1> -> vector<16xf32>
      %reduce_max3A_35 = vector.extract %reduce_max3A_34[15] : f32 from vector<16xf32>
      %reduce_max3A_36 = arith.constant true
      %reduce_max3A_37 = vector.broadcast %reduce_max3A_36 : i1 to vector<16xi1>
      %reduce_max3A_38 = tpu.scan <max>, %get3A_14 masked %reduce_max3A_37 : vector<16xf32>, vector<16xi1> -> vector<16xf32>
      %reduce_max3A_39 = vector.extract %reduce_max3A_38[15] : f32 from vector<16xf32>
      %max3A = arith.maximumf %reduce_max3A_35, %reduce_max3A_39 : f32
      %reduce_max3A_40 = arith.constant true
      %reduce_max3A_41 = vector.broadcast %reduce_max3A_40 : i1 to vector<16xi1>
      %reduce_max3A_42 = tpu.scan <max>, %get3A_16 masked %reduce_max3A_41 : vector<16xf32>, vector<16xi1> -> vector<16xf32>
      %reduce_max3A_43 = vector.extract %reduce_max3A_42[15] : f32 from vector<16xf32>
      %max3A_44 = arith.maximumf %max3A, %reduce_max3A_43 : f32
      %reduce_max3A_45 = arith.constant true
      %reduce_max3A_46 = vector.broadcast %reduce_max3A_45 : i1 to vector<16xi1>
      %reduce_max3A_47 = tpu.scan <max>, %get3A_18 masked %reduce_max3A_46 : vector<16xf32>, vector<16xi1> -> vector<16xf32>
      %reduce_max3A_48 = vector.extract %reduce_max3A_47[15] : f32 from vector<16xf32>
      %max3A_49 = arith.maximumf %max3A_44, %reduce_max3A_48 : f32
      %eq3A_50 = vector.broadcast %max3A_49 : f32 to vector<16xf32>
      %eq3A_51 = arith.cmpf oeq, %get3A_12, %eq3A_50 : vector<16xf32>
      %jit3A = arith.constant 2147483647 : i32
      %broadcast_in_dim3A_52 = vector.broadcast %jit3A : i32 to vector<16xi32>
      %select_n3A = arith.select %eq3A_51, %add3A_20, %broadcast_in_dim3A_52 : vector<16xi1>, vector<16xi32>
      %reduce_min3A = arith.constant true
      %reduce_min3A_53 = vector.broadcast %reduce_min3A : i1 to vector<16xi1>
      %reduce_min3A_54 = arith.constant -2147483648 : i32
      %reduce_min3A_55 = vector.broadcast %reduce_min3A_54 : i32 to vector<16xi32>
      %reduce_min3A_56 = arith.xori %select_n3A, %reduce_min3A_55 : vector<16xi32>
      %reduce_min3A_57 = tpu.scan <min>, %reduce_min3A_56 masked %reduce_min3A_53 : vector<16xi32>, vector<16xi1> -> vector<16xi32>
      %reduce_min3A_58 = arith.xori %reduce_min3A_57, %reduce_min3A_55 : vector<16xi32>
      %reduce_min3A_59 = vector.extract %reduce_min3A_58[15] : i32 from vector<16xi32>
      %min3A = arith.constant 2147483647 : i32
      %min3A_60 = arith.minsi %min3A, %reduce_min3A_59 : i32
      %eq3A_61 = vector.broadcast %max3A_49 : f32 to vector<16xf32>
      %eq3A_62 = arith.cmpf oeq, %get3A_14, %eq3A_61 : vector<16xf32>
      %jit3A_63 = arith.constant 2147483647 : i32
      %broadcast_in_dim3A_64 = vector.broadcast %jit3A_63 : i32 to vector<16xi32>
      %select_n3A_65 = arith.select %eq3A_62, %add3A_23, %broadcast_in_dim3A_64 : vector<16xi1>, vector<16xi32>
      %reduce_min3A_66 = arith.constant true
      %reduce_min3A_67 = vector.broadcast %reduce_min3A_66 : i1 to vector<16xi1>
      %reduce_min3A_68 = arith.constant -2147483648 : i32
      %reduce_min3A_69 = vector.broadcast %reduce_min3A_68 : i32 to vector<16xi32>
      %reduce_min3A_70 = arith.xori %select_n3A_65, %reduce_min3A_69 : vector<16xi32>
      %reduce_min3A_71 = tpu.scan <min>, %reduce_min3A_70 masked %reduce_min3A_67 : vector<16xi32>, vector<16xi1> -> vector<16xi32>
      %reduce_min3A_72 = arith.xori %reduce_min3A_71, %reduce_min3A_69 : vector<16xi32>
      %reduce_min3A_73 = vector.extract %reduce_min3A_72[15] : i32 from vector<16xi32>
      %min3A_74 = arith.minsi %min3A_60, %reduce_min3A_73 : i32
      %eq3A_75 = vector.broadcast %max3A_49 : f32 to vector<16xf32>
      %eq3A_76 = arith.cmpf oeq, %get3A_16, %eq3A_75 : vector<16xf32>
      %jit3A_77 = arith.constant 2147483647 : i32
      %broadcast_in_dim3A_78 = vector.broadcast %jit3A_77 : i32 to vector<16xi32>
      %select_n3A_79 = arith.select %eq3A_76, %add3A_26, %broadcast_in_dim3A_78 : vector<16xi1>, vector<16xi32>
      %reduce_min3A_80 = arith.constant true
      %reduce_min3A_81 = vector.broadcast %reduce_min3A_80 : i1 to vector<16xi1>
      %reduce_min3A_82 = arith.constant -2147483648 : i32
      %reduce_min3A_83 = vector.broadcast %reduce_min3A_82 : i32 to vector<16xi32>
      %reduce_min3A_84 = arith.xori %select_n3A_79, %reduce_min3A_83 : vector<16xi32>
      %reduce_min3A_85 = tpu.scan <min>, %reduce_min3A_84 masked %reduce_min3A_81 : vector<16xi32>, vector<16xi1> -> vector<16xi32>
      %reduce_min3A_86 = arith.xori %reduce_min3A_85, %reduce_min3A_83 : vector<16xi32>
      %reduce_min3A_87 = vector.extract %reduce_min3A_86[15] : i32 from vector<16xi32>
      %min3A_88 = arith.minsi %min3A_74, %reduce_min3A_87 : i32
      %eq3A_89 = vector.broadcast %max3A_49 : f32 to vector<16xf32>
      %eq3A_90 = arith.cmpf oeq, %get3A_18, %eq3A_89 : vector<16xf32>
      %jit3A_91 = arith.constant 2147483647 : i32
      %broadcast_in_dim3A_92 = vector.broadcast %jit3A_91 : i32 to vector<16xi32>
      %select_n3A_93 = arith.select %eq3A_90, %add3A_29, %broadcast_in_dim3A_92 : vector<16xi1>, vector<16xi32>
      %reduce_min3A_94 = arith.constant true
      %reduce_min3A_95 = vector.broadcast %reduce_min3A_94 : i1 to vector<16xi1>
      %reduce_min3A_96 = arith.constant -2147483648 : i32
      %reduce_min3A_97 = vector.broadcast %reduce_min3A_96 : i32 to vector<16xi32>
      %reduce_min3A_98 = arith.xori %select_n3A_93, %reduce_min3A_97 : vector<16xi32>
      %reduce_min3A_99 = tpu.scan <min>, %reduce_min3A_98 masked %reduce_min3A_95 : vector<16xi32>, vector<16xi1> -> vector<16xi32>
      %reduce_min3A_100 = arith.xori %reduce_min3A_99, %reduce_min3A_97 : vector<16xi32>
      %reduce_min3A_101 = vector.extract %reduce_min3A_100[15] : i32 from vector<16xi32>
      %min3A_102 = arith.minsi %min3A_88, %reduce_min3A_101 : i32
      %eq3A_103 = arith.constant 0 : i32
      %eq3A_104 = vector.broadcast %eq3A_103 : i32 to vector<16xi32>
      %eq3A_105 = arith.cmpi eq, %iota3A, %eq3A_104 : vector<16xi32>
      %broadcast_in_dim3A_106 = vector.broadcast %max3A_49 : f32 to vector<16xf32>
      %select_n3A_107 = arith.select %eq3A_105, %broadcast_in_dim3A_106, %broadcast_in_dim3A_30 : vector<16xi1>, vector<16xf32>
      %eq3A_108 = arith.constant 0 : i32
      %eq3A_109 = vector.broadcast %eq3A_108 : i32 to vector<16xi32>
      %eq3A_110 = arith.cmpi eq, %iota3A, %eq3A_109 : vector<16xi32>
      %broadcast_in_dim3A_111 = vector.broadcast %min3A_102 : i32 to vector<16xi32>
      %select_n3A_112 = arith.select %eq3A_110, %broadcast_in_dim3A_111, %broadcast_in_dim3A_32 : vector<16xi1>, vector<16xi32>
      %eq3A_113 = vector.broadcast %min3A_102 : i32 to vector<16xi32>
      %eq3A_114 = arith.cmpi eq, %add3A_20, %eq3A_113 : vector<16xi32>
      %jit3A_115 = arith.constant -3.000000e+38 : f32
      %broadcast_in_dim3A_116 = vector.broadcast %jit3A_115 : f32 to vector<16xf32>
      %select_n3A_117 = arith.select %eq3A_114, %broadcast_in_dim3A_116, %get3A_12 : vector<16xi1>, vector<16xf32>
      %eq3A_118 = vector.broadcast %min3A_102 : i32 to vector<16xi32>
      %eq3A_119 = arith.cmpi eq, %add3A_23, %eq3A_118 : vector<16xi32>
      %jit3A_120 = arith.constant -3.000000e+38 : f32
      %broadcast_in_dim3A_121 = vector.broadcast %jit3A_120 : f32 to vector<16xf32>
      %select_n3A_122 = arith.select %eq3A_119, %broadcast_in_dim3A_121, %get3A_14 : vector<16xi1>, vector<16xf32>
      %eq3A_123 = vector.broadcast %min3A_102 : i32 to vector<16xi32>
      %eq3A_124 = arith.cmpi eq, %add3A_26, %eq3A_123 : vector<16xi32>
      %jit3A_125 = arith.constant -3.000000e+38 : f32
      %broadcast_in_dim3A_126 = vector.broadcast %jit3A_125 : f32 to vector<16xf32>
      %select_n3A_127 = arith.select %eq3A_124, %broadcast_in_dim3A_126, %get3A_16 : vector<16xi1>, vector<16xf32>
      %eq3A_128 = vector.broadcast %min3A_102 : i32 to vector<16xi32>
      %eq3A_129 = arith.cmpi eq, %add3A_29, %eq3A_128 : vector<16xi32>
      %jit3A_130 = arith.constant -3.000000e+38 : f32
      %broadcast_in_dim3A_131 = vector.broadcast %jit3A_130 : f32 to vector<16xf32>
      %select_n3A_132 = arith.select %eq3A_129, %broadcast_in_dim3A_131, %get3A_18 : vector<16xi1>, vector<16xf32>
      %reduce_max3A_133 = arith.constant true
      %reduce_max3A_134 = vector.broadcast %reduce_max3A_133 : i1 to vector<16xi1>
      %reduce_max3A_135 = tpu.scan <max>, %select_n3A_117 masked %reduce_max3A_134 : vector<16xf32>, vector<16xi1> -> vector<16xf32>
      %reduce_max3A_136 = vector.extract %reduce_max3A_135[15] : f32 from vector<16xf32>
      %reduce_max3A_137 = arith.constant true
      %reduce_max3A_138 = vector.broadcast %reduce_max3A_137 : i1 to vector<16xi1>
      %reduce_max3A_139 = tpu.scan <max>, %select_n3A_122 masked %reduce_max3A_138 : vector<16xf32>, vector<16xi1> -> vector<16xf32>
      %reduce_max3A_140 = vector.extract %reduce_max3A_139[15] : f32 from vector<16xf32>
      %max3A_141 = arith.maximumf %reduce_max3A_136, %reduce_max3A_140 : f32
      %reduce_max3A_142 = arith.constant true
      %reduce_max3A_143 = vector.broadcast %reduce_max3A_142 : i1 to vector<16xi1>
      %reduce_max3A_144 = tpu.scan <max>, %select_n3A_127 masked %reduce_max3A_143 : vector<16xf32>, vector<16xi1> -> vector<16xf32>
      %reduce_max3A_145 = vector.extract %reduce_max3A_144[15] : f32 from vector<16xf32>
      %max3A_146 = arith.maximumf %max3A_141, %reduce_max3A_145 : f32
      %reduce_max3A_147 = arith.constant true
      %reduce_max3A_148 = vector.broadcast %reduce_max3A_147 : i1 to vector<16xi1>
      %reduce_max3A_149 = tpu.scan <max>, %select_n3A_132 masked %reduce_max3A_148 : vector<16xf32>, vector<16xi1> -> vector<16xf32>
      %reduce_max3A_150 = vector.extract %reduce_max3A_149[15] : f32 from vector<16xf32>
      %max3A_151 = arith.maximumf %max3A_146, %reduce_max3A_150 : f32
      %eq3A_152 = vector.broadcast %max3A_151 : f32 to vector<16xf32>
      %eq3A_153 = arith.cmpf oeq, %select_n3A_117, %eq3A_152 : vector<16xf32>
      %jit3A_154 = arith.constant 2147483647 : i32
      %broadcast_in_dim3A_155 = vector.broadcast %jit3A_154 : i32 to vector<16xi32>
      %select_n3A_156 = arith.select %eq3A_153, %add3A_20, %broadcast_in_dim3A_155 : vector<16xi1>, vector<16xi32>
      %reduce_min3A_157 = arith.constant true
      %reduce_min3A_158 = vector.broadcast %reduce_min3A_157 : i1 to vector<16xi1>
      %reduce_min3A_159 = arith.constant -2147483648 : i32
      %reduce_min3A_160 = vector.broadcast %reduce_min3A_159 : i32 to vector<16xi32>
      %reduce_min3A_161 = arith.xori %select_n3A_156, %reduce_min3A_160 : vector<16xi32>
      %reduce_min3A_162 = tpu.scan <min>, %reduce_min3A_161 masked %reduce_min3A_158 : vector<16xi32>, vector<16xi1> -> vector<16xi32>
      %reduce_min3A_163 = arith.xori %reduce_min3A_162, %reduce_min3A_160 : vector<16xi32>
      %reduce_min3A_164 = vector.extract %reduce_min3A_163[15] : i32 from vector<16xi32>
      %min3A_165 = arith.constant 2147483647 : i32
      %min3A_166 = arith.minsi %min3A_165, %reduce_min3A_164 : i32
      %eq3A_167 = vector.broadcast %max3A_151 : f32 to vector<16xf32>
      %eq3A_168 = arith.cmpf oeq, %select_n3A_122, %eq3A_167 : vector<16xf32>
      %jit3A_169 = arith.constant 2147483647 : i32
      %broadcast_in_dim3A_170 = vector.broadcast %jit3A_169 : i32 to vector<16xi32>
      %select_n3A_171 = arith.select %eq3A_168, %add3A_23, %broadcast_in_dim3A_170 : vector<16xi1>, vector<16xi32>
      %reduce_min3A_172 = arith.constant true
      %reduce_min3A_173 = vector.broadcast %reduce_min3A_172 : i1 to vector<16xi1>
      %reduce_min3A_174 = arith.constant -2147483648 : i32
      %reduce_min3A_175 = vector.broadcast %reduce_min3A_174 : i32 to vector<16xi32>
      %reduce_min3A_176 = arith.xori %select_n3A_171, %reduce_min3A_175 : vector<16xi32>
      %reduce_min3A_177 = tpu.scan <min>, %reduce_min3A_176 masked %reduce_min3A_173 : vector<16xi32>, vector<16xi1> -> vector<16xi32>
      %reduce_min3A_178 = arith.xori %reduce_min3A_177, %reduce_min3A_175 : vector<16xi32>
      %reduce_min3A_179 = vector.extract %reduce_min3A_178[15] : i32 from vector<16xi32>
      %min3A_180 = arith.minsi %min3A_166, %reduce_min3A_179 : i32
      %eq3A_181 = vector.broadcast %max3A_151 : f32 to vector<16xf32>
      %eq3A_182 = arith.cmpf oeq, %select_n3A_127, %eq3A_181 : vector<16xf32>
      %jit3A_183 = arith.constant 2147483647 : i32
      %broadcast_in_dim3A_184 = vector.broadcast %jit3A_183 : i32 to vector<16xi32>
      %select_n3A_185 = arith.select %eq3A_182, %add3A_26, %broadcast_in_dim3A_184 : vector<16xi1>, vector<16xi32>
      %reduce_min3A_186 = arith.constant true
      %reduce_min3A_187 = vector.broadcast %reduce_min3A_186 : i1 to vector<16xi1>
      %reduce_min3A_188 = arith.constant -2147483648 : i32
      %reduce_min3A_189 = vector.broadcast %reduce_min3A_188 : i32 to vector<16xi32>
      %reduce_min3A_190 = arith.xori %select_n3A_185, %reduce_min3A_189 : vector<16xi32>
      %reduce_min3A_191 = tpu.scan <min>, %reduce_min3A_190 masked %reduce_min3A_187 : vector<16xi32>, vector<16xi1> -> vector<16xi32>
      %reduce_min3A_192 = arith.xori %reduce_min3A_191, %reduce_min3A_189 : vector<16xi32>
      %reduce_min3A_193 = vector.extract %reduce_min3A_192[15] : i32 from vector<16xi32>
      %min3A_194 = arith.minsi %min3A_180, %reduce_min3A_193 : i32
      %eq3A_195 = vector.broadcast %max3A_151 : f32 to vector<16xf32>
      %eq3A_196 = arith.cmpf oeq, %select_n3A_132, %eq3A_195 : vector<16xf32>
      %jit3A_197 = arith.constant 2147483647 : i32
      %broadcast_in_dim3A_198 = vector.broadcast %jit3A_197 : i32 to vector<16xi32>
      %select_n3A_199 = arith.select %eq3A_196, %add3A_29, %broadcast_in_dim3A_198 : vector<16xi1>, vector<16xi32>
      %reduce_min3A_200 = arith.constant true
      %reduce_min3A_201 = vector.broadcast %reduce_min3A_200 : i1 to vector<16xi1>
      %reduce_min3A_202 = arith.constant -2147483648 : i32
      %reduce_min3A_203 = vector.broadcast %reduce_min3A_202 : i32 to vector<16xi32>
      %reduce_min3A_204 = arith.xori %select_n3A_199, %reduce_min3A_203 : vector<16xi32>
      %reduce_min3A_205 = tpu.scan <min>, %reduce_min3A_204 masked %reduce_min3A_201 : vector<16xi32>, vector<16xi1> -> vector<16xi32>
      %reduce_min3A_206 = arith.xori %reduce_min3A_205, %reduce_min3A_203 : vector<16xi32>
      %reduce_min3A_207 = vector.extract %reduce_min3A_206[15] : i32 from vector<16xi32>
      %min3A_208 = arith.minsi %min3A_194, %reduce_min3A_207 : i32
      %eq3A_209 = arith.constant 1 : i32
      %eq3A_210 = vector.broadcast %eq3A_209 : i32 to vector<16xi32>
      %eq3A_211 = arith.cmpi eq, %iota3A, %eq3A_210 : vector<16xi32>
      %broadcast_in_dim3A_212 = vector.broadcast %max3A_151 : f32 to vector<16xf32>
      %select_n3A_213 = arith.select %eq3A_211, %broadcast_in_dim3A_212, %select_n3A_107 : vector<16xi1>, vector<16xf32>
      %eq3A_214 = arith.constant 1 : i32
      %eq3A_215 = vector.broadcast %eq3A_214 : i32 to vector<16xi32>
      %eq3A_216 = arith.cmpi eq, %iota3A, %eq3A_215 : vector<16xi32>
      %broadcast_in_dim3A_217 = vector.broadcast %min3A_208 : i32 to vector<16xi32>
      %select_n3A_218 = arith.select %eq3A_216, %broadcast_in_dim3A_217, %select_n3A_112 : vector<16xi1>, vector<16xi32>
      %eq3A_219 = vector.broadcast %min3A_208 : i32 to vector<16xi32>
      %eq3A_220 = arith.cmpi eq, %add3A_20, %eq3A_219 : vector<16xi32>
      %jit3A_221 = arith.constant -3.000000e+38 : f32
      %broadcast_in_dim3A_222 = vector.broadcast %jit3A_221 : f32 to vector<16xf32>
      %select_n3A_223 = arith.select %eq3A_220, %broadcast_in_dim3A_222, %select_n3A_117 : vector<16xi1>, vector<16xf32>
      %eq3A_224 = vector.broadcast %min3A_208 : i32 to vector<16xi32>
      %eq3A_225 = arith.cmpi eq, %add3A_23, %eq3A_224 : vector<16xi32>
      %jit3A_226 = arith.constant -3.000000e+38 : f32
      %broadcast_in_dim3A_227 = vector.broadcast %jit3A_226 : f32 to vector<16xf32>
      %select_n3A_228 = arith.select %eq3A_225, %broadcast_in_dim3A_227, %select_n3A_122 : vector<16xi1>, vector<16xf32>
      %eq3A_229 = vector.broadcast %min3A_208 : i32 to vector<16xi32>
      %eq3A_230 = arith.cmpi eq, %add3A_26, %eq3A_229 : vector<16xi32>
      %jit3A_231 = arith.constant -3.000000e+38 : f32
      %broadcast_in_dim3A_232 = vector.broadcast %jit3A_231 : f32 to vector<16xf32>
      %select_n3A_233 = arith.select %eq3A_230, %broadcast_in_dim3A_232, %select_n3A_127 : vector<16xi1>, vector<16xf32>
      %eq3A_234 = vector.broadcast %min3A_208 : i32 to vector<16xi32>
      %eq3A_235 = arith.cmpi eq, %add3A_29, %eq3A_234 : vector<16xi32>
      %jit3A_236 = arith.constant -3.000000e+38 : f32
      %broadcast_in_dim3A_237 = vector.broadcast %jit3A_236 : f32 to vector<16xf32>
      %select_n3A_238 = arith.select %eq3A_235, %broadcast_in_dim3A_237, %select_n3A_132 : vector<16xi1>, vector<16xf32>
      %reduce_max3A_239 = arith.constant true
      %reduce_max3A_240 = vector.broadcast %reduce_max3A_239 : i1 to vector<16xi1>
      %reduce_max3A_241 = tpu.scan <max>, %select_n3A_223 masked %reduce_max3A_240 : vector<16xf32>, vector<16xi1> -> vector<16xf32>
      %reduce_max3A_242 = vector.extract %reduce_max3A_241[15] : f32 from vector<16xf32>
      %reduce_max3A_243 = arith.constant true
      %reduce_max3A_244 = vector.broadcast %reduce_max3A_243 : i1 to vector<16xi1>
      %reduce_max3A_245 = tpu.scan <max>, %select_n3A_228 masked %reduce_max3A_244 : vector<16xf32>, vector<16xi1> -> vector<16xf32>
      %reduce_max3A_246 = vector.extract %reduce_max3A_245[15] : f32 from vector<16xf32>
      %max3A_247 = arith.maximumf %reduce_max3A_242, %reduce_max3A_246 : f32
      %reduce_max3A_248 = arith.constant true
      %reduce_max3A_249 = vector.broadcast %reduce_max3A_248 : i1 to vector<16xi1>
      %reduce_max3A_250 = tpu.scan <max>, %select_n3A_233 masked %reduce_max3A_249 : vector<16xf32>, vector<16xi1> -> vector<16xf32>
      %reduce_max3A_251 = vector.extract %reduce_max3A_250[15] : f32 from vector<16xf32>
      %max3A_252 = arith.maximumf %max3A_247, %reduce_max3A_251 : f32
      %reduce_max3A_253 = arith.constant true
      %reduce_max3A_254 = vector.broadcast %reduce_max3A_253 : i1 to vector<16xi1>
      %reduce_max3A_255 = tpu.scan <max>, %select_n3A_238 masked %reduce_max3A_254 : vector<16xf32>, vector<16xi1> -> vector<16xf32>
      %reduce_max3A_256 = vector.extract %reduce_max3A_255[15] : f32 from vector<16xf32>
      %max3A_257 = arith.maximumf %max3A_252, %reduce_max3A_256 : f32
      %eq3A_258 = vector.broadcast %max3A_257 : f32 to vector<16xf32>
      %eq3A_259 = arith.cmpf oeq, %select_n3A_223, %eq3A_258 : vector<16xf32>
      %jit3A_260 = arith.constant 2147483647 : i32
      %broadcast_in_dim3A_261 = vector.broadcast %jit3A_260 : i32 to vector<16xi32>
      %select_n3A_262 = arith.select %eq3A_259, %add3A_20, %broadcast_in_dim3A_261 : vector<16xi1>, vector<16xi32>
      %reduce_min3A_263 = arith.constant true
      %reduce_min3A_264 = vector.broadcast %reduce_min3A_263 : i1 to vector<16xi1>
      %reduce_min3A_265 = arith.constant -2147483648 : i32
      %reduce_min3A_266 = vector.broadcast %reduce_min3A_265 : i32 to vector<16xi32>
      %reduce_min3A_267 = arith.xori %select_n3A_262, %reduce_min3A_266 : vector<16xi32>
      %reduce_min3A_268 = tpu.scan <min>, %reduce_min3A_267 masked %reduce_min3A_264 : vector<16xi32>, vector<16xi1> -> vector<16xi32>
      %reduce_min3A_269 = arith.xori %reduce_min3A_268, %reduce_min3A_266 : vector<16xi32>
      %reduce_min3A_270 = vector.extract %reduce_min3A_269[15] : i32 from vector<16xi32>
      %min3A_271 = arith.constant 2147483647 : i32
      %min3A_272 = arith.minsi %min3A_271, %reduce_min3A_270 : i32
      %eq3A_273 = vector.broadcast %max3A_257 : f32 to vector<16xf32>
      %eq3A_274 = arith.cmpf oeq, %select_n3A_228, %eq3A_273 : vector<16xf32>
      %jit3A_275 = arith.constant 2147483647 : i32
      %broadcast_in_dim3A_276 = vector.broadcast %jit3A_275 : i32 to vector<16xi32>
      %select_n3A_277 = arith.select %eq3A_274, %add3A_23, %broadcast_in_dim3A_276 : vector<16xi1>, vector<16xi32>
      %reduce_min3A_278 = arith.constant true
      %reduce_min3A_279 = vector.broadcast %reduce_min3A_278 : i1 to vector<16xi1>
      %reduce_min3A_280 = arith.constant -2147483648 : i32
      %reduce_min3A_281 = vector.broadcast %reduce_min3A_280 : i32 to vector<16xi32>
      %reduce_min3A_282 = arith.xori %select_n3A_277, %reduce_min3A_281 : vector<16xi32>
      %reduce_min3A_283 = tpu.scan <min>, %reduce_min3A_282 masked %reduce_min3A_279 : vector<16xi32>, vector<16xi1> -> vector<16xi32>
      %reduce_min3A_284 = arith.xori %reduce_min3A_283, %reduce_min3A_281 : vector<16xi32>
      %reduce_min3A_285 = vector.extract %reduce_min3A_284[15] : i32 from vector<16xi32>
      %min3A_286 = arith.minsi %min3A_272, %reduce_min3A_285 : i32
      %eq3A_287 = vector.broadcast %max3A_257 : f32 to vector<16xf32>
      %eq3A_288 = arith.cmpf oeq, %select_n3A_233, %eq3A_287 : vector<16xf32>
      %jit3A_289 = arith.constant 2147483647 : i32
      %broadcast_in_dim3A_290 = vector.broadcast %jit3A_289 : i32 to vector<16xi32>
      %select_n3A_291 = arith.select %eq3A_288, %add3A_26, %broadcast_in_dim3A_290 : vector<16xi1>, vector<16xi32>
      %reduce_min3A_292 = arith.constant true
      %reduce_min3A_293 = vector.broadcast %reduce_min3A_292 : i1 to vector<16xi1>
      %reduce_min3A_294 = arith.constant -2147483648 : i32
      %reduce_min3A_295 = vector.broadcast %reduce_min3A_294 : i32 to vector<16xi32>
      %reduce_min3A_296 = arith.xori %select_n3A_291, %reduce_min3A_295 : vector<16xi32>
      %reduce_min3A_297 = tpu.scan <min>, %reduce_min3A_296 masked %reduce_min3A_293 : vector<16xi32>, vector<16xi1> -> vector<16xi32>
      %reduce_min3A_298 = arith.xori %reduce_min3A_297, %reduce_min3A_295 : vector<16xi32>
      %reduce_min3A_299 = vector.extract %reduce_min3A_298[15] : i32 from vector<16xi32>
      %min3A_300 = arith.minsi %min3A_286, %reduce_min3A_299 : i32
      %eq3A_301 = vector.broadcast %max3A_257 : f32 to vector<16xf32>
      %eq3A_302 = arith.cmpf oeq, %select_n3A_238, %eq3A_301 : vector<16xf32>
      %jit3A_303 = arith.constant 2147483647 : i32
      %broadcast_in_dim3A_304 = vector.broadcast %jit3A_303 : i32 to vector<16xi32>
      %select_n3A_305 = arith.select %eq3A_302, %add3A_29, %broadcast_in_dim3A_304 : vector<16xi1>, vector<16xi32>
      %reduce_min3A_306 = arith.constant true
      %reduce_min3A_307 = vector.broadcast %reduce_min3A_306 : i1 to vector<16xi1>
      %reduce_min3A_308 = arith.constant -2147483648 : i32
      %reduce_min3A_309 = vector.broadcast %reduce_min3A_308 : i32 to vector<16xi32>
      %reduce_min3A_310 = arith.xori %select_n3A_305, %reduce_min3A_309 : vector<16xi32>
      %reduce_min3A_311 = tpu.scan <min>, %reduce_min3A_310 masked %reduce_min3A_307 : vector<16xi32>, vector<16xi1> -> vector<16xi32>
      %reduce_min3A_312 = arith.xori %reduce_min3A_311, %reduce_min3A_309 : vector<16xi32>
      %reduce_min3A_313 = vector.extract %reduce_min3A_312[15] : i32 from vector<16xi32>
      %min3A_314 = arith.minsi %min3A_300, %reduce_min3A_313 : i32
      %eq3A_315 = arith.constant 2 : i32
      %eq3A_316 = vector.broadcast %eq3A_315 : i32 to vector<16xi32>
      %eq3A_317 = arith.cmpi eq, %iota3A, %eq3A_316 : vector<16xi32>
      %broadcast_in_dim3A_318 = vector.broadcast %max3A_257 : f32 to vector<16xf32>
      %select_n3A_319 = arith.select %eq3A_317, %broadcast_in_dim3A_318, %select_n3A_213 : vector<16xi1>, vector<16xf32>
      %eq3A_320 = arith.constant 2 : i32
      %eq3A_321 = vector.broadcast %eq3A_320 : i32 to vector<16xi32>
      %eq3A_322 = arith.cmpi eq, %iota3A, %eq3A_321 : vector<16xi32>
      %broadcast_in_dim3A_323 = vector.broadcast %min3A_314 : i32 to vector<16xi32>
      %select_n3A_324 = arith.select %eq3A_322, %broadcast_in_dim3A_323, %select_n3A_218 : vector<16xi1>, vector<16xi32>
      %eq3A_325 = vector.broadcast %min3A_314 : i32 to vector<16xi32>
      %eq3A_326 = arith.cmpi eq, %add3A_20, %eq3A_325 : vector<16xi32>
      %jit3A_327 = arith.constant -3.000000e+38 : f32
      %broadcast_in_dim3A_328 = vector.broadcast %jit3A_327 : f32 to vector<16xf32>
      %select_n3A_329 = arith.select %eq3A_326, %broadcast_in_dim3A_328, %select_n3A_223 : vector<16xi1>, vector<16xf32>
      %eq3A_330 = vector.broadcast %min3A_314 : i32 to vector<16xi32>
      %eq3A_331 = arith.cmpi eq, %add3A_23, %eq3A_330 : vector<16xi32>
      %jit3A_332 = arith.constant -3.000000e+38 : f32
      %broadcast_in_dim3A_333 = vector.broadcast %jit3A_332 : f32 to vector<16xf32>
      %select_n3A_334 = arith.select %eq3A_331, %broadcast_in_dim3A_333, %select_n3A_228 : vector<16xi1>, vector<16xf32>
      %eq3A_335 = vector.broadcast %min3A_314 : i32 to vector<16xi32>
      %eq3A_336 = arith.cmpi eq, %add3A_26, %eq3A_335 : vector<16xi32>
      %jit3A_337 = arith.constant -3.000000e+38 : f32
      %broadcast_in_dim3A_338 = vector.broadcast %jit3A_337 : f32 to vector<16xf32>
      %select_n3A_339 = arith.select %eq3A_336, %broadcast_in_dim3A_338, %select_n3A_233 : vector<16xi1>, vector<16xf32>
      %eq3A_340 = vector.broadcast %min3A_314 : i32 to vector<16xi32>
      %eq3A_341 = arith.cmpi eq, %add3A_29, %eq3A_340 : vector<16xi32>
      %jit3A_342 = arith.constant -3.000000e+38 : f32
      %broadcast_in_dim3A_343 = vector.broadcast %jit3A_342 : f32 to vector<16xf32>
      %select_n3A_344 = arith.select %eq3A_341, %broadcast_in_dim3A_343, %select_n3A_238 : vector<16xi1>, vector<16xf32>
      %reduce_max3A_345 = arith.constant true
      %reduce_max3A_346 = vector.broadcast %reduce_max3A_345 : i1 to vector<16xi1>
      %reduce_max3A_347 = tpu.scan <max>, %select_n3A_329 masked %reduce_max3A_346 : vector<16xf32>, vector<16xi1> -> vector<16xf32>
      %reduce_max3A_348 = vector.extract %reduce_max3A_347[15] : f32 from vector<16xf32>
      %reduce_max3A_349 = arith.constant true
      %reduce_max3A_350 = vector.broadcast %reduce_max3A_349 : i1 to vector<16xi1>
      %reduce_max3A_351 = tpu.scan <max>, %select_n3A_334 masked %reduce_max3A_350 : vector<16xf32>, vector<16xi1> -> vector<16xf32>
      %reduce_max3A_352 = vector.extract %reduce_max3A_351[15] : f32 from vector<16xf32>
      %max3A_353 = arith.maximumf %reduce_max3A_348, %reduce_max3A_352 : f32
      %reduce_max3A_354 = arith.constant true
      %reduce_max3A_355 = vector.broadcast %reduce_max3A_354 : i1 to vector<16xi1>
      %reduce_max3A_356 = tpu.scan <max>, %select_n3A_339 masked %reduce_max3A_355 : vector<16xf32>, vector<16xi1> -> vector<16xf32>
      %reduce_max3A_357 = vector.extract %reduce_max3A_356[15] : f32 from vector<16xf32>
      %max3A_358 = arith.maximumf %max3A_353, %reduce_max3A_357 : f32
      %reduce_max3A_359 = arith.constant true
      %reduce_max3A_360 = vector.broadcast %reduce_max3A_359 : i1 to vector<16xi1>
      %reduce_max3A_361 = tpu.scan <max>, %select_n3A_344 masked %reduce_max3A_360 : vector<16xf32>, vector<16xi1> -> vector<16xf32>
      %reduce_max3A_362 = vector.extract %reduce_max3A_361[15] : f32 from vector<16xf32>
      %max3A_363 = arith.maximumf %max3A_358, %reduce_max3A_362 : f32
      %eq3A_364 = vector.broadcast %max3A_363 : f32 to vector<16xf32>
      %eq3A_365 = arith.cmpf oeq, %select_n3A_329, %eq3A_364 : vector<16xf32>
      %jit3A_366 = arith.constant 2147483647 : i32
      %broadcast_in_dim3A_367 = vector.broadcast %jit3A_366 : i32 to vector<16xi32>
      %select_n3A_368 = arith.select %eq3A_365, %add3A_20, %broadcast_in_dim3A_367 : vector<16xi1>, vector<16xi32>
      %reduce_min3A_369 = arith.constant true
      %reduce_min3A_370 = vector.broadcast %reduce_min3A_369 : i1 to vector<16xi1>
      %reduce_min3A_371 = arith.constant -2147483648 : i32
      %reduce_min3A_372 = vector.broadcast %reduce_min3A_371 : i32 to vector<16xi32>
      %reduce_min3A_373 = arith.xori %select_n3A_368, %reduce_min3A_372 : vector<16xi32>
      %reduce_min3A_374 = tpu.scan <min>, %reduce_min3A_373 masked %reduce_min3A_370 : vector<16xi32>, vector<16xi1> -> vector<16xi32>
      %reduce_min3A_375 = arith.xori %reduce_min3A_374, %reduce_min3A_372 : vector<16xi32>
      %reduce_min3A_376 = vector.extract %reduce_min3A_375[15] : i32 from vector<16xi32>
      %min3A_377 = arith.constant 2147483647 : i32
      %min3A_378 = arith.minsi %min3A_377, %reduce_min3A_376 : i32
      %eq3A_379 = vector.broadcast %max3A_363 : f32 to vector<16xf32>
      %eq3A_380 = arith.cmpf oeq, %select_n3A_334, %eq3A_379 : vector<16xf32>
      %jit3A_381 = arith.constant 2147483647 : i32
      %broadcast_in_dim3A_382 = vector.broadcast %jit3A_381 : i32 to vector<16xi32>
      %select_n3A_383 = arith.select %eq3A_380, %add3A_23, %broadcast_in_dim3A_382 : vector<16xi1>, vector<16xi32>
      %reduce_min3A_384 = arith.constant true
      %reduce_min3A_385 = vector.broadcast %reduce_min3A_384 : i1 to vector<16xi1>
      %reduce_min3A_386 = arith.constant -2147483648 : i32
      %reduce_min3A_387 = vector.broadcast %reduce_min3A_386 : i32 to vector<16xi32>
      %reduce_min3A_388 = arith.xori %select_n3A_383, %reduce_min3A_387 : vector<16xi32>
      %reduce_min3A_389 = tpu.scan <min>, %reduce_min3A_388 masked %reduce_min3A_385 : vector<16xi32>, vector<16xi1> -> vector<16xi32>
      %reduce_min3A_390 = arith.xori %reduce_min3A_389, %reduce_min3A_387 : vector<16xi32>
      %reduce_min3A_391 = vector.extract %reduce_min3A_390[15] : i32 from vector<16xi32>
      %min3A_392 = arith.minsi %min3A_378, %reduce_min3A_391 : i32
      %eq3A_393 = vector.broadcast %max3A_363 : f32 to vector<16xf32>
      %eq3A_394 = arith.cmpf oeq, %select_n3A_339, %eq3A_393 : vector<16xf32>
      %jit3A_395 = arith.constant 2147483647 : i32
      %broadcast_in_dim3A_396 = vector.broadcast %jit3A_395 : i32 to vector<16xi32>
      %select_n3A_397 = arith.select %eq3A_394, %add3A_26, %broadcast_in_dim3A_396 : vector<16xi1>, vector<16xi32>
      %reduce_min3A_398 = arith.constant true
      %reduce_min3A_399 = vector.broadcast %reduce_min3A_398 : i1 to vector<16xi1>
      %reduce_min3A_400 = arith.constant -2147483648 : i32
      %reduce_min3A_401 = vector.broadcast %reduce_min3A_400 : i32 to vector<16xi32>
      %reduce_min3A_402 = arith.xori %select_n3A_397, %reduce_min3A_401 : vector<16xi32>
      %reduce_min3A_403 = tpu.scan <min>, %reduce_min3A_402 masked %reduce_min3A_399 : vector<16xi32>, vector<16xi1> -> vector<16xi32>
      %reduce_min3A_404 = arith.xori %reduce_min3A_403, %reduce_min3A_401 : vector<16xi32>
      %reduce_min3A_405 = vector.extract %reduce_min3A_404[15] : i32 from vector<16xi32>
      %min3A_406 = arith.minsi %min3A_392, %reduce_min3A_405 : i32
      %eq3A_407 = vector.broadcast %max3A_363 : f32 to vector<16xf32>
      %eq3A_408 = arith.cmpf oeq, %select_n3A_344, %eq3A_407 : vector<16xf32>
      %jit3A_409 = arith.constant 2147483647 : i32
      %broadcast_in_dim3A_410 = vector.broadcast %jit3A_409 : i32 to vector<16xi32>
      %select_n3A_411 = arith.select %eq3A_408, %add3A_29, %broadcast_in_dim3A_410 : vector<16xi1>, vector<16xi32>
      %reduce_min3A_412 = arith.constant true
      %reduce_min3A_413 = vector.broadcast %reduce_min3A_412 : i1 to vector<16xi1>
      %reduce_min3A_414 = arith.constant -2147483648 : i32
      %reduce_min3A_415 = vector.broadcast %reduce_min3A_414 : i32 to vector<16xi32>
      %reduce_min3A_416 = arith.xori %select_n3A_411, %reduce_min3A_415 : vector<16xi32>
      %reduce_min3A_417 = tpu.scan <min>, %reduce_min3A_416 masked %reduce_min3A_413 : vector<16xi32>, vector<16xi1> -> vector<16xi32>
      %reduce_min3A_418 = arith.xori %reduce_min3A_417, %reduce_min3A_415 : vector<16xi32>
      %reduce_min3A_419 = vector.extract %reduce_min3A_418[15] : i32 from vector<16xi32>
      %min3A_420 = arith.minsi %min3A_406, %reduce_min3A_419 : i32
      %eq3A_421 = arith.constant 3 : i32
      %eq3A_422 = vector.broadcast %eq3A_421 : i32 to vector<16xi32>
      %eq3A_423 = arith.cmpi eq, %iota3A, %eq3A_422 : vector<16xi32>
      %broadcast_in_dim3A_424 = vector.broadcast %max3A_363 : f32 to vector<16xf32>
      %select_n3A_425 = arith.select %eq3A_423, %broadcast_in_dim3A_424, %select_n3A_319 : vector<16xi1>, vector<16xf32>
      %eq3A_426 = arith.constant 3 : i32
      %eq3A_427 = vector.broadcast %eq3A_426 : i32 to vector<16xi32>
      %eq3A_428 = arith.cmpi eq, %iota3A, %eq3A_427 : vector<16xi32>
      %broadcast_in_dim3A_429 = vector.broadcast %min3A_420 : i32 to vector<16xi32>
      %select_n3A_430 = arith.select %eq3A_428, %broadcast_in_dim3A_429, %select_n3A_324 : vector<16xi1>, vector<16xi32>
      %eq3A_431 = vector.broadcast %min3A_420 : i32 to vector<16xi32>
      %eq3A_432 = arith.cmpi eq, %add3A_20, %eq3A_431 : vector<16xi32>
      %jit3A_433 = arith.constant -3.000000e+38 : f32
      %broadcast_in_dim3A_434 = vector.broadcast %jit3A_433 : f32 to vector<16xf32>
      %select_n3A_435 = arith.select %eq3A_432, %broadcast_in_dim3A_434, %select_n3A_329 : vector<16xi1>, vector<16xf32>
      %eq3A_436 = vector.broadcast %min3A_420 : i32 to vector<16xi32>
      %eq3A_437 = arith.cmpi eq, %add3A_23, %eq3A_436 : vector<16xi32>
      %jit3A_438 = arith.constant -3.000000e+38 : f32
      %broadcast_in_dim3A_439 = vector.broadcast %jit3A_438 : f32 to vector<16xf32>
      %select_n3A_440 = arith.select %eq3A_437, %broadcast_in_dim3A_439, %select_n3A_334 : vector<16xi1>, vector<16xf32>
      %eq3A_441 = vector.broadcast %min3A_420 : i32 to vector<16xi32>
      %eq3A_442 = arith.cmpi eq, %add3A_26, %eq3A_441 : vector<16xi32>
      %jit3A_443 = arith.constant -3.000000e+38 : f32
      %broadcast_in_dim3A_444 = vector.broadcast %jit3A_443 : f32 to vector<16xf32>
      %select_n3A_445 = arith.select %eq3A_442, %broadcast_in_dim3A_444, %select_n3A_339 : vector<16xi1>, vector<16xf32>
      %eq3A_446 = vector.broadcast %min3A_420 : i32 to vector<16xi32>
      %eq3A_447 = arith.cmpi eq, %add3A_29, %eq3A_446 : vector<16xi32>
      %jit3A_448 = arith.constant -3.000000e+38 : f32
      %broadcast_in_dim3A_449 = vector.broadcast %jit3A_448 : f32 to vector<16xf32>
      %select_n3A_450 = arith.select %eq3A_447, %broadcast_in_dim3A_449, %select_n3A_344 : vector<16xi1>, vector<16xf32>
      %reduce_max3A_451 = arith.constant true
      %reduce_max3A_452 = vector.broadcast %reduce_max3A_451 : i1 to vector<16xi1>
      %reduce_max3A_453 = tpu.scan <max>, %select_n3A_435 masked %reduce_max3A_452 : vector<16xf32>, vector<16xi1> -> vector<16xf32>
      %reduce_max3A_454 = vector.extract %reduce_max3A_453[15] : f32 from vector<16xf32>
      %reduce_max3A_455 = arith.constant true
      %reduce_max3A_456 = vector.broadcast %reduce_max3A_455 : i1 to vector<16xi1>
      %reduce_max3A_457 = tpu.scan <max>, %select_n3A_440 masked %reduce_max3A_456 : vector<16xf32>, vector<16xi1> -> vector<16xf32>
      %reduce_max3A_458 = vector.extract %reduce_max3A_457[15] : f32 from vector<16xf32>
      %max3A_459 = arith.maximumf %reduce_max3A_454, %reduce_max3A_458 : f32
      %reduce_max3A_460 = arith.constant true
      %reduce_max3A_461 = vector.broadcast %reduce_max3A_460 : i1 to vector<16xi1>
      %reduce_max3A_462 = tpu.scan <max>, %select_n3A_445 masked %reduce_max3A_461 : vector<16xf32>, vector<16xi1> -> vector<16xf32>
      %reduce_max3A_463 = vector.extract %reduce_max3A_462[15] : f32 from vector<16xf32>
      %max3A_464 = arith.maximumf %max3A_459, %reduce_max3A_463 : f32
      %reduce_max3A_465 = arith.constant true
      %reduce_max3A_466 = vector.broadcast %reduce_max3A_465 : i1 to vector<16xi1>
      %reduce_max3A_467 = tpu.scan <max>, %select_n3A_450 masked %reduce_max3A_466 : vector<16xf32>, vector<16xi1> -> vector<16xf32>
      %reduce_max3A_468 = vector.extract %reduce_max3A_467[15] : f32 from vector<16xf32>
      %max3A_469 = arith.maximumf %max3A_464, %reduce_max3A_468 : f32
      %eq3A_470 = vector.broadcast %max3A_469 : f32 to vector<16xf32>
      %eq3A_471 = arith.cmpf oeq, %select_n3A_435, %eq3A_470 : vector<16xf32>
      %jit3A_472 = arith.constant 2147483647 : i32
      %broadcast_in_dim3A_473 = vector.broadcast %jit3A_472 : i32 to vector<16xi32>
      %select_n3A_474 = arith.select %eq3A_471, %add3A_20, %broadcast_in_dim3A_473 : vector<16xi1>, vector<16xi32>
      %reduce_min3A_475 = arith.constant true
      %reduce_min3A_476 = vector.broadcast %reduce_min3A_475 : i1 to vector<16xi1>
      %reduce_min3A_477 = arith.constant -2147483648 : i32
      %reduce_min3A_478 = vector.broadcast %reduce_min3A_477 : i32 to vector<16xi32>
      %reduce_min3A_479 = arith.xori %select_n3A_474, %reduce_min3A_478 : vector<16xi32>
      %reduce_min3A_480 = tpu.scan <min>, %reduce_min3A_479 masked %reduce_min3A_476 : vector<16xi32>, vector<16xi1> -> vector<16xi32>
      %reduce_min3A_481 = arith.xori %reduce_min3A_480, %reduce_min3A_478 : vector<16xi32>
      %reduce_min3A_482 = vector.extract %reduce_min3A_481[15] : i32 from vector<16xi32>
      %min3A_483 = arith.constant 2147483647 : i32
      %min3A_484 = arith.minsi %min3A_483, %reduce_min3A_482 : i32
      %eq3A_485 = vector.broadcast %max3A_469 : f32 to vector<16xf32>
      %eq3A_486 = arith.cmpf oeq, %select_n3A_440, %eq3A_485 : vector<16xf32>
      %jit3A_487 = arith.constant 2147483647 : i32
      %broadcast_in_dim3A_488 = vector.broadcast %jit3A_487 : i32 to vector<16xi32>
      %select_n3A_489 = arith.select %eq3A_486, %add3A_23, %broadcast_in_dim3A_488 : vector<16xi1>, vector<16xi32>
      %reduce_min3A_490 = arith.constant true
      %reduce_min3A_491 = vector.broadcast %reduce_min3A_490 : i1 to vector<16xi1>
      %reduce_min3A_492 = arith.constant -2147483648 : i32
      %reduce_min3A_493 = vector.broadcast %reduce_min3A_492 : i32 to vector<16xi32>
      %reduce_min3A_494 = arith.xori %select_n3A_489, %reduce_min3A_493 : vector<16xi32>
      %reduce_min3A_495 = tpu.scan <min>, %reduce_min3A_494 masked %reduce_min3A_491 : vector<16xi32>, vector<16xi1> -> vector<16xi32>
      %reduce_min3A_496 = arith.xori %reduce_min3A_495, %reduce_min3A_493 : vector<16xi32>
      %reduce_min3A_497 = vector.extract %reduce_min3A_496[15] : i32 from vector<16xi32>
      %min3A_498 = arith.minsi %min3A_484, %reduce_min3A_497 : i32
      %eq3A_499 = vector.broadcast %max3A_469 : f32 to vector<16xf32>
      %eq3A_500 = arith.cmpf oeq, %select_n3A_445, %eq3A_499 : vector<16xf32>
      %jit3A_501 = arith.constant 2147483647 : i32
      %broadcast_in_dim3A_502 = vector.broadcast %jit3A_501 : i32 to vector<16xi32>
      %select_n3A_503 = arith.select %eq3A_500, %add3A_26, %broadcast_in_dim3A_502 : vector<16xi1>, vector<16xi32>
      %reduce_min3A_504 = arith.constant true
      %reduce_min3A_505 = vector.broadcast %reduce_min3A_504 : i1 to vector<16xi1>
      %reduce_min3A_506 = arith.constant -2147483648 : i32
      %reduce_min3A_507 = vector.broadcast %reduce_min3A_506 : i32 to vector<16xi32>
      %reduce_min3A_508 = arith.xori %select_n3A_503, %reduce_min3A_507 : vector<16xi32>
      %reduce_min3A_509 = tpu.scan <min>, %reduce_min3A_508 masked %reduce_min3A_505 : vector<16xi32>, vector<16xi1> -> vector<16xi32>
      %reduce_min3A_510 = arith.xori %reduce_min3A_509, %reduce_min3A_507 : vector<16xi32>
      %reduce_min3A_511 = vector.extract %reduce_min3A_510[15] : i32 from vector<16xi32>
      %min3A_512 = arith.minsi %min3A_498, %reduce_min3A_511 : i32
      %eq3A_513 = vector.broadcast %max3A_469 : f32 to vector<16xf32>
      %eq3A_514 = arith.cmpf oeq, %select_n3A_450, %eq3A_513 : vector<16xf32>
      %jit3A_515 = arith.constant 2147483647 : i32
      %broadcast_in_dim3A_516 = vector.broadcast %jit3A_515 : i32 to vector<16xi32>
      %select_n3A_517 = arith.select %eq3A_514, %add3A_29, %broadcast_in_dim3A_516 : vector<16xi1>, vector<16xi32>
      %reduce_min3A_518 = arith.constant true
      %reduce_min3A_519 = vector.broadcast %reduce_min3A_518 : i1 to vector<16xi1>
      %reduce_min3A_520 = arith.constant -2147483648 : i32
      %reduce_min3A_521 = vector.broadcast %reduce_min3A_520 : i32 to vector<16xi32>
      %reduce_min3A_522 = arith.xori %select_n3A_517, %reduce_min3A_521 : vector<16xi32>
      %reduce_min3A_523 = tpu.scan <min>, %reduce_min3A_522 masked %reduce_min3A_519 : vector<16xi32>, vector<16xi1> -> vector<16xi32>
      %reduce_min3A_524 = arith.xori %reduce_min3A_523, %reduce_min3A_521 : vector<16xi32>
      %reduce_min3A_525 = vector.extract %reduce_min3A_524[15] : i32 from vector<16xi32>
      %min3A_526 = arith.minsi %min3A_512, %reduce_min3A_525 : i32
      %eq3A_527 = arith.constant 4 : i32
      %eq3A_528 = vector.broadcast %eq3A_527 : i32 to vector<16xi32>
      %eq3A_529 = arith.cmpi eq, %iota3A, %eq3A_528 : vector<16xi32>
      %broadcast_in_dim3A_530 = vector.broadcast %max3A_469 : f32 to vector<16xf32>
      %select_n3A_531 = arith.select %eq3A_529, %broadcast_in_dim3A_530, %select_n3A_425 : vector<16xi1>, vector<16xf32>
      %eq3A_532 = arith.constant 4 : i32
      %eq3A_533 = vector.broadcast %eq3A_532 : i32 to vector<16xi32>
      %eq3A_534 = arith.cmpi eq, %iota3A, %eq3A_533 : vector<16xi32>
      %broadcast_in_dim3A_535 = vector.broadcast %min3A_526 : i32 to vector<16xi32>
      %select_n3A_536 = arith.select %eq3A_534, %broadcast_in_dim3A_535, %select_n3A_430 : vector<16xi1>, vector<16xi32>
      %eq3A_537 = vector.broadcast %min3A_526 : i32 to vector<16xi32>
      %eq3A_538 = arith.cmpi eq, %add3A_20, %eq3A_537 : vector<16xi32>
      %jit3A_539 = arith.constant -3.000000e+38 : f32
      %broadcast_in_dim3A_540 = vector.broadcast %jit3A_539 : f32 to vector<16xf32>
      %select_n3A_541 = arith.select %eq3A_538, %broadcast_in_dim3A_540, %select_n3A_435 : vector<16xi1>, vector<16xf32>
      %eq3A_542 = vector.broadcast %min3A_526 : i32 to vector<16xi32>
      %eq3A_543 = arith.cmpi eq, %add3A_23, %eq3A_542 : vector<16xi32>
      %jit3A_544 = arith.constant -3.000000e+38 : f32
      %broadcast_in_dim3A_545 = vector.broadcast %jit3A_544 : f32 to vector<16xf32>
      %select_n3A_546 = arith.select %eq3A_543, %broadcast_in_dim3A_545, %select_n3A_440 : vector<16xi1>, vector<16xf32>
      %eq3A_547 = vector.broadcast %min3A_526 : i32 to vector<16xi32>
      %eq3A_548 = arith.cmpi eq, %add3A_26, %eq3A_547 : vector<16xi32>
      %jit3A_549 = arith.constant -3.000000e+38 : f32
      %broadcast_in_dim3A_550 = vector.broadcast %jit3A_549 : f32 to vector<16xf32>
      %select_n3A_551 = arith.select %eq3A_548, %broadcast_in_dim3A_550, %select_n3A_445 : vector<16xi1>, vector<16xf32>
      %eq3A_552 = vector.broadcast %min3A_526 : i32 to vector<16xi32>
      %eq3A_553 = arith.cmpi eq, %add3A_29, %eq3A_552 : vector<16xi32>
      %jit3A_554 = arith.constant -3.000000e+38 : f32
      %broadcast_in_dim3A_555 = vector.broadcast %jit3A_554 : f32 to vector<16xf32>
      %select_n3A_556 = arith.select %eq3A_553, %broadcast_in_dim3A_555, %select_n3A_450 : vector<16xi1>, vector<16xf32>
      %reduce_max3A_557 = arith.constant true
      %reduce_max3A_558 = vector.broadcast %reduce_max3A_557 : i1 to vector<16xi1>
      %reduce_max3A_559 = tpu.scan <max>, %select_n3A_541 masked %reduce_max3A_558 : vector<16xf32>, vector<16xi1> -> vector<16xf32>
      %reduce_max3A_560 = vector.extract %reduce_max3A_559[15] : f32 from vector<16xf32>
      %reduce_max3A_561 = arith.constant true
      %reduce_max3A_562 = vector.broadcast %reduce_max3A_561 : i1 to vector<16xi1>
      %reduce_max3A_563 = tpu.scan <max>, %select_n3A_546 masked %reduce_max3A_562 : vector<16xf32>, vector<16xi1> -> vector<16xf32>
      %reduce_max3A_564 = vector.extract %reduce_max3A_563[15] : f32 from vector<16xf32>
      %max3A_565 = arith.maximumf %reduce_max3A_560, %reduce_max3A_564 : f32
      %reduce_max3A_566 = arith.constant true
      %reduce_max3A_567 = vector.broadcast %reduce_max3A_566 : i1 to vector<16xi1>
      %reduce_max3A_568 = tpu.scan <max>, %select_n3A_551 masked %reduce_max3A_567 : vector<16xf32>, vector<16xi1> -> vector<16xf32>
      %reduce_max3A_569 = vector.extract %reduce_max3A_568[15] : f32 from vector<16xf32>
      %max3A_570 = arith.maximumf %max3A_565, %reduce_max3A_569 : f32
      %reduce_max3A_571 = arith.constant true
      %reduce_max3A_572 = vector.broadcast %reduce_max3A_571 : i1 to vector<16xi1>
      %reduce_max3A_573 = tpu.scan <max>, %select_n3A_556 masked %reduce_max3A_572 : vector<16xf32>, vector<16xi1> -> vector<16xf32>
      %reduce_max3A_574 = vector.extract %reduce_max3A_573[15] : f32 from vector<16xf32>
      %max3A_575 = arith.maximumf %max3A_570, %reduce_max3A_574 : f32
      %eq3A_576 = vector.broadcast %max3A_575 : f32 to vector<16xf32>
      %eq3A_577 = arith.cmpf oeq, %select_n3A_541, %eq3A_576 : vector<16xf32>
      %jit3A_578 = arith.constant 2147483647 : i32
      %broadcast_in_dim3A_579 = vector.broadcast %jit3A_578 : i32 to vector<16xi32>
      %select_n3A_580 = arith.select %eq3A_577, %add3A_20, %broadcast_in_dim3A_579 : vector<16xi1>, vector<16xi32>
      %reduce_min3A_581 = arith.constant true
      %reduce_min3A_582 = vector.broadcast %reduce_min3A_581 : i1 to vector<16xi1>
      %reduce_min3A_583 = arith.constant -2147483648 : i32
      %reduce_min3A_584 = vector.broadcast %reduce_min3A_583 : i32 to vector<16xi32>
      %reduce_min3A_585 = arith.xori %select_n3A_580, %reduce_min3A_584 : vector<16xi32>
      %reduce_min3A_586 = tpu.scan <min>, %reduce_min3A_585 masked %reduce_min3A_582 : vector<16xi32>, vector<16xi1> -> vector<16xi32>
      %reduce_min3A_587 = arith.xori %reduce_min3A_586, %reduce_min3A_584 : vector<16xi32>
      %reduce_min3A_588 = vector.extract %reduce_min3A_587[15] : i32 from vector<16xi32>
      %min3A_589 = arith.constant 2147483647 : i32
      %min3A_590 = arith.minsi %min3A_589, %reduce_min3A_588 : i32
      %eq3A_591 = vector.broadcast %max3A_575 : f32 to vector<16xf32>
      %eq3A_592 = arith.cmpf oeq, %select_n3A_546, %eq3A_591 : vector<16xf32>
      %jit3A_593 = arith.constant 2147483647 : i32
      %broadcast_in_dim3A_594 = vector.broadcast %jit3A_593 : i32 to vector<16xi32>
      %select_n3A_595 = arith.select %eq3A_592, %add3A_23, %broadcast_in_dim3A_594 : vector<16xi1>, vector<16xi32>
      %reduce_min3A_596 = arith.constant true
      %reduce_min3A_597 = vector.broadcast %reduce_min3A_596 : i1 to vector<16xi1>
      %reduce_min3A_598 = arith.constant -2147483648 : i32
      %reduce_min3A_599 = vector.broadcast %reduce_min3A_598 : i32 to vector<16xi32>
      %reduce_min3A_600 = arith.xori %select_n3A_595, %reduce_min3A_599 : vector<16xi32>
      %reduce_min3A_601 = tpu.scan <min>, %reduce_min3A_600 masked %reduce_min3A_597 : vector<16xi32>, vector<16xi1> -> vector<16xi32>
      %reduce_min3A_602 = arith.xori %reduce_min3A_601, %reduce_min3A_599 : vector<16xi32>
      %reduce_min3A_603 = vector.extract %reduce_min3A_602[15] : i32 from vector<16xi32>
      %min3A_604 = arith.minsi %min3A_590, %reduce_min3A_603 : i32
      %eq3A_605 = vector.broadcast %max3A_575 : f32 to vector<16xf32>
      %eq3A_606 = arith.cmpf oeq, %select_n3A_551, %eq3A_605 : vector<16xf32>
      %jit3A_607 = arith.constant 2147483647 : i32
      %broadcast_in_dim3A_608 = vector.broadcast %jit3A_607 : i32 to vector<16xi32>
      %select_n3A_609 = arith.select %eq3A_606, %add3A_26, %broadcast_in_dim3A_608 : vector<16xi1>, vector<16xi32>
      %reduce_min3A_610 = arith.constant true
      %reduce_min3A_611 = vector.broadcast %reduce_min3A_610 : i1 to vector<16xi1>
      %reduce_min3A_612 = arith.constant -2147483648 : i32
      %reduce_min3A_613 = vector.broadcast %reduce_min3A_612 : i32 to vector<16xi32>
      %reduce_min3A_614 = arith.xori %select_n3A_609, %reduce_min3A_613 : vector<16xi32>
      %reduce_min3A_615 = tpu.scan <min>, %reduce_min3A_614 masked %reduce_min3A_611 : vector<16xi32>, vector<16xi1> -> vector<16xi32>
      %reduce_min3A_616 = arith.xori %reduce_min3A_615, %reduce_min3A_613 : vector<16xi32>
      %reduce_min3A_617 = vector.extract %reduce_min3A_616[15] : i32 from vector<16xi32>
      %min3A_618 = arith.minsi %min3A_604, %reduce_min3A_617 : i32
      %eq3A_619 = vector.broadcast %max3A_575 : f32 to vector<16xf32>
      %eq3A_620 = arith.cmpf oeq, %select_n3A_556, %eq3A_619 : vector<16xf32>
      %jit3A_621 = arith.constant 2147483647 : i32
      %broadcast_in_dim3A_622 = vector.broadcast %jit3A_621 : i32 to vector<16xi32>
      %select_n3A_623 = arith.select %eq3A_620, %add3A_29, %broadcast_in_dim3A_622 : vector<16xi1>, vector<16xi32>
      %reduce_min3A_624 = arith.constant true
      %reduce_min3A_625 = vector.broadcast %reduce_min3A_624 : i1 to vector<16xi1>
      %reduce_min3A_626 = arith.constant -2147483648 : i32
      %reduce_min3A_627 = vector.broadcast %reduce_min3A_626 : i32 to vector<16xi32>
      %reduce_min3A_628 = arith.xori %select_n3A_623, %reduce_min3A_627 : vector<16xi32>
      %reduce_min3A_629 = tpu.scan <min>, %reduce_min3A_628 masked %reduce_min3A_625 : vector<16xi32>, vector<16xi1> -> vector<16xi32>
      %reduce_min3A_630 = arith.xori %reduce_min3A_629, %reduce_min3A_627 : vector<16xi32>
      %reduce_min3A_631 = vector.extract %reduce_min3A_630[15] : i32 from vector<16xi32>
      %min3A_632 = arith.minsi %min3A_618, %reduce_min3A_631 : i32
      %eq3A_633 = arith.constant 5 : i32
      %eq3A_634 = vector.broadcast %eq3A_633 : i32 to vector<16xi32>
      %eq3A_635 = arith.cmpi eq, %iota3A, %eq3A_634 : vector<16xi32>
      %broadcast_in_dim3A_636 = vector.broadcast %max3A_575 : f32 to vector<16xf32>
      %select_n3A_637 = arith.select %eq3A_635, %broadcast_in_dim3A_636, %select_n3A_531 : vector<16xi1>, vector<16xf32>
      %eq3A_638 = arith.constant 5 : i32
      %eq3A_639 = vector.broadcast %eq3A_638 : i32 to vector<16xi32>
      %eq3A_640 = arith.cmpi eq, %iota3A, %eq3A_639 : vector<16xi32>
      %broadcast_in_dim3A_641 = vector.broadcast %min3A_632 : i32 to vector<16xi32>
      %select_n3A_642 = arith.select %eq3A_640, %broadcast_in_dim3A_641, %select_n3A_536 : vector<16xi1>, vector<16xi32>
      %eq3A_643 = vector.broadcast %min3A_632 : i32 to vector<16xi32>
      %eq3A_644 = arith.cmpi eq, %add3A_20, %eq3A_643 : vector<16xi32>
      %jit3A_645 = arith.constant -3.000000e+38 : f32
      %broadcast_in_dim3A_646 = vector.broadcast %jit3A_645 : f32 to vector<16xf32>
      %select_n3A_647 = arith.select %eq3A_644, %broadcast_in_dim3A_646, %select_n3A_541 : vector<16xi1>, vector<16xf32>
      %eq3A_648 = vector.broadcast %min3A_632 : i32 to vector<16xi32>
      %eq3A_649 = arith.cmpi eq, %add3A_23, %eq3A_648 : vector<16xi32>
      %jit3A_650 = arith.constant -3.000000e+38 : f32
      %broadcast_in_dim3A_651 = vector.broadcast %jit3A_650 : f32 to vector<16xf32>
      %select_n3A_652 = arith.select %eq3A_649, %broadcast_in_dim3A_651, %select_n3A_546 : vector<16xi1>, vector<16xf32>
      %eq3A_653 = vector.broadcast %min3A_632 : i32 to vector<16xi32>
      %eq3A_654 = arith.cmpi eq, %add3A_26, %eq3A_653 : vector<16xi32>
      %jit3A_655 = arith.constant -3.000000e+38 : f32
      %broadcast_in_dim3A_656 = vector.broadcast %jit3A_655 : f32 to vector<16xf32>
      %select_n3A_657 = arith.select %eq3A_654, %broadcast_in_dim3A_656, %select_n3A_551 : vector<16xi1>, vector<16xf32>
      %eq3A_658 = vector.broadcast %min3A_632 : i32 to vector<16xi32>
      %eq3A_659 = arith.cmpi eq, %add3A_29, %eq3A_658 : vector<16xi32>
      %jit3A_660 = arith.constant -3.000000e+38 : f32
      %broadcast_in_dim3A_661 = vector.broadcast %jit3A_660 : f32 to vector<16xf32>
      %select_n3A_662 = arith.select %eq3A_659, %broadcast_in_dim3A_661, %select_n3A_556 : vector<16xi1>, vector<16xf32>
      %reduce_max3A_663 = arith.constant true
      %reduce_max3A_664 = vector.broadcast %reduce_max3A_663 : i1 to vector<16xi1>
      %reduce_max3A_665 = tpu.scan <max>, %select_n3A_647 masked %reduce_max3A_664 : vector<16xf32>, vector<16xi1> -> vector<16xf32>
      %reduce_max3A_666 = vector.extract %reduce_max3A_665[15] : f32 from vector<16xf32>
      %reduce_max3A_667 = arith.constant true
      %reduce_max3A_668 = vector.broadcast %reduce_max3A_667 : i1 to vector<16xi1>
      %reduce_max3A_669 = tpu.scan <max>, %select_n3A_652 masked %reduce_max3A_668 : vector<16xf32>, vector<16xi1> -> vector<16xf32>
      %reduce_max3A_670 = vector.extract %reduce_max3A_669[15] : f32 from vector<16xf32>
      %max3A_671 = arith.maximumf %reduce_max3A_666, %reduce_max3A_670 : f32
      %reduce_max3A_672 = arith.constant true
      %reduce_max3A_673 = vector.broadcast %reduce_max3A_672 : i1 to vector<16xi1>
      %reduce_max3A_674 = tpu.scan <max>, %select_n3A_657 masked %reduce_max3A_673 : vector<16xf32>, vector<16xi1> -> vector<16xf32>
      %reduce_max3A_675 = vector.extract %reduce_max3A_674[15] : f32 from vector<16xf32>
      %max3A_676 = arith.maximumf %max3A_671, %reduce_max3A_675 : f32
      %reduce_max3A_677 = arith.constant true
      %reduce_max3A_678 = vector.broadcast %reduce_max3A_677 : i1 to vector<16xi1>
      %reduce_max3A_679 = tpu.scan <max>, %select_n3A_662 masked %reduce_max3A_678 : vector<16xf32>, vector<16xi1> -> vector<16xf32>
      %reduce_max3A_680 = vector.extract %reduce_max3A_679[15] : f32 from vector<16xf32>
      %max3A_681 = arith.maximumf %max3A_676, %reduce_max3A_680 : f32
      %eq3A_682 = vector.broadcast %max3A_681 : f32 to vector<16xf32>
      %eq3A_683 = arith.cmpf oeq, %select_n3A_647, %eq3A_682 : vector<16xf32>
      %jit3A_684 = arith.constant 2147483647 : i32
      %broadcast_in_dim3A_685 = vector.broadcast %jit3A_684 : i32 to vector<16xi32>
      %select_n3A_686 = arith.select %eq3A_683, %add3A_20, %broadcast_in_dim3A_685 : vector<16xi1>, vector<16xi32>
      %reduce_min3A_687 = arith.constant true
      %reduce_min3A_688 = vector.broadcast %reduce_min3A_687 : i1 to vector<16xi1>
      %reduce_min3A_689 = arith.constant -2147483648 : i32
      %reduce_min3A_690 = vector.broadcast %reduce_min3A_689 : i32 to vector<16xi32>
      %reduce_min3A_691 = arith.xori %select_n3A_686, %reduce_min3A_690 : vector<16xi32>
      %reduce_min3A_692 = tpu.scan <min>, %reduce_min3A_691 masked %reduce_min3A_688 : vector<16xi32>, vector<16xi1> -> vector<16xi32>
      %reduce_min3A_693 = arith.xori %reduce_min3A_692, %reduce_min3A_690 : vector<16xi32>
      %reduce_min3A_694 = vector.extract %reduce_min3A_693[15] : i32 from vector<16xi32>
      %min3A_695 = arith.constant 2147483647 : i32
      %min3A_696 = arith.minsi %min3A_695, %reduce_min3A_694 : i32
      %eq3A_697 = vector.broadcast %max3A_681 : f32 to vector<16xf32>
      %eq3A_698 = arith.cmpf oeq, %select_n3A_652, %eq3A_697 : vector<16xf32>
      %jit3A_699 = arith.constant 2147483647 : i32
      %broadcast_in_dim3A_700 = vector.broadcast %jit3A_699 : i32 to vector<16xi32>
      %select_n3A_701 = arith.select %eq3A_698, %add3A_23, %broadcast_in_dim3A_700 : vector<16xi1>, vector<16xi32>
      %reduce_min3A_702 = arith.constant true
      %reduce_min3A_703 = vector.broadcast %reduce_min3A_702 : i1 to vector<16xi1>
      %reduce_min3A_704 = arith.constant -2147483648 : i32
      %reduce_min3A_705 = vector.broadcast %reduce_min3A_704 : i32 to vector<16xi32>
      %reduce_min3A_706 = arith.xori %select_n3A_701, %reduce_min3A_705 : vector<16xi32>
      %reduce_min3A_707 = tpu.scan <min>, %reduce_min3A_706 masked %reduce_min3A_703 : vector<16xi32>, vector<16xi1> -> vector<16xi32>
      %reduce_min3A_708 = arith.xori %reduce_min3A_707, %reduce_min3A_705 : vector<16xi32>
      %reduce_min3A_709 = vector.extract %reduce_min3A_708[15] : i32 from vector<16xi32>
      %min3A_710 = arith.minsi %min3A_696, %reduce_min3A_709 : i32
      %eq3A_711 = vector.broadcast %max3A_681 : f32 to vector<16xf32>
      %eq3A_712 = arith.cmpf oeq, %select_n3A_657, %eq3A_711 : vector<16xf32>
      %jit3A_713 = arith.constant 2147483647 : i32
      %broadcast_in_dim3A_714 = vector.broadcast %jit3A_713 : i32 to vector<16xi32>
      %select_n3A_715 = arith.select %eq3A_712, %add3A_26, %broadcast_in_dim3A_714 : vector<16xi1>, vector<16xi32>
      %reduce_min3A_716 = arith.constant true
      %reduce_min3A_717 = vector.broadcast %reduce_min3A_716 : i1 to vector<16xi1>
      %reduce_min3A_718 = arith.constant -2147483648 : i32
      %reduce_min3A_719 = vector.broadcast %reduce_min3A_718 : i32 to vector<16xi32>
      %reduce_min3A_720 = arith.xori %select_n3A_715, %reduce_min3A_719 : vector<16xi32>
      %reduce_min3A_721 = tpu.scan <min>, %reduce_min3A_720 masked %reduce_min3A_717 : vector<16xi32>, vector<16xi1> -> vector<16xi32>
      %reduce_min3A_722 = arith.xori %reduce_min3A_721, %reduce_min3A_719 : vector<16xi32>
      %reduce_min3A_723 = vector.extract %reduce_min3A_722[15] : i32 from vector<16xi32>
      %min3A_724 = arith.minsi %min3A_710, %reduce_min3A_723 : i32
      %eq3A_725 = vector.broadcast %max3A_681 : f32 to vector<16xf32>
      %eq3A_726 = arith.cmpf oeq, %select_n3A_662, %eq3A_725 : vector<16xf32>
      %jit3A_727 = arith.constant 2147483647 : i32
      %broadcast_in_dim3A_728 = vector.broadcast %jit3A_727 : i32 to vector<16xi32>
      %select_n3A_729 = arith.select %eq3A_726, %add3A_29, %broadcast_in_dim3A_728 : vector<16xi1>, vector<16xi32>
      %reduce_min3A_730 = arith.constant true
      %reduce_min3A_731 = vector.broadcast %reduce_min3A_730 : i1 to vector<16xi1>
      %reduce_min3A_732 = arith.constant -2147483648 : i32
      %reduce_min3A_733 = vector.broadcast %reduce_min3A_732 : i32 to vector<16xi32>
      %reduce_min3A_734 = arith.xori %select_n3A_729, %reduce_min3A_733 : vector<16xi32>
      %reduce_min3A_735 = tpu.scan <min>, %reduce_min3A_734 masked %reduce_min3A_731 : vector<16xi32>, vector<16xi1> -> vector<16xi32>
      %reduce_min3A_736 = arith.xori %reduce_min3A_735, %reduce_min3A_733 : vector<16xi32>
      %reduce_min3A_737 = vector.extract %reduce_min3A_736[15] : i32 from vector<16xi32>
      %min3A_738 = arith.minsi %min3A_724, %reduce_min3A_737 : i32
      %eq3A_739 = arith.constant 6 : i32
      %eq3A_740 = vector.broadcast %eq3A_739 : i32 to vector<16xi32>
      %eq3A_741 = arith.cmpi eq, %iota3A, %eq3A_740 : vector<16xi32>
      %broadcast_in_dim3A_742 = vector.broadcast %max3A_681 : f32 to vector<16xf32>
      %select_n3A_743 = arith.select %eq3A_741, %broadcast_in_dim3A_742, %select_n3A_637 : vector<16xi1>, vector<16xf32>
      %eq3A_744 = arith.constant 6 : i32
      %eq3A_745 = vector.broadcast %eq3A_744 : i32 to vector<16xi32>
      %eq3A_746 = arith.cmpi eq, %iota3A, %eq3A_745 : vector<16xi32>
      %broadcast_in_dim3A_747 = vector.broadcast %min3A_738 : i32 to vector<16xi32>
      %select_n3A_748 = arith.select %eq3A_746, %broadcast_in_dim3A_747, %select_n3A_642 : vector<16xi1>, vector<16xi32>
      %eq3A_749 = vector.broadcast %min3A_738 : i32 to vector<16xi32>
      %eq3A_750 = arith.cmpi eq, %add3A_20, %eq3A_749 : vector<16xi32>
      %jit3A_751 = arith.constant -3.000000e+38 : f32
      %broadcast_in_dim3A_752 = vector.broadcast %jit3A_751 : f32 to vector<16xf32>
      %select_n3A_753 = arith.select %eq3A_750, %broadcast_in_dim3A_752, %select_n3A_647 : vector<16xi1>, vector<16xf32>
      %eq3A_754 = vector.broadcast %min3A_738 : i32 to vector<16xi32>
      %eq3A_755 = arith.cmpi eq, %add3A_23, %eq3A_754 : vector<16xi32>
      %jit3A_756 = arith.constant -3.000000e+38 : f32
      %broadcast_in_dim3A_757 = vector.broadcast %jit3A_756 : f32 to vector<16xf32>
      %select_n3A_758 = arith.select %eq3A_755, %broadcast_in_dim3A_757, %select_n3A_652 : vector<16xi1>, vector<16xf32>
      %eq3A_759 = vector.broadcast %min3A_738 : i32 to vector<16xi32>
      %eq3A_760 = arith.cmpi eq, %add3A_26, %eq3A_759 : vector<16xi32>
      %jit3A_761 = arith.constant -3.000000e+38 : f32
      %broadcast_in_dim3A_762 = vector.broadcast %jit3A_761 : f32 to vector<16xf32>
      %select_n3A_763 = arith.select %eq3A_760, %broadcast_in_dim3A_762, %select_n3A_657 : vector<16xi1>, vector<16xf32>
      %eq3A_764 = vector.broadcast %min3A_738 : i32 to vector<16xi32>
      %eq3A_765 = arith.cmpi eq, %add3A_29, %eq3A_764 : vector<16xi32>
      %jit3A_766 = arith.constant -3.000000e+38 : f32
      %broadcast_in_dim3A_767 = vector.broadcast %jit3A_766 : f32 to vector<16xf32>
      %select_n3A_768 = arith.select %eq3A_765, %broadcast_in_dim3A_767, %select_n3A_662 : vector<16xi1>, vector<16xf32>
      %reduce_max3A_769 = arith.constant true
      %reduce_max3A_770 = vector.broadcast %reduce_max3A_769 : i1 to vector<16xi1>
      %reduce_max3A_771 = tpu.scan <max>, %select_n3A_753 masked %reduce_max3A_770 : vector<16xf32>, vector<16xi1> -> vector<16xf32>
      %reduce_max3A_772 = vector.extract %reduce_max3A_771[15] : f32 from vector<16xf32>
      %reduce_max3A_773 = arith.constant true
      %reduce_max3A_774 = vector.broadcast %reduce_max3A_773 : i1 to vector<16xi1>
      %reduce_max3A_775 = tpu.scan <max>, %select_n3A_758 masked %reduce_max3A_774 : vector<16xf32>, vector<16xi1> -> vector<16xf32>
      %reduce_max3A_776 = vector.extract %reduce_max3A_775[15] : f32 from vector<16xf32>
      %max3A_777 = arith.maximumf %reduce_max3A_772, %reduce_max3A_776 : f32
      %reduce_max3A_778 = arith.constant true
      %reduce_max3A_779 = vector.broadcast %reduce_max3A_778 : i1 to vector<16xi1>
      %reduce_max3A_780 = tpu.scan <max>, %select_n3A_763 masked %reduce_max3A_779 : vector<16xf32>, vector<16xi1> -> vector<16xf32>
      %reduce_max3A_781 = vector.extract %reduce_max3A_780[15] : f32 from vector<16xf32>
      %max3A_782 = arith.maximumf %max3A_777, %reduce_max3A_781 : f32
      %reduce_max3A_783 = arith.constant true
      %reduce_max3A_784 = vector.broadcast %reduce_max3A_783 : i1 to vector<16xi1>
      %reduce_max3A_785 = tpu.scan <max>, %select_n3A_768 masked %reduce_max3A_784 : vector<16xf32>, vector<16xi1> -> vector<16xf32>
      %reduce_max3A_786 = vector.extract %reduce_max3A_785[15] : f32 from vector<16xf32>
      %max3A_787 = arith.maximumf %max3A_782, %reduce_max3A_786 : f32
      %eq3A_788 = vector.broadcast %max3A_787 : f32 to vector<16xf32>
      %eq3A_789 = arith.cmpf oeq, %select_n3A_753, %eq3A_788 : vector<16xf32>
      %jit3A_790 = arith.constant 2147483647 : i32
      %broadcast_in_dim3A_791 = vector.broadcast %jit3A_790 : i32 to vector<16xi32>
      %select_n3A_792 = arith.select %eq3A_789, %add3A_20, %broadcast_in_dim3A_791 : vector<16xi1>, vector<16xi32>
      %reduce_min3A_793 = arith.constant true
      %reduce_min3A_794 = vector.broadcast %reduce_min3A_793 : i1 to vector<16xi1>
      %reduce_min3A_795 = arith.constant -2147483648 : i32
      %reduce_min3A_796 = vector.broadcast %reduce_min3A_795 : i32 to vector<16xi32>
      %reduce_min3A_797 = arith.xori %select_n3A_792, %reduce_min3A_796 : vector<16xi32>
      %reduce_min3A_798 = tpu.scan <min>, %reduce_min3A_797 masked %reduce_min3A_794 : vector<16xi32>, vector<16xi1> -> vector<16xi32>
      %reduce_min3A_799 = arith.xori %reduce_min3A_798, %reduce_min3A_796 : vector<16xi32>
      %reduce_min3A_800 = vector.extract %reduce_min3A_799[15] : i32 from vector<16xi32>
      %min3A_801 = arith.constant 2147483647 : i32
      %min3A_802 = arith.minsi %min3A_801, %reduce_min3A_800 : i32
      %eq3A_803 = vector.broadcast %max3A_787 : f32 to vector<16xf32>
      %eq3A_804 = arith.cmpf oeq, %select_n3A_758, %eq3A_803 : vector<16xf32>
      %jit3A_805 = arith.constant 2147483647 : i32
      %broadcast_in_dim3A_806 = vector.broadcast %jit3A_805 : i32 to vector<16xi32>
      %select_n3A_807 = arith.select %eq3A_804, %add3A_23, %broadcast_in_dim3A_806 : vector<16xi1>, vector<16xi32>
      %reduce_min3A_808 = arith.constant true
      %reduce_min3A_809 = vector.broadcast %reduce_min3A_808 : i1 to vector<16xi1>
      %reduce_min3A_810 = arith.constant -2147483648 : i32
      %reduce_min3A_811 = vector.broadcast %reduce_min3A_810 : i32 to vector<16xi32>
      %reduce_min3A_812 = arith.xori %select_n3A_807, %reduce_min3A_811 : vector<16xi32>
      %reduce_min3A_813 = tpu.scan <min>, %reduce_min3A_812 masked %reduce_min3A_809 : vector<16xi32>, vector<16xi1> -> vector<16xi32>
      %reduce_min3A_814 = arith.xori %reduce_min3A_813, %reduce_min3A_811 : vector<16xi32>
      %reduce_min3A_815 = vector.extract %reduce_min3A_814[15] : i32 from vector<16xi32>
      %min3A_816 = arith.minsi %min3A_802, %reduce_min3A_815 : i32
      %eq3A_817 = vector.broadcast %max3A_787 : f32 to vector<16xf32>
      %eq3A_818 = arith.cmpf oeq, %select_n3A_763, %eq3A_817 : vector<16xf32>
      %jit3A_819 = arith.constant 2147483647 : i32
      %broadcast_in_dim3A_820 = vector.broadcast %jit3A_819 : i32 to vector<16xi32>
      %select_n3A_821 = arith.select %eq3A_818, %add3A_26, %broadcast_in_dim3A_820 : vector<16xi1>, vector<16xi32>
      %reduce_min3A_822 = arith.constant true
      %reduce_min3A_823 = vector.broadcast %reduce_min3A_822 : i1 to vector<16xi1>
      %reduce_min3A_824 = arith.constant -2147483648 : i32
      %reduce_min3A_825 = vector.broadcast %reduce_min3A_824 : i32 to vector<16xi32>
      %reduce_min3A_826 = arith.xori %select_n3A_821, %reduce_min3A_825 : vector<16xi32>
      %reduce_min3A_827 = tpu.scan <min>, %reduce_min3A_826 masked %reduce_min3A_823 : vector<16xi32>, vector<16xi1> -> vector<16xi32>
      %reduce_min3A_828 = arith.xori %reduce_min3A_827, %reduce_min3A_825 : vector<16xi32>
      %reduce_min3A_829 = vector.extract %reduce_min3A_828[15] : i32 from vector<16xi32>
      %min3A_830 = arith.minsi %min3A_816, %reduce_min3A_829 : i32
      %eq3A_831 = vector.broadcast %max3A_787 : f32 to vector<16xf32>
      %eq3A_832 = arith.cmpf oeq, %select_n3A_768, %eq3A_831 : vector<16xf32>
      %jit3A_833 = arith.constant 2147483647 : i32
      %broadcast_in_dim3A_834 = vector.broadcast %jit3A_833 : i32 to vector<16xi32>
      %select_n3A_835 = arith.select %eq3A_832, %add3A_29, %broadcast_in_dim3A_834 : vector<16xi1>, vector<16xi32>
      %reduce_min3A_836 = arith.constant true
      %reduce_min3A_837 = vector.broadcast %reduce_min3A_836 : i1 to vector<16xi1>
      %reduce_min3A_838 = arith.constant -2147483648 : i32
      %reduce_min3A_839 = vector.broadcast %reduce_min3A_838 : i32 to vector<16xi32>
      %reduce_min3A_840 = arith.xori %select_n3A_835, %reduce_min3A_839 : vector<16xi32>
      %reduce_min3A_841 = tpu.scan <min>, %reduce_min3A_840 masked %reduce_min3A_837 : vector<16xi32>, vector<16xi1> -> vector<16xi32>
      %reduce_min3A_842 = arith.xori %reduce_min3A_841, %reduce_min3A_839 : vector<16xi32>
      %reduce_min3A_843 = vector.extract %reduce_min3A_842[15] : i32 from vector<16xi32>
      %min3A_844 = arith.minsi %min3A_830, %reduce_min3A_843 : i32
      %eq3A_845 = arith.constant 7 : i32
      %eq3A_846 = vector.broadcast %eq3A_845 : i32 to vector<16xi32>
      %eq3A_847 = arith.cmpi eq, %iota3A, %eq3A_846 : vector<16xi32>
      %broadcast_in_dim3A_848 = vector.broadcast %max3A_787 : f32 to vector<16xf32>
      %select_n3A_849 = arith.select %eq3A_847, %broadcast_in_dim3A_848, %select_n3A_743 : vector<16xi1>, vector<16xf32>
      %eq3A_850 = arith.constant 7 : i32
      %eq3A_851 = vector.broadcast %eq3A_850 : i32 to vector<16xi32>
      %eq3A_852 = arith.cmpi eq, %iota3A, %eq3A_851 : vector<16xi32>
      %broadcast_in_dim3A_853 = vector.broadcast %min3A_844 : i32 to vector<16xi32>
      %select_n3A_854 = arith.select %eq3A_852, %broadcast_in_dim3A_853, %select_n3A_748 : vector<16xi1>, vector<16xi32>
      %eq3A_855 = vector.broadcast %min3A_844 : i32 to vector<16xi32>
      %eq3A_856 = arith.cmpi eq, %add3A_20, %eq3A_855 : vector<16xi32>
      %jit3A_857 = arith.constant -3.000000e+38 : f32
      %broadcast_in_dim3A_858 = vector.broadcast %jit3A_857 : f32 to vector<16xf32>
      %select_n3A_859 = arith.select %eq3A_856, %broadcast_in_dim3A_858, %select_n3A_753 : vector<16xi1>, vector<16xf32>
      %eq3A_860 = vector.broadcast %min3A_844 : i32 to vector<16xi32>
      %eq3A_861 = arith.cmpi eq, %add3A_23, %eq3A_860 : vector<16xi32>
      %jit3A_862 = arith.constant -3.000000e+38 : f32
      %broadcast_in_dim3A_863 = vector.broadcast %jit3A_862 : f32 to vector<16xf32>
      %select_n3A_864 = arith.select %eq3A_861, %broadcast_in_dim3A_863, %select_n3A_758 : vector<16xi1>, vector<16xf32>
      %eq3A_865 = vector.broadcast %min3A_844 : i32 to vector<16xi32>
      %eq3A_866 = arith.cmpi eq, %add3A_26, %eq3A_865 : vector<16xi32>
      %jit3A_867 = arith.constant -3.000000e+38 : f32
      %broadcast_in_dim3A_868 = vector.broadcast %jit3A_867 : f32 to vector<16xf32>
      %select_n3A_869 = arith.select %eq3A_866, %broadcast_in_dim3A_868, %select_n3A_763 : vector<16xi1>, vector<16xf32>
      %eq3A_870 = vector.broadcast %min3A_844 : i32 to vector<16xi32>
      %eq3A_871 = arith.cmpi eq, %add3A_29, %eq3A_870 : vector<16xi32>
      %jit3A_872 = arith.constant -3.000000e+38 : f32
      %broadcast_in_dim3A_873 = vector.broadcast %jit3A_872 : f32 to vector<16xf32>
      %select_n3A_874 = arith.select %eq3A_871, %broadcast_in_dim3A_873, %select_n3A_768 : vector<16xi1>, vector<16xf32>
      %reduce_max3A_875 = arith.constant true
      %reduce_max3A_876 = vector.broadcast %reduce_max3A_875 : i1 to vector<16xi1>
      %reduce_max3A_877 = tpu.scan <max>, %select_n3A_849 masked %reduce_max3A_876 : vector<16xf32>, vector<16xi1> -> vector<16xf32>
      %reduce_max3A_878 = vector.extract %reduce_max3A_877[15] : f32 from vector<16xf32>
      %lt3A = arith.constant 8 : i32
      %lt3A_879 = vector.broadcast %lt3A : i32 to vector<16xi32>
      %lt3A_880 = arith.cmpi slt, %iota3A, %lt3A_879 : vector<16xi32>
      %sub3A = vector.broadcast %reduce_max3A_878 : f32 to vector<16xf32>
      %sub3A_881 = arith.subf %select_n3A_849, %sub3A : vector<16xf32>
      %exp3A = math.exp %sub3A_881 : vector<16xf32>
      %jit3A_882 = arith.constant 0.000000e+00 : f32
      %broadcast_in_dim3A_883 = vector.broadcast %jit3A_882 : f32 to vector<16xf32>
      %select_n3A_884 = arith.select %lt3A_880, %exp3A, %broadcast_in_dim3A_883 : vector<16xi1>, vector<16xf32>
      %reduce_sum3A = arith.constant true
      %reduce_sum3A_885 = vector.broadcast %reduce_sum3A : i1 to vector<16xi1>
      %reduce_sum3A_886 = tpu.scan <sum>, %select_n3A_884 masked %reduce_sum3A_885 : vector<16xf32>, vector<16xi1> -> vector<16xf32>
      %reduce_sum3A_887 = vector.extract %reduce_sum3A_886[15] : f32 from vector<16xf32>
      %swap3A = arith.constant 0 : index
      %swap3A_888 = tpu.vector_load %arg9[%swap3A] {strides = array<i32>} : memref<16xi32, #tpu.memory_space<vmem>>, vector<16xi32>,
      tpu.vector_store %arg9[%swap3A], %select_n3A_854 {strides = array<i32>} : memref<16xi32, #tpu.memory_space<vmem>>, vector<16xi32>,
      %div3A = vector.broadcast %reduce_sum3A_887 : f32 to vector<16xf32>
      %div3A_889 = arith.divf %select_n3A_884, %div3A : vector<16xf32>
      %swap3A_890 = arith.constant 0 : index
      %swap3A_891 = tpu.vector_load %arg10[%swap3A_890] {strides = array<i32>} : memref<16xf32, #tpu.memory_space<vmem>>, vector<16xf32>,
      tpu.vector_store %arg10[%swap3A_890], %div3A_889 {strides = array<i32>} : memref<16xf32, #tpu.memory_space<vmem>>, vector<16xf32>,
      "tpu.region"() ({
        %run_scoped3A = tpu.sem_alloc : memref<!tpu.dma_semaphore, #tpu.memory_space<semaphore_mem>>
        tpu.enqueue_dma source(%arg9 : memref<16xi32, #tpu.memory_space<vmem>>) target(%arg6 : memref<16xi32, #tpu.memory_space<hbm>>) target_semaphore(%run_scoped3A : memref<!tpu.dma_semaphore, #tpu.memory_space<semaphore_mem>>)
        tpu.wait_dma2 semaphore(%run_scoped3A : memref<!tpu.dma_semaphore, #tpu.memory_space<semaphore_mem>>) src(%arg9 : memref<16xi32, #tpu.memory_space<vmem>>) dst(%arg6 : memref<16xi32, #tpu.memory_space<hbm>>)
        tpu.yield
      }) : () -> ()
      "tpu.region"() ({
        %run_scoped3A = tpu.sem_alloc : memref<!tpu.dma_semaphore, #tpu.memory_space<semaphore_mem>>
        tpu.enqueue_dma source(%arg10 : memref<16xf32, #tpu.memory_space<vmem>>) target(%arg7 : memref<16xf32, #tpu.memory_space<hbm>>) target_semaphore(%run_scoped3A : memref<!tpu.dma_semaphore, #tpu.memory_space<semaphore_mem>>)
        tpu.wait_dma2 semaphore(%run_scoped3A : memref<!tpu.dma_semaphore, #tpu.memory_space<semaphore_mem>>) src(%arg10 : memref<16xf32, #tpu.memory_space<vmem>>) dst(%arg7 : memref<16xf32, #tpu.memory_space<hbm>>)
        tpu.yield
      }) : () -> ()
    } else {
    }
    return
  }
}

module attributes {stable_mosaic.version = 14 : i64} {
  func.func @_ffn_body(%arg0: i32, %arg1: memref<16xi32, #tpu.memory_space<smem>>, %arg2: memref<16xi32, #tpu.memory_space<smem>>, %arg3: memref<1024x1024xf32, #tpu.memory_space<vmem>>, %arg4: memref<64x64x1024xf32, #tpu.memory_space<hbm>>, %arg5: memref<64x64x4096xf32, #tpu.memory_space<hbm>>, %arg6: memref<64x64x4096xf32, #tpu.memory_space<hbm>>, %arg7: memref<64x64x1024xf32, #tpu.memory_space<hbm>>, %arg8: memref<16xf32, #tpu.memory_space<smem>>, %arg9: memref<16xf32, #tpu.memory_space<smem>>, %arg10: memref<1024x1024xf32, #tpu.memory_space<vmem>>, %arg11: memref<8x64x1024xf32, #tpu.memory_space<vmem>>, %arg12: memref<8x64x4096xf32, #tpu.memory_space<vmem>>, %arg13: memref<8x64x4096xf32, #tpu.memory_space<vmem>>, %arg14: memref<8x64x1024xf32, #tpu.memory_space<vmem>>, %arg15: memref<512x1024xbf16, #tpu.memory_space<vmem>>, %arg16: memref<512x4096xbf16, #tpu.memory_space<vmem>>, %arg17: memref<512x4096xbf16, #tpu.memory_space<vmem>>, %arg18: memref<512x1024xbf16, #tpu.memory_space<vmem>>, %arg19: memref<!tpu.dma_semaphore, #tpu.memory_space<semaphore_mem>>) attributes {dimension_semantics = [#tpu.dimension_semantics<arbitrary>], iteration_bounds = array<i64: 4>, scalar_prefetch = 2 : i64, scratch_operands = 9 : i64, tpu.core_type = #tpu.core_type<tc>, window_params = [{transform_indices = @transform_0, window_bounds = array<i64: 1024, 1024>}, {}, {}, {}, {}, {transform_indices = @transform_5, window_bounds = array<i64: 16>}, {transform_indices = @transform_6, window_bounds = array<i64: 16>}, {transform_indices = @transform_7, window_bounds = array<i64: 1024, 1024>}]} {
    %eq3A = arith.constant 0 : i32
    %eq3A_0 = arith.cmpi eq, %arg0, %eq3A : i32
    %convert_element_type3A = arith.extui %eq3A_0 : i1 to i32
    %cond3A = arith.constant 0 : i32
    %cond3A_1 = arith.cmpi ne, %convert_element_type3A, %cond3A : i32
    scf.if %cond3A_1 {
      %get3A_42 = arith.constant 0 : index
      %get3A_43 = memref.load %arg1[%get3A_42] : memref<16xi32, #tpu.memory_space<smem>>
      %get3A_44 = arith.constant 0 : index
      %get3A_45 = memref.load %arg2[%get3A_44] : memref<16xi32, #tpu.memory_space<smem>>
      %get3A_46 = arith.constant 1 : index
      %get3A_47 = memref.load %arg1[%get3A_46] : memref<16xi32, #tpu.memory_space<smem>>
      %get3A_48 = arith.constant 1 : index
      %get3A_49 = memref.load %arg2[%get3A_48] : memref<16xi32, #tpu.memory_space<smem>>
      %get3A_50 = arith.constant 2 : index
      %get3A_51 = memref.load %arg1[%get3A_50] : memref<16xi32, #tpu.memory_space<smem>>
      %get3A_52 = arith.constant 2 : index
      %get3A_53 = memref.load %arg2[%get3A_52] : memref<16xi32, #tpu.memory_space<smem>>
      %get3A_54 = arith.constant 3 : index
      %get3A_55 = memref.load %arg1[%get3A_54] : memref<16xi32, #tpu.memory_space<smem>>
      %get3A_56 = arith.constant 3 : index
      %get3A_57 = memref.load %arg2[%get3A_56] : memref<16xi32, #tpu.memory_space<smem>>
      %get3A_58 = arith.constant 4 : index
      %get3A_59 = memref.load %arg1[%get3A_58] : memref<16xi32, #tpu.memory_space<smem>>
      %get3A_60 = arith.constant 4 : index
      %get3A_61 = memref.load %arg2[%get3A_60] : memref<16xi32, #tpu.memory_space<smem>>
      %get3A_62 = arith.constant 5 : index
      %get3A_63 = memref.load %arg1[%get3A_62] : memref<16xi32, #tpu.memory_space<smem>>
      %get3A_64 = arith.constant 5 : index
      %get3A_65 = memref.load %arg2[%get3A_64] : memref<16xi32, #tpu.memory_space<smem>>
      %get3A_66 = arith.constant 6 : index
      %get3A_67 = memref.load %arg1[%get3A_66] : memref<16xi32, #tpu.memory_space<smem>>
      %get3A_68 = arith.constant 6 : index
      %get3A_69 = memref.load %arg2[%get3A_68] : memref<16xi32, #tpu.memory_space<smem>>
      %get3A_70 = arith.constant 7 : index
      %get3A_71 = memref.load %arg1[%get3A_70] : memref<16xi32, #tpu.memory_space<smem>>
      %get3A_72 = arith.constant 7 : index
      %get3A_73 = memref.load %arg2[%get3A_72] : memref<16xi32, #tpu.memory_space<smem>>
      %dma_start3A = arith.constant 0 : i32
      %dma_start3A_74 = arith.constant 0 : i32
      %dma_start3A_75 = arith.constant 0 : i32
      %dma_start3A_76 = tpu.memref_slice %arg11[%dma_start3A, %dma_start3A_74, %dma_start3A_75] : memref<8x64x1024xf32, #tpu.memory_space<vmem>> -> memref<1x64x1024xf32, #tpu.memory_space<vmem>>
      %dma_start3A_77 = tpu.memref_squeeze %dma_start3A_76 : memref<1x64x1024xf32, #tpu.memory_space<vmem>> -> memref<64x1024xf32, #tpu.memory_space<vmem>>
      %dma_start3A_78 = arith.constant 0 : i32
      %dma_start3A_79 = arith.constant 0 : i32
      %dma_start3A_80 = tpu.memref_slice %arg4[%get3A_43, %dma_start3A_78, %dma_start3A_79] : memref<64x64x1024xf32, #tpu.memory_space<hbm>> -> memref<1x64x1024xf32, #tpu.memory_space<hbm>>
      %dma_start3A_81 = tpu.memref_squeeze %dma_start3A_80 : memref<1x64x1024xf32, #tpu.memory_space<hbm>> -> memref<64x1024xf32, #tpu.memory_space<hbm>>
      tpu.enqueue_dma source(%dma_start3A_81 : memref<64x1024xf32, #tpu.memory_space<hbm>>) target(%dma_start3A_77 : memref<64x1024xf32, #tpu.memory_space<vmem>>) target_semaphore(%arg19 : memref<!tpu.dma_semaphore, #tpu.memory_space<semaphore_mem>>)
      %dma_start3A_82 = arith.constant 0 : i32
      %dma_start3A_83 = arith.constant 0 : i32
      %dma_start3A_84 = arith.constant 0 : i32
      %dma_start3A_85 = tpu.memref_slice %arg12[%dma_start3A_82, %dma_start3A_83, %dma_start3A_84] : memref<8x64x4096xf32, #tpu.memory_space<vmem>> -> memref<1x64x4096xf32, #tpu.memory_space<vmem>>
      %dma_start3A_86 = tpu.memref_squeeze %dma_start3A_85 : memref<1x64x4096xf32, #tpu.memory_space<vmem>> -> memref<64x4096xf32, #tpu.memory_space<vmem>>
      %dma_start3A_87 = arith.constant 0 : i32
      %dma_start3A_88 = arith.constant 0 : i32
      %dma_start3A_89 = tpu.memref_slice %arg5[%get3A_43, %dma_start3A_87, %dma_start3A_88] : memref<64x64x4096xf32, #tpu.memory_space<hbm>> -> memref<1x64x4096xf32, #tpu.memory_space<hbm>>
      %dma_start3A_90 = tpu.memref_squeeze %dma_start3A_89 : memref<1x64x4096xf32, #tpu.memory_space<hbm>> -> memref<64x4096xf32, #tpu.memory_space<hbm>>
      tpu.enqueue_dma source(%dma_start3A_90 : memref<64x4096xf32, #tpu.memory_space<hbm>>) target(%dma_start3A_86 : memref<64x4096xf32, #tpu.memory_space<vmem>>) target_semaphore(%arg19 : memref<!tpu.dma_semaphore, #tpu.memory_space<semaphore_mem>>)
      %dma_start3A_91 = arith.constant 0 : i32
      %dma_start3A_92 = arith.constant 0 : i32
      %dma_start3A_93 = arith.constant 0 : i32
      %dma_start3A_94 = tpu.memref_slice %arg13[%dma_start3A_91, %dma_start3A_92, %dma_start3A_93] : memref<8x64x4096xf32, #tpu.memory_space<vmem>> -> memref<1x64x4096xf32, #tpu.memory_space<vmem>>
      %dma_start3A_95 = tpu.memref_squeeze %dma_start3A_94 : memref<1x64x4096xf32, #tpu.memory_space<vmem>> -> memref<64x4096xf32, #tpu.memory_space<vmem>>
      %dma_start3A_96 = arith.constant 0 : i32
      %dma_start3A_97 = arith.constant 0 : i32
      %dma_start3A_98 = tpu.memref_slice %arg6[%get3A_45, %dma_start3A_96, %dma_start3A_97] : memref<64x64x4096xf32, #tpu.memory_space<hbm>> -> memref<1x64x4096xf32, #tpu.memory_space<hbm>>
      %dma_start3A_99 = tpu.memref_squeeze %dma_start3A_98 : memref<1x64x4096xf32, #tpu.memory_space<hbm>> -> memref<64x4096xf32, #tpu.memory_space<hbm>>
      tpu.enqueue_dma source(%dma_start3A_99 : memref<64x4096xf32, #tpu.memory_space<hbm>>) target(%dma_start3A_95 : memref<64x4096xf32, #tpu.memory_space<vmem>>) target_semaphore(%arg19 : memref<!tpu.dma_semaphore, #tpu.memory_space<semaphore_mem>>)
      %dma_start3A_100 = arith.constant 0 : i32
      %dma_start3A_101 = arith.constant 0 : i32
      %dma_start3A_102 = arith.constant 0 : i32
      %dma_start3A_103 = tpu.memref_slice %arg14[%dma_start3A_100, %dma_start3A_101, %dma_start3A_102] : memref<8x64x1024xf32, #tpu.memory_space<vmem>> -> memref<1x64x1024xf32, #tpu.memory_space<vmem>>
      %dma_start3A_104 = tpu.memref_squeeze %dma_start3A_103 : memref<1x64x1024xf32, #tpu.memory_space<vmem>> -> memref<64x1024xf32, #tpu.memory_space<vmem>>
      %dma_start3A_105 = arith.constant 0 : i32
      %dma_start3A_106 = arith.constant 0 : i32
      %dma_start3A_107 = tpu.memref_slice %arg7[%get3A_45, %dma_start3A_105, %dma_start3A_106] : memref<64x64x1024xf32, #tpu.memory_space<hbm>> -> memref<1x64x1024xf32, #tpu.memory_space<hbm>>
      %dma_start3A_108 = tpu.memref_squeeze %dma_start3A_107 : memref<1x64x1024xf32, #tpu.memory_space<hbm>> -> memref<64x1024xf32, #tpu.memory_space<hbm>>
      tpu.enqueue_dma source(%dma_start3A_108 : memref<64x1024xf32, #tpu.memory_space<hbm>>) target(%dma_start3A_104 : memref<64x1024xf32, #tpu.memory_space<vmem>>) target_semaphore(%arg19 : memref<!tpu.dma_semaphore, #tpu.memory_space<semaphore_mem>>)
      %dma_start3A_109 = arith.constant 1 : i32
      %dma_start3A_110 = arith.constant 0 : i32
      %dma_start3A_111 = arith.constant 0 : i32
      %dma_start3A_112 = tpu.memref_slice %arg11[%dma_start3A_109, %dma_start3A_110, %dma_start3A_111] : memref<8x64x1024xf32, #tpu.memory_space<vmem>> -> memref<1x64x1024xf32, #tpu.memory_space<vmem>>
      %dma_start3A_113 = tpu.memref_squeeze %dma_start3A_112 : memref<1x64x1024xf32, #tpu.memory_space<vmem>> -> memref<64x1024xf32, #tpu.memory_space<vmem>>
      %dma_start3A_114 = arith.constant 0 : i32
      %dma_start3A_115 = arith.constant 0 : i32
      %dma_start3A_116 = tpu.memref_slice %arg4[%get3A_47, %dma_start3A_114, %dma_start3A_115] : memref<64x64x1024xf32, #tpu.memory_space<hbm>> -> memref<1x64x1024xf32, #tpu.memory_space<hbm>>
      %dma_start3A_117 = tpu.memref_squeeze %dma_start3A_116 : memref<1x64x1024xf32, #tpu.memory_space<hbm>> -> memref<64x1024xf32, #tpu.memory_space<hbm>>
      tpu.enqueue_dma source(%dma_start3A_117 : memref<64x1024xf32, #tpu.memory_space<hbm>>) target(%dma_start3A_113 : memref<64x1024xf32, #tpu.memory_space<vmem>>) target_semaphore(%arg19 : memref<!tpu.dma_semaphore, #tpu.memory_space<semaphore_mem>>)
      %dma_start3A_118 = arith.constant 1 : i32
      %dma_start3A_119 = arith.constant 0 : i32
      %dma_start3A_120 = arith.constant 0 : i32
      %dma_start3A_121 = tpu.memref_slice %arg12[%dma_start3A_118, %dma_start3A_119, %dma_start3A_120] : memref<8x64x4096xf32, #tpu.memory_space<vmem>> -> memref<1x64x4096xf32, #tpu.memory_space<vmem>>
      %dma_start3A_122 = tpu.memref_squeeze %dma_start3A_121 : memref<1x64x4096xf32, #tpu.memory_space<vmem>> -> memref<64x4096xf32, #tpu.memory_space<vmem>>
      %dma_start3A_123 = arith.constant 0 : i32
      %dma_start3A_124 = arith.constant 0 : i32
      %dma_start3A_125 = tpu.memref_slice %arg5[%get3A_47, %dma_start3A_123, %dma_start3A_124] : memref<64x64x4096xf32, #tpu.memory_space<hbm>> -> memref<1x64x4096xf32, #tpu.memory_space<hbm>>
      %dma_start3A_126 = tpu.memref_squeeze %dma_start3A_125 : memref<1x64x4096xf32, #tpu.memory_space<hbm>> -> memref<64x4096xf32, #tpu.memory_space<hbm>>
      tpu.enqueue_dma source(%dma_start3A_126 : memref<64x4096xf32, #tpu.memory_space<hbm>>) target(%dma_start3A_122 : memref<64x4096xf32, #tpu.memory_space<vmem>>) target_semaphore(%arg19 : memref<!tpu.dma_semaphore, #tpu.memory_space<semaphore_mem>>)
      %dma_start3A_127 = arith.constant 1 : i32
      %dma_start3A_128 = arith.constant 0 : i32
      %dma_start3A_129 = arith.constant 0 : i32
      %dma_start3A_130 = tpu.memref_slice %arg13[%dma_start3A_127, %dma_start3A_128, %dma_start3A_129] : memref<8x64x4096xf32, #tpu.memory_space<vmem>> -> memref<1x64x4096xf32, #tpu.memory_space<vmem>>
      %dma_start3A_131 = tpu.memref_squeeze %dma_start3A_130 : memref<1x64x4096xf32, #tpu.memory_space<vmem>> -> memref<64x4096xf32, #tpu.memory_space<vmem>>
      %dma_start3A_132 = arith.constant 0 : i32
      %dma_start3A_133 = arith.constant 0 : i32
      %dma_start3A_134 = tpu.memref_slice %arg6[%get3A_49, %dma_start3A_132, %dma_start3A_133] : memref<64x64x4096xf32, #tpu.memory_space<hbm>> -> memref<1x64x4096xf32, #tpu.memory_space<hbm>>
      %dma_start3A_135 = tpu.memref_squeeze %dma_start3A_134 : memref<1x64x4096xf32, #tpu.memory_space<hbm>> -> memref<64x4096xf32, #tpu.memory_space<hbm>>
      tpu.enqueue_dma source(%dma_start3A_135 : memref<64x4096xf32, #tpu.memory_space<hbm>>) target(%dma_start3A_131 : memref<64x4096xf32, #tpu.memory_space<vmem>>) target_semaphore(%arg19 : memref<!tpu.dma_semaphore, #tpu.memory_space<semaphore_mem>>)
      %dma_start3A_136 = arith.constant 1 : i32
      %dma_start3A_137 = arith.constant 0 : i32
      %dma_start3A_138 = arith.constant 0 : i32
      %dma_start3A_139 = tpu.memref_slice %arg14[%dma_start3A_136, %dma_start3A_137, %dma_start3A_138] : memref<8x64x1024xf32, #tpu.memory_space<vmem>> -> memref<1x64x1024xf32, #tpu.memory_space<vmem>>
      %dma_start3A_140 = tpu.memref_squeeze %dma_start3A_139 : memref<1x64x1024xf32, #tpu.memory_space<vmem>> -> memref<64x1024xf32, #tpu.memory_space<vmem>>
      %dma_start3A_141 = arith.constant 0 : i32
      %dma_start3A_142 = arith.constant 0 : i32
      %dma_start3A_143 = tpu.memref_slice %arg7[%get3A_49, %dma_start3A_141, %dma_start3A_142] : memref<64x64x1024xf32, #tpu.memory_space<hbm>> -> memref<1x64x1024xf32, #tpu.memory_space<hbm>>
      %dma_start3A_144 = tpu.memref_squeeze %dma_start3A_143 : memref<1x64x1024xf32, #tpu.memory_space<hbm>> -> memref<64x1024xf32, #tpu.memory_space<hbm>>
      tpu.enqueue_dma source(%dma_start3A_144 : memref<64x1024xf32, #tpu.memory_space<hbm>>) target(%dma_start3A_140 : memref<64x1024xf32, #tpu.memory_space<vmem>>) target_semaphore(%arg19 : memref<!tpu.dma_semaphore, #tpu.memory_space<semaphore_mem>>)
      %dma_start3A_145 = arith.constant 2 : i32
      %dma_start3A_146 = arith.constant 0 : i32
      %dma_start3A_147 = arith.constant 0 : i32
      %dma_start3A_148 = tpu.memref_slice %arg11[%dma_start3A_145, %dma_start3A_146, %dma_start3A_147] : memref<8x64x1024xf32, #tpu.memory_space<vmem>> -> memref<1x64x1024xf32, #tpu.memory_space<vmem>>
      %dma_start3A_149 = tpu.memref_squeeze %dma_start3A_148 : memref<1x64x1024xf32, #tpu.memory_space<vmem>> -> memref<64x1024xf32, #tpu.memory_space<vmem>>
      %dma_start3A_150 = arith.constant 0 : i32
      %dma_start3A_151 = arith.constant 0 : i32
      %dma_start3A_152 = tpu.memref_slice %arg4[%get3A_51, %dma_start3A_150, %dma_start3A_151] : memref<64x64x1024xf32, #tpu.memory_space<hbm>> -> memref<1x64x1024xf32, #tpu.memory_space<hbm>>
      %dma_start3A_153 = tpu.memref_squeeze %dma_start3A_152 : memref<1x64x1024xf32, #tpu.memory_space<hbm>> -> memref<64x1024xf32, #tpu.memory_space<hbm>>
      tpu.enqueue_dma source(%dma_start3A_153 : memref<64x1024xf32, #tpu.memory_space<hbm>>) target(%dma_start3A_149 : memref<64x1024xf32, #tpu.memory_space<vmem>>) target_semaphore(%arg19 : memref<!tpu.dma_semaphore, #tpu.memory_space<semaphore_mem>>)
      %dma_start3A_154 = arith.constant 2 : i32
      %dma_start3A_155 = arith.constant 0 : i32
      %dma_start3A_156 = arith.constant 0 : i32
      %dma_start3A_157 = tpu.memref_slice %arg12[%dma_start3A_154, %dma_start3A_155, %dma_start3A_156] : memref<8x64x4096xf32, #tpu.memory_space<vmem>> -> memref<1x64x4096xf32, #tpu.memory_space<vmem>>
      %dma_start3A_158 = tpu.memref_squeeze %dma_start3A_157 : memref<1x64x4096xf32, #tpu.memory_space<vmem>> -> memref<64x4096xf32, #tpu.memory_space<vmem>>
      %dma_start3A_159 = arith.constant 0 : i32
      %dma_start3A_160 = arith.constant 0 : i32
      %dma_start3A_161 = tpu.memref_slice %arg5[%get3A_51, %dma_start3A_159, %dma_start3A_160] : memref<64x64x4096xf32, #tpu.memory_space<hbm>> -> memref<1x64x4096xf32, #tpu.memory_space<hbm>>
      %dma_start3A_162 = tpu.memref_squeeze %dma_start3A_161 : memref<1x64x4096xf32, #tpu.memory_space<hbm>> -> memref<64x4096xf32, #tpu.memory_space<hbm>>
      tpu.enqueue_dma source(%dma_start3A_162 : memref<64x4096xf32, #tpu.memory_space<hbm>>) target(%dma_start3A_158 : memref<64x4096xf32, #tpu.memory_space<vmem>>) target_semaphore(%arg19 : memref<!tpu.dma_semaphore, #tpu.memory_space<semaphore_mem>>)
      %dma_start3A_163 = arith.constant 2 : i32
      %dma_start3A_164 = arith.constant 0 : i32
      %dma_start3A_165 = arith.constant 0 : i32
      %dma_start3A_166 = tpu.memref_slice %arg13[%dma_start3A_163, %dma_start3A_164, %dma_start3A_165] : memref<8x64x4096xf32, #tpu.memory_space<vmem>> -> memref<1x64x4096xf32, #tpu.memory_space<vmem>>
      %dma_start3A_167 = tpu.memref_squeeze %dma_start3A_166 : memref<1x64x4096xf32, #tpu.memory_space<vmem>> -> memref<64x4096xf32, #tpu.memory_space<vmem>>
      %dma_start3A_168 = arith.constant 0 : i32
      %dma_start3A_169 = arith.constant 0 : i32
      %dma_start3A_170 = tpu.memref_slice %arg6[%get3A_53, %dma_start3A_168, %dma_start3A_169] : memref<64x64x4096xf32, #tpu.memory_space<hbm>> -> memref<1x64x4096xf32, #tpu.memory_space<hbm>>
      %dma_start3A_171 = tpu.memref_squeeze %dma_start3A_170 : memref<1x64x4096xf32, #tpu.memory_space<hbm>> -> memref<64x4096xf32, #tpu.memory_space<hbm>>
      tpu.enqueue_dma source(%dma_start3A_171 : memref<64x4096xf32, #tpu.memory_space<hbm>>) target(%dma_start3A_167 : memref<64x4096xf32, #tpu.memory_space<vmem>>) target_semaphore(%arg19 : memref<!tpu.dma_semaphore, #tpu.memory_space<semaphore_mem>>)
      %dma_start3A_172 = arith.constant 2 : i32
      %dma_start3A_173 = arith.constant 0 : i32
      %dma_start3A_174 = arith.constant 0 : i32
      %dma_start3A_175 = tpu.memref_slice %arg14[%dma_start3A_172, %dma_start3A_173, %dma_start3A_174] : memref<8x64x1024xf32, #tpu.memory_space<vmem>> -> memref<1x64x1024xf32, #tpu.memory_space<vmem>>
      %dma_start3A_176 = tpu.memref_squeeze %dma_start3A_175 : memref<1x64x1024xf32, #tpu.memory_space<vmem>> -> memref<64x1024xf32, #tpu.memory_space<vmem>>
      %dma_start3A_177 = arith.constant 0 : i32
      %dma_start3A_178 = arith.constant 0 : i32
      %dma_start3A_179 = tpu.memref_slice %arg7[%get3A_53, %dma_start3A_177, %dma_start3A_178] : memref<64x64x1024xf32, #tpu.memory_space<hbm>> -> memref<1x64x1024xf32, #tpu.memory_space<hbm>>
      %dma_start3A_180 = tpu.memref_squeeze %dma_start3A_179 : memref<1x64x1024xf32, #tpu.memory_space<hbm>> -> memref<64x1024xf32, #tpu.memory_space<hbm>>
      tpu.enqueue_dma source(%dma_start3A_180 : memref<64x1024xf32, #tpu.memory_space<hbm>>) target(%dma_start3A_176 : memref<64x1024xf32, #tpu.memory_space<vmem>>) target_semaphore(%arg19 : memref<!tpu.dma_semaphore, #tpu.memory_space<semaphore_mem>>)
      %dma_start3A_181 = arith.constant 3 : i32
      %dma_start3A_182 = arith.constant 0 : i32
      %dma_start3A_183 = arith.constant 0 : i32
      %dma_start3A_184 = tpu.memref_slice %arg11[%dma_start3A_181, %dma_start3A_182, %dma_start3A_183] : memref<8x64x1024xf32, #tpu.memory_space<vmem>> -> memref<1x64x1024xf32, #tpu.memory_space<vmem>>
      %dma_start3A_185 = tpu.memref_squeeze %dma_start3A_184 : memref<1x64x1024xf32, #tpu.memory_space<vmem>> -> memref<64x1024xf32, #tpu.memory_space<vmem>>
      %dma_start3A_186 = arith.constant 0 : i32
      %dma_start3A_187 = arith.constant 0 : i32
      %dma_start3A_188 = tpu.memref_slice %arg4[%get3A_55, %dma_start3A_186, %dma_start3A_187] : memref<64x64x1024xf32, #tpu.memory_space<hbm>> -> memref<1x64x1024xf32, #tpu.memory_space<hbm>>
      %dma_start3A_189 = tpu.memref_squeeze %dma_start3A_188 : memref<1x64x1024xf32, #tpu.memory_space<hbm>> -> memref<64x1024xf32, #tpu.memory_space<hbm>>
      tpu.enqueue_dma source(%dma_start3A_189 : memref<64x1024xf32, #tpu.memory_space<hbm>>) target(%dma_start3A_185 : memref<64x1024xf32, #tpu.memory_space<vmem>>) target_semaphore(%arg19 : memref<!tpu.dma_semaphore, #tpu.memory_space<semaphore_mem>>)
      %dma_start3A_190 = arith.constant 3 : i32
      %dma_start3A_191 = arith.constant 0 : i32
      %dma_start3A_192 = arith.constant 0 : i32
      %dma_start3A_193 = tpu.memref_slice %arg12[%dma_start3A_190, %dma_start3A_191, %dma_start3A_192] : memref<8x64x4096xf32, #tpu.memory_space<vmem>> -> memref<1x64x4096xf32, #tpu.memory_space<vmem>>
      %dma_start3A_194 = tpu.memref_squeeze %dma_start3A_193 : memref<1x64x4096xf32, #tpu.memory_space<vmem>> -> memref<64x4096xf32, #tpu.memory_space<vmem>>
      %dma_start3A_195 = arith.constant 0 : i32
      %dma_start3A_196 = arith.constant 0 : i32
      %dma_start3A_197 = tpu.memref_slice %arg5[%get3A_55, %dma_start3A_195, %dma_start3A_196] : memref<64x64x4096xf32, #tpu.memory_space<hbm>> -> memref<1x64x4096xf32, #tpu.memory_space<hbm>>
      %dma_start3A_198 = tpu.memref_squeeze %dma_start3A_197 : memref<1x64x4096xf32, #tpu.memory_space<hbm>> -> memref<64x4096xf32, #tpu.memory_space<hbm>>
      tpu.enqueue_dma source(%dma_start3A_198 : memref<64x4096xf32, #tpu.memory_space<hbm>>) target(%dma_start3A_194 : memref<64x4096xf32, #tpu.memory_space<vmem>>) target_semaphore(%arg19 : memref<!tpu.dma_semaphore, #tpu.memory_space<semaphore_mem>>)
      %dma_start3A_199 = arith.constant 3 : i32
      %dma_start3A_200 = arith.constant 0 : i32
      %dma_start3A_201 = arith.constant 0 : i32
      %dma_start3A_202 = tpu.memref_slice %arg13[%dma_start3A_199, %dma_start3A_200, %dma_start3A_201] : memref<8x64x4096xf32, #tpu.memory_space<vmem>> -> memref<1x64x4096xf32, #tpu.memory_space<vmem>>
      %dma_start3A_203 = tpu.memref_squeeze %dma_start3A_202 : memref<1x64x4096xf32, #tpu.memory_space<vmem>> -> memref<64x4096xf32, #tpu.memory_space<vmem>>
      %dma_start3A_204 = arith.constant 0 : i32
      %dma_start3A_205 = arith.constant 0 : i32
      %dma_start3A_206 = tpu.memref_slice %arg6[%get3A_57, %dma_start3A_204, %dma_start3A_205] : memref<64x64x4096xf32, #tpu.memory_space<hbm>> -> memref<1x64x4096xf32, #tpu.memory_space<hbm>>
      %dma_start3A_207 = tpu.memref_squeeze %dma_start3A_206 : memref<1x64x4096xf32, #tpu.memory_space<hbm>> -> memref<64x4096xf32, #tpu.memory_space<hbm>>
      tpu.enqueue_dma source(%dma_start3A_207 : memref<64x4096xf32, #tpu.memory_space<hbm>>) target(%dma_start3A_203 : memref<64x4096xf32, #tpu.memory_space<vmem>>) target_semaphore(%arg19 : memref<!tpu.dma_semaphore, #tpu.memory_space<semaphore_mem>>)
      %dma_start3A_208 = arith.constant 3 : i32
      %dma_start3A_209 = arith.constant 0 : i32
      %dma_start3A_210 = arith.constant 0 : i32
      %dma_start3A_211 = tpu.memref_slice %arg14[%dma_start3A_208, %dma_start3A_209, %dma_start3A_210] : memref<8x64x1024xf32, #tpu.memory_space<vmem>> -> memref<1x64x1024xf32, #tpu.memory_space<vmem>>
      %dma_start3A_212 = tpu.memref_squeeze %dma_start3A_211 : memref<1x64x1024xf32, #tpu.memory_space<vmem>> -> memref<64x1024xf32, #tpu.memory_space<vmem>>
      %dma_start3A_213 = arith.constant 0 : i32
      %dma_start3A_214 = arith.constant 0 : i32
      %dma_start3A_215 = tpu.memref_slice %arg7[%get3A_57, %dma_start3A_213, %dma_start3A_214] : memref<64x64x1024xf32, #tpu.memory_space<hbm>> -> memref<1x64x1024xf32, #tpu.memory_space<hbm>>
      %dma_start3A_216 = tpu.memref_squeeze %dma_start3A_215 : memref<1x64x1024xf32, #tpu.memory_space<hbm>> -> memref<64x1024xf32, #tpu.memory_space<hbm>>
      tpu.enqueue_dma source(%dma_start3A_216 : memref<64x1024xf32, #tpu.memory_space<hbm>>) target(%dma_start3A_212 : memref<64x1024xf32, #tpu.memory_space<vmem>>) target_semaphore(%arg19 : memref<!tpu.dma_semaphore, #tpu.memory_space<semaphore_mem>>)
      %dma_start3A_217 = arith.constant 4 : i32
      %dma_start3A_218 = arith.constant 0 : i32
      %dma_start3A_219 = arith.constant 0 : i32
      %dma_start3A_220 = tpu.memref_slice %arg11[%dma_start3A_217, %dma_start3A_218, %dma_start3A_219] : memref<8x64x1024xf32, #tpu.memory_space<vmem>> -> memref<1x64x1024xf32, #tpu.memory_space<vmem>>
      %dma_start3A_221 = tpu.memref_squeeze %dma_start3A_220 : memref<1x64x1024xf32, #tpu.memory_space<vmem>> -> memref<64x1024xf32, #tpu.memory_space<vmem>>
      %dma_start3A_222 = arith.constant 0 : i32
      %dma_start3A_223 = arith.constant 0 : i32
      %dma_start3A_224 = tpu.memref_slice %arg4[%get3A_59, %dma_start3A_222, %dma_start3A_223] : memref<64x64x1024xf32, #tpu.memory_space<hbm>> -> memref<1x64x1024xf32, #tpu.memory_space<hbm>>
      %dma_start3A_225 = tpu.memref_squeeze %dma_start3A_224 : memref<1x64x1024xf32, #tpu.memory_space<hbm>> -> memref<64x1024xf32, #tpu.memory_space<hbm>>
      tpu.enqueue_dma source(%dma_start3A_225 : memref<64x1024xf32, #tpu.memory_space<hbm>>) target(%dma_start3A_221 : memref<64x1024xf32, #tpu.memory_space<vmem>>) target_semaphore(%arg19 : memref<!tpu.dma_semaphore, #tpu.memory_space<semaphore_mem>>)
      %dma_start3A_226 = arith.constant 4 : i32
      %dma_start3A_227 = arith.constant 0 : i32
      %dma_start3A_228 = arith.constant 0 : i32
      %dma_start3A_229 = tpu.memref_slice %arg12[%dma_start3A_226, %dma_start3A_227, %dma_start3A_228] : memref<8x64x4096xf32, #tpu.memory_space<vmem>> -> memref<1x64x4096xf32, #tpu.memory_space<vmem>>
      %dma_start3A_230 = tpu.memref_squeeze %dma_start3A_229 : memref<1x64x4096xf32, #tpu.memory_space<vmem>> -> memref<64x4096xf32, #tpu.memory_space<vmem>>
      %dma_start3A_231 = arith.constant 0 : i32
      %dma_start3A_232 = arith.constant 0 : i32
      %dma_start3A_233 = tpu.memref_slice %arg5[%get3A_59, %dma_start3A_231, %dma_start3A_232] : memref<64x64x4096xf32, #tpu.memory_space<hbm>> -> memref<1x64x4096xf32, #tpu.memory_space<hbm>>
      %dma_start3A_234 = tpu.memref_squeeze %dma_start3A_233 : memref<1x64x4096xf32, #tpu.memory_space<hbm>> -> memref<64x4096xf32, #tpu.memory_space<hbm>>
      tpu.enqueue_dma source(%dma_start3A_234 : memref<64x4096xf32, #tpu.memory_space<hbm>>) target(%dma_start3A_230 : memref<64x4096xf32, #tpu.memory_space<vmem>>) target_semaphore(%arg19 : memref<!tpu.dma_semaphore, #tpu.memory_space<semaphore_mem>>)
      %dma_start3A_235 = arith.constant 4 : i32
      %dma_start3A_236 = arith.constant 0 : i32
      %dma_start3A_237 = arith.constant 0 : i32
      %dma_start3A_238 = tpu.memref_slice %arg13[%dma_start3A_235, %dma_start3A_236, %dma_start3A_237] : memref<8x64x4096xf32, #tpu.memory_space<vmem>> -> memref<1x64x4096xf32, #tpu.memory_space<vmem>>
      %dma_start3A_239 = tpu.memref_squeeze %dma_start3A_238 : memref<1x64x4096xf32, #tpu.memory_space<vmem>> -> memref<64x4096xf32, #tpu.memory_space<vmem>>
      %dma_start3A_240 = arith.constant 0 : i32
      %dma_start3A_241 = arith.constant 0 : i32
      %dma_start3A_242 = tpu.memref_slice %arg6[%get3A_61, %dma_start3A_240, %dma_start3A_241] : memref<64x64x4096xf32, #tpu.memory_space<hbm>> -> memref<1x64x4096xf32, #tpu.memory_space<hbm>>
      %dma_start3A_243 = tpu.memref_squeeze %dma_start3A_242 : memref<1x64x4096xf32, #tpu.memory_space<hbm>> -> memref<64x4096xf32, #tpu.memory_space<hbm>>
      tpu.enqueue_dma source(%dma_start3A_243 : memref<64x4096xf32, #tpu.memory_space<hbm>>) target(%dma_start3A_239 : memref<64x4096xf32, #tpu.memory_space<vmem>>) target_semaphore(%arg19 : memref<!tpu.dma_semaphore, #tpu.memory_space<semaphore_mem>>)
      %dma_start3A_244 = arith.constant 4 : i32
      %dma_start3A_245 = arith.constant 0 : i32
      %dma_start3A_246 = arith.constant 0 : i32
      %dma_start3A_247 = tpu.memref_slice %arg14[%dma_start3A_244, %dma_start3A_245, %dma_start3A_246] : memref<8x64x1024xf32, #tpu.memory_space<vmem>> -> memref<1x64x1024xf32, #tpu.memory_space<vmem>>
      %dma_start3A_248 = tpu.memref_squeeze %dma_start3A_247 : memref<1x64x1024xf32, #tpu.memory_space<vmem>> -> memref<64x1024xf32, #tpu.memory_space<vmem>>
      %dma_start3A_249 = arith.constant 0 : i32
      %dma_start3A_250 = arith.constant 0 : i32
      %dma_start3A_251 = tpu.memref_slice %arg7[%get3A_61, %dma_start3A_249, %dma_start3A_250] : memref<64x64x1024xf32, #tpu.memory_space<hbm>> -> memref<1x64x1024xf32, #tpu.memory_space<hbm>>
      %dma_start3A_252 = tpu.memref_squeeze %dma_start3A_251 : memref<1x64x1024xf32, #tpu.memory_space<hbm>> -> memref<64x1024xf32, #tpu.memory_space<hbm>>
      tpu.enqueue_dma source(%dma_start3A_252 : memref<64x1024xf32, #tpu.memory_space<hbm>>) target(%dma_start3A_248 : memref<64x1024xf32, #tpu.memory_space<vmem>>) target_semaphore(%arg19 : memref<!tpu.dma_semaphore, #tpu.memory_space<semaphore_mem>>)
      %dma_start3A_253 = arith.constant 5 : i32
      %dma_start3A_254 = arith.constant 0 : i32
      %dma_start3A_255 = arith.constant 0 : i32
      %dma_start3A_256 = tpu.memref_slice %arg11[%dma_start3A_253, %dma_start3A_254, %dma_start3A_255] : memref<8x64x1024xf32, #tpu.memory_space<vmem>> -> memref<1x64x1024xf32, #tpu.memory_space<vmem>>
      %dma_start3A_257 = tpu.memref_squeeze %dma_start3A_256 : memref<1x64x1024xf32, #tpu.memory_space<vmem>> -> memref<64x1024xf32, #tpu.memory_space<vmem>>
      %dma_start3A_258 = arith.constant 0 : i32
      %dma_start3A_259 = arith.constant 0 : i32
      %dma_start3A_260 = tpu.memref_slice %arg4[%get3A_63, %dma_start3A_258, %dma_start3A_259] : memref<64x64x1024xf32, #tpu.memory_space<hbm>> -> memref<1x64x1024xf32, #tpu.memory_space<hbm>>
      %dma_start3A_261 = tpu.memref_squeeze %dma_start3A_260 : memref<1x64x1024xf32, #tpu.memory_space<hbm>> -> memref<64x1024xf32, #tpu.memory_space<hbm>>
      tpu.enqueue_dma source(%dma_start3A_261 : memref<64x1024xf32, #tpu.memory_space<hbm>>) target(%dma_start3A_257 : memref<64x1024xf32, #tpu.memory_space<vmem>>) target_semaphore(%arg19 : memref<!tpu.dma_semaphore, #tpu.memory_space<semaphore_mem>>)
      %dma_start3A_262 = arith.constant 5 : i32
      %dma_start3A_263 = arith.constant 0 : i32
      %dma_start3A_264 = arith.constant 0 : i32
      %dma_start3A_265 = tpu.memref_slice %arg12[%dma_start3A_262, %dma_start3A_263, %dma_start3A_264] : memref<8x64x4096xf32, #tpu.memory_space<vmem>> -> memref<1x64x4096xf32, #tpu.memory_space<vmem>>
      %dma_start3A_266 = tpu.memref_squeeze %dma_start3A_265 : memref<1x64x4096xf32, #tpu.memory_space<vmem>> -> memref<64x4096xf32, #tpu.memory_space<vmem>>
      %dma_start3A_267 = arith.constant 0 : i32
      %dma_start3A_268 = arith.constant 0 : i32
      %dma_start3A_269 = tpu.memref_slice %arg5[%get3A_63, %dma_start3A_267, %dma_start3A_268] : memref<64x64x4096xf32, #tpu.memory_space<hbm>> -> memref<1x64x4096xf32, #tpu.memory_space<hbm>>
      %dma_start3A_270 = tpu.memref_squeeze %dma_start3A_269 : memref<1x64x4096xf32, #tpu.memory_space<hbm>> -> memref<64x4096xf32, #tpu.memory_space<hbm>>
      tpu.enqueue_dma source(%dma_start3A_270 : memref<64x4096xf32, #tpu.memory_space<hbm>>) target(%dma_start3A_266 : memref<64x4096xf32, #tpu.memory_space<vmem>>) target_semaphore(%arg19 : memref<!tpu.dma_semaphore, #tpu.memory_space<semaphore_mem>>)
      %dma_start3A_271 = arith.constant 5 : i32
      %dma_start3A_272 = arith.constant 0 : i32
      %dma_start3A_273 = arith.constant 0 : i32
      %dma_start3A_274 = tpu.memref_slice %arg13[%dma_start3A_271, %dma_start3A_272, %dma_start3A_273] : memref<8x64x4096xf32, #tpu.memory_space<vmem>> -> memref<1x64x4096xf32, #tpu.memory_space<vmem>>
      %dma_start3A_275 = tpu.memref_squeeze %dma_start3A_274 : memref<1x64x4096xf32, #tpu.memory_space<vmem>> -> memref<64x4096xf32, #tpu.memory_space<vmem>>
      %dma_start3A_276 = arith.constant 0 : i32
      %dma_start3A_277 = arith.constant 0 : i32
      %dma_start3A_278 = tpu.memref_slice %arg6[%get3A_65, %dma_start3A_276, %dma_start3A_277] : memref<64x64x4096xf32, #tpu.memory_space<hbm>> -> memref<1x64x4096xf32, #tpu.memory_space<hbm>>
      %dma_start3A_279 = tpu.memref_squeeze %dma_start3A_278 : memref<1x64x4096xf32, #tpu.memory_space<hbm>> -> memref<64x4096xf32, #tpu.memory_space<hbm>>
      tpu.enqueue_dma source(%dma_start3A_279 : memref<64x4096xf32, #tpu.memory_space<hbm>>) target(%dma_start3A_275 : memref<64x4096xf32, #tpu.memory_space<vmem>>) target_semaphore(%arg19 : memref<!tpu.dma_semaphore, #tpu.memory_space<semaphore_mem>>)
      %dma_start3A_280 = arith.constant 5 : i32
      %dma_start3A_281 = arith.constant 0 : i32
      %dma_start3A_282 = arith.constant 0 : i32
      %dma_start3A_283 = tpu.memref_slice %arg14[%dma_start3A_280, %dma_start3A_281, %dma_start3A_282] : memref<8x64x1024xf32, #tpu.memory_space<vmem>> -> memref<1x64x1024xf32, #tpu.memory_space<vmem>>
      %dma_start3A_284 = tpu.memref_squeeze %dma_start3A_283 : memref<1x64x1024xf32, #tpu.memory_space<vmem>> -> memref<64x1024xf32, #tpu.memory_space<vmem>>
      %dma_start3A_285 = arith.constant 0 : i32
      %dma_start3A_286 = arith.constant 0 : i32
      %dma_start3A_287 = tpu.memref_slice %arg7[%get3A_65, %dma_start3A_285, %dma_start3A_286] : memref<64x64x1024xf32, #tpu.memory_space<hbm>> -> memref<1x64x1024xf32, #tpu.memory_space<hbm>>
      %dma_start3A_288 = tpu.memref_squeeze %dma_start3A_287 : memref<1x64x1024xf32, #tpu.memory_space<hbm>> -> memref<64x1024xf32, #tpu.memory_space<hbm>>
      tpu.enqueue_dma source(%dma_start3A_288 : memref<64x1024xf32, #tpu.memory_space<hbm>>) target(%dma_start3A_284 : memref<64x1024xf32, #tpu.memory_space<vmem>>) target_semaphore(%arg19 : memref<!tpu.dma_semaphore, #tpu.memory_space<semaphore_mem>>)
      %dma_start3A_289 = arith.constant 6 : i32
      %dma_start3A_290 = arith.constant 0 : i32
      %dma_start3A_291 = arith.constant 0 : i32
      %dma_start3A_292 = tpu.memref_slice %arg11[%dma_start3A_289, %dma_start3A_290, %dma_start3A_291] : memref<8x64x1024xf32, #tpu.memory_space<vmem>> -> memref<1x64x1024xf32, #tpu.memory_space<vmem>>
      %dma_start3A_293 = tpu.memref_squeeze %dma_start3A_292 : memref<1x64x1024xf32, #tpu.memory_space<vmem>> -> memref<64x1024xf32, #tpu.memory_space<vmem>>
      %dma_start3A_294 = arith.constant 0 : i32
      %dma_start3A_295 = arith.constant 0 : i32
      %dma_start3A_296 = tpu.memref_slice %arg4[%get3A_67, %dma_start3A_294, %dma_start3A_295] : memref<64x64x1024xf32, #tpu.memory_space<hbm>> -> memref<1x64x1024xf32, #tpu.memory_space<hbm>>
      %dma_start3A_297 = tpu.memref_squeeze %dma_start3A_296 : memref<1x64x1024xf32, #tpu.memory_space<hbm>> -> memref<64x1024xf32, #tpu.memory_space<hbm>>
      tpu.enqueue_dma source(%dma_start3A_297 : memref<64x1024xf32, #tpu.memory_space<hbm>>) target(%dma_start3A_293 : memref<64x1024xf32, #tpu.memory_space<vmem>>) target_semaphore(%arg19 : memref<!tpu.dma_semaphore, #tpu.memory_space<semaphore_mem>>)
      %dma_start3A_298 = arith.constant 6 : i32
      %dma_start3A_299 = arith.constant 0 : i32
      %dma_start3A_300 = arith.constant 0 : i32
      %dma_start3A_301 = tpu.memref_slice %arg12[%dma_start3A_298, %dma_start3A_299, %dma_start3A_300] : memref<8x64x4096xf32, #tpu.memory_space<vmem>> -> memref<1x64x4096xf32, #tpu.memory_space<vmem>>
      %dma_start3A_302 = tpu.memref_squeeze %dma_start3A_301 : memref<1x64x4096xf32, #tpu.memory_space<vmem>> -> memref<64x4096xf32, #tpu.memory_space<vmem>>
      %dma_start3A_303 = arith.constant 0 : i32
      %dma_start3A_304 = arith.constant 0 : i32
      %dma_start3A_305 = tpu.memref_slice %arg5[%get3A_67, %dma_start3A_303, %dma_start3A_304] : memref<64x64x4096xf32, #tpu.memory_space<hbm>> -> memref<1x64x4096xf32, #tpu.memory_space<hbm>>
      %dma_start3A_306 = tpu.memref_squeeze %dma_start3A_305 : memref<1x64x4096xf32, #tpu.memory_space<hbm>> -> memref<64x4096xf32, #tpu.memory_space<hbm>>
      tpu.enqueue_dma source(%dma_start3A_306 : memref<64x4096xf32, #tpu.memory_space<hbm>>) target(%dma_start3A_302 : memref<64x4096xf32, #tpu.memory_space<vmem>>) target_semaphore(%arg19 : memref<!tpu.dma_semaphore, #tpu.memory_space<semaphore_mem>>)
      %dma_start3A_307 = arith.constant 6 : i32
      %dma_start3A_308 = arith.constant 0 : i32
      %dma_start3A_309 = arith.constant 0 : i32
      %dma_start3A_310 = tpu.memref_slice %arg13[%dma_start3A_307, %dma_start3A_308, %dma_start3A_309] : memref<8x64x4096xf32, #tpu.memory_space<vmem>> -> memref<1x64x4096xf32, #tpu.memory_space<vmem>>
      %dma_start3A_311 = tpu.memref_squeeze %dma_start3A_310 : memref<1x64x4096xf32, #tpu.memory_space<vmem>> -> memref<64x4096xf32, #tpu.memory_space<vmem>>
      %dma_start3A_312 = arith.constant 0 : i32
      %dma_start3A_313 = arith.constant 0 : i32
      %dma_start3A_314 = tpu.memref_slice %arg6[%get3A_69, %dma_start3A_312, %dma_start3A_313] : memref<64x64x4096xf32, #tpu.memory_space<hbm>> -> memref<1x64x4096xf32, #tpu.memory_space<hbm>>
      %dma_start3A_315 = tpu.memref_squeeze %dma_start3A_314 : memref<1x64x4096xf32, #tpu.memory_space<hbm>> -> memref<64x4096xf32, #tpu.memory_space<hbm>>
      tpu.enqueue_dma source(%dma_start3A_315 : memref<64x4096xf32, #tpu.memory_space<hbm>>) target(%dma_start3A_311 : memref<64x4096xf32, #tpu.memory_space<vmem>>) target_semaphore(%arg19 : memref<!tpu.dma_semaphore, #tpu.memory_space<semaphore_mem>>)
      %dma_start3A_316 = arith.constant 6 : i32
      %dma_start3A_317 = arith.constant 0 : i32
      %dma_start3A_318 = arith.constant 0 : i32
      %dma_start3A_319 = tpu.memref_slice %arg14[%dma_start3A_316, %dma_start3A_317, %dma_start3A_318] : memref<8x64x1024xf32, #tpu.memory_space<vmem>> -> memref<1x64x1024xf32, #tpu.memory_space<vmem>>
      %dma_start3A_320 = tpu.memref_squeeze %dma_start3A_319 : memref<1x64x1024xf32, #tpu.memory_space<vmem>> -> memref<64x1024xf32, #tpu.memory_space<vmem>>
      %dma_start3A_321 = arith.constant 0 : i32
      %dma_start3A_322 = arith.constant 0 : i32
      %dma_start3A_323 = tpu.memref_slice %arg7[%get3A_69, %dma_start3A_321, %dma_start3A_322] : memref<64x64x1024xf32, #tpu.memory_space<hbm>> -> memref<1x64x1024xf32, #tpu.memory_space<hbm>>
      %dma_start3A_324 = tpu.memref_squeeze %dma_start3A_323 : memref<1x64x1024xf32, #tpu.memory_space<hbm>> -> memref<64x1024xf32, #tpu.memory_space<hbm>>
      tpu.enqueue_dma source(%dma_start3A_324 : memref<64x1024xf32, #tpu.memory_space<hbm>>) target(%dma_start3A_320 : memref<64x1024xf32, #tpu.memory_space<vmem>>) target_semaphore(%arg19 : memref<!tpu.dma_semaphore, #tpu.memory_space<semaphore_mem>>)
      %dma_start3A_325 = arith.constant 7 : i32
      %dma_start3A_326 = arith.constant 0 : i32
      %dma_start3A_327 = arith.constant 0 : i32
      %dma_start3A_328 = tpu.memref_slice %arg11[%dma_start3A_325, %dma_start3A_326, %dma_start3A_327] : memref<8x64x1024xf32, #tpu.memory_space<vmem>> -> memref<1x64x1024xf32, #tpu.memory_space<vmem>>
      %dma_start3A_329 = tpu.memref_squeeze %dma_start3A_328 : memref<1x64x1024xf32, #tpu.memory_space<vmem>> -> memref<64x1024xf32, #tpu.memory_space<vmem>>
      %dma_start3A_330 = arith.constant 0 : i32
      %dma_start3A_331 = arith.constant 0 : i32
      %dma_start3A_332 = tpu.memref_slice %arg4[%get3A_71, %dma_start3A_330, %dma_start3A_331] : memref<64x64x1024xf32, #tpu.memory_space<hbm>> -> memref<1x64x1024xf32, #tpu.memory_space<hbm>>
      %dma_start3A_333 = tpu.memref_squeeze %dma_start3A_332 : memref<1x64x1024xf32, #tpu.memory_space<hbm>> -> memref<64x1024xf32, #tpu.memory_space<hbm>>
      tpu.enqueue_dma source(%dma_start3A_333 : memref<64x1024xf32, #tpu.memory_space<hbm>>) target(%dma_start3A_329 : memref<64x1024xf32, #tpu.memory_space<vmem>>) target_semaphore(%arg19 : memref<!tpu.dma_semaphore, #tpu.memory_space<semaphore_mem>>)
      %dma_start3A_334 = arith.constant 7 : i32
      %dma_start3A_335 = arith.constant 0 : i32
      %dma_start3A_336 = arith.constant 0 : i32
      %dma_start3A_337 = tpu.memref_slice %arg12[%dma_start3A_334, %dma_start3A_335, %dma_start3A_336] : memref<8x64x4096xf32, #tpu.memory_space<vmem>> -> memref<1x64x4096xf32, #tpu.memory_space<vmem>>
      %dma_start3A_338 = tpu.memref_squeeze %dma_start3A_337 : memref<1x64x4096xf32, #tpu.memory_space<vmem>> -> memref<64x4096xf32, #tpu.memory_space<vmem>>
      %dma_start3A_339 = arith.constant 0 : i32
      %dma_start3A_340 = arith.constant 0 : i32
      %dma_start3A_341 = tpu.memref_slice %arg5[%get3A_71, %dma_start3A_339, %dma_start3A_340] : memref<64x64x4096xf32, #tpu.memory_space<hbm>> -> memref<1x64x4096xf32, #tpu.memory_space<hbm>>
      %dma_start3A_342 = tpu.memref_squeeze %dma_start3A_341 : memref<1x64x4096xf32, #tpu.memory_space<hbm>> -> memref<64x4096xf32, #tpu.memory_space<hbm>>
      tpu.enqueue_dma source(%dma_start3A_342 : memref<64x4096xf32, #tpu.memory_space<hbm>>) target(%dma_start3A_338 : memref<64x4096xf32, #tpu.memory_space<vmem>>) target_semaphore(%arg19 : memref<!tpu.dma_semaphore, #tpu.memory_space<semaphore_mem>>)
      %dma_start3A_343 = arith.constant 7 : i32
      %dma_start3A_344 = arith.constant 0 : i32
      %dma_start3A_345 = arith.constant 0 : i32
      %dma_start3A_346 = tpu.memref_slice %arg13[%dma_start3A_343, %dma_start3A_344, %dma_start3A_345] : memref<8x64x4096xf32, #tpu.memory_space<vmem>> -> memref<1x64x4096xf32, #tpu.memory_space<vmem>>
      %dma_start3A_347 = tpu.memref_squeeze %dma_start3A_346 : memref<1x64x4096xf32, #tpu.memory_space<vmem>> -> memref<64x4096xf32, #tpu.memory_space<vmem>>
      %dma_start3A_348 = arith.constant 0 : i32
      %dma_start3A_349 = arith.constant 0 : i32
      %dma_start3A_350 = tpu.memref_slice %arg6[%get3A_73, %dma_start3A_348, %dma_start3A_349] : memref<64x64x4096xf32, #tpu.memory_space<hbm>> -> memref<1x64x4096xf32, #tpu.memory_space<hbm>>
      %dma_start3A_351 = tpu.memref_squeeze %dma_start3A_350 : memref<1x64x4096xf32, #tpu.memory_space<hbm>> -> memref<64x4096xf32, #tpu.memory_space<hbm>>
      tpu.enqueue_dma source(%dma_start3A_351 : memref<64x4096xf32, #tpu.memory_space<hbm>>) target(%dma_start3A_347 : memref<64x4096xf32, #tpu.memory_space<vmem>>) target_semaphore(%arg19 : memref<!tpu.dma_semaphore, #tpu.memory_space<semaphore_mem>>)
      %dma_start3A_352 = arith.constant 7 : i32
      %dma_start3A_353 = arith.constant 0 : i32
      %dma_start3A_354 = arith.constant 0 : i32
      %dma_start3A_355 = tpu.memref_slice %arg14[%dma_start3A_352, %dma_start3A_353, %dma_start3A_354] : memref<8x64x1024xf32, #tpu.memory_space<vmem>> -> memref<1x64x1024xf32, #tpu.memory_space<vmem>>
      %dma_start3A_356 = tpu.memref_squeeze %dma_start3A_355 : memref<1x64x1024xf32, #tpu.memory_space<vmem>> -> memref<64x1024xf32, #tpu.memory_space<vmem>>
      %dma_start3A_357 = arith.constant 0 : i32
      %dma_start3A_358 = arith.constant 0 : i32
      %dma_start3A_359 = tpu.memref_slice %arg7[%get3A_73, %dma_start3A_357, %dma_start3A_358] : memref<64x64x1024xf32, #tpu.memory_space<hbm>> -> memref<1x64x1024xf32, #tpu.memory_space<hbm>>
      %dma_start3A_360 = tpu.memref_squeeze %dma_start3A_359 : memref<1x64x1024xf32, #tpu.memory_space<hbm>> -> memref<64x1024xf32, #tpu.memory_space<hbm>>
      tpu.enqueue_dma source(%dma_start3A_360 : memref<64x1024xf32, #tpu.memory_space<hbm>>) target(%dma_start3A_356 : memref<64x1024xf32, #tpu.memory_space<vmem>>) target_semaphore(%arg19 : memref<!tpu.dma_semaphore, #tpu.memory_space<semaphore_mem>>)
      %dma_wait3A = arith.constant 0 : i32
      %dma_wait3A_361 = arith.constant 0 : i32
      %dma_wait3A_362 = arith.constant 0 : i32
      %dma_wait3A_363 = tpu.memref_slice %arg11[%dma_wait3A, %dma_wait3A_361, %dma_wait3A_362] : memref<8x64x1024xf32, #tpu.memory_space<vmem>> -> memref<1x64x1024xf32, #tpu.memory_space<vmem>>
      %dma_wait3A_364 = tpu.memref_squeeze %dma_wait3A_363 : memref<1x64x1024xf32, #tpu.memory_space<vmem>> -> memref<64x1024xf32, #tpu.memory_space<vmem>>
      %dma_wait3A_365 = arith.constant 0 : i32
      %dma_wait3A_366 = arith.constant 0 : i32
      %dma_wait3A_367 = tpu.memref_slice %arg4[%get3A_43, %dma_wait3A_365, %dma_wait3A_366] : memref<64x64x1024xf32, #tpu.memory_space<hbm>> -> memref<1x64x1024xf32, #tpu.memory_space<hbm>>
      %dma_wait3A_368 = tpu.memref_squeeze %dma_wait3A_367 : memref<1x64x1024xf32, #tpu.memory_space<hbm>> -> memref<64x1024xf32, #tpu.memory_space<hbm>>
      tpu.wait_dma2 semaphore(%arg19 : memref<!tpu.dma_semaphore, #tpu.memory_space<semaphore_mem>>) src(%dma_wait3A_368 : memref<64x1024xf32, #tpu.memory_space<hbm>>) dst(%dma_wait3A_364 : memref<64x1024xf32, #tpu.memory_space<vmem>>)
      %dma_wait3A_369 = arith.constant 0 : i32
      %dma_wait3A_370 = arith.constant 0 : i32
      %dma_wait3A_371 = arith.constant 0 : i32
      %dma_wait3A_372 = tpu.memref_slice %arg12[%dma_wait3A_369, %dma_wait3A_370, %dma_wait3A_371] : memref<8x64x4096xf32, #tpu.memory_space<vmem>> -> memref<1x64x4096xf32, #tpu.memory_space<vmem>>
      %dma_wait3A_373 = tpu.memref_squeeze %dma_wait3A_372 : memref<1x64x4096xf32, #tpu.memory_space<vmem>> -> memref<64x4096xf32, #tpu.memory_space<vmem>>
      %dma_wait3A_374 = arith.constant 0 : i32
      %dma_wait3A_375 = arith.constant 0 : i32
      %dma_wait3A_376 = tpu.memref_slice %arg5[%get3A_43, %dma_wait3A_374, %dma_wait3A_375] : memref<64x64x4096xf32, #tpu.memory_space<hbm>> -> memref<1x64x4096xf32, #tpu.memory_space<hbm>>
      %dma_wait3A_377 = tpu.memref_squeeze %dma_wait3A_376 : memref<1x64x4096xf32, #tpu.memory_space<hbm>> -> memref<64x4096xf32, #tpu.memory_space<hbm>>
      tpu.wait_dma2 semaphore(%arg19 : memref<!tpu.dma_semaphore, #tpu.memory_space<semaphore_mem>>) src(%dma_wait3A_377 : memref<64x4096xf32, #tpu.memory_space<hbm>>) dst(%dma_wait3A_373 : memref<64x4096xf32, #tpu.memory_space<vmem>>)
      %dma_wait3A_378 = arith.constant 0 : i32
      %dma_wait3A_379 = arith.constant 0 : i32
      %dma_wait3A_380 = arith.constant 0 : i32
      %dma_wait3A_381 = tpu.memref_slice %arg13[%dma_wait3A_378, %dma_wait3A_379, %dma_wait3A_380] : memref<8x64x4096xf32, #tpu.memory_space<vmem>> -> memref<1x64x4096xf32, #tpu.memory_space<vmem>>
      %dma_wait3A_382 = tpu.memref_squeeze %dma_wait3A_381 : memref<1x64x4096xf32, #tpu.memory_space<vmem>> -> memref<64x4096xf32, #tpu.memory_space<vmem>>
      %dma_wait3A_383 = arith.constant 0 : i32
      %dma_wait3A_384 = arith.constant 0 : i32
      %dma_wait3A_385 = tpu.memref_slice %arg6[%get3A_45, %dma_wait3A_383, %dma_wait3A_384] : memref<64x64x4096xf32, #tpu.memory_space<hbm>> -> memref<1x64x4096xf32, #tpu.memory_space<hbm>>
      %dma_wait3A_386 = tpu.memref_squeeze %dma_wait3A_385 : memref<1x64x4096xf32, #tpu.memory_space<hbm>> -> memref<64x4096xf32, #tpu.memory_space<hbm>>
      tpu.wait_dma2 semaphore(%arg19 : memref<!tpu.dma_semaphore, #tpu.memory_space<semaphore_mem>>) src(%dma_wait3A_386 : memref<64x4096xf32, #tpu.memory_space<hbm>>) dst(%dma_wait3A_382 : memref<64x4096xf32, #tpu.memory_space<vmem>>)
      %dma_wait3A_387 = arith.constant 0 : i32
      %dma_wait3A_388 = arith.constant 0 : i32
      %dma_wait3A_389 = arith.constant 0 : i32
      %dma_wait3A_390 = tpu.memref_slice %arg14[%dma_wait3A_387, %dma_wait3A_388, %dma_wait3A_389] : memref<8x64x1024xf32, #tpu.memory_space<vmem>> -> memref<1x64x1024xf32, #tpu.memory_space<vmem>>
      %dma_wait3A_391 = tpu.memref_squeeze %dma_wait3A_390 : memref<1x64x1024xf32, #tpu.memory_space<vmem>> -> memref<64x1024xf32, #tpu.memory_space<vmem>>
      %dma_wait3A_392 = arith.constant 0 : i32
      %dma_wait3A_393 = arith.constant 0 : i32
      %dma_wait3A_394 = tpu.memref_slice %arg7[%get3A_45, %dma_wait3A_392, %dma_wait3A_393] : memref<64x64x1024xf32, #tpu.memory_space<hbm>> -> memref<1x64x1024xf32, #tpu.memory_space<hbm>>
      %dma_wait3A_395 = tpu.memref_squeeze %dma_wait3A_394 : memref<1x64x1024xf32, #tpu.memory_space<hbm>> -> memref<64x1024xf32, #tpu.memory_space<hbm>>
      tpu.wait_dma2 semaphore(%arg19 : memref<!tpu.dma_semaphore, #tpu.memory_space<semaphore_mem>>) src(%dma_wait3A_395 : memref<64x1024xf32, #tpu.memory_space<hbm>>) dst(%dma_wait3A_391 : memref<64x1024xf32, #tpu.memory_space<vmem>>)
      %dma_wait3A_396 = arith.constant 1 : i32
      %dma_wait3A_397 = arith.constant 0 : i32
      %dma_wait3A_398 = arith.constant 0 : i32
      %dma_wait3A_399 = tpu.memref_slice %arg11[%dma_wait3A_396, %dma_wait3A_397, %dma_wait3A_398] : memref<8x64x1024xf32, #tpu.memory_space<vmem>> -> memref<1x64x1024xf32, #tpu.memory_space<vmem>>
      %dma_wait3A_400 = tpu.memref_squeeze %dma_wait3A_399 : memref<1x64x1024xf32, #tpu.memory_space<vmem>> -> memref<64x1024xf32, #tpu.memory_space<vmem>>
      %dma_wait3A_401 = arith.constant 0 : i32
      %dma_wait3A_402 = arith.constant 0 : i32
      %dma_wait3A_403 = tpu.memref_slice %arg4[%get3A_47, %dma_wait3A_401, %dma_wait3A_402] : memref<64x64x1024xf32, #tpu.memory_space<hbm>> -> memref<1x64x1024xf32, #tpu.memory_space<hbm>>
      %dma_wait3A_404 = tpu.memref_squeeze %dma_wait3A_403 : memref<1x64x1024xf32, #tpu.memory_space<hbm>> -> memref<64x1024xf32, #tpu.memory_space<hbm>>
      tpu.wait_dma2 semaphore(%arg19 : memref<!tpu.dma_semaphore, #tpu.memory_space<semaphore_mem>>) src(%dma_wait3A_404 : memref<64x1024xf32, #tpu.memory_space<hbm>>) dst(%dma_wait3A_400 : memref<64x1024xf32, #tpu.memory_space<vmem>>)
      %dma_wait3A_405 = arith.constant 1 : i32
      %dma_wait3A_406 = arith.constant 0 : i32
      %dma_wait3A_407 = arith.constant 0 : i32
      %dma_wait3A_408 = tpu.memref_slice %arg12[%dma_wait3A_405, %dma_wait3A_406, %dma_wait3A_407] : memref<8x64x4096xf32, #tpu.memory_space<vmem>> -> memref<1x64x4096xf32, #tpu.memory_space<vmem>>
      %dma_wait3A_409 = tpu.memref_squeeze %dma_wait3A_408 : memref<1x64x4096xf32, #tpu.memory_space<vmem>> -> memref<64x4096xf32, #tpu.memory_space<vmem>>
      %dma_wait3A_410 = arith.constant 0 : i32
      %dma_wait3A_411 = arith.constant 0 : i32
      %dma_wait3A_412 = tpu.memref_slice %arg5[%get3A_47, %dma_wait3A_410, %dma_wait3A_411] : memref<64x64x4096xf32, #tpu.memory_space<hbm>> -> memref<1x64x4096xf32, #tpu.memory_space<hbm>>
      %dma_wait3A_413 = tpu.memref_squeeze %dma_wait3A_412 : memref<1x64x4096xf32, #tpu.memory_space<hbm>> -> memref<64x4096xf32, #tpu.memory_space<hbm>>
      tpu.wait_dma2 semaphore(%arg19 : memref<!tpu.dma_semaphore, #tpu.memory_space<semaphore_mem>>) src(%dma_wait3A_413 : memref<64x4096xf32, #tpu.memory_space<hbm>>) dst(%dma_wait3A_409 : memref<64x4096xf32, #tpu.memory_space<vmem>>)
      %dma_wait3A_414 = arith.constant 1 : i32
      %dma_wait3A_415 = arith.constant 0 : i32
      %dma_wait3A_416 = arith.constant 0 : i32
      %dma_wait3A_417 = tpu.memref_slice %arg13[%dma_wait3A_414, %dma_wait3A_415, %dma_wait3A_416] : memref<8x64x4096xf32, #tpu.memory_space<vmem>> -> memref<1x64x4096xf32, #tpu.memory_space<vmem>>
      %dma_wait3A_418 = tpu.memref_squeeze %dma_wait3A_417 : memref<1x64x4096xf32, #tpu.memory_space<vmem>> -> memref<64x4096xf32, #tpu.memory_space<vmem>>
      %dma_wait3A_419 = arith.constant 0 : i32
      %dma_wait3A_420 = arith.constant 0 : i32
      %dma_wait3A_421 = tpu.memref_slice %arg6[%get3A_49, %dma_wait3A_419, %dma_wait3A_420] : memref<64x64x4096xf32, #tpu.memory_space<hbm>> -> memref<1x64x4096xf32, #tpu.memory_space<hbm>>
      %dma_wait3A_422 = tpu.memref_squeeze %dma_wait3A_421 : memref<1x64x4096xf32, #tpu.memory_space<hbm>> -> memref<64x4096xf32, #tpu.memory_space<hbm>>
      tpu.wait_dma2 semaphore(%arg19 : memref<!tpu.dma_semaphore, #tpu.memory_space<semaphore_mem>>) src(%dma_wait3A_422 : memref<64x4096xf32, #tpu.memory_space<hbm>>) dst(%dma_wait3A_418 : memref<64x4096xf32, #tpu.memory_space<vmem>>)
      %dma_wait3A_423 = arith.constant 1 : i32
      %dma_wait3A_424 = arith.constant 0 : i32
      %dma_wait3A_425 = arith.constant 0 : i32
      %dma_wait3A_426 = tpu.memref_slice %arg14[%dma_wait3A_423, %dma_wait3A_424, %dma_wait3A_425] : memref<8x64x1024xf32, #tpu.memory_space<vmem>> -> memref<1x64x1024xf32, #tpu.memory_space<vmem>>
      %dma_wait3A_427 = tpu.memref_squeeze %dma_wait3A_426 : memref<1x64x1024xf32, #tpu.memory_space<vmem>> -> memref<64x1024xf32, #tpu.memory_space<vmem>>
      %dma_wait3A_428 = arith.constant 0 : i32
      %dma_wait3A_429 = arith.constant 0 : i32
      %dma_wait3A_430 = tpu.memref_slice %arg7[%get3A_49, %dma_wait3A_428, %dma_wait3A_429] : memref<64x64x1024xf32, #tpu.memory_space<hbm>> -> memref<1x64x1024xf32, #tpu.memory_space<hbm>>
      %dma_wait3A_431 = tpu.memref_squeeze %dma_wait3A_430 : memref<1x64x1024xf32, #tpu.memory_space<hbm>> -> memref<64x1024xf32, #tpu.memory_space<hbm>>
      tpu.wait_dma2 semaphore(%arg19 : memref<!tpu.dma_semaphore, #tpu.memory_space<semaphore_mem>>) src(%dma_wait3A_431 : memref<64x1024xf32, #tpu.memory_space<hbm>>) dst(%dma_wait3A_427 : memref<64x1024xf32, #tpu.memory_space<vmem>>)
      %dma_wait3A_432 = arith.constant 2 : i32
      %dma_wait3A_433 = arith.constant 0 : i32
      %dma_wait3A_434 = arith.constant 0 : i32
      %dma_wait3A_435 = tpu.memref_slice %arg11[%dma_wait3A_432, %dma_wait3A_433, %dma_wait3A_434] : memref<8x64x1024xf32, #tpu.memory_space<vmem>> -> memref<1x64x1024xf32, #tpu.memory_space<vmem>>
      %dma_wait3A_436 = tpu.memref_squeeze %dma_wait3A_435 : memref<1x64x1024xf32, #tpu.memory_space<vmem>> -> memref<64x1024xf32, #tpu.memory_space<vmem>>
      %dma_wait3A_437 = arith.constant 0 : i32
      %dma_wait3A_438 = arith.constant 0 : i32
      %dma_wait3A_439 = tpu.memref_slice %arg4[%get3A_51, %dma_wait3A_437, %dma_wait3A_438] : memref<64x64x1024xf32, #tpu.memory_space<hbm>> -> memref<1x64x1024xf32, #tpu.memory_space<hbm>>
      %dma_wait3A_440 = tpu.memref_squeeze %dma_wait3A_439 : memref<1x64x1024xf32, #tpu.memory_space<hbm>> -> memref<64x1024xf32, #tpu.memory_space<hbm>>
      tpu.wait_dma2 semaphore(%arg19 : memref<!tpu.dma_semaphore, #tpu.memory_space<semaphore_mem>>) src(%dma_wait3A_440 : memref<64x1024xf32, #tpu.memory_space<hbm>>) dst(%dma_wait3A_436 : memref<64x1024xf32, #tpu.memory_space<vmem>>)
      %dma_wait3A_441 = arith.constant 2 : i32
      %dma_wait3A_442 = arith.constant 0 : i32
      %dma_wait3A_443 = arith.constant 0 : i32
      %dma_wait3A_444 = tpu.memref_slice %arg12[%dma_wait3A_441, %dma_wait3A_442, %dma_wait3A_443] : memref<8x64x4096xf32, #tpu.memory_space<vmem>> -> memref<1x64x4096xf32, #tpu.memory_space<vmem>>
      %dma_wait3A_445 = tpu.memref_squeeze %dma_wait3A_444 : memref<1x64x4096xf32, #tpu.memory_space<vmem>> -> memref<64x4096xf32, #tpu.memory_space<vmem>>
      %dma_wait3A_446 = arith.constant 0 : i32
      %dma_wait3A_447 = arith.constant 0 : i32
      %dma_wait3A_448 = tpu.memref_slice %arg5[%get3A_51, %dma_wait3A_446, %dma_wait3A_447] : memref<64x64x4096xf32, #tpu.memory_space<hbm>> -> memref<1x64x4096xf32, #tpu.memory_space<hbm>>
      %dma_wait3A_449 = tpu.memref_squeeze %dma_wait3A_448 : memref<1x64x4096xf32, #tpu.memory_space<hbm>> -> memref<64x4096xf32, #tpu.memory_space<hbm>>
      tpu.wait_dma2 semaphore(%arg19 : memref<!tpu.dma_semaphore, #tpu.memory_space<semaphore_mem>>) src(%dma_wait3A_449 : memref<64x4096xf32, #tpu.memory_space<hbm>>) dst(%dma_wait3A_445 : memref<64x4096xf32, #tpu.memory_space<vmem>>)
      %dma_wait3A_450 = arith.constant 2 : i32
      %dma_wait3A_451 = arith.constant 0 : i32
      %dma_wait3A_452 = arith.constant 0 : i32
      %dma_wait3A_453 = tpu.memref_slice %arg13[%dma_wait3A_450, %dma_wait3A_451, %dma_wait3A_452] : memref<8x64x4096xf32, #tpu.memory_space<vmem>> -> memref<1x64x4096xf32, #tpu.memory_space<vmem>>
      %dma_wait3A_454 = tpu.memref_squeeze %dma_wait3A_453 : memref<1x64x4096xf32, #tpu.memory_space<vmem>> -> memref<64x4096xf32, #tpu.memory_space<vmem>>
      %dma_wait3A_455 = arith.constant 0 : i32
      %dma_wait3A_456 = arith.constant 0 : i32
      %dma_wait3A_457 = tpu.memref_slice %arg6[%get3A_53, %dma_wait3A_455, %dma_wait3A_456] : memref<64x64x4096xf32, #tpu.memory_space<hbm>> -> memref<1x64x4096xf32, #tpu.memory_space<hbm>>
      %dma_wait3A_458 = tpu.memref_squeeze %dma_wait3A_457 : memref<1x64x4096xf32, #tpu.memory_space<hbm>> -> memref<64x4096xf32, #tpu.memory_space<hbm>>
      tpu.wait_dma2 semaphore(%arg19 : memref<!tpu.dma_semaphore, #tpu.memory_space<semaphore_mem>>) src(%dma_wait3A_458 : memref<64x4096xf32, #tpu.memory_space<hbm>>) dst(%dma_wait3A_454 : memref<64x4096xf32, #tpu.memory_space<vmem>>)
      %dma_wait3A_459 = arith.constant 2 : i32
      %dma_wait3A_460 = arith.constant 0 : i32
      %dma_wait3A_461 = arith.constant 0 : i32
      %dma_wait3A_462 = tpu.memref_slice %arg14[%dma_wait3A_459, %dma_wait3A_460, %dma_wait3A_461] : memref<8x64x1024xf32, #tpu.memory_space<vmem>> -> memref<1x64x1024xf32, #tpu.memory_space<vmem>>
      %dma_wait3A_463 = tpu.memref_squeeze %dma_wait3A_462 : memref<1x64x1024xf32, #tpu.memory_space<vmem>> -> memref<64x1024xf32, #tpu.memory_space<vmem>>
      %dma_wait3A_464 = arith.constant 0 : i32
      %dma_wait3A_465 = arith.constant 0 : i32
      %dma_wait3A_466 = tpu.memref_slice %arg7[%get3A_53, %dma_wait3A_464, %dma_wait3A_465] : memref<64x64x1024xf32, #tpu.memory_space<hbm>> -> memref<1x64x1024xf32, #tpu.memory_space<hbm>>
      %dma_wait3A_467 = tpu.memref_squeeze %dma_wait3A_466 : memref<1x64x1024xf32, #tpu.memory_space<hbm>> -> memref<64x1024xf32, #tpu.memory_space<hbm>>
      tpu.wait_dma2 semaphore(%arg19 : memref<!tpu.dma_semaphore, #tpu.memory_space<semaphore_mem>>) src(%dma_wait3A_467 : memref<64x1024xf32, #tpu.memory_space<hbm>>) dst(%dma_wait3A_463 : memref<64x1024xf32, #tpu.memory_space<vmem>>)
      %dma_wait3A_468 = arith.constant 3 : i32
      %dma_wait3A_469 = arith.constant 0 : i32
      %dma_wait3A_470 = arith.constant 0 : i32
      %dma_wait3A_471 = tpu.memref_slice %arg11[%dma_wait3A_468, %dma_wait3A_469, %dma_wait3A_470] : memref<8x64x1024xf32, #tpu.memory_space<vmem>> -> memref<1x64x1024xf32, #tpu.memory_space<vmem>>
      %dma_wait3A_472 = tpu.memref_squeeze %dma_wait3A_471 : memref<1x64x1024xf32, #tpu.memory_space<vmem>> -> memref<64x1024xf32, #tpu.memory_space<vmem>>
      %dma_wait3A_473 = arith.constant 0 : i32
      %dma_wait3A_474 = arith.constant 0 : i32
      %dma_wait3A_475 = tpu.memref_slice %arg4[%get3A_55, %dma_wait3A_473, %dma_wait3A_474] : memref<64x64x1024xf32, #tpu.memory_space<hbm>> -> memref<1x64x1024xf32, #tpu.memory_space<hbm>>
      %dma_wait3A_476 = tpu.memref_squeeze %dma_wait3A_475 : memref<1x64x1024xf32, #tpu.memory_space<hbm>> -> memref<64x1024xf32, #tpu.memory_space<hbm>>
      tpu.wait_dma2 semaphore(%arg19 : memref<!tpu.dma_semaphore, #tpu.memory_space<semaphore_mem>>) src(%dma_wait3A_476 : memref<64x1024xf32, #tpu.memory_space<hbm>>) dst(%dma_wait3A_472 : memref<64x1024xf32, #tpu.memory_space<vmem>>)
      %dma_wait3A_477 = arith.constant 3 : i32
      %dma_wait3A_478 = arith.constant 0 : i32
      %dma_wait3A_479 = arith.constant 0 : i32
      %dma_wait3A_480 = tpu.memref_slice %arg12[%dma_wait3A_477, %dma_wait3A_478, %dma_wait3A_479] : memref<8x64x4096xf32, #tpu.memory_space<vmem>> -> memref<1x64x4096xf32, #tpu.memory_space<vmem>>
      %dma_wait3A_481 = tpu.memref_squeeze %dma_wait3A_480 : memref<1x64x4096xf32, #tpu.memory_space<vmem>> -> memref<64x4096xf32, #tpu.memory_space<vmem>>
      %dma_wait3A_482 = arith.constant 0 : i32
      %dma_wait3A_483 = arith.constant 0 : i32
      %dma_wait3A_484 = tpu.memref_slice %arg5[%get3A_55, %dma_wait3A_482, %dma_wait3A_483] : memref<64x64x4096xf32, #tpu.memory_space<hbm>> -> memref<1x64x4096xf32, #tpu.memory_space<hbm>>
      %dma_wait3A_485 = tpu.memref_squeeze %dma_wait3A_484 : memref<1x64x4096xf32, #tpu.memory_space<hbm>> -> memref<64x4096xf32, #tpu.memory_space<hbm>>
      tpu.wait_dma2 semaphore(%arg19 : memref<!tpu.dma_semaphore, #tpu.memory_space<semaphore_mem>>) src(%dma_wait3A_485 : memref<64x4096xf32, #tpu.memory_space<hbm>>) dst(%dma_wait3A_481 : memref<64x4096xf32, #tpu.memory_space<vmem>>)
      %dma_wait3A_486 = arith.constant 3 : i32
      %dma_wait3A_487 = arith.constant 0 : i32
      %dma_wait3A_488 = arith.constant 0 : i32
      %dma_wait3A_489 = tpu.memref_slice %arg13[%dma_wait3A_486, %dma_wait3A_487, %dma_wait3A_488] : memref<8x64x4096xf32, #tpu.memory_space<vmem>> -> memref<1x64x4096xf32, #tpu.memory_space<vmem>>
      %dma_wait3A_490 = tpu.memref_squeeze %dma_wait3A_489 : memref<1x64x4096xf32, #tpu.memory_space<vmem>> -> memref<64x4096xf32, #tpu.memory_space<vmem>>
      %dma_wait3A_491 = arith.constant 0 : i32
      %dma_wait3A_492 = arith.constant 0 : i32
      %dma_wait3A_493 = tpu.memref_slice %arg6[%get3A_57, %dma_wait3A_491, %dma_wait3A_492] : memref<64x64x4096xf32, #tpu.memory_space<hbm>> -> memref<1x64x4096xf32, #tpu.memory_space<hbm>>
      %dma_wait3A_494 = tpu.memref_squeeze %dma_wait3A_493 : memref<1x64x4096xf32, #tpu.memory_space<hbm>> -> memref<64x4096xf32, #tpu.memory_space<hbm>>
      tpu.wait_dma2 semaphore(%arg19 : memref<!tpu.dma_semaphore, #tpu.memory_space<semaphore_mem>>) src(%dma_wait3A_494 : memref<64x4096xf32, #tpu.memory_space<hbm>>) dst(%dma_wait3A_490 : memref<64x4096xf32, #tpu.memory_space<vmem>>)
      %dma_wait3A_495 = arith.constant 3 : i32
      %dma_wait3A_496 = arith.constant 0 : i32
      %dma_wait3A_497 = arith.constant 0 : i32
      %dma_wait3A_498 = tpu.memref_slice %arg14[%dma_wait3A_495, %dma_wait3A_496, %dma_wait3A_497] : memref<8x64x1024xf32, #tpu.memory_space<vmem>> -> memref<1x64x1024xf32, #tpu.memory_space<vmem>>
      %dma_wait3A_499 = tpu.memref_squeeze %dma_wait3A_498 : memref<1x64x1024xf32, #tpu.memory_space<vmem>> -> memref<64x1024xf32, #tpu.memory_space<vmem>>
      %dma_wait3A_500 = arith.constant 0 : i32
      %dma_wait3A_501 = arith.constant 0 : i32
      %dma_wait3A_502 = tpu.memref_slice %arg7[%get3A_57, %dma_wait3A_500, %dma_wait3A_501] : memref<64x64x1024xf32, #tpu.memory_space<hbm>> -> memref<1x64x1024xf32, #tpu.memory_space<hbm>>
      %dma_wait3A_503 = tpu.memref_squeeze %dma_wait3A_502 : memref<1x64x1024xf32, #tpu.memory_space<hbm>> -> memref<64x1024xf32, #tpu.memory_space<hbm>>
      tpu.wait_dma2 semaphore(%arg19 : memref<!tpu.dma_semaphore, #tpu.memory_space<semaphore_mem>>) src(%dma_wait3A_503 : memref<64x1024xf32, #tpu.memory_space<hbm>>) dst(%dma_wait3A_499 : memref<64x1024xf32, #tpu.memory_space<vmem>>)
      %dma_wait3A_504 = arith.constant 4 : i32
      %dma_wait3A_505 = arith.constant 0 : i32
      %dma_wait3A_506 = arith.constant 0 : i32
      %dma_wait3A_507 = tpu.memref_slice %arg11[%dma_wait3A_504, %dma_wait3A_505, %dma_wait3A_506] : memref<8x64x1024xf32, #tpu.memory_space<vmem>> -> memref<1x64x1024xf32, #tpu.memory_space<vmem>>
      %dma_wait3A_508 = tpu.memref_squeeze %dma_wait3A_507 : memref<1x64x1024xf32, #tpu.memory_space<vmem>> -> memref<64x1024xf32, #tpu.memory_space<vmem>>
      %dma_wait3A_509 = arith.constant 0 : i32
      %dma_wait3A_510 = arith.constant 0 : i32
      %dma_wait3A_511 = tpu.memref_slice %arg4[%get3A_59, %dma_wait3A_509, %dma_wait3A_510] : memref<64x64x1024xf32, #tpu.memory_space<hbm>> -> memref<1x64x1024xf32, #tpu.memory_space<hbm>>
      %dma_wait3A_512 = tpu.memref_squeeze %dma_wait3A_511 : memref<1x64x1024xf32, #tpu.memory_space<hbm>> -> memref<64x1024xf32, #tpu.memory_space<hbm>>
      tpu.wait_dma2 semaphore(%arg19 : memref<!tpu.dma_semaphore, #tpu.memory_space<semaphore_mem>>) src(%dma_wait3A_512 : memref<64x1024xf32, #tpu.memory_space<hbm>>) dst(%dma_wait3A_508 : memref<64x1024xf32, #tpu.memory_space<vmem>>)
      %dma_wait3A_513 = arith.constant 4 : i32
      %dma_wait3A_514 = arith.constant 0 : i32
      %dma_wait3A_515 = arith.constant 0 : i32
      %dma_wait3A_516 = tpu.memref_slice %arg12[%dma_wait3A_513, %dma_wait3A_514, %dma_wait3A_515] : memref<8x64x4096xf32, #tpu.memory_space<vmem>> -> memref<1x64x4096xf32, #tpu.memory_space<vmem>>
      %dma_wait3A_517 = tpu.memref_squeeze %dma_wait3A_516 : memref<1x64x4096xf32, #tpu.memory_space<vmem>> -> memref<64x4096xf32, #tpu.memory_space<vmem>>
      %dma_wait3A_518 = arith.constant 0 : i32
      %dma_wait3A_519 = arith.constant 0 : i32
      %dma_wait3A_520 = tpu.memref_slice %arg5[%get3A_59, %dma_wait3A_518, %dma_wait3A_519] : memref<64x64x4096xf32, #tpu.memory_space<hbm>> -> memref<1x64x4096xf32, #tpu.memory_space<hbm>>
      %dma_wait3A_521 = tpu.memref_squeeze %dma_wait3A_520 : memref<1x64x4096xf32, #tpu.memory_space<hbm>> -> memref<64x4096xf32, #tpu.memory_space<hbm>>
      tpu.wait_dma2 semaphore(%arg19 : memref<!tpu.dma_semaphore, #tpu.memory_space<semaphore_mem>>) src(%dma_wait3A_521 : memref<64x4096xf32, #tpu.memory_space<hbm>>) dst(%dma_wait3A_517 : memref<64x4096xf32, #tpu.memory_space<vmem>>)
      %dma_wait3A_522 = arith.constant 4 : i32
      %dma_wait3A_523 = arith.constant 0 : i32
      %dma_wait3A_524 = arith.constant 0 : i32
      %dma_wait3A_525 = tpu.memref_slice %arg13[%dma_wait3A_522, %dma_wait3A_523, %dma_wait3A_524] : memref<8x64x4096xf32, #tpu.memory_space<vmem>> -> memref<1x64x4096xf32, #tpu.memory_space<vmem>>
      %dma_wait3A_526 = tpu.memref_squeeze %dma_wait3A_525 : memref<1x64x4096xf32, #tpu.memory_space<vmem>> -> memref<64x4096xf32, #tpu.memory_space<vmem>>
      %dma_wait3A_527 = arith.constant 0 : i32
      %dma_wait3A_528 = arith.constant 0 : i32
      %dma_wait3A_529 = tpu.memref_slice %arg6[%get3A_61, %dma_wait3A_527, %dma_wait3A_528] : memref<64x64x4096xf32, #tpu.memory_space<hbm>> -> memref<1x64x4096xf32, #tpu.memory_space<hbm>>
      %dma_wait3A_530 = tpu.memref_squeeze %dma_wait3A_529 : memref<1x64x4096xf32, #tpu.memory_space<hbm>> -> memref<64x4096xf32, #tpu.memory_space<hbm>>
      tpu.wait_dma2 semaphore(%arg19 : memref<!tpu.dma_semaphore, #tpu.memory_space<semaphore_mem>>) src(%dma_wait3A_530 : memref<64x4096xf32, #tpu.memory_space<hbm>>) dst(%dma_wait3A_526 : memref<64x4096xf32, #tpu.memory_space<vmem>>)
      %dma_wait3A_531 = arith.constant 4 : i32
      %dma_wait3A_532 = arith.constant 0 : i32
      %dma_wait3A_533 = arith.constant 0 : i32
      %dma_wait3A_534 = tpu.memref_slice %arg14[%dma_wait3A_531, %dma_wait3A_532, %dma_wait3A_533] : memref<8x64x1024xf32, #tpu.memory_space<vmem>> -> memref<1x64x1024xf32, #tpu.memory_space<vmem>>
      %dma_wait3A_535 = tpu.memref_squeeze %dma_wait3A_534 : memref<1x64x1024xf32, #tpu.memory_space<vmem>> -> memref<64x1024xf32, #tpu.memory_space<vmem>>
      %dma_wait3A_536 = arith.constant 0 : i32
      %dma_wait3A_537 = arith.constant 0 : i32
      %dma_wait3A_538 = tpu.memref_slice %arg7[%get3A_61, %dma_wait3A_536, %dma_wait3A_537] : memref<64x64x1024xf32, #tpu.memory_space<hbm>> -> memref<1x64x1024xf32, #tpu.memory_space<hbm>>
      %dma_wait3A_539 = tpu.memref_squeeze %dma_wait3A_538 : memref<1x64x1024xf32, #tpu.memory_space<hbm>> -> memref<64x1024xf32, #tpu.memory_space<hbm>>
      tpu.wait_dma2 semaphore(%arg19 : memref<!tpu.dma_semaphore, #tpu.memory_space<semaphore_mem>>) src(%dma_wait3A_539 : memref<64x1024xf32, #tpu.memory_space<hbm>>) dst(%dma_wait3A_535 : memref<64x1024xf32, #tpu.memory_space<vmem>>)
      %dma_wait3A_540 = arith.constant 5 : i32
      %dma_wait3A_541 = arith.constant 0 : i32
      %dma_wait3A_542 = arith.constant 0 : i32
      %dma_wait3A_543 = tpu.memref_slice %arg11[%dma_wait3A_540, %dma_wait3A_541, %dma_wait3A_542] : memref<8x64x1024xf32, #tpu.memory_space<vmem>> -> memref<1x64x1024xf32, #tpu.memory_space<vmem>>
      %dma_wait3A_544 = tpu.memref_squeeze %dma_wait3A_543 : memref<1x64x1024xf32, #tpu.memory_space<vmem>> -> memref<64x1024xf32, #tpu.memory_space<vmem>>
      %dma_wait3A_545 = arith.constant 0 : i32
      %dma_wait3A_546 = arith.constant 0 : i32
      %dma_wait3A_547 = tpu.memref_slice %arg4[%get3A_63, %dma_wait3A_545, %dma_wait3A_546] : memref<64x64x1024xf32, #tpu.memory_space<hbm>> -> memref<1x64x1024xf32, #tpu.memory_space<hbm>>
      %dma_wait3A_548 = tpu.memref_squeeze %dma_wait3A_547 : memref<1x64x1024xf32, #tpu.memory_space<hbm>> -> memref<64x1024xf32, #tpu.memory_space<hbm>>
      tpu.wait_dma2 semaphore(%arg19 : memref<!tpu.dma_semaphore, #tpu.memory_space<semaphore_mem>>) src(%dma_wait3A_548 : memref<64x1024xf32, #tpu.memory_space<hbm>>) dst(%dma_wait3A_544 : memref<64x1024xf32, #tpu.memory_space<vmem>>)
      %dma_wait3A_549 = arith.constant 5 : i32
      %dma_wait3A_550 = arith.constant 0 : i32
      %dma_wait3A_551 = arith.constant 0 : i32
      %dma_wait3A_552 = tpu.memref_slice %arg12[%dma_wait3A_549, %dma_wait3A_550, %dma_wait3A_551] : memref<8x64x4096xf32, #tpu.memory_space<vmem>> -> memref<1x64x4096xf32, #tpu.memory_space<vmem>>
      %dma_wait3A_553 = tpu.memref_squeeze %dma_wait3A_552 : memref<1x64x4096xf32, #tpu.memory_space<vmem>> -> memref<64x4096xf32, #tpu.memory_space<vmem>>
      %dma_wait3A_554 = arith.constant 0 : i32
      %dma_wait3A_555 = arith.constant 0 : i32
      %dma_wait3A_556 = tpu.memref_slice %arg5[%get3A_63, %dma_wait3A_554, %dma_wait3A_555] : memref<64x64x4096xf32, #tpu.memory_space<hbm>> -> memref<1x64x4096xf32, #tpu.memory_space<hbm>>
      %dma_wait3A_557 = tpu.memref_squeeze %dma_wait3A_556 : memref<1x64x4096xf32, #tpu.memory_space<hbm>> -> memref<64x4096xf32, #tpu.memory_space<hbm>>
      tpu.wait_dma2 semaphore(%arg19 : memref<!tpu.dma_semaphore, #tpu.memory_space<semaphore_mem>>) src(%dma_wait3A_557 : memref<64x4096xf32, #tpu.memory_space<hbm>>) dst(%dma_wait3A_553 : memref<64x4096xf32, #tpu.memory_space<vmem>>)
      %dma_wait3A_558 = arith.constant 5 : i32
      %dma_wait3A_559 = arith.constant 0 : i32
      %dma_wait3A_560 = arith.constant 0 : i32
      %dma_wait3A_561 = tpu.memref_slice %arg13[%dma_wait3A_558, %dma_wait3A_559, %dma_wait3A_560] : memref<8x64x4096xf32, #tpu.memory_space<vmem>> -> memref<1x64x4096xf32, #tpu.memory_space<vmem>>
      %dma_wait3A_562 = tpu.memref_squeeze %dma_wait3A_561 : memref<1x64x4096xf32, #tpu.memory_space<vmem>> -> memref<64x4096xf32, #tpu.memory_space<vmem>>
      %dma_wait3A_563 = arith.constant 0 : i32
      %dma_wait3A_564 = arith.constant 0 : i32
      %dma_wait3A_565 = tpu.memref_slice %arg6[%get3A_65, %dma_wait3A_563, %dma_wait3A_564] : memref<64x64x4096xf32, #tpu.memory_space<hbm>> -> memref<1x64x4096xf32, #tpu.memory_space<hbm>>
      %dma_wait3A_566 = tpu.memref_squeeze %dma_wait3A_565 : memref<1x64x4096xf32, #tpu.memory_space<hbm>> -> memref<64x4096xf32, #tpu.memory_space<hbm>>
      tpu.wait_dma2 semaphore(%arg19 : memref<!tpu.dma_semaphore, #tpu.memory_space<semaphore_mem>>) src(%dma_wait3A_566 : memref<64x4096xf32, #tpu.memory_space<hbm>>) dst(%dma_wait3A_562 : memref<64x4096xf32, #tpu.memory_space<vmem>>)
      %dma_wait3A_567 = arith.constant 5 : i32
      %dma_wait3A_568 = arith.constant 0 : i32
      %dma_wait3A_569 = arith.constant 0 : i32
      %dma_wait3A_570 = tpu.memref_slice %arg14[%dma_wait3A_567, %dma_wait3A_568, %dma_wait3A_569] : memref<8x64x1024xf32, #tpu.memory_space<vmem>> -> memref<1x64x1024xf32, #tpu.memory_space<vmem>>
      %dma_wait3A_571 = tpu.memref_squeeze %dma_wait3A_570 : memref<1x64x1024xf32, #tpu.memory_space<vmem>> -> memref<64x1024xf32, #tpu.memory_space<vmem>>
      %dma_wait3A_572 = arith.constant 0 : i32
      %dma_wait3A_573 = arith.constant 0 : i32
      %dma_wait3A_574 = tpu.memref_slice %arg7[%get3A_65, %dma_wait3A_572, %dma_wait3A_573] : memref<64x64x1024xf32, #tpu.memory_space<hbm>> -> memref<1x64x1024xf32, #tpu.memory_space<hbm>>
      %dma_wait3A_575 = tpu.memref_squeeze %dma_wait3A_574 : memref<1x64x1024xf32, #tpu.memory_space<hbm>> -> memref<64x1024xf32, #tpu.memory_space<hbm>>
      tpu.wait_dma2 semaphore(%arg19 : memref<!tpu.dma_semaphore, #tpu.memory_space<semaphore_mem>>) src(%dma_wait3A_575 : memref<64x1024xf32, #tpu.memory_space<hbm>>) dst(%dma_wait3A_571 : memref<64x1024xf32, #tpu.memory_space<vmem>>)
      %dma_wait3A_576 = arith.constant 6 : i32
      %dma_wait3A_577 = arith.constant 0 : i32
      %dma_wait3A_578 = arith.constant 0 : i32
      %dma_wait3A_579 = tpu.memref_slice %arg11[%dma_wait3A_576, %dma_wait3A_577, %dma_wait3A_578] : memref<8x64x1024xf32, #tpu.memory_space<vmem>> -> memref<1x64x1024xf32, #tpu.memory_space<vmem>>
      %dma_wait3A_580 = tpu.memref_squeeze %dma_wait3A_579 : memref<1x64x1024xf32, #tpu.memory_space<vmem>> -> memref<64x1024xf32, #tpu.memory_space<vmem>>
      %dma_wait3A_581 = arith.constant 0 : i32
      %dma_wait3A_582 = arith.constant 0 : i32
      %dma_wait3A_583 = tpu.memref_slice %arg4[%get3A_67, %dma_wait3A_581, %dma_wait3A_582] : memref<64x64x1024xf32, #tpu.memory_space<hbm>> -> memref<1x64x1024xf32, #tpu.memory_space<hbm>>
      %dma_wait3A_584 = tpu.memref_squeeze %dma_wait3A_583 : memref<1x64x1024xf32, #tpu.memory_space<hbm>> -> memref<64x1024xf32, #tpu.memory_space<hbm>>
      tpu.wait_dma2 semaphore(%arg19 : memref<!tpu.dma_semaphore, #tpu.memory_space<semaphore_mem>>) src(%dma_wait3A_584 : memref<64x1024xf32, #tpu.memory_space<hbm>>) dst(%dma_wait3A_580 : memref<64x1024xf32, #tpu.memory_space<vmem>>)
      %dma_wait3A_585 = arith.constant 6 : i32
      %dma_wait3A_586 = arith.constant 0 : i32
      %dma_wait3A_587 = arith.constant 0 : i32
      %dma_wait3A_588 = tpu.memref_slice %arg12[%dma_wait3A_585, %dma_wait3A_586, %dma_wait3A_587] : memref<8x64x4096xf32, #tpu.memory_space<vmem>> -> memref<1x64x4096xf32, #tpu.memory_space<vmem>>
      %dma_wait3A_589 = tpu.memref_squeeze %dma_wait3A_588 : memref<1x64x4096xf32, #tpu.memory_space<vmem>> -> memref<64x4096xf32, #tpu.memory_space<vmem>>
      %dma_wait3A_590 = arith.constant 0 : i32
      %dma_wait3A_591 = arith.constant 0 : i32
      %dma_wait3A_592 = tpu.memref_slice %arg5[%get3A_67, %dma_wait3A_590, %dma_wait3A_591] : memref<64x64x4096xf32, #tpu.memory_space<hbm>> -> memref<1x64x4096xf32, #tpu.memory_space<hbm>>
      %dma_wait3A_593 = tpu.memref_squeeze %dma_wait3A_592 : memref<1x64x4096xf32, #tpu.memory_space<hbm>> -> memref<64x4096xf32, #tpu.memory_space<hbm>>
      tpu.wait_dma2 semaphore(%arg19 : memref<!tpu.dma_semaphore, #tpu.memory_space<semaphore_mem>>) src(%dma_wait3A_593 : memref<64x4096xf32, #tpu.memory_space<hbm>>) dst(%dma_wait3A_589 : memref<64x4096xf32, #tpu.memory_space<vmem>>)
      %dma_wait3A_594 = arith.constant 6 : i32
      %dma_wait3A_595 = arith.constant 0 : i32
      %dma_wait3A_596 = arith.constant 0 : i32
      %dma_wait3A_597 = tpu.memref_slice %arg13[%dma_wait3A_594, %dma_wait3A_595, %dma_wait3A_596] : memref<8x64x4096xf32, #tpu.memory_space<vmem>> -> memref<1x64x4096xf32, #tpu.memory_space<vmem>>
      %dma_wait3A_598 = tpu.memref_squeeze %dma_wait3A_597 : memref<1x64x4096xf32, #tpu.memory_space<vmem>> -> memref<64x4096xf32, #tpu.memory_space<vmem>>
      %dma_wait3A_599 = arith.constant 0 : i32
      %dma_wait3A_600 = arith.constant 0 : i32
      %dma_wait3A_601 = tpu.memref_slice %arg6[%get3A_69, %dma_wait3A_599, %dma_wait3A_600] : memref<64x64x4096xf32, #tpu.memory_space<hbm>> -> memref<1x64x4096xf32, #tpu.memory_space<hbm>>
      %dma_wait3A_602 = tpu.memref_squeeze %dma_wait3A_601 : memref<1x64x4096xf32, #tpu.memory_space<hbm>> -> memref<64x4096xf32, #tpu.memory_space<hbm>>
      tpu.wait_dma2 semaphore(%arg19 : memref<!tpu.dma_semaphore, #tpu.memory_space<semaphore_mem>>) src(%dma_wait3A_602 : memref<64x4096xf32, #tpu.memory_space<hbm>>) dst(%dma_wait3A_598 : memref<64x4096xf32, #tpu.memory_space<vmem>>)
      %dma_wait3A_603 = arith.constant 6 : i32
      %dma_wait3A_604 = arith.constant 0 : i32
      %dma_wait3A_605 = arith.constant 0 : i32
      %dma_wait3A_606 = tpu.memref_slice %arg14[%dma_wait3A_603, %dma_wait3A_604, %dma_wait3A_605] : memref<8x64x1024xf32, #tpu.memory_space<vmem>> -> memref<1x64x1024xf32, #tpu.memory_space<vmem>>
      %dma_wait3A_607 = tpu.memref_squeeze %dma_wait3A_606 : memref<1x64x1024xf32, #tpu.memory_space<vmem>> -> memref<64x1024xf32, #tpu.memory_space<vmem>>
      %dma_wait3A_608 = arith.constant 0 : i32
      %dma_wait3A_609 = arith.constant 0 : i32
      %dma_wait3A_610 = tpu.memref_slice %arg7[%get3A_69, %dma_wait3A_608, %dma_wait3A_609] : memref<64x64x1024xf32, #tpu.memory_space<hbm>> -> memref<1x64x1024xf32, #tpu.memory_space<hbm>>
      %dma_wait3A_611 = tpu.memref_squeeze %dma_wait3A_610 : memref<1x64x1024xf32, #tpu.memory_space<hbm>> -> memref<64x1024xf32, #tpu.memory_space<hbm>>
      tpu.wait_dma2 semaphore(%arg19 : memref<!tpu.dma_semaphore, #tpu.memory_space<semaphore_mem>>) src(%dma_wait3A_611 : memref<64x1024xf32, #tpu.memory_space<hbm>>) dst(%dma_wait3A_607 : memref<64x1024xf32, #tpu.memory_space<vmem>>)
      %dma_wait3A_612 = arith.constant 7 : i32
      %dma_wait3A_613 = arith.constant 0 : i32
      %dma_wait3A_614 = arith.constant 0 : i32
      %dma_wait3A_615 = tpu.memref_slice %arg11[%dma_wait3A_612, %dma_wait3A_613, %dma_wait3A_614] : memref<8x64x1024xf32, #tpu.memory_space<vmem>> -> memref<1x64x1024xf32, #tpu.memory_space<vmem>>
      %dma_wait3A_616 = tpu.memref_squeeze %dma_wait3A_615 : memref<1x64x1024xf32, #tpu.memory_space<vmem>> -> memref<64x1024xf32, #tpu.memory_space<vmem>>
      %dma_wait3A_617 = arith.constant 0 : i32
      %dma_wait3A_618 = arith.constant 0 : i32
      %dma_wait3A_619 = tpu.memref_slice %arg4[%get3A_71, %dma_wait3A_617, %dma_wait3A_618] : memref<64x64x1024xf32, #tpu.memory_space<hbm>> -> memref<1x64x1024xf32, #tpu.memory_space<hbm>>
      %dma_wait3A_620 = tpu.memref_squeeze %dma_wait3A_619 : memref<1x64x1024xf32, #tpu.memory_space<hbm>> -> memref<64x1024xf32, #tpu.memory_space<hbm>>
      tpu.wait_dma2 semaphore(%arg19 : memref<!tpu.dma_semaphore, #tpu.memory_space<semaphore_mem>>) src(%dma_wait3A_620 : memref<64x1024xf32, #tpu.memory_space<hbm>>) dst(%dma_wait3A_616 : memref<64x1024xf32, #tpu.memory_space<vmem>>)
      %dma_wait3A_621 = arith.constant 7 : i32
      %dma_wait3A_622 = arith.constant 0 : i32
      %dma_wait3A_623 = arith.constant 0 : i32
      %dma_wait3A_624 = tpu.memref_slice %arg12[%dma_wait3A_621, %dma_wait3A_622, %dma_wait3A_623] : memref<8x64x4096xf32, #tpu.memory_space<vmem>> -> memref<1x64x4096xf32, #tpu.memory_space<vmem>>
      %dma_wait3A_625 = tpu.memref_squeeze %dma_wait3A_624 : memref<1x64x4096xf32, #tpu.memory_space<vmem>> -> memref<64x4096xf32, #tpu.memory_space<vmem>>
      %dma_wait3A_626 = arith.constant 0 : i32
      %dma_wait3A_627 = arith.constant 0 : i32
      %dma_wait3A_628 = tpu.memref_slice %arg5[%get3A_71, %dma_wait3A_626, %dma_wait3A_627] : memref<64x64x4096xf32, #tpu.memory_space<hbm>> -> memref<1x64x4096xf32, #tpu.memory_space<hbm>>
      %dma_wait3A_629 = tpu.memref_squeeze %dma_wait3A_628 : memref<1x64x4096xf32, #tpu.memory_space<hbm>> -> memref<64x4096xf32, #tpu.memory_space<hbm>>
      tpu.wait_dma2 semaphore(%arg19 : memref<!tpu.dma_semaphore, #tpu.memory_space<semaphore_mem>>) src(%dma_wait3A_629 : memref<64x4096xf32, #tpu.memory_space<hbm>>) dst(%dma_wait3A_625 : memref<64x4096xf32, #tpu.memory_space<vmem>>)
      %dma_wait3A_630 = arith.constant 7 : i32
      %dma_wait3A_631 = arith.constant 0 : i32
      %dma_wait3A_632 = arith.constant 0 : i32
      %dma_wait3A_633 = tpu.memref_slice %arg13[%dma_wait3A_630, %dma_wait3A_631, %dma_wait3A_632] : memref<8x64x4096xf32, #tpu.memory_space<vmem>> -> memref<1x64x4096xf32, #tpu.memory_space<vmem>>
      %dma_wait3A_634 = tpu.memref_squeeze %dma_wait3A_633 : memref<1x64x4096xf32, #tpu.memory_space<vmem>> -> memref<64x4096xf32, #tpu.memory_space<vmem>>
      %dma_wait3A_635 = arith.constant 0 : i32
      %dma_wait3A_636 = arith.constant 0 : i32
      %dma_wait3A_637 = tpu.memref_slice %arg6[%get3A_73, %dma_wait3A_635, %dma_wait3A_636] : memref<64x64x4096xf32, #tpu.memory_space<hbm>> -> memref<1x64x4096xf32, #tpu.memory_space<hbm>>
      %dma_wait3A_638 = tpu.memref_squeeze %dma_wait3A_637 : memref<1x64x4096xf32, #tpu.memory_space<hbm>> -> memref<64x4096xf32, #tpu.memory_space<hbm>>
      tpu.wait_dma2 semaphore(%arg19 : memref<!tpu.dma_semaphore, #tpu.memory_space<semaphore_mem>>) src(%dma_wait3A_638 : memref<64x4096xf32, #tpu.memory_space<hbm>>) dst(%dma_wait3A_634 : memref<64x4096xf32, #tpu.memory_space<vmem>>)
      %dma_wait3A_639 = arith.constant 7 : i32
      %dma_wait3A_640 = arith.constant 0 : i32
      %dma_wait3A_641 = arith.constant 0 : i32
      %dma_wait3A_642 = tpu.memref_slice %arg14[%dma_wait3A_639, %dma_wait3A_640, %dma_wait3A_641] : memref<8x64x1024xf32, #tpu.memory_space<vmem>> -> memref<1x64x1024xf32, #tpu.memory_space<vmem>>
      %dma_wait3A_643 = tpu.memref_squeeze %dma_wait3A_642 : memref<1x64x1024xf32, #tpu.memory_space<vmem>> -> memref<64x1024xf32, #tpu.memory_space<vmem>>
      %dma_wait3A_644 = arith.constant 0 : i32
      %dma_wait3A_645 = arith.constant 0 : i32
      %dma_wait3A_646 = tpu.memref_slice %arg7[%get3A_73, %dma_wait3A_644, %dma_wait3A_645] : memref<64x64x1024xf32, #tpu.memory_space<hbm>> -> memref<1x64x1024xf32, #tpu.memory_space<hbm>>
      %dma_wait3A_647 = tpu.memref_squeeze %dma_wait3A_646 : memref<1x64x1024xf32, #tpu.memory_space<hbm>> -> memref<64x1024xf32, #tpu.memory_space<hbm>>
      tpu.wait_dma2 semaphore(%arg19 : memref<!tpu.dma_semaphore, #tpu.memory_space<semaphore_mem>>) src(%dma_wait3A_647 : memref<64x1024xf32, #tpu.memory_space<hbm>>) dst(%dma_wait3A_643 : memref<64x1024xf32, #tpu.memory_space<vmem>>)
      %get3A_648 = arith.constant 0 : index
      %get3A_649 = arith.constant 0 : index
      %get3A_650 = arith.constant 0 : index
      %get3A_651 = vector.load %arg11[%get3A_648, %get3A_649, %get3A_650] : memref<8x64x1024xf32, #tpu.memory_space<vmem>>, vector<1x64x1024xf32>
      %get3A_652 = vector.shape_cast %get3A_651 : vector<1x64x1024xf32> to vector<64x1024xf32>
      %convert_element_type3A_653 = arith.truncf %get3A_652 : vector<64x1024xf32> to vector<64x1024xbf16>
      %get3A_654 = arith.constant 1 : index
      %get3A_655 = arith.constant 0 : index
      %get3A_656 = arith.constant 0 : index
      %get3A_657 = vector.load %arg11[%get3A_654, %get3A_655, %get3A_656] : memref<8x64x1024xf32, #tpu.memory_space<vmem>>, vector<1x64x1024xf32>
      %get3A_658 = vector.shape_cast %get3A_657 : vector<1x64x1024xf32> to vector<64x1024xf32>
      %convert_element_type3A_659 = arith.truncf %get3A_658 : vector<64x1024xf32> to vector<64x1024xbf16>
      %get3A_660 = arith.constant 2 : index
      %get3A_661 = arith.constant 0 : index
      %get3A_662 = arith.constant 0 : index
      %get3A_663 = vector.load %arg11[%get3A_660, %get3A_661, %get3A_662] : memref<8x64x1024xf32, #tpu.memory_space<vmem>>, vector<1x64x1024xf32>
      %get3A_664 = vector.shape_cast %get3A_663 : vector<1x64x1024xf32> to vector<64x1024xf32>
      %convert_element_type3A_665 = arith.truncf %get3A_664 : vector<64x1024xf32> to vector<64x1024xbf16>
      %get3A_666 = arith.constant 3 : index
      %get3A_667 = arith.constant 0 : index
      %get3A_668 = arith.constant 0 : index
      %get3A_669 = vector.load %arg11[%get3A_666, %get3A_667, %get3A_668] : memref<8x64x1024xf32, #tpu.memory_space<vmem>>, vector<1x64x1024xf32>
      %get3A_670 = vector.shape_cast %get3A_669 : vector<1x64x1024xf32> to vector<64x1024xf32>
      %convert_element_type3A_671 = arith.truncf %get3A_670 : vector<64x1024xf32> to vector<64x1024xbf16>
      %get3A_672 = arith.constant 4 : index
      %get3A_673 = arith.constant 0 : index
      %get3A_674 = arith.constant 0 : index
      %get3A_675 = vector.load %arg11[%get3A_672, %get3A_673, %get3A_674] : memref<8x64x1024xf32, #tpu.memory_space<vmem>>, vector<1x64x1024xf32>
      %get3A_676 = vector.shape_cast %get3A_675 : vector<1x64x1024xf32> to vector<64x1024xf32>
      %convert_element_type3A_677 = arith.truncf %get3A_676 : vector<64x1024xf32> to vector<64x1024xbf16>
      %get3A_678 = arith.constant 5 : index
      %get3A_679 = arith.constant 0 : index
      %get3A_680 = arith.constant 0 : index
      %get3A_681 = vector.load %arg11[%get3A_678, %get3A_679, %get3A_680] : memref<8x64x1024xf32, #tpu.memory_space<vmem>>, vector<1x64x1024xf32>
      %get3A_682 = vector.shape_cast %get3A_681 : vector<1x64x1024xf32> to vector<64x1024xf32>
      %convert_element_type3A_683 = arith.truncf %get3A_682 : vector<64x1024xf32> to vector<64x1024xbf16>
      %get3A_684 = arith.constant 6 : index
      %get3A_685 = arith.constant 0 : index
      %get3A_686 = arith.constant 0 : index
      %get3A_687 = vector.load %arg11[%get3A_684, %get3A_685, %get3A_686] : memref<8x64x1024xf32, #tpu.memory_space<vmem>>, vector<1x64x1024xf32>
      %get3A_688 = vector.shape_cast %get3A_687 : vector<1x64x1024xf32> to vector<64x1024xf32>
      %convert_element_type3A_689 = arith.truncf %get3A_688 : vector<64x1024xf32> to vector<64x1024xbf16>
      %get3A_690 = arith.constant 7 : index
      %get3A_691 = arith.constant 0 : index
      %get3A_692 = arith.constant 0 : index
      %get3A_693 = vector.load %arg11[%get3A_690, %get3A_691, %get3A_692] : memref<8x64x1024xf32, #tpu.memory_space<vmem>>, vector<1x64x1024xf32>
      %get3A_694 = vector.shape_cast %get3A_693 : vector<1x64x1024xf32> to vector<64x1024xf32>
      %convert_element_type3A_695 = arith.truncf %get3A_694 : vector<64x1024xf32> to vector<64x1024xbf16>
      %concatenate3A = tpu.concatenate %convert_element_type3A_653, %convert_element_type3A_659, %convert_element_type3A_665, %convert_element_type3A_671, %convert_element_type3A_677, %convert_element_type3A_683, %convert_element_type3A_689, %convert_element_type3A_695 in 0 : vector<64x1024xbf16>, vector<64x1024xbf16>, vector<64x1024xbf16>, vector<64x1024xbf16>, vector<64x1024xbf16>, vector<64x1024xbf16>, vector<64x1024xbf16>, vector<64x1024xbf16> -> vector<512x1024xbf16>
      %swap3A_696 = arith.constant 0 : index
      %swap3A_697 = arith.constant 0 : index
      %swap3A_698 = vector.load %arg15[%swap3A_696, %swap3A_697] : memref<512x1024xbf16, #tpu.memory_space<vmem>>, vector<512x1024xbf16>
      tpu.vector_store %arg15[%swap3A_696, %swap3A_697], %concatenate3A {strides = array<i32>} : memref<512x1024xbf16, #tpu.memory_space<vmem>>, vector<512x1024xbf16>,
      %get3A_699 = arith.constant 0 : index
      %get3A_700 = arith.constant 0 : index
      %get3A_701 = arith.constant 0 : index
      %get3A_702 = vector.load %arg12[%get3A_699, %get3A_700, %get3A_701] : memref<8x64x4096xf32, #tpu.memory_space<vmem>>, vector<1x64x4096xf32>
      %get3A_703 = vector.shape_cast %get3A_702 : vector<1x64x4096xf32> to vector<64x4096xf32>
      %get3A_704 = arith.constant 0 : index
      %get3A_705 = memref.load %arg8[%get3A_704] : memref<16xf32, #tpu.memory_space<smem>>
      %mul3A_706 = vector.broadcast %get3A_705 : f32 to vector<64x4096xf32>
      %mul3A_707 = arith.mulf %get3A_703, %mul3A_706 : vector<64x4096xf32>
      %convert_element_type3A_708 = arith.truncf %mul3A_707 : vector<64x4096xf32> to vector<64x4096xbf16>
      %get3A_709 = arith.constant 1 : index
      %get3A_710 = arith.constant 0 : index
      %get3A_711 = arith.constant 0 : index
      %get3A_712 = vector.load %arg12[%get3A_709, %get3A_710, %get3A_711] : memref<8x64x4096xf32, #tpu.memory_space<vmem>>, vector<1x64x4096xf32>
      %get3A_713 = vector.shape_cast %get3A_712 : vector<1x64x4096xf32> to vector<64x4096xf32>
      %get3A_714 = arith.constant 1 : index
      %get3A_715 = memref.load %arg8[%get3A_714] : memref<16xf32, #tpu.memory_space<smem>>
      %mul3A_716 = vector.broadcast %get3A_715 : f32 to vector<64x4096xf32>
      %mul3A_717 = arith.mulf %get3A_713, %mul3A_716 : vector<64x4096xf32>
      %convert_element_type3A_718 = arith.truncf %mul3A_717 : vector<64x4096xf32> to vector<64x4096xbf16>
      %get3A_719 = arith.constant 2 : index
      %get3A_720 = arith.constant 0 : index
      %get3A_721 = arith.constant 0 : index
      %get3A_722 = vector.load %arg12[%get3A_719, %get3A_720, %get3A_721] : memref<8x64x4096xf32, #tpu.memory_space<vmem>>, vector<1x64x4096xf32>
      %get3A_723 = vector.shape_cast %get3A_722 : vector<1x64x4096xf32> to vector<64x4096xf32>
      %get3A_724 = arith.constant 2 : index
      %get3A_725 = memref.load %arg8[%get3A_724] : memref<16xf32, #tpu.memory_space<smem>>
      %mul3A_726 = vector.broadcast %get3A_725 : f32 to vector<64x4096xf32>
      %mul3A_727 = arith.mulf %get3A_723, %mul3A_726 : vector<64x4096xf32>
      %convert_element_type3A_728 = arith.truncf %mul3A_727 : vector<64x4096xf32> to vector<64x4096xbf16>
      %get3A_729 = arith.constant 3 : index
      %get3A_730 = arith.constant 0 : index
      %get3A_731 = arith.constant 0 : index
      %get3A_732 = vector.load %arg12[%get3A_729, %get3A_730, %get3A_731] : memref<8x64x4096xf32, #tpu.memory_space<vmem>>, vector<1x64x4096xf32>
      %get3A_733 = vector.shape_cast %get3A_732 : vector<1x64x4096xf32> to vector<64x4096xf32>
      %get3A_734 = arith.constant 3 : index
      %get3A_735 = memref.load %arg8[%get3A_734] : memref<16xf32, #tpu.memory_space<smem>>
      %mul3A_736 = vector.broadcast %get3A_735 : f32 to vector<64x4096xf32>
      %mul3A_737 = arith.mulf %get3A_733, %mul3A_736 : vector<64x4096xf32>
      %convert_element_type3A_738 = arith.truncf %mul3A_737 : vector<64x4096xf32> to vector<64x4096xbf16>
      %get3A_739 = arith.constant 4 : index
      %get3A_740 = arith.constant 0 : index
      %get3A_741 = arith.constant 0 : index
      %get3A_742 = vector.load %arg12[%get3A_739, %get3A_740, %get3A_741] : memref<8x64x4096xf32, #tpu.memory_space<vmem>>, vector<1x64x4096xf32>
      %get3A_743 = vector.shape_cast %get3A_742 : vector<1x64x4096xf32> to vector<64x4096xf32>
      %get3A_744 = arith.constant 4 : index
      %get3A_745 = memref.load %arg8[%get3A_744] : memref<16xf32, #tpu.memory_space<smem>>
      %mul3A_746 = vector.broadcast %get3A_745 : f32 to vector<64x4096xf32>
      %mul3A_747 = arith.mulf %get3A_743, %mul3A_746 : vector<64x4096xf32>
      %convert_element_type3A_748 = arith.truncf %mul3A_747 : vector<64x4096xf32> to vector<64x4096xbf16>
      %get3A_749 = arith.constant 5 : index
      %get3A_750 = arith.constant 0 : index
      %get3A_751 = arith.constant 0 : index
      %get3A_752 = vector.load %arg12[%get3A_749, %get3A_750, %get3A_751] : memref<8x64x4096xf32, #tpu.memory_space<vmem>>, vector<1x64x4096xf32>
      %get3A_753 = vector.shape_cast %get3A_752 : vector<1x64x4096xf32> to vector<64x4096xf32>
      %get3A_754 = arith.constant 5 : index
      %get3A_755 = memref.load %arg8[%get3A_754] : memref<16xf32, #tpu.memory_space<smem>>
      %mul3A_756 = vector.broadcast %get3A_755 : f32 to vector<64x4096xf32>
      %mul3A_757 = arith.mulf %get3A_753, %mul3A_756 : vector<64x4096xf32>
      %convert_element_type3A_758 = arith.truncf %mul3A_757 : vector<64x4096xf32> to vector<64x4096xbf16>
      %get3A_759 = arith.constant 6 : index
      %get3A_760 = arith.constant 0 : index
      %get3A_761 = arith.constant 0 : index
      %get3A_762 = vector.load %arg12[%get3A_759, %get3A_760, %get3A_761] : memref<8x64x4096xf32, #tpu.memory_space<vmem>>, vector<1x64x4096xf32>
      %get3A_763 = vector.shape_cast %get3A_762 : vector<1x64x4096xf32> to vector<64x4096xf32>
      %get3A_764 = arith.constant 6 : index
      %get3A_765 = memref.load %arg8[%get3A_764] : memref<16xf32, #tpu.memory_space<smem>>
      %mul3A_766 = vector.broadcast %get3A_765 : f32 to vector<64x4096xf32>
      %mul3A_767 = arith.mulf %get3A_763, %mul3A_766 : vector<64x4096xf32>
      %convert_element_type3A_768 = arith.truncf %mul3A_767 : vector<64x4096xf32> to vector<64x4096xbf16>
      %get3A_769 = arith.constant 7 : index
      %get3A_770 = arith.constant 0 : index
      %get3A_771 = arith.constant 0 : index
      %get3A_772 = vector.load %arg12[%get3A_769, %get3A_770, %get3A_771] : memref<8x64x4096xf32, #tpu.memory_space<vmem>>, vector<1x64x4096xf32>
      %get3A_773 = vector.shape_cast %get3A_772 : vector<1x64x4096xf32> to vector<64x4096xf32>
      %get3A_774 = arith.constant 7 : index
      %get3A_775 = memref.load %arg8[%get3A_774] : memref<16xf32, #tpu.memory_space<smem>>
      %mul3A_776 = vector.broadcast %get3A_775 : f32 to vector<64x4096xf32>
      %mul3A_777 = arith.mulf %get3A_773, %mul3A_776 : vector<64x4096xf32>
      %convert_element_type3A_778 = arith.truncf %mul3A_777 : vector<64x4096xf32> to vector<64x4096xbf16>
      %concatenate3A_779 = tpu.concatenate %convert_element_type3A_708, %convert_element_type3A_718, %convert_element_type3A_728, %convert_element_type3A_738, %convert_element_type3A_748, %convert_element_type3A_758, %convert_element_type3A_768, %convert_element_type3A_778 in 0 : vector<64x4096xbf16>, vector<64x4096xbf16>, vector<64x4096xbf16>, vector<64x4096xbf16>, vector<64x4096xbf16>, vector<64x4096xbf16>, vector<64x4096xbf16>, vector<64x4096xbf16> -> vector<512x4096xbf16>
      %swap3A_780 = arith.constant 0 : index
      %swap3A_781 = arith.constant 0 : index
      %swap3A_782 = vector.load %arg16[%swap3A_780, %swap3A_781] : memref<512x4096xbf16, #tpu.memory_space<vmem>>, vector<512x4096xbf16>
      tpu.vector_store %arg16[%swap3A_780, %swap3A_781], %concatenate3A_779 {strides = array<i32>} : memref<512x4096xbf16, #tpu.memory_space<vmem>>, vector<512x4096xbf16>,
      %get3A_783 = arith.constant 0 : index
      %get3A_784 = arith.constant 0 : index
      %get3A_785 = arith.constant 0 : index
      %get3A_786 = vector.load %arg13[%get3A_783, %get3A_784, %get3A_785] : memref<8x64x4096xf32, #tpu.memory_space<vmem>>, vector<1x64x4096xf32>
      %get3A_787 = vector.shape_cast %get3A_786 : vector<1x64x4096xf32> to vector<64x4096xf32>
      %convert_element_type3A_788 = arith.truncf %get3A_787 : vector<64x4096xf32> to vector<64x4096xbf16>
      %get3A_789 = arith.constant 1 : index
      %get3A_790 = arith.constant 0 : index
      %get3A_791 = arith.constant 0 : index
      %get3A_792 = vector.load %arg13[%get3A_789, %get3A_790, %get3A_791] : memref<8x64x4096xf32, #tpu.memory_space<vmem>>, vector<1x64x4096xf32>
      %get3A_793 = vector.shape_cast %get3A_792 : vector<1x64x4096xf32> to vector<64x4096xf32>
      %convert_element_type3A_794 = arith.truncf %get3A_793 : vector<64x4096xf32> to vector<64x4096xbf16>
      %get3A_795 = arith.constant 2 : index
      %get3A_796 = arith.constant 0 : index
      %get3A_797 = arith.constant 0 : index
      %get3A_798 = vector.load %arg13[%get3A_795, %get3A_796, %get3A_797] : memref<8x64x4096xf32, #tpu.memory_space<vmem>>, vector<1x64x4096xf32>
      %get3A_799 = vector.shape_cast %get3A_798 : vector<1x64x4096xf32> to vector<64x4096xf32>
      %convert_element_type3A_800 = arith.truncf %get3A_799 : vector<64x4096xf32> to vector<64x4096xbf16>
      %get3A_801 = arith.constant 3 : index
      %get3A_802 = arith.constant 0 : index
      %get3A_803 = arith.constant 0 : index
      %get3A_804 = vector.load %arg13[%get3A_801, %get3A_802, %get3A_803] : memref<8x64x4096xf32, #tpu.memory_space<vmem>>, vector<1x64x4096xf32>
      %get3A_805 = vector.shape_cast %get3A_804 : vector<1x64x4096xf32> to vector<64x4096xf32>
      %convert_element_type3A_806 = arith.truncf %get3A_805 : vector<64x4096xf32> to vector<64x4096xbf16>
      %get3A_807 = arith.constant 4 : index
      %get3A_808 = arith.constant 0 : index
      %get3A_809 = arith.constant 0 : index
      %get3A_810 = vector.load %arg13[%get3A_807, %get3A_808, %get3A_809] : memref<8x64x4096xf32, #tpu.memory_space<vmem>>, vector<1x64x4096xf32>
      %get3A_811 = vector.shape_cast %get3A_810 : vector<1x64x4096xf32> to vector<64x4096xf32>
      %convert_element_type3A_812 = arith.truncf %get3A_811 : vector<64x4096xf32> to vector<64x4096xbf16>
      %get3A_813 = arith.constant 5 : index
      %get3A_814 = arith.constant 0 : index
      %get3A_815 = arith.constant 0 : index
      %get3A_816 = vector.load %arg13[%get3A_813, %get3A_814, %get3A_815] : memref<8x64x4096xf32, #tpu.memory_space<vmem>>, vector<1x64x4096xf32>
      %get3A_817 = vector.shape_cast %get3A_816 : vector<1x64x4096xf32> to vector<64x4096xf32>
      %convert_element_type3A_818 = arith.truncf %get3A_817 : vector<64x4096xf32> to vector<64x4096xbf16>
      %get3A_819 = arith.constant 6 : index
      %get3A_820 = arith.constant 0 : index
      %get3A_821 = arith.constant 0 : index
      %get3A_822 = vector.load %arg13[%get3A_819, %get3A_820, %get3A_821] : memref<8x64x4096xf32, #tpu.memory_space<vmem>>, vector<1x64x4096xf32>
      %get3A_823 = vector.shape_cast %get3A_822 : vector<1x64x4096xf32> to vector<64x4096xf32>
      %convert_element_type3A_824 = arith.truncf %get3A_823 : vector<64x4096xf32> to vector<64x4096xbf16>
      %get3A_825 = arith.constant 7 : index
      %get3A_826 = arith.constant 0 : index
      %get3A_827 = arith.constant 0 : index
      %get3A_828 = vector.load %arg13[%get3A_825, %get3A_826, %get3A_827] : memref<8x64x4096xf32, #tpu.memory_space<vmem>>, vector<1x64x4096xf32>
      %get3A_829 = vector.shape_cast %get3A_828 : vector<1x64x4096xf32> to vector<64x4096xf32>
      %convert_element_type3A_830 = arith.truncf %get3A_829 : vector<64x4096xf32> to vector<64x4096xbf16>
      %concatenate3A_831 = tpu.concatenate %convert_element_type3A_788, %convert_element_type3A_794, %convert_element_type3A_800, %convert_element_type3A_806, %convert_element_type3A_812, %convert_element_type3A_818, %convert_element_type3A_824, %convert_element_type3A_830 in 0 : vector<64x4096xbf16>, vector<64x4096xbf16>, vector<64x4096xbf16>, vector<64x4096xbf16>, vector<64x4096xbf16>, vector<64x4096xbf16>, vector<64x4096xbf16>, vector<64x4096xbf16> -> vector<512x4096xbf16>
      %swap3A_832 = arith.constant 0 : index
      %swap3A_833 = arith.constant 0 : index
      %swap3A_834 = vector.load %arg17[%swap3A_832, %swap3A_833] : memref<512x4096xbf16, #tpu.memory_space<vmem>>, vector<512x4096xbf16>
      tpu.vector_store %arg17[%swap3A_832, %swap3A_833], %concatenate3A_831 {strides = array<i32>} : memref<512x4096xbf16, #tpu.memory_space<vmem>>, vector<512x4096xbf16>,
      %get3A_835 = arith.constant 0 : index
      %get3A_836 = arith.constant 0 : index
      %get3A_837 = arith.constant 0 : index
      %get3A_838 = vector.load %arg14[%get3A_835, %get3A_836, %get3A_837] : memref<8x64x1024xf32, #tpu.memory_space<vmem>>, vector<1x64x1024xf32>
      %get3A_839 = vector.shape_cast %get3A_838 : vector<1x64x1024xf32> to vector<64x1024xf32>
      %get3A_840 = arith.constant 0 : index
      %get3A_841 = memref.load %arg9[%get3A_840] : memref<16xf32, #tpu.memory_space<smem>>
      %mul3A_842 = vector.broadcast %get3A_841 : f32 to vector<64x1024xf32>
      %mul3A_843 = arith.mulf %get3A_839, %mul3A_842 : vector<64x1024xf32>
      %convert_element_type3A_844 = arith.truncf %mul3A_843 : vector<64x1024xf32> to vector<64x1024xbf16>
      %get3A_845 = arith.constant 1 : index
      %get3A_846 = arith.constant 0 : index
      %get3A_847 = arith.constant 0 : index
      %get3A_848 = vector.load %arg14[%get3A_845, %get3A_846, %get3A_847] : memref<8x64x1024xf32, #tpu.memory_space<vmem>>, vector<1x64x1024xf32>
      %get3A_849 = vector.shape_cast %get3A_848 : vector<1x64x1024xf32> to vector<64x1024xf32>
      %get3A_850 = arith.constant 1 : index
      %get3A_851 = memref.load %arg9[%get3A_850] : memref<16xf32, #tpu.memory_space<smem>>
      %mul3A_852 = vector.broadcast %get3A_851 : f32 to vector<64x1024xf32>
      %mul3A_853 = arith.mulf %get3A_849, %mul3A_852 : vector<64x1024xf32>
      %convert_element_type3A_854 = arith.truncf %mul3A_853 : vector<64x1024xf32> to vector<64x1024xbf16>
      %get3A_855 = arith.constant 2 : index
      %get3A_856 = arith.constant 0 : index
      %get3A_857 = arith.constant 0 : index
      %get3A_858 = vector.load %arg14[%get3A_855, %get3A_856, %get3A_857] : memref<8x64x1024xf32, #tpu.memory_space<vmem>>, vector<1x64x1024xf32>
      %get3A_859 = vector.shape_cast %get3A_858 : vector<1x64x1024xf32> to vector<64x1024xf32>
      %get3A_860 = arith.constant 2 : index
      %get3A_861 = memref.load %arg9[%get3A_860] : memref<16xf32, #tpu.memory_space<smem>>
      %mul3A_862 = vector.broadcast %get3A_861 : f32 to vector<64x1024xf32>
      %mul3A_863 = arith.mulf %get3A_859, %mul3A_862 : vector<64x1024xf32>
      %convert_element_type3A_864 = arith.truncf %mul3A_863 : vector<64x1024xf32> to vector<64x1024xbf16>
      %get3A_865 = arith.constant 3 : index
      %get3A_866 = arith.constant 0 : index
      %get3A_867 = arith.constant 0 : index
      %get3A_868 = vector.load %arg14[%get3A_865, %get3A_866, %get3A_867] : memref<8x64x1024xf32, #tpu.memory_space<vmem>>, vector<1x64x1024xf32>
      %get3A_869 = vector.shape_cast %get3A_868 : vector<1x64x1024xf32> to vector<64x1024xf32>
      %get3A_870 = arith.constant 3 : index
      %get3A_871 = memref.load %arg9[%get3A_870] : memref<16xf32, #tpu.memory_space<smem>>
      %mul3A_872 = vector.broadcast %get3A_871 : f32 to vector<64x1024xf32>
      %mul3A_873 = arith.mulf %get3A_869, %mul3A_872 : vector<64x1024xf32>
      %convert_element_type3A_874 = arith.truncf %mul3A_873 : vector<64x1024xf32> to vector<64x1024xbf16>
      %get3A_875 = arith.constant 4 : index
      %get3A_876 = arith.constant 0 : index
      %get3A_877 = arith.constant 0 : index
      %get3A_878 = vector.load %arg14[%get3A_875, %get3A_876, %get3A_877] : memref<8x64x1024xf32, #tpu.memory_space<vmem>>, vector<1x64x1024xf32>
      %get3A_879 = vector.shape_cast %get3A_878 : vector<1x64x1024xf32> to vector<64x1024xf32>
      %get3A_880 = arith.constant 4 : index
      %get3A_881 = memref.load %arg9[%get3A_880] : memref<16xf32, #tpu.memory_space<smem>>
      %mul3A_882 = vector.broadcast %get3A_881 : f32 to vector<64x1024xf32>
      %mul3A_883 = arith.mulf %get3A_879, %mul3A_882 : vector<64x1024xf32>
      %convert_element_type3A_884 = arith.truncf %mul3A_883 : vector<64x1024xf32> to vector<64x1024xbf16>
      %get3A_885 = arith.constant 5 : index
      %get3A_886 = arith.constant 0 : index
      %get3A_887 = arith.constant 0 : index
      %get3A_888 = vector.load %arg14[%get3A_885, %get3A_886, %get3A_887] : memref<8x64x1024xf32, #tpu.memory_space<vmem>>, vector<1x64x1024xf32>
      %get3A_889 = vector.shape_cast %get3A_888 : vector<1x64x1024xf32> to vector<64x1024xf32>
      %get3A_890 = arith.constant 5 : index
      %get3A_891 = memref.load %arg9[%get3A_890] : memref<16xf32, #tpu.memory_space<smem>>
      %mul3A_892 = vector.broadcast %get3A_891 : f32 to vector<64x1024xf32>
      %mul3A_893 = arith.mulf %get3A_889, %mul3A_892 : vector<64x1024xf32>
      %convert_element_type3A_894 = arith.truncf %mul3A_893 : vector<64x1024xf32> to vector<64x1024xbf16>
      %get3A_895 = arith.constant 6 : index
      %get3A_896 = arith.constant 0 : index
      %get3A_897 = arith.constant 0 : index
      %get3A_898 = vector.load %arg14[%get3A_895, %get3A_896, %get3A_897] : memref<8x64x1024xf32, #tpu.memory_space<vmem>>, vector<1x64x1024xf32>
      %get3A_899 = vector.shape_cast %get3A_898 : vector<1x64x1024xf32> to vector<64x1024xf32>
      %get3A_900 = arith.constant 6 : index
      %get3A_901 = memref.load %arg9[%get3A_900] : memref<16xf32, #tpu.memory_space<smem>>
      %mul3A_902 = vector.broadcast %get3A_901 : f32 to vector<64x1024xf32>
      %mul3A_903 = arith.mulf %get3A_899, %mul3A_902 : vector<64x1024xf32>
      %convert_element_type3A_904 = arith.truncf %mul3A_903 : vector<64x1024xf32> to vector<64x1024xbf16>
      %get3A_905 = arith.constant 7 : index
      %get3A_906 = arith.constant 0 : index
      %get3A_907 = arith.constant 0 : index
      %get3A_908 = vector.load %arg14[%get3A_905, %get3A_906, %get3A_907] : memref<8x64x1024xf32, #tpu.memory_space<vmem>>, vector<1x64x1024xf32>
      %get3A_909 = vector.shape_cast %get3A_908 : vector<1x64x1024xf32> to vector<64x1024xf32>
      %get3A_910 = arith.constant 7 : index
      %get3A_911 = memref.load %arg9[%get3A_910] : memref<16xf32, #tpu.memory_space<smem>>
      %mul3A_912 = vector.broadcast %get3A_911 : f32 to vector<64x1024xf32>
      %mul3A_913 = arith.mulf %get3A_909, %mul3A_912 : vector<64x1024xf32>
      %convert_element_type3A_914 = arith.truncf %mul3A_913 : vector<64x1024xf32> to vector<64x1024xbf16>
      %concatenate3A_915 = tpu.concatenate %convert_element_type3A_844, %convert_element_type3A_854, %convert_element_type3A_864, %convert_element_type3A_874, %convert_element_type3A_884, %convert_element_type3A_894, %convert_element_type3A_904, %convert_element_type3A_914 in 0 : vector<64x1024xbf16>, vector<64x1024xbf16>, vector<64x1024xbf16>, vector<64x1024xbf16>, vector<64x1024xbf16>, vector<64x1024xbf16>, vector<64x1024xbf16>, vector<64x1024xbf16> -> vector<512x1024xbf16>
      %swap3A_916 = arith.constant 0 : index
      %swap3A_917 = arith.constant 0 : index
      %swap3A_918 = vector.load %arg18[%swap3A_916, %swap3A_917] : memref<512x1024xbf16, #tpu.memory_space<vmem>>, vector<512x1024xbf16>
      tpu.vector_store %arg18[%swap3A_916, %swap3A_917], %concatenate3A_915 {strides = array<i32>} : memref<512x1024xbf16, #tpu.memory_space<vmem>>, vector<512x1024xbf16>,
    } else {
    }
    %get3A = arith.constant 0 : index
    %get3A_2 = arith.constant 0 : index
    %get3A_3 = vector.load %arg3[%get3A, %get3A_2] : memref<1024x1024xf32, #tpu.memory_space<vmem>>, vector<1024x1024xf32>
    %convert_element_type3A_4 = arith.truncf %get3A_3 : vector<1024x1024xf32> to vector<1024x1024xbf16>
    %get3A_5 = arith.constant 0 : index
    %get3A_6 = arith.constant 0 : index
    %get3A_7 = vector.load %arg15[%get3A_5, %get3A_6] : memref<512x1024xbf16, #tpu.memory_space<vmem>>, vector<512x1024xbf16>
    %dot_general3A = arith.constant dense<0.000000e+00> : vector<1024x512xf32>
    %dot_general3A_8 = tpu.matmul %convert_element_type3A_4, %get3A_7, %dot_general3A {dimension_numbers = #tpu.dot_dimension_numbers<[1], [1], [0], [0], [0, 0, 1, 0], [], []>, transpose_lhs_hint = false} : vector<1024x1024xbf16>, vector<512x1024xbf16>, vector<1024x512xf32> -> vector<1024x512xf32>
    %convert_element_type3A_9 = arith.truncf %dot_general3A_8 : vector<1024x512xf32> to vector<1024x512xbf16>
    %get3A_10 = arith.constant 0 : index
    %get3A_11 = arith.constant 0 : index
    %get3A_12 = vector.load %arg16[%get3A_10, %get3A_11] : memref<512x4096xbf16, #tpu.memory_space<vmem>>, vector<512x4096xbf16>
    %dot_general3A_13 = arith.constant dense<0.000000e+00> : vector<1024x4096xf32>
    %dot_general3A_14 = tpu.matmul %convert_element_type3A_9, %get3A_12, %dot_general3A_13 {dimension_numbers = #tpu.dot_dimension_numbers<[1], [0], [0], [1], [0, 0, 1, 1], [], []>, transpose_lhs_hint = false} : vector<1024x512xbf16>, vector<512x4096xbf16>, vector<1024x4096xf32> -> vector<1024x4096xf32>
    %integer_pow3A = arith.mulf %dot_general3A_14, %dot_general3A_14 : vector<1024x4096xf32>
    %integer_pow3A_15 = arith.mulf %dot_general3A_14, %integer_pow3A : vector<1024x4096xf32>
    %mul3A = arith.constant 4.471500e-02 : f32
    %mul3A_16 = vector.broadcast %mul3A : f32 to vector<1024x4096xf32>
    %mul3A_17 = arith.mulf %mul3A_16, %integer_pow3A_15 : vector<1024x4096xf32>
    %add3A = arith.addf %dot_general3A_14, %mul3A_17 : vector<1024x4096xf32>
    %mul3A_18 = arith.constant 0.797884583 : f32
    %mul3A_19 = vector.broadcast %mul3A_18 : f32 to vector<1024x4096xf32>
    %mul3A_20 = arith.mulf %mul3A_19, %add3A : vector<1024x4096xf32>
    %tanh3A = math.tanh %mul3A_20 : vector<1024x4096xf32>
    %add3A_21 = arith.constant 1.000000e+00 : f32
    %add3A_22 = vector.broadcast %add3A_21 : f32 to vector<1024x4096xf32>
    %add3A_23 = arith.addf %add3A_22, %tanh3A : vector<1024x4096xf32>
    %mul3A_24 = arith.constant 5.000000e-01 : f32
    %mul3A_25 = vector.broadcast %mul3A_24 : f32 to vector<1024x4096xf32>
    %mul3A_26 = arith.mulf %mul3A_25, %add3A_23 : vector<1024x4096xf32>
    %mul3A_27 = arith.mulf %dot_general3A_14, %mul3A_26 : vector<1024x4096xf32>
    %convert_element_type3A_28 = arith.truncf %mul3A_27 : vector<1024x4096xf32> to vector<1024x4096xbf16>
    %get3A_29 = arith.constant 0 : index
    %get3A_30 = arith.constant 0 : index
    %get3A_31 = vector.load %arg17[%get3A_29, %get3A_30] : memref<512x4096xbf16, #tpu.memory_space<vmem>>, vector<512x4096xbf16>
    %dot_general3A_32 = arith.constant dense<0.000000e+00> : vector<1024x512xf32>
    %dot_general3A_33 = tpu.matmul %convert_element_type3A_28, %get3A_31, %dot_general3A_32 {dimension_numbers = #tpu.dot_dimension_numbers<[1], [1], [0], [0], [0, 0, 1, 0], [], []>, transpose_lhs_hint = false} : vector<1024x4096xbf16>, vector<512x4096xbf16>, vector<1024x512xf32> -> vector<1024x512xf32>
    %convert_element_type3A_34 = arith.truncf %dot_general3A_33 : vector<1024x512xf32> to vector<1024x512xbf16>
    %get3A_35 = arith.constant 0 : index
    %get3A_36 = arith.constant 0 : index
    %get3A_37 = vector.load %arg18[%get3A_35, %get3A_36] : memref<512x1024xbf16, #tpu.memory_space<vmem>>, vector<512x1024xbf16>
    %dot_general3A_38 = arith.constant dense<0.000000e+00> : vector<1024x1024xf32>
    %dot_general3A_39 = tpu.matmul %convert_element_type3A_34, %get3A_37, %dot_general3A_38 {dimension_numbers = #tpu.dot_dimension_numbers<[1], [0], [0], [1], [0, 0, 1, 1], [], []>, transpose_lhs_hint = false} : vector<1024x512xbf16>, vector<512x1024xbf16>, vector<1024x1024xf32> -> vector<1024x1024xf32>
    %swap3A = arith.constant 0 : index
    %swap3A_40 = arith.constant 0 : index
    %swap3A_41 = vector.load %arg10[%swap3A, %swap3A_40] : memref<1024x1024xf32, #tpu.memory_space<vmem>>, vector<1024x1024xf32>
    tpu.vector_store %arg10[%swap3A, %swap3A_40], %dot_general3A_39 {strides = array<i32>} : memref<1024x1024xf32, #tpu.memory_space<vmem>>, vector<1024x1024xf32>,
    return
  }
  func.func @transform_0(%arg0: i32, %arg1: memref<16xi32, #tpu.memory_space<smem>>, %arg2: memref<16xi32, #tpu.memory_space<smem>>) -> (i32, i32) {
    %c0_i32 = arith.constant 0 : i32
    %c0_i32_0 = arith.constant 0 : i32
    return %arg0, %c0_i32 : i32, i32
  }
  func.func @transform_5(%arg0: i32, %arg1: memref<16xi32, #tpu.memory_space<smem>>, %arg2: memref<16xi32, #tpu.memory_space<smem>>) -> i32 {
    %c0_i32 = arith.constant 0 : i32
    %c0_i32_0 = arith.constant 0 : i32
    return %c0_i32 : i32
  }
  func.func @transform_6(%arg0: i32, %arg1: memref<16xi32, #tpu.memory_space<smem>>, %arg2: memref<16xi32, #tpu.memory_space<smem>>) -> i32 {
    %c0_i32 = arith.constant 0 : i32
    %c0_i32_0 = arith.constant 0 : i32
    return %c0_i32 : i32
  }
  func.func @transform_7(%arg0: i32, %arg1: memref<16xi32, #tpu.memory_space<smem>>, %arg2: memref<16xi32, #tpu.memory_space<smem>>) -> (i32, i32) {
    %c0_i32 = arith.constant 0 : i32
    %c0_i32_0 = arith.constant 0 : i32
    return %arg0, %c0_i32 : i32, i32
  }
}

</mosaic_0001>

<sc_bundles>
// kernel: kernel.4.cloned.1.call-start
scs
__scs_entry_jumppad:
0x0: {  	(pc) =	sbr.rel $0x88, $3  }
0x1: {  	(tag) =	ssettag $0x0;
	lr =	simm.s32 $0x1  }
0x2: {  	[smem:$0x3F9A] =	sst lr;
	_ =	strace $0xD0000000  }
0x3: {  	_ = 	snop  }
0x4: {  	_ = 	snop  }
0x5: {  	_ = 	snop  }
0x6: {  	_ = 	snop  }
0x7: {  	_ = 	snop  }
__scs_overlays_trampoline_lowered:
0x8: {  	[smem:$0x3FA9] =	sst s0  }
0x9: {  	[smem:$0x3FAA] =	sst s1  }
0xa: {  	[smem:$0x3FAB] =	sst s2  }
0xb: {  	[smem:$0x3FAC] =	sst s3  }
0xc: {  	[smem:$0x3FAD] =	sst s4  }
0xd: {  	[smem:$0x3FAE] =	sst s5  }
0xe: {  	[smem:$0x3FAF] =	sst s6  }
0xf: {  	[smem:$0x3FB0] =	sst s7  }
0x10: {  	[smem:$0x3FB1] =	sst s8  }
0x11: {  	[smem:$0x3FB2] =	sst s9;
	s0 =	simm.s32 @!p0 $0x0  }
0x12: {  	s1 =	sld [smem:$0x3F98];
	s0 =	simm.s32 @p0 $0x1  }
0x13: {  	[smem:$0x3FB3] =	sst s0;
	s0 =	simm.s32 @!p1 $0x0  }
0x14: {  	s2 =	sld [smem:$0x3F97];
	s0 =	simm.s32 @p1 $0x1  }
0x15: {  	[smem:$0x3FB4] =	sst s0;
	s0 =	simm.s32 @!p2 $0x0  }
0x16: {  	s3 =	sld [smem:$0x3FDB];
	s0 =	simm.s32 @p2 $0x1  }
0x17: {  	s4 =	simm.s32 $0x1BF5;
	[smem:$0x3FB6] =	sst s0  }
0x18: {  	s0 =	sld [smem:$0x3F99];
	_ =	swait.ge [sflag:s4], $0x0  }
0x19: {  	s7 =	sld [smem:$0x3F9A]  }
0x1a: {  	s8 =	sadd.s32 $0xFFFFE003, lr  }
0x1b: {  	s9 =	sadd.s32 $0xFFFFFEF7, lr;
	s5 =	simm.s32 $0xFFFFFFFF;
	p2 =	slt.u32 s8, $0xFFFFF086  }
0x1c: {  	p1 =	slt.u32 s9, $0xF7A;
	s5 =	simm.s32 @!p2 $0x0  }
0x1d: {  	s5 =	simm.s32 @p1 $0x1;
	p0 =	seq.s32 s7, s2  }
0x1e: {  	s7 =	smul.u32 @!p0 $0xF7A, s2;
	p2 =	seq.s32 @!p0 s5, $0x0  }
0x1f: {  	s9 =	smul.u32 $0xF7A, s1;
	s8 =	simm.s32 @!p0 $0x1BF5;
	p2 =	por !p2, p0  }
0x20: {  	[sflag:s8] =	ssyncset.s32 @!p0 $0xFFFFF086;
	s6 =	sadd.s32 @!p0 s3, s7;
	s7 =	simm.s32 @!p0 $0x108  }
0x21: {  	s3 =	sadd.s32 s3, s9;
	s6 =	sadd.s32 @!p0 $0x88, s6;
	s7 =	simm.s32 @p2 $0x1082  }
0x22: {  	[simem:s7], [sflag:s8] =	dma.local @!p0 [hbm:s6], $0xF7A  }
0x23: {  	s9 =	sor.u32 $0xD0000000, s2;
	s6 =	simm.s32 $0x108;
	_ =	swait.ge @!p0 [sflag:s8], $0x0  }
0x24: {  	s3 =	sadd.s32 $0x88, s3;
	s6 =	simm.s32 @!p1 $0x1082;
	[sflag:s4] =	ssyncset.s32 $0xFFFFF086  }
0x25: {  	[simem:s6], [sflag:s4] =	dma.local [hbm:s3], $0xF7A  }
0x26: {  	[smem:$0x3F9A] =	sst s1;
	(tag) =	ssettag s2;
	_ =	strace s9  }
0x27: {  	s1 =	sld [smem:$0x3FAA]  }
0x28: {  	s2 =	sld [smem:$0x3FAB]  }
0x29: {  	s4 =	sld [smem:$0x3FAD]  }
0x2a: {  	p0 =	seq.s32 s5, $0x0;
	s5 =	sld [smem:$0x3FAE]  }
0x2b: {  	s6 =	sld [smem:$0x3FAF]  }
0x2c: {  	s7 =	sld [smem:$0x3FB0]  }
0x2d: {  	s3 =	simm.s32 $0x108;
	s8 =	sld [smem:$0x3FB1]  }
0x2e: {  	s3 =	simm.s32 @!p0 $0x1082;
	s9 =	sld [smem:$0x3FB2]  }
0x2f: {  	lr =	sadd.s32 s0, s3;
	s0 =	sld [smem:$0x3FA9]  }
0x30: {  	s3 =	sld [smem:$0x3FAC]  }
0x31: {  	[smem:$0x3FB5] =	sst s10  }
0x32: {  	s10 =	sld [smem:$0x3FB3];
	_ =	sdelay $0x3  }
0x33: {  	p0 =	seq.s32 s10, $0x1;
	s10 =	sld [smem:$0x3FB5];
	_ =	sdelay $0x3  }
0x34: {  	[smem:$0x3FB5] =	sst s10  }
0x35: {  	s10 =	sld [smem:$0x3FB4];
	_ =	sdelay $0x3  }
0x36: {  	p1 =	seq.s32 s10, $0x1;
	s10 =	sld [smem:$0x3FB5];
	_ =	sdelay $0x3  }
0x37: {  	[smem:$0x3FB5] =	sst s10  }
0x38: {  	s10 =	sld [smem:$0x3FB6]  }
0x39: {  	_ = 	snop;
	(pc) =	sbr.ind lr, $3  }
0x3a: {  	_ = 	snop  }
0x3b: {  	_ = 	snop  }
0x3c: {  	p2 =	seq.s32 s10, $0x1;
	s10 =	sld [smem:$0x3FB5]  }
0x3d: {  	_ =	shalt  }
0x3e: {  	_ =	shalt  }
0x3f: {  	_ =	shalt  }
0x40: {  	_ =	shalt  }
0x41: {  	_ =	shalt  }
0x42: {  	_ =	shalt  }
0x43: {  	_ =	shalt  }
0x44: {  	_ =	shalt  }
0x45: {  	_ =	shalt  }
0x46: {  	_ =	shalt  }
0x47: {  	_ =	shalt  }
0x48: {  	_ =	shalt  }
0x49: {  	_ =	shalt  }
0x4a: {  	_ =	shalt  }
0x4b: {  	_ =	shalt  }
0x4c: {  	_ =	shalt  }
0x4d: {  	_ =	shalt  }
0x4e: {  	_ =	shalt  }
0x4f: {  	_ =	shalt  }
0x50: {  	_ =	shalt  }
0x51: {  	_ =	shalt  }
0x52: {  	_ =	shalt  }
0x53: {  	_ =	shalt  }
0x54: {  	_ =	shalt  }
0x55: {  	_ =	shalt  }
0x56: {  	_ =	shalt  }
0x57: {  	_ =	shalt  }
0x58: {  	_ =	shalt  }
0x59: {  	_ =	shalt  }
0x5a: {  	_ =	shalt  }
0x5b: {  	_ =	shalt  }
0x5c: {  	_ =	shalt  }
0x5d: {  	_ =	shalt  }
0x5e: {  	_ =	shalt  }
0x5f: {  	_ =	shalt  }
0x60: {  	_ =	shalt  }
0x61: {  	_ =	shalt  }
0x62: {  	_ =	shalt  }
0x63: {  	_ =	shalt  }
0x64: {  	_ =	shalt  }
0x65: {  	_ =	shalt  }
0x66: {  	_ =	shalt  }
0x67: {  	_ =	shalt  }
0x68: {  	_ =	shalt  }
0x69: {  	_ =	shalt  }
0x6a: {  	_ =	shalt  }
0x6b: {  	_ =	shalt  }
0x6c: {  	_ =	shalt  }
0x6d: {  	_ =	shalt  }
0x6e: {  	_ =	shalt  }
0x6f: {  	_ =	shalt  }
0x70: {  	_ =	shalt  }
0x71: {  	_ =	shalt  }
0x72: {  	_ =	shalt  }
0x73: {  	_ =	shalt  }
0x74: {  	_ =	shalt  }
0x75: {  	_ =	shalt  }
0x76: {  	_ =	shalt  }
0x77: {  	_ =	shalt  }
0x78: {  	_ =	shalt  }
0x79: {  	_ =	shalt  }
0x7a: {  	_ =	shalt  }
0x7b: {  	_ =	shalt  }
0x7c: {  	_ =	shalt  }
0x7d: {  	_ =	shalt  }
0x7e: {  	_ =	shalt  }
0x7f: {  	_ =	shalt  }
0x80: {  	_ =	shalt  }
0x81: {  	_ =	shalt  }
0x82: {  	_ =	shalt  }
0x83: {  	_ =	shalt  }
0x84: {  	_ =	shalt  }
0x85: {  	_ =	shalt  }
0x86: {  	_ =	shalt  }
0x87: {  	_ =	shalt  }
.Lfunc_end0:
.L_simem_size_0:
called_computation_lowered:
.L_overlay_start_0:
0x88: {  	s2 =	sld [smem:$0x3FD9]  }
0x89: {  	s3 =	sld [smem:$0x3FFE];
	_ =	sdelay $0x1  }
0x8a: {  	s1 =	srdreg.scid  }
0x8b: {  	s0 =	sand.u32 $0x1, s1  }
0x8c: {  	s17 =	sshll.u32 s0, $0xA;
	s2 =	sadd.s32 s3, s2  }
0x8d: {  	s2 =	sadd.s32 s2, s17  }
0x8e: {  	[smem:$0x3FC1] =	sst s2  }
0x8f: {  	_ = 	snop  }
0x90: {  	s2 =	sld [smem:$0x3FC8]  }
0x91: {  	s18 =	sld [smem:$0x3FC5];
	(tm) =	ssettm $0x1  }
0x92: {  	s4 =	sld [smem:$0x3FFB];
	_ =	sdelay $0x3  }
0x93: {  	_ =	strace s4  }
0x94: {  	s4 =	sld [smem:$0x3FFC];
	_ =	sdelay $0x3  }
0x95: {  	_ =	strace s4  }
0x96: {  	s4 =	sld [smem:$0x3FFD];
	_ =	sdelay $0x3  }
0x97: {  	_ =	strace s4  }
0x98: {  	_ =	strace $0x8FFFFFFF  }
0x99: {  	s19 =	sld [smem:$0x3FDB];
	_ =	sdelay $0x1  }
0x9a: {  	s5 =	simm.s32 $_scs_section_size  }
0x9b: {  	s6 =	simm.s32 $_size__tile_overlayer_lowered;
	s7 =	simm.s32 $_tile_overlayer_lowered  }
0x9c: {  	s22 =	simm.s32 $0x1BFF;
	s21 =	sshll.u32 s7, $0x1;
	s4 =	sadd.s32 s5, s19  }
0x9d: {  	s8 =	simm.s32 $0x0;
	s20 =	sshll.u32 s6, $0x1;
	s6 =	sadd.s32 s21, s4  }
0x9e: {  	[timem:s8], [sflag:s22] =	dma.local [hbm:s6], s20  }
0x9f: {  	_ =	swait.ge [sflag:s22], s20  }
0xa0: {  	s5 =	ssub.s32 $0x0, s20;
	[sflag:s22] =	ssyncset.done $0x0  }
0xa1: {  	[sflag:s22] =	ssyncadd.s32 s5;
	_ =	sdelay $0x1  }
0xa2: {  	s23 =	simm.s32 $0x1B8B  }
0xa3: {  	_ =	swait.ge [sflag:s23], $0x1  }
0xa4: {  	[sflag:s23] =	ssyncset.done $0x0  }
0xa5: {  	s25 =	simm.s32 $0x1B8E;
	s24 =	sld [smem:$0x3FFE];
	[sflag:s23] =	ssyncadd.s32 $0xFFFFFFFF  }
0xa6: {  	s26 =	simm.s32 $execute0_lowered;
	[smem:$0x3FD2] =	sst s25  }
0xa7: {  	s6 =	sshll.u32 s26, $0x1;
	_ =	strace $0x80000046;
	[dreg:$0x1] =	wrdreg $0xFFFFFFFF  }
0xa8: {  	s28 =	simm.s32 $_size_execute0_lowered;
	s4 =	sadd.s32 s4, s6;
	[dreg:$0x0] =	wrdreg $0x0  }
0xa9: {  	s6 =	sshll.u32 s28, $0x1;
	[dreg:$0x2] =	wrdreg s4  }
0xaa: {  	[dreg:$0x3] =	wrdreg s6  }
0xab: {  	[dreg:$0x4] =	wrdreg $0xC0  }
0xac: {  	_ =	task [dreg:s8], $0x5FFFF  }
0xad: {  	[dreg:$0x1] =	wrdreg $0xFFFFFFFF  }
0xae: {  	[dreg:$0x0] =	wrdreg $0x60  }
0xaf: {  	[dreg:$0x2] =	wrdreg s2  }
0xb0: {  	[dreg:$0x3] =	wrdreg s18  }
0xb1: {  	[dreg:$0x4] =	wrdreg s24  }
0xb2: {  	[dreg:$0x5] =	wrdreg $0x9  }
0xb3: {  	_ =	task.clear_ibuf [dreg:s8], $0x6FFFF;
	_ =	strace $0x90000046  }
0xb4: {  	s29 =	simm.s32 $0x9;
	_ =	strace $0x80000048  }
0xb5: {  	_ =	swait.ge [sflag:s29], $0x1  }
0xb6: {  	[sflag:s29] =	ssyncadd.s32 $0xFFFFFFFF  }
0xb7: {  	_ =	strace $0x90000048  }
0xb8: {  	_ =	sfence  }
0xb9: {  	s30 =	sld [smem:$0x0];
	_ =	sdelay $0x2  }
0xba: {  	s31 =	sshll.u32 s1, $0xD;
	s1 =	sshrl.u32 s1, $0x2  }
0xbb: {  	s3 =	sand.u32 $0x4000, s31;
	s1 =	sadd.s32 s1, s30  }
0xbc: {  	s0 =	sor.u32 s3, s0;
	s1 =	sshll.u32 s1, $0x11  }
0xbd: {  	s0 =	sor.u32 s1, s0  }
0xbe: {  	s0 =	sadd.s32 $0x8F2B, s0  }
0xbf: {  	[sflag:s0] =	ssyncadd.remote.s32 $0x1  }
0xc0: {  	_ =	sfence.sel $0xFFFF  }
0xc1: {  	[dreg:$0x0] =	wrdreg $0xFFFFFFFF;
	(pc) =	sbr.abs _section_cstart, $3  }
0xc2: {  	[dreg:$0x1] =	wrdreg $0xFFFFFFFF  }
0xc3: {  	_ =	task.clear_ibuf [dreg:s8], $0x2FFFF;
	_ =	strace $0x9FFFFFFF  }
0xc4: {  	(tm) =	ssettm $0x7FFFFFFF  }
0xc5: {  	_ =	shalt  }
tec
execute0_lowered:
.L_overlay_start_1:
0x0: {  	(tag) =	ssettag $0x1  }
0x1: {  	s1 =	rddreg [dreg:$0x0]  }
0x2: {  	s2 =	rddreg [dreg:$0x1]  }
0x3: {  	s7 =	rddreg [dreg:$0x2]  }
0x4: {  	s0 =	rddreg [dreg:$0x3];
	_ =	strace $0x80000047;
	s8 =	srdreg.scid  }
0x5: {  	s5 =	stileid.u32;
	s11 =	simm.s32 $0x80;
	s12 =	simm.s32 $0x100  }
0x6: {  	v0 =	vlaneseq.u32;
	vm0 =	vcmask $0x300;
	s3 =	sadd.s32 $0x800, s7;
	s4 =	sadd.s32 $0xA00, s7;
	s6 =	sadd.s32 $0xC00, s7  }
.Ltmp0:
0x7: {  	vm1 =	vcmask $0x704;
	vm2 =	vcmask $0x720;
	vm3 =	vcmask $0xB20;
	s8 =	sand.u32 $0x1, s8;
	p0 =	seq.s32 s5, $0x0;
	(pc) =	sbr.rel .LBB2_1-.Ltmp0, $4  }
0x8: {  	vm4 =	vcmask $0xF20;
	vm5 =	vcmask $0x1320;
	vm6 =	vcmask $0x1720;
	s7 =	sadd.s32 $0xE00, s7;
	s9 =	ssub.s32 $0x2, s8;
	p1 =	seq.s32 s8, $0x1  }
0x9: {  	vm7 =	vcmask $0x1B20;
	vm8 =	vmmov $0xff;
	v1 =	vor.u32 $0x80000000, v0;
	s31 =	sor.u32 s5, s8;
	s10 =	sshrl.u32 s9, $0x1;
	p0 =	por !p0, !p1  }
0xa: {  	v2 =	vor.u32 $0x80000010, v0;
	v3 =	vor.u32 $0x80000020, v0;
	v4 =	vor.u32 $0x80000030, v0;
	p1 =	sne.s32 s31, $0x0;
	s9 =	ssub.s32 s9, s10;
	p0 =	por !p0, !p0  }
0xb: {  	v5 =	vor.u32 $0x10, v0;
	v6 =	vor.u32 $0x20, v0;
	v7 =	vor.u32 $0x30, v0;
	s10 =	simm.s32 $0x1;
	s8 =	smax.u32 s9, $0x1;
	s9 =	simm.s32 $0x0  }
.LBB2_5:
0xc: {  	s8 =	sadd.s32 $0xFFFFFFFF, s8  }
0xd: {  	p2 =	sne.s32 s8, $0x0  }
.Ltmp1:
0xe: {  	_ = 	snop;
	(pc) =	sbr.rel @!p2 .LBB2_6-.Ltmp1, $1  }
0xf: {  	_ =	sdelay $0x3  }
.LBB2_1:
.Ltmp2:
0x10: {  	(pc) =	sbr.rel @p1 .LBB2_3-.Ltmp2, $1  }
0x11: {  	_ =	sdelay $0x3  }
0x12: {  	[tilespmem:s9], [sflag:$0x1] =	stream.linear.gather [hbm4b:s1+s9], $0x80, $0x38;
	[tilespmem:$0x180] =	vst v63  }
0x13: {  	_ =	swait.ge [sflag:s10], $0x80  }
0x14: {  	[sflag:s10] =	ssyncset.done $0x0  }
0x15: {  	[sflag:s10] =	ssyncadd.s32 $0xFFFFFF80  }
0x16: {  	v9 =	vld [tilespmem:$0x0]  }
0x17: {  	v10 =	vld [tilespmem:$0x10]  }
0x18: {  	v11 =	vld [tilespmem:$0x20]  }
0x19: {  	v12 =	vld [tilespmem:$0x30];
	_ =	sdelay $0x1  }
0x1a: {  	(xrf0) =	vmax.scan.msk.f32 $0xffff, v9  }
0x1b: {  	(xrf0) =	vmax.scan.msk.f32 $0xffff, v10  }
0x1c: {  	(xrf0) =	vmax.scan.msk.f32 $0xffff, v11  }
0x1d: {  	(xrf0) =	vmax.scan.msk.f32 $0xffff, v12;
	_ =	sdelay $0x2  }
0x1e: {  	v8, _, _ =	vpop (xrf0)  }
0x1f: {  	(v2sf) =	vpush v8, $0xF;
	v8, _, _ =	vpop (xrf0)  }
0x20: {  	(v2sf) =	vpush v8, $0xF;
	v8, _, _ =	vpop (xrf0)  }
0x21: {  	(v2sf) =	vpush v8, $0xF;
	v8, _, _ =	vpop (xrf0)  }
0x22: {  	(v2sf) =	vpush v8, $0xF;
	_ =	sdelay $0xb  }
0x23: {  	s13 =	spop (v2sf)  }
0x24: {  	s14 =	spop (v2sf)  }
0x25: {  	s13 =	smax.f32 s13, s14;
	s28 =	spop (v2sf)  }
0x26: {  	s13 =	smax.f32 s13, s28;
	s29 =	spop (v2sf)  }
0x27: {  	s13 =	smax.f32 s13, s29  }
0x28: {  	vm9 =	veq.f32 v9, s13  }
0x29: {  	v8 =	vnsel vm9, $0xFFFFFFFF, v1;
	vm9 =	veq.f32 v10, s13  }
0x2a: {  	(xrf0) =	vmin.scan.msk.u32 $0xffff, v8;
	v8 =	vnsel vm9, $0xFFFFFFFF, v2  }
0x2b: {  	vm9 =	veq.f32 v11, s13;
	(xrf0) =	vmin.scan.msk.u32 $0xffff, v8  }
0x2c: {  	v8 =	vnsel vm9, $0xFFFFFFFF, v3;
	vm9 =	veq.f32 v12, s13  }
0x2d: {  	(xrf0) =	vmin.scan.msk.u32 $0xffff, v8;
	v8 =	vnsel vm9, $0xFFFFFFFF, v4;
	_ =	sdelay $0x1  }
0x2e: {  	(xrf0) =	vmin.scan.msk.u32 $0xffff, v8  }
0x2f: {  	v8, _, _ =	vpop (xrf0)  }
0x30: {  	(v2sf) =	vpush v8, $0xF;
	v8, _, _ =	vpop (xrf0)  }
0x31: {  	(v2sf) =	vpush v8, $0xF  }
0x32: {  	v8, _, _ =	vpop (xrf0)  }
0x33: {  	(v2sf) =	vpush v8, $0xF  }
0x34: {  	v8, _, _ =	vpop (xrf0)  }
0x35: {  	(v2sf) =	vpush v8, $0xF;
	_ =	sdelay $0x9  }
0x36: {  	s30 =	spop (v2sf)  }
0x37: {  	s15 =	spop (v2sf)  }
0x38: {  	s14 =	sxor.u32 $0x80000000, s30;
	s15 =	sxor.u32 $0x80000000, s15  }
0x39: {  	s16 =	spop (v2sf);
	p2 =	slt.s32 s14, s15  }
0x3a: {  	s15 =	smov.u32 @p2 s14;
	s14 =	sxor.u32 $0x80000000, s16  }
0x3b: {  	s31 =	spop (v2sf);
	p2 =	slt.s32 s15, s14  }
0x3c: {  	s14 =	smov.u32 @p2 s15;
	s15 =	sxor.u32 $0x80000000, s31  }
0x3d: {  	p2 =	slt.s32 s14, s15  }
0x3e: {  	s15 =	smov.u32 @p2 s14  }
0x3f: {  	v8 =	vmov s15  }
0x40: {  	vm9 =	veq.s32 v8, v0  }
0x41: {  	v9 =	vsel vm9, $0xFF61B1E6, v9;
	vm9 =	veq.s32 v8, v5  }
0x42: {  	v10 =	vsel vm9, $0xFF61B1E6, v10;
	vm9 =	veq.s32 v8, v6;
	(xrf0) =	vmax.scan.msk.f32 $0xffff, v9  }
0x43: {  	v11 =	vsel vm9, $0xFF61B1E6, v11;
	vm9 =	veq.s32 v8, v7;
	(xrf0) =	vmax.scan.msk.f32 $0xffff, v10  }
0x44: {  	v12 =	vsel vm9, $0xFF61B1E6, v12;
	(xrf0) =	vmax.scan.msk.f32 $0xffff, v11  }
0x45: {  	(xrf0) =	vmax.scan.msk.f32 $0xffff, v12;
	_ =	sdelay $0x2  }
0x46: {  	v13, _, _ =	vpop (xrf0)  }
0x47: {  	(v2sf) =	vpush v13, $0xF;
	v21, _, _ =	vpop (xrf0)  }
0x48: {  	(v2sf) =	vpush v21, $0xF;
	v22, _, _ =	vpop (xrf0)  }
0x49: {  	(v2sf) =	vpush v22, $0xF;
	v23, _, _ =	vpop (xrf0)  }
0x4a: {  	(v2sf) =	vpush v23, $0xF;
	_ =	sdelay $0xb  }
0x4b: {  	s15 =	spop (v2sf)  }
0x4c: {  	s16 =	spop (v2sf)  }
0x4d: {  	s14 =	smax.f32 s15, s16;
	s17 =	spop (v2sf)  }
0x4e: {  	s14 =	smax.f32 s14, s17;
	s18 =	spop (v2sf)  }
0x4f: {  	s15 =	smax.f32 s14, s18  }
0x50: {  	vm9 =	veq.f32 v9, s15  }
0x51: {  	v24 =	vnsel vm9, $0xFFFFFFFF, v1;
	vm9 =	veq.f32 v10, s15  }
0x52: {  	(xrf0) =	vmin.scan.msk.u32 $0xffff, v24;
	v25 =	vnsel vm9, $0xFFFFFFFF, v2  }
0x53: {  	vm9 =	veq.f32 v11, s15;
	(xrf0) =	vmin.scan.msk.u32 $0xffff, v25  }
0x54: {  	v26 =	vnsel vm9, $0xFFFFFFFF, v3  }
0x55: {  	vm9 =	veq.f32 v12, s15;
	(xrf0) =	vmin.scan.msk.u32 $0xffff, v26  }
0x56: {  	v27 =	vnsel vm9, $0xFFFFFFFF, v4  }
0x57: {  	(xrf0) =	vmin.scan.msk.u32 $0xffff, v27  }
0x58: {  	v28, _, _ =	vpop (xrf0)  }
0x59: {  	(v2sf) =	vpush v28, $0xF;
	v29, _, _ =	vpop (xrf0)  }
0x5a: {  	(v2sf) =	vpush v29, $0xF  }
0x5b: {  	v30, _, _ =	vpop (xrf0)  }
0x5c: {  	(v2sf) =	vpush v30, $0xF  }
0x5d: {  	v31, _, _ =	vpop (xrf0)  }
0x5e: {  	(v2sf) =	vpush v31, $0xF;
	_ =	sdelay $0x9  }
0x5f: {  	s19 =	spop (v2sf)  }
0x60: {  	s20 =	spop (v2sf)  }
0x61: {  	s14 =	sxor.u32 $0x80000000, s19;
	s16 =	sxor.u32 $0x80000000, s20  }
0x62: {  	s17 =	spop (v2sf);
	p2 =	slt.s32 s14, s16  }
0x63: {  	s17 =	sxor.u32 $0x80000000, s17;
	s16 =	smov.u32 @p2 s14  }
0x64: {  	s21 =	spop (v2sf);
	p2 =	slt.s32 s16, s17  }
0x65: {  	s14 =	sxor.u32 $0x80000000, s21;
	s17 =	smov.u32 @p2 s16  }
0x66: {  	p2 =	slt.s32 s17, s14  }
0x67: {  	s14 =	smov.u32 @p2 s17  }
0x68: {  	v32 =	vmov s14  }
0x69: {  	vm9 =	veq.s32 v32, v0  }
0x6a: {  	v9 =	vsel vm9, $0xFF61B1E6, v9;
	vm9 =	veq.s32 v32, v5  }
0x6b: {  	v10 =	vsel vm9, $0xFF61B1E6, v10;
	vm9 =	veq.s32 v32, v6;
	(xrf0) =	vmax.scan.msk.f32 $0xffff, v9  }
0x6c: {  	v11 =	vsel vm9, $0xFF61B1E6, v11;
	vm9 =	veq.s32 v32, v7;
	(xrf0) =	vmax.scan.msk.f32 $0xffff, v10  }
0x6d: {  	v12 =	vsel vm9, $0xFF61B1E6, v12;
	(xrf0) =	vmax.scan.msk.f32 $0xffff, v11  }
0x6e: {  	(xrf0) =	vmax.scan.msk.f32 $0xffff, v12;
	_ =	sdelay $0x2  }
0x6f: {  	v33, _, _ =	vpop (xrf0)  }
0x70: {  	(v2sf) =	vpush v33, $0xF;
	v34, _, _ =	vpop (xrf0)  }
0x71: {  	(v2sf) =	vpush v34, $0xF;
	v35, _, _ =	vpop (xrf0)  }
0x72: {  	(v2sf) =	vpush v35, $0xF;
	v36, _, _ =	vpop (xrf0)  }
0x73: {  	(v2sf) =	vpush v36, $0xF;
	_ =	sdelay $0xb  }
0x74: {  	s22 =	spop (v2sf)  }
0x75: {  	s23 =	spop (v2sf)  }
0x76: {  	s16 =	smax.f32 s22, s23;
	s24 =	spop (v2sf)  }
0x77: {  	s16 =	smax.f32 s16, s24;
	s25 =	spop (v2sf)  }
0x78: {  	s17 =	smax.f32 s16, s25  }
0x79: {  	vm9 =	veq.f32 v9, s17  }
0x7a: {  	v37 =	vnsel vm9, $0xFFFFFFFF, v1;
	vm9 =	veq.f32 v10, s17  }
0x7b: {  	(xrf0) =	vmin.scan.msk.u32 $0xffff, v37;
	v38 =	vnsel vm9, $0xFFFFFFFF, v2  }
0x7c: {  	vm9 =	veq.f32 v11, s17;
	(xrf0) =	vmin.scan.msk.u32 $0xffff, v38  }
0x7d: {  	v39 =	vnsel vm9, $0xFFFFFFFF, v3  }
0x7e: {  	vm9 =	veq.f32 v12, s17;
	(xrf0) =	vmin.scan.msk.u32 $0xffff, v39  }
0x7f: {  	v40 =	vnsel vm9, $0xFFFFFFFF, v4  }
0x80: {  	(xrf0) =	vmin.scan.msk.u32 $0xffff, v40  }
0x81: {  	v41, _, _ =	vpop (xrf0)  }
0x82: {  	(v2sf) =	vpush v41, $0xF;
	v42, _, _ =	vpop (xrf0)  }
0x83: {  	(v2sf) =	vpush v42, $0xF  }
0x84: {  	v43, _, _ =	vpop (xrf0)  }
0x85: {  	(v2sf) =	vpush v43, $0xF  }
0x86: {  	v44, _, _ =	vpop (xrf0)  }
0x87: {  	(v2sf) =	vpush v44, $0xF;
	_ =	sdelay $0x9  }
0x88: {  	s26 =	spop (v2sf)  }
0x89: {  	s18 =	spop (v2sf)  }
0x8a: {  	s16 =	sxor.u32 $0x80000000, s26;
	s18 =	sxor.u32 $0x80000000, s18  }
0x8b: {  	s19 =	spop (v2sf);
	p2 =	slt.s32 s16, s18  }
0x8c: {  	s19 =	sxor.u32 $0x80000000, s19;
	s18 =	smov.u32 @p2 s16  }
0x8d: {  	s28 =	spop (v2sf);
	p2 =	slt.s32 s18, s19  }
0x8e: {  	s16 =	sxor.u32 $0x80000000, s28;
	s19 =	smov.u32 @p2 s18  }
0x8f: {  	p2 =	slt.s32 s19, s16  }
0x90: {  	s16 =	smov.u32 @p2 s19  }
0x91: {  	v45 =	vmov s16  }
0x92: {  	vm9 =	veq.s32 v45, v0  }
0x93: {  	v9 =	vsel vm9, $0xFF61B1E6, v9;
	vm9 =	veq.s32 v45, v5  }
0x94: {  	v10 =	vsel vm9, $0xFF61B1E6, v10;
	vm9 =	veq.s32 v45, v6;
	(xrf0) =	vmax.scan.msk.f32 $0xffff, v9  }
0x95: {  	v11 =	vsel vm9, $0xFF61B1E6, v11;
	vm9 =	veq.s32 v45, v7;
	(xrf0) =	vmax.scan.msk.f32 $0xffff, v10  }
0x96: {  	v12 =	vsel vm9, $0xFF61B1E6, v12;
	(xrf0) =	vmax.scan.msk.f32 $0xffff, v11  }
0x97: {  	(xrf0) =	vmax.scan.msk.f32 $0xffff, v12;
	_ =	sdelay $0x2  }
0x98: {  	v46, _, _ =	vpop (xrf0)  }
0x99: {  	(v2sf) =	vpush v46, $0xF;
	v47, _, _ =	vpop (xrf0)  }
0x9a: {  	(v2sf) =	vpush v47, $0xF;
	v48, _, _ =	vpop (xrf0)  }
0x9b: {  	(v2sf) =	vpush v48, $0xF;
	v49, _, _ =	vpop (xrf0)  }
0x9c: {  	(v2sf) =	vpush v49, $0xF;
	_ =	sdelay $0xb  }
0x9d: {  	s29 =	spop (v2sf)  }
0x9e: {  	s30 =	spop (v2sf)  }
0x9f: {  	s18 =	smax.f32 s29, s30;
	s31 =	spop (v2sf)  }
0xa0: {  	s18 =	smax.f32 s18, s31;
	s20 =	spop (v2sf)  }
0xa1: {  	s19 =	smax.f32 s18, s20  }
0xa2: {  	vm9 =	veq.f32 v9, s19  }
0xa3: {  	v50 =	vnsel vm9, $0xFFFFFFFF, v1;
	vm9 =	veq.f32 v10, s19  }
0xa4: {  	(xrf0) =	vmin.scan.msk.u32 $0xffff, v50;
	v51 =	vnsel vm9, $0xFFFFFFFF, v2  }
0xa5: {  	vm9 =	veq.f32 v11, s19;
	(xrf0) =	vmin.scan.msk.u32 $0xffff, v51  }
0xa6: {  	v52 =	vnsel vm9, $0xFFFFFFFF, v3  }
0xa7: {  	vm9 =	veq.f32 v12, s19;
	(xrf0) =	vmin.scan.msk.u32 $0xffff, v52  }
0xa8: {  	v53 =	vnsel vm9, $0xFFFFFFFF, v4  }
0xa9: {  	(xrf0) =	vmin.scan.msk.u32 $0xffff, v53  }
0xaa: {  	v54, _, _ =	vpop (xrf0)  }
0xab: {  	(v2sf) =	vpush v54, $0xF;
	v55, _, _ =	vpop (xrf0)  }
0xac: {  	(v2sf) =	vpush v55, $0xF  }
0xad: {  	v56, _, _ =	vpop (xrf0)  }
0xae: {  	(v2sf) =	vpush v56, $0xF  }
0xaf: {  	v57, _, _ =	vpop (xrf0)  }
0xb0: {  	(v2sf) =	vpush v57, $0xF;
	_ =	sdelay $0x9  }
0xb1: {  	s21 =	spop (v2sf)  }
0xb2: {  	s20 =	spop (v2sf)  }
0xb3: {  	s18 =	sxor.u32 $0x80000000, s21;
	s20 =	sxor.u32 $0x80000000, s20  }
0xb4: {  	s21 =	spop (v2sf);
	p2 =	slt.s32 s18, s20  }
0xb5: {  	s21 =	sxor.u32 $0x80000000, s21;
	s20 =	smov.u32 @p2 s18  }
0xb6: {  	s22 =	spop (v2sf);
	p2 =	slt.s32 s20, s21  }
0xb7: {  	s18 =	sxor.u32 $0x80000000, s22;
	s21 =	smov.u32 @p2 s20  }
0xb8: {  	p2 =	slt.s32 s21, s18  }
0xb9: {  	s18 =	smov.u32 @p2 s21  }
0xba: {  	v58 =	vmov s18  }
0xbb: {  	vm9 =	veq.s32 v58, v0  }
0xbc: {  	v9 =	vsel vm9, $0xFF61B1E6, v9;
	vm9 =	veq.s32 v58, v5  }
0xbd: {  	v10 =	vsel vm9, $0xFF61B1E6, v10;
	vm9 =	veq.s32 v58, v6;
	(xrf0) =	vmax.scan.msk.f32 $0xffff, v9  }
0xbe: {  	v11 =	vsel vm9, $0xFF61B1E6, v11;
	vm9 =	veq.s32 v58, v7;
	(xrf0) =	vmax.scan.msk.f32 $0xffff, v10  }
0xbf: {  	v12 =	vsel vm9, $0xFF61B1E6, v12;
	(xrf0) =	vmax.scan.msk.f32 $0xffff, v11  }
0xc0: {  	(xrf0) =	vmax.scan.msk.f32 $0xffff, v12;
	_ =	sdelay $0x2  }
0xc1: {  	v59, _, _ =	vpop (xrf0)  }
0xc2: {  	(v2sf) =	vpush v59, $0xF;
	v60, _, _ =	vpop (xrf0)  }
0xc3: {  	(v2sf) =	vpush v60, $0xF;
	v61, _, _ =	vpop (xrf0)  }
0xc4: {  	(v2sf) =	vpush v61, $0xF;
	v62, _, _ =	vpop (xrf0)  }
0xc5: {  	(v2sf) =	vpush v62, $0xF;
	_ =	sdelay $0xb  }
0xc6: {  	s23 =	spop (v2sf)  }
0xc7: {  	s24 =	spop (v2sf)  }
0xc8: {  	s20 =	smax.f32 s23, s24;
	s25 =	spop (v2sf)  }
0xc9: {  	s20 =	smax.f32 s20, s25;
	s26 =	spop (v2sf)  }
0xca: {  	s21 =	smax.f32 s20, s26  }
0xcb: {  	vm9 =	veq.f32 v9, s21  }
0xcc: {  	v63 =	vnsel vm9, $0xFFFFFFFF, v1;
	vm9 =	veq.f32 v10, s21  }
0xcd: {  	(xrf0) =	vmin.scan.msk.u32 $0xffff, v63;
	v16 =	vnsel vm9, $0xFFFFFFFF, v2  }
0xce: {  	vm9 =	veq.f32 v11, s21;
	(xrf0) =	vmin.scan.msk.u32 $0xffff, v16  }
0xcf: {  	v17 =	vnsel vm9, $0xFFFFFFFF, v3  }
0xd0: {  	vm9 =	veq.f32 v12, s21;
	(xrf0) =	vmin.scan.msk.u32 $0xffff, v17  }
0xd1: {  	v18 =	vnsel vm9, $0xFFFFFFFF, v4  }
0xd2: {  	(xrf0) =	vmin.scan.msk.u32 $0xffff, v18  }
0xd3: {  	v19, _, _ =	vpop (xrf0)  }
0xd4: {  	(v2sf) =	vpush v19, $0xF;
	v20, _, _ =	vpop (xrf0)  }
0xd5: {  	(v2sf) =	vpush v20, $0xF  }
0xd6: {  	v21, _, _ =	vpop (xrf0)  }
0xd7: {  	(v2sf) =	vpush v21, $0xF  }
0xd8: {  	v22, _, _ =	vpop (xrf0)  }
0xd9: {  	(v2sf) =	vpush v22, $0xF;
	_ =	sdelay $0x9  }
0xda: {  	s28 =	spop (v2sf)  }
0xdb: {  	s22 =	spop (v2sf)  }
0xdc: {  	s20 =	sxor.u32 $0x80000000, s28;
	s22 =	sxor.u32 $0x80000000, s22  }
0xdd: {  	s23 =	spop (v2sf);
	p2 =	slt.s32 s20, s22  }
0xde: {  	s23 =	sxor.u32 $0x80000000, s23;
	s22 =	smov.u32 @p2 s20  }
0xdf: {  	s29 =	spop (v2sf);
	p2 =	slt.s32 s22, s23  }
0xe0: {  	s20 =	sxor.u32 $0x80000000, s29;
	s23 =	smov.u32 @p2 s22  }
0xe1: {  	p2 =	slt.s32 s23, s20  }
0xe2: {  	s20 =	smov.u32 @p2 s23  }
0xe3: {  	v23 =	vmov s20  }
0xe4: {  	vm9 =	veq.s32 v23, v0  }
0xe5: {  	v9 =	vsel vm9, $0xFF61B1E6, v9;
	vm9 =	veq.s32 v23, v5  }
0xe6: {  	v10 =	vsel vm9, $0xFF61B1E6, v10;
	vm9 =	veq.s32 v23, v6;
	(xrf0) =	vmax.scan.msk.f32 $0xffff, v9  }
0xe7: {  	v11 =	vsel vm9, $0xFF61B1E6, v11;
	vm9 =	veq.s32 v23, v7;
	(xrf0) =	vmax.scan.msk.f32 $0xffff, v10  }
0xe8: {  	v12 =	vsel vm9, $0xFF61B1E6, v12;
	(xrf0) =	vmax.scan.msk.f32 $0xffff, v11  }
0xe9: {  	(xrf0) =	vmax.scan.msk.f32 $0xffff, v12;
	_ =	sdelay $0x2  }
0xea: {  	v24, _, _ =	vpop (xrf0)  }
0xeb: {  	(v2sf) =	vpush v24, $0xF;
	v25, _, _ =	vpop (xrf0)  }
0xec: {  	(v2sf) =	vpush v25, $0xF;
	v26, _, _ =	vpop (xrf0)  }
0xed: {  	(v2sf) =	vpush v26, $0xF;
	v27, _, _ =	vpop (xrf0)  }
0xee: {  	(v2sf) =	vpush v27, $0xF;
	_ =	sdelay $0xb  }
0xef: {  	s30 =	spop (v2sf)  }
0xf0: {  	s31 =	spop (v2sf)  }
0xf1: {  	s22 =	smax.f32 s30, s31;
	s24 =	spop (v2sf)  }
0xf2: {  	s22 =	smax.f32 s22, s24;
	s25 =	spop (v2sf)  }
0xf3: {  	s23 =	smax.f32 s22, s25  }
0xf4: {  	vm9 =	veq.f32 v9, s23  }
0xf5: {  	v28 =	vnsel vm9, $0xFFFFFFFF, v1;
	vm9 =	veq.f32 v10, s23  }
0xf6: {  	(xrf0) =	vmin.scan.msk.u32 $0xffff, v28;
	v29 =	vnsel vm9, $0xFFFFFFFF, v2  }
0xf7: {  	vm9 =	veq.f32 v11, s23;
	(xrf0) =	vmin.scan.msk.u32 $0xffff, v29  }
0xf8: {  	v30 =	vnsel vm9, $0xFFFFFFFF, v3  }
0xf9: {  	vm9 =	veq.f32 v12, s23;
	(xrf0) =	vmin.scan.msk.u32 $0xffff, v30  }
0xfa: {  	v31 =	vnsel vm9, $0xFFFFFFFF, v4  }
0xfb: {  	(xrf0) =	vmin.scan.msk.u32 $0xffff, v31  }
0xfc: {  	v32, _, _ =	vpop (xrf0)  }
0xfd: {  	(v2sf) =	vpush v32, $0xF;
	v33, _, _ =	vpop (xrf0)  }
0xfe: {  	(v2sf) =	vpush v33, $0xF  }
0xff: {  	v34, _, _ =	vpop (xrf0)  }
0x100: {  	(v2sf) =	vpush v34, $0xF  }
0x101: {  	v35, _, _ =	vpop (xrf0)  }
0x102: {  	(v2sf) =	vpush v35, $0xF;
	_ =	sdelay $0x9  }
0x103: {  	s26 =	spop (v2sf)  }
0x104: {  	s24 =	spop (v2sf)  }
0x105: {  	s22 =	sxor.u32 $0x80000000, s26;
	s24 =	sxor.u32 $0x80000000, s24  }
0x106: {  	s25 =	spop (v2sf);
	p2 =	slt.s32 s22, s24  }
0x107: {  	s25 =	sxor.u32 $0x80000000, s25;
	s24 =	smov.u32 @p2 s22  }
0x108: {  	s28 =	spop (v2sf);
	p2 =	slt.s32 s24, s25  }
0x109: {  	s22 =	sxor.u32 $0x80000000, s28;
	s25 =	smov.u32 @p2 s24  }
0x10a: {  	p2 =	slt.s32 s25, s22  }
0x10b: {  	s22 =	smov.u32 @p2 s25  }
0x10c: {  	v36 =	vmov s22  }
0x10d: {  	vm9 =	veq.s32 v36, v0  }
0x10e: {  	v9 =	vsel vm9, $0xFF61B1E6, v9;
	vm9 =	veq.s32 v36, v5  }
0x10f: {  	v10 =	vsel vm9, $0xFF61B1E6, v10;
	vm9 =	veq.s32 v36, v6;
	(xrf0) =	vmax.scan.msk.f32 $0xffff, v9  }
0x110: {  	v11 =	vsel vm9, $0xFF61B1E6, v11;
	vm9 =	veq.s32 v36, v7;
	(xrf0) =	vmax.scan.msk.f32 $0xffff, v10  }
0x111: {  	v12 =	vsel vm9, $0xFF61B1E6, v12;
	(xrf0) =	vmax.scan.msk.f32 $0xffff, v11  }
0x112: {  	(xrf0) =	vmax.scan.msk.f32 $0xffff, v12;
	_ =	sdelay $0x2  }
0x113: {  	v37, _, _ =	vpop (xrf0)  }
0x114: {  	(v2sf) =	vpush v37, $0xF;
	v38, _, _ =	vpop (xrf0)  }
0x115: {  	(v2sf) =	vpush v38, $0xF;
	v39, _, _ =	vpop (xrf0)  }
0x116: {  	(v2sf) =	vpush v39, $0xF;
	v40, _, _ =	vpop (xrf0)  }
0x117: {  	(v2sf) =	vpush v40, $0xF;
	_ =	sdelay $0xb  }
0x118: {  	s29 =	spop (v2sf)  }
0x119: {  	s30 =	spop (v2sf)  }
0x11a: {  	s24 =	smax.f32 s29, s30;
	s31 =	spop (v2sf)  }
0x11b: {  	s24 =	smax.f32 s24, s31;
	s26 =	spop (v2sf)  }
0x11c: {  	s25 =	smax.f32 s24, s26  }
0x11d: {  	vm9 =	veq.f32 v9, s25  }
0x11e: {  	v41 =	vnsel vm9, $0xFFFFFFFF, v1;
	vm9 =	veq.f32 v10, s25  }
0x11f: {  	(xrf0) =	vmin.scan.msk.u32 $0xffff, v41;
	v42 =	vnsel vm9, $0xFFFFFFFF, v2  }
0x120: {  	vm9 =	veq.f32 v11, s25;
	(xrf0) =	vmin.scan.msk.u32 $0xffff, v42  }
0x121: {  	v43 =	vnsel vm9, $0xFFFFFFFF, v3  }
0x122: {  	vm9 =	veq.f32 v12, s25;
	(xrf0) =	vmin.scan.msk.u32 $0xffff, v43  }
0x123: {  	v44 =	vnsel vm9, $0xFFFFFFFF, v4  }
0x124: {  	(xrf0) =	vmin.scan.msk.u32 $0xffff, v44  }
0x125: {  	v45, _, _ =	vpop (xrf0)  }
0x126: {  	(v2sf) =	vpush v45, $0xF;
	v46, _, _ =	vpop (xrf0)  }
0x127: {  	(v2sf) =	vpush v46, $0xF  }
0x128: {  	v47, _, _ =	vpop (xrf0)  }
0x129: {  	(v2sf) =	vpush v47, $0xF  }
0x12a: {  	v48, _, _ =	vpop (xrf0)  }
0x12b: {  	(v2sf) =	vpush v48, $0xF;
	_ =	sdelay $0x9  }
0x12c: {  	s28 =	spop (v2sf)  }
0x12d: {  	s26 =	spop (v2sf)  }
0x12e: {  	s24 =	sxor.u32 $0x80000000, s28;
	s26 =	sxor.u32 $0x80000000, s26  }
0x12f: {  	s28 =	spop (v2sf);
	p2 =	slt.s32 s24, s26  }
0x130: {  	s28 =	sxor.u32 $0x80000000, s28;
	s26 =	smov.u32 @p2 s24  }
0x131: {  	s29 =	spop (v2sf);
	p2 =	slt.s32 s26, s28  }
0x132: {  	s24 =	sxor.u32 $0x80000000, s29;
	s28 =	smov.u32 @p2 s26  }
0x133: {  	p2 =	slt.s32 s28, s24  }
0x134: {  	s24 =	smov.u32 @p2 s28  }
0x135: {  	v49 =	vmov s24  }
0x136: {  	vm9 =	veq.s32 v49, v0  }
0x137: {  	v9 =	vsel vm9, $0xFF61B1E6, v9;
	vm9 =	veq.s32 v49, v5  }
0x138: {  	v10 =	vsel vm9, $0xFF61B1E6, v10;
	vm9 =	veq.s32 v49, v6;
	(xrf0) =	vmax.scan.msk.f32 $0xffff, v9  }
0x139: {  	v11 =	vsel vm9, $0xFF61B1E6, v11;
	vm9 =	veq.s32 v49, v7;
	(xrf0) =	vmax.scan.msk.f32 $0xffff, v10  }
0x13a: {  	v12 =	vsel vm9, $0xFF61B1E6, v12;
	(xrf0) =	vmax.scan.msk.f32 $0xffff, v11  }
0x13b: {  	(xrf0) =	vmax.scan.msk.f32 $0xffff, v12;
	_ =	sdelay $0x2  }
0x13c: {  	v50, _, _ =	vpop (xrf0)  }
0x13d: {  	(v2sf) =	vpush v50, $0xF;
	v51, _, _ =	vpop (xrf0)  }
0x13e: {  	(v2sf) =	vpush v51, $0xF;
	v52, _, _ =	vpop (xrf0)  }
0x13f: {  	(v2sf) =	vpush v52, $0xF;
	v53, _, _ =	vpop (xrf0)  }
0x140: {  	(v2sf) =	vpush v53, $0xF;
	_ =	sdelay $0xb  }
0x141: {  	s30 =	spop (v2sf)  }
0x142: {  	s31 =	spop (v2sf)  }
0x143: {  	v54 =	vmov s13;
	s29 =	smax.f32 s30, s31;
	s30 =	spop (v2sf)  }
0x144: {  	v13 =	vnsel vm0, $0xFF61B1E6, v54;
	s13 =	smax.f32 s29, s30;
	s31 =	spop (v2sf)  }
0x145: {  	v13 =	vsel vm1, s15, v13;
	s13 =	smax.f32 s13, s31  }
0x146: {  	v13 =	vnsel vm2, s17, v13;
	vm9 =	veq.f32 v9, s13  }
0x147: {  	v55 =	vnsel vm3, s19, v13;
	v56 =	vnsel vm9, $0xFFFFFFFF, v1;
	vm9 =	veq.f32 v10, s13  }
0x148: {  	v9 =	vnsel vm4, s21, v55;
	(xrf0) =	vmin.scan.msk.u32 $0xffff, v56;
	v10 =	vnsel vm9, $0xFFFFFFFF, v2;
	vm9 =	veq.f32 v11, s13  }
0x149: {  	v9 =	vnsel vm5, s23, v9;
	(xrf0) =	vmin.scan.msk.u32 $0xffff, v10;
	v57 =	vnsel vm9, $0xFFFFFFFF, v3;
	vm9 =	veq.f32 v12, s13  }
0x14a: {  	v9 =	vnsel vm6, s25, v9;
	(xrf0) =	vmin.scan.msk.u32 $0xffff, v57;
	v58 =	vnsel vm9, $0xFFFFFFFF, v4  }
0x14b: {  	v9 =	vnsel vm7, s13, v9;
	(xrf0) =	vmin.scan.msk.u32 $0xffff, v58  }
0x14c: {  	(xrf0) =	vmax.scan.msk.f32 $0xffff, v9;
	_ =	sdelay $0x1  }
0x14d: {  	v59, _, _ =	vpop (xrf0)  }
0x14e: {  	v60, _, _ =	vpop (xrf0)  }
0x14f: {  	v61, _, _ =	vpop (xrf0)  }
0x150: {  	v62, _, _ =	vpop (xrf0)  }
0x151: {  	v14, _, _ =	vpop (xrf0)  }
0x152: {  	v14 =	vbroadcast v14, $0xF;
	_ =	sdelay $0x1  }
0x153: {  	v9 =	vsub.f32 v9, v14;
	_ =	sdelay $0x1  }
0x154: {  	v9 =	vmul.f32 $1.442695020e+00, v9;
	_ =	sdelay $0x1  }
0x155: {  	(erf) = vpow2.f32 v9;
	_ =	sdelay $0x8  }
0x156: {  	v9 =	vpop (erf)  }
0x157: {  	(v2sf) =	vpush v59, $0xF;
	v9 =	vnsel vm8, $0x0, v9  }
0x158: {  	(v2sf) =	vpush v60, $0xF;
	(xrf2) =	vadd.scan.msk.f32 $0xffff, v9;
	_ =	sdelay $0x1  }
0x159: {  	(v2sf) =	vpush v61, $0xF;
	_ =	sdelay $0x1  }
0x15a: {  	(v2sf) =	vpush v62, $0xF;
	_ =	sdelay $0x5  }
0x15b: {  	v63, _, _ =	vpop (xrf2)  }
0x15c: {  	v10 =	vbroadcast v63, $0xF;
	_ =	sdelay $0x1  }
0x15d: {  	(erf) = vrcp.f32 v10  }
0x15e: {  	s28 =	spop (v2sf)  }
0x15f: {  	s29 =	spop (v2sf)  }
0x160: {  	v8 =	vnsel vm0, $0x0, v8;
	s13 =	sxor.u32 $0x80000000, s28;
	s15 =	sxor.u32 $0x80000000, s29  }
0x161: {  	v8 =	vsel vm1, s14, v8;
	s30 =	spop (v2sf);
	p2 =	slt.s32 s13, s15  }
0x162: {  	v8 =	vnsel vm2, s16, v8;
	s15 =	smov.u32 @p2 s13;
	s13 =	sxor.u32 $0x80000000, s30  }
0x163: {  	v8 =	vnsel vm3, s18, v8;
	s31 =	spop (v2sf);
	p2 =	slt.s32 s15, s13  }
0x164: {  	v8 =	vnsel vm4, s20, v8;
	s14 =	sxor.u32 $0x80000000, s31;
	s13 =	smov.u32 @p2 s15  }
0x165: {  	v8 =	vnsel vm5, s22, v8;
	p2 =	slt.s32 s13, s14  }
0x166: {  	v8 =	vnsel vm6, s24, v8;
	vm9 =	veq.s32 v0, $0x7;
	s14 =	smov.u32 @p2 s13;
	v10 =	vpop (erf)  }
0x167: {  	v8 =	vsel vm9, s14, v8;
	v9 =	vmul.f32 v10, v9  }
0x168: {  	[tilespmem:$0x80] =	vst v8  }
0x169: {  	[tilespmem:$0x100] =	vst v9  }
0x16a: {  	[hbm4b:s3+s9] =	stream.linear.scatter [tilespmem:s11], [sflag:$0x1], $0x80, $0x38;
	[tilespmem:$0x180] =	vst v63  }
0x16b: {  	_ =	swait.ge [sflag:s10], $0x80  }
0x16c: {  	[sflag:s10] =	ssyncset.done $0x0  }
0x16d: {  	[sflag:s10] =	ssyncadd.s32 $0xFFFFFF80  }
0x16e: {  	[hbm4b:s4+s9] =	stream.linear.scatter [tilespmem:s12], [sflag:$0x1], $0x80, $0x38;
	[tilespmem:$0x180] =	vst v63  }
0x16f: {  	_ =	swait.ge [sflag:s10], $0x80  }
0x170: {  	[sflag:s10] =	ssyncset.done $0x0  }
0x171: {  	[sflag:s10] =	ssyncadd.s32 $0xFFFFFF80  }
.LBB2_3:
.Ltmp3:
0x172: {  	(pc) =	sbr.rel @!p0 .LBB2_5-.Ltmp3, $1  }
0x173: {  	_ =	sdelay $0x3  }
0x174: {  	[tilespmem:s9], [sflag:$0x1] =	stream.linear.gather [hbm4b:s2+s9], $0x80, $0x38;
	[tilespmem:$0x180] =	vst v63  }
0x175: {  	_ =	swait.ge [sflag:s10], $0x80  }
0x176: {  	[sflag:s10] =	ssyncset.done $0x0  }
0x177: {  	[sflag:s10] =	ssyncadd.s32 $0xFFFFFF80  }
0x178: {  	v9 =	vld [tilespmem:$0x0]  }
0x179: {  	v10 =	vld [tilespmem:$0x10]  }
0x17a: {  	v11 =	vld [tilespmem:$0x20]  }
0x17b: {  	v12 =	vld [tilespmem:$0x30];
	_ =	sdelay $0x1  }
0x17c: {  	(xrf0) =	vmax.scan.msk.f32 $0xffff, v9  }
0x17d: {  	(xrf0) =	vmax.scan.msk.f32 $0xffff, v10  }
0x17e: {  	(xrf0) =	vmax.scan.msk.f32 $0xffff, v11  }
0x17f: {  	(xrf0) =	vmax.scan.msk.f32 $0xffff, v12;
	_ =	sdelay $0x2  }
0x180: {  	v8, _, _ =	vpop (xrf0)  }
0x181: {  	(v2sf) =	vpush v8, $0xF;
	v8, _, _ =	vpop (xrf0)  }
0x182: {  	(v2sf) =	vpush v8, $0xF;
	v8, _, _ =	vpop (xrf0)  }
0x183: {  	(v2sf) =	vpush v8, $0xF;
	v8, _, _ =	vpop (xrf0)  }
0x184: {  	(v2sf) =	vpush v8, $0xF;
	_ =	sdelay $0xb  }
0x185: {  	s13 =	spop (v2sf)  }
0x186: {  	s14 =	spop (v2sf)  }
0x187: {  	s13 =	smax.f32 s13, s14;
	s28 =	spop (v2sf)  }
0x188: {  	s13 =	smax.f32 s13, s28;
	s29 =	spop (v2sf)  }
0x189: {  	s13 =	smax.f32 s13, s29  }
0x18a: {  	vm9 =	veq.f32 v9, s13  }
0x18b: {  	v8 =	vnsel vm9, $0xFFFFFFFF, v1;
	vm9 =	veq.f32 v10, s13  }
0x18c: {  	(xrf0) =	vmin.scan.msk.u32 $0xffff, v8;
	v8 =	vnsel vm9, $0xFFFFFFFF, v2  }
0x18d: {  	vm9 =	veq.f32 v11, s13;
	(xrf0) =	vmin.scan.msk.u32 $0xffff, v8  }
0x18e: {  	v8 =	vnsel vm9, $0xFFFFFFFF, v3;
	vm9 =	veq.f32 v12, s13  }
0x18f: {  	(xrf0) =	vmin.scan.msk.u32 $0xffff, v8;
	v8 =	vnsel vm9, $0xFFFFFFFF, v4;
	_ =	sdelay $0x1  }
0x190: {  	(xrf0) =	vmin.scan.msk.u32 $0xffff, v8  }
0x191: {  	v8, _, _ =	vpop (xrf0)  }
0x192: {  	(v2sf) =	vpush v8, $0xF;
	v8, _, _ =	vpop (xrf0)  }
0x193: {  	(v2sf) =	vpush v8, $0xF  }
0x194: {  	v8, _, _ =	vpop (xrf0)  }
0x195: {  	(v2sf) =	vpush v8, $0xF  }
0x196: {  	v8, _, _ =	vpop (xrf0)  }
0x197: {  	(v2sf) =	vpush v8, $0xF;
	_ =	sdelay $0x9  }
0x198: {  	s30 =	spop (v2sf)  }
0x199: {  	s15 =	spop (v2sf)  }
0x19a: {  	s14 =	sxor.u32 $0x80000000, s30;
	s15 =	sxor.u32 $0x80000000, s15  }
0x19b: {  	s16 =	spop (v2sf);
	p2 =	slt.s32 s14, s15  }
0x19c: {  	s15 =	smov.u32 @p2 s14;
	s14 =	sxor.u32 $0x80000000, s16  }
0x19d: {  	s31 =	spop (v2sf);
	p2 =	slt.s32 s15, s14  }
0x19e: {  	s14 =	smov.u32 @p2 s15;
	s15 =	sxor.u32 $0x80000000, s31  }
0x19f: {  	p2 =	slt.s32 s14, s15  }
0x1a0: {  	s15 =	smov.u32 @p2 s14  }
0x1a1: {  	v8 =	vmov s15  }
0x1a2: {  	vm9 =	veq.s32 v8, v0  }
0x1a3: {  	v9 =	vsel vm9, $0xFF61B1E6, v9;
	vm9 =	veq.s32 v8, v5  }
0x1a4: {  	v10 =	vsel vm9, $0xFF61B1E6, v10;
	vm9 =	veq.s32 v8, v6;
	(xrf0) =	vmax.scan.msk.f32 $0xffff, v9  }
0x1a5: {  	v11 =	vsel vm9, $0xFF61B1E6, v11;
	vm9 =	veq.s32 v8, v7;
	(xrf0) =	vmax.scan.msk.f32 $0xffff, v10  }
0x1a6: {  	v12 =	vsel vm9, $0xFF61B1E6, v12;
	(xrf0) =	vmax.scan.msk.f32 $0xffff, v11  }
0x1a7: {  	(xrf0) =	vmax.scan.msk.f32 $0xffff, v12;
	_ =	sdelay $0x2  }
0x1a8: {  	v13, _, _ =	vpop (xrf0)  }
0x1a9: {  	(v2sf) =	vpush v13, $0xF;
	v21, _, _ =	vpop (xrf0)  }
0x1aa: {  	(v2sf) =	vpush v21, $0xF;
	v22, _, _ =	vpop (xrf0)  }
0x1ab: {  	(v2sf) =	vpush v22, $0xF;
	v23, _, _ =	vpop (xrf0)  }
0x1ac: {  	(v2sf) =	vpush v23, $0xF;
	_ =	sdelay $0xb  }
0x1ad: {  	s15 =	spop (v2sf)  }
0x1ae: {  	s16 =	spop (v2sf)  }
0x1af: {  	s14 =	smax.f32 s15, s16;
	s17 =	spop (v2sf)  }
0x1b0: {  	s14 =	smax.f32 s14, s17;
	s18 =	spop (v2sf)  }
0x1b1: {  	s15 =	smax.f32 s14, s18  }
0x1b2: {  	vm9 =	veq.f32 v9, s15  }
0x1b3: {  	v24 =	vnsel vm9, $0xFFFFFFFF, v1;
	vm9 =	veq.f32 v10, s15  }
0x1b4: {  	(xrf0) =	vmin.scan.msk.u32 $0xffff, v24;
	v25 =	vnsel vm9, $0xFFFFFFFF, v2  }
0x1b5: {  	vm9 =	veq.f32 v11, s15;
	(xrf0) =	vmin.scan.msk.u32 $0xffff, v25  }
0x1b6: {  	v26 =	vnsel vm9, $0xFFFFFFFF, v3  }
0x1b7: {  	vm9 =	veq.f32 v12, s15;
	(xrf0) =	vmin.scan.msk.u32 $0xffff, v26  }
0x1b8: {  	v27 =	vnsel vm9, $0xFFFFFFFF, v4  }
0x1b9: {  	(xrf0) =	vmin.scan.msk.u32 $0xffff, v27  }
0x1ba: {  	v28, _, _ =	vpop (xrf0)  }
0x1bb: {  	(v2sf) =	vpush v28, $0xF;
	v29, _, _ =	vpop (xrf0)  }
0x1bc: {  	(v2sf) =	vpush v29, $0xF  }
0x1bd: {  	v30, _, _ =	vpop (xrf0)  }
0x1be: {  	(v2sf) =	vpush v30, $0xF  }
0x1bf: {  	v31, _, _ =	vpop (xrf0)  }
0x1c0: {  	(v2sf) =	vpush v31, $0xF;
	_ =	sdelay $0x9  }
0x1c1: {  	s19 =	spop (v2sf)  }
0x1c2: {  	s20 =	spop (v2sf)  }
0x1c3: {  	s14 =	sxor.u32 $0x80000000, s19;
	s16 =	sxor.u32 $0x80000000, s20  }
0x1c4: {  	s17 =	spop (v2sf);
	p2 =	slt.s32 s14, s16  }
0x1c5: {  	s17 =	sxor.u32 $0x80000000, s17;
	s16 =	smov.u32 @p2 s14  }
0x1c6: {  	s21 =	spop (v2sf);
	p2 =	slt.s32 s16, s17  }
0x1c7: {  	s14 =	sxor.u32 $0x80000000, s21;
	s17 =	smov.u32 @p2 s16  }
0x1c8: {  	p2 =	slt.s32 s17, s14  }
0x1c9: {  	s14 =	smov.u32 @p2 s17  }
0x1ca: {  	v32 =	vmov s14  }
0x1cb: {  	vm9 =	veq.s32 v32, v0  }
0x1cc: {  	v9 =	vsel vm9, $0xFF61B1E6, v9;
	vm9 =	veq.s32 v32, v5  }
0x1cd: {  	v10 =	vsel vm9, $0xFF61B1E6, v10;
	vm9 =	veq.s32 v32, v6;
	(xrf0) =	vmax.scan.msk.f32 $0xffff, v9  }
0x1ce: {  	v11 =	vsel vm9, $0xFF61B1E6, v11;
	vm9 =	veq.s32 v32, v7;
	(xrf0) =	vmax.scan.msk.f32 $0xffff, v10  }
0x1cf: {  	v12 =	vsel vm9, $0xFF61B1E6, v12;
	(xrf0) =	vmax.scan.msk.f32 $0xffff, v11  }
0x1d0: {  	(xrf0) =	vmax.scan.msk.f32 $0xffff, v12;
	_ =	sdelay $0x2  }
0x1d1: {  	v33, _, _ =	vpop (xrf0)  }
0x1d2: {  	(v2sf) =	vpush v33, $0xF;
	v34, _, _ =	vpop (xrf0)  }
0x1d3: {  	(v2sf) =	vpush v34, $0xF;
	v35, _, _ =	vpop (xrf0)  }
0x1d4: {  	(v2sf) =	vpush v35, $0xF;
	v36, _, _ =	vpop (xrf0)  }
0x1d5: {  	(v2sf) =	vpush v36, $0xF;
	_ =	sdelay $0xb  }
0x1d6: {  	s22 =	spop (v2sf)  }
0x1d7: {  	s23 =	spop (v2sf)  }
0x1d8: {  	s16 =	smax.f32 s22, s23;
	s24 =	spop (v2sf)  }
0x1d9: {  	s16 =	smax.f32 s16, s24;
	s25 =	spop (v2sf)  }
0x1da: {  	s17 =	smax.f32 s16, s25  }
0x1db: {  	vm9 =	veq.f32 v9, s17  }
0x1dc: {  	v37 =	vnsel vm9, $0xFFFFFFFF, v1;
	vm9 =	veq.f32 v10, s17  }
0x1dd: {  	(xrf0) =	vmin.scan.msk.u32 $0xffff, v37;
	v38 =	vnsel vm9, $0xFFFFFFFF, v2  }
0x1de: {  	vm9 =	veq.f32 v11, s17;
	(xrf0) =	vmin.scan.msk.u32 $0xffff, v38  }
0x1df: {  	v39 =	vnsel vm9, $0xFFFFFFFF, v3  }
0x1e0: {  	vm9 =	veq.f32 v12, s17;
	(xrf0) =	vmin.scan.msk.u32 $0xffff, v39  }
0x1e1: {  	v40 =	vnsel vm9, $0xFFFFFFFF, v4  }
0x1e2: {  	(xrf0) =	vmin.scan.msk.u32 $0xffff, v40  }
0x1e3: {  	v41, _, _ =	vpop (xrf0)  }
0x1e4: {  	(v2sf) =	vpush v41, $0xF;
	v42, _, _ =	vpop (xrf0)  }
0x1e5: {  	(v2sf) =	vpush v42, $0xF  }
0x1e6: {  	v43, _, _ =	vpop (xrf0)  }
0x1e7: {  	(v2sf) =	vpush v43, $0xF  }
0x1e8: {  	v44, _, _ =	vpop (xrf0)  }
0x1e9: {  	(v2sf) =	vpush v44, $0xF;
	_ =	sdelay $0x9  }
0x1ea: {  	s26 =	spop (v2sf)  }
0x1eb: {  	s18 =	spop (v2sf)  }
0x1ec: {  	s16 =	sxor.u32 $0x80000000, s26;
	s18 =	sxor.u32 $0x80000000, s18  }
0x1ed: {  	s19 =	spop (v2sf);
	p2 =	slt.s32 s16, s18  }
0x1ee: {  	s19 =	sxor.u32 $0x80000000, s19;
	s18 =	smov.u32 @p2 s16  }
0x1ef: {  	s28 =	spop (v2sf);
	p2 =	slt.s32 s18, s19  }
0x1f0: {  	s16 =	sxor.u32 $0x80000000, s28;
	s19 =	smov.u32 @p2 s18  }
0x1f1: {  	p2 =	slt.s32 s19, s16  }
0x1f2: {  	s16 =	smov.u32 @p2 s19  }
0x1f3: {  	v45 =	vmov s16  }
0x1f4: {  	vm9 =	veq.s32 v45, v0  }
0x1f5: {  	v9 =	vsel vm9, $0xFF61B1E6, v9;
	vm9 =	veq.s32 v45, v5  }
0x1f6: {  	v10 =	vsel vm9, $0xFF61B1E6, v10;
	vm9 =	veq.s32 v45, v6;
	(xrf0) =	vmax.scan.msk.f32 $0xffff, v9  }
0x1f7: {  	v11 =	vsel vm9, $0xFF61B1E6, v11;
	vm9 =	veq.s32 v45, v7;
	(xrf0) =	vmax.scan.msk.f32 $0xffff, v10  }
0x1f8: {  	v12 =	vsel vm9, $0xFF61B1E6, v12;
	(xrf0) =	vmax.scan.msk.f32 $0xffff, v11  }
0x1f9: {  	(xrf0) =	vmax.scan.msk.f32 $0xffff, v12;
	_ =	sdelay $0x2  }
0x1fa: {  	v46, _, _ =	vpop (xrf0)  }
0x1fb: {  	(v2sf) =	vpush v46, $0xF;
	v47, _, _ =	vpop (xrf0)  }
0x1fc: {  	(v2sf) =	vpush v47, $0xF;
	v48, _, _ =	vpop (xrf0)  }
0x1fd: {  	(v2sf) =	vpush v48, $0xF;
	v49, _, _ =	vpop (xrf0)  }
0x1fe: {  	(v2sf) =	vpush v49, $0xF;
	_ =	sdelay $0xb  }
0x1ff: {  	s29 =	spop (v2sf)  }
0x200: {  	s30 =	spop (v2sf)  }
0x201: {  	s18 =	smax.f32 s29, s30;
	s31 =	spop (v2sf)  }
0x202: {  	s18 =	smax.f32 s18, s31;
	s20 =	spop (v2sf)  }
0x203: {  	s19 =	smax.f32 s18, s20  }
0x204: {  	vm9 =	veq.f32 v9, s19  }
0x205: {  	v50 =	vnsel vm9, $0xFFFFFFFF, v1;
	vm9 =	veq.f32 v10, s19  }
0x206: {  	(xrf0) =	vmin.scan.msk.u32 $0xffff, v50;
	v51 =	vnsel vm9, $0xFFFFFFFF, v2  }
0x207: {  	vm9 =	veq.f32 v11, s19;
	(xrf0) =	vmin.scan.msk.u32 $0xffff, v51  }
0x208: {  	v52 =	vnsel vm9, $0xFFFFFFFF, v3  }
0x209: {  	vm9 =	veq.f32 v12, s19;
	(xrf0) =	vmin.scan.msk.u32 $0xffff, v52  }
0x20a: {  	v53 =	vnsel vm9, $0xFFFFFFFF, v4  }
0x20b: {  	(xrf0) =	vmin.scan.msk.u32 $0xffff, v53  }
0x20c: {  	v54, _, _ =	vpop (xrf0)  }
0x20d: {  	(v2sf) =	vpush v54, $0xF;
	v55, _, _ =	vpop (xrf0)  }
0x20e: {  	(v2sf) =	vpush v55, $0xF  }
0x20f: {  	v56, _, _ =	vpop (xrf0)  }
0x210: {  	(v2sf) =	vpush v56, $0xF  }
0x211: {  	v57, _, _ =	vpop (xrf0)  }
0x212: {  	(v2sf) =	vpush v57, $0xF;
	_ =	sdelay $0x9  }
0x213: {  	s21 =	spop (v2sf)  }
0x214: {  	s20 =	spop (v2sf)  }
0x215: {  	s18 =	sxor.u32 $0x80000000, s21;
	s20 =	sxor.u32 $0x80000000, s20  }
0x216: {  	s21 =	spop (v2sf);
	p2 =	slt.s32 s18, s20  }
0x217: {  	s21 =	sxor.u32 $0x80000000, s21;
	s20 =	smov.u32 @p2 s18  }
0x218: {  	s22 =	spop (v2sf);
	p2 =	slt.s32 s20, s21  }
0x219: {  	s18 =	sxor.u32 $0x80000000, s22;
	s21 =	smov.u32 @p2 s20  }
0x21a: {  	p2 =	slt.s32 s21, s18  }
0x21b: {  	s18 =	smov.u32 @p2 s21  }
0x21c: {  	v58 =	vmov s18  }
0x21d: {  	vm9 =	veq.s32 v58, v0  }
0x21e: {  	v9 =	vsel vm9, $0xFF61B1E6, v9;
	vm9 =	veq.s32 v58, v5  }
0x21f: {  	v10 =	vsel vm9, $0xFF61B1E6, v10;
	vm9 =	veq.s32 v58, v6;
	(xrf0) =	vmax.scan.msk.f32 $0xffff, v9  }
0x220: {  	v11 =	vsel vm9, $0xFF61B1E6, v11;
	vm9 =	veq.s32 v58, v7;
	(xrf0) =	vmax.scan.msk.f32 $0xffff, v10  }
0x221: {  	v12 =	vsel vm9, $0xFF61B1E6, v12;
	(xrf0) =	vmax.scan.msk.f32 $0xffff, v11  }
0x222: {  	(xrf0) =	vmax.scan.msk.f32 $0xffff, v12;
	_ =	sdelay $0x2  }
0x223: {  	v59, _, _ =	vpop (xrf0)  }
0x224: {  	(v2sf) =	vpush v59, $0xF;
	v60, _, _ =	vpop (xrf0)  }
0x225: {  	(v2sf) =	vpush v60, $0xF;
	v61, _, _ =	vpop (xrf0)  }
0x226: {  	(v2sf) =	vpush v61, $0xF;
	v62, _, _ =	vpop (xrf0)  }
0x227: {  	(v2sf) =	vpush v62, $0xF;
	_ =	sdelay $0xb  }
0x228: {  	s23 =	spop (v2sf)  }
0x229: {  	s24 =	spop (v2sf)  }
0x22a: {  	s20 =	smax.f32 s23, s24;
	s25 =	spop (v2sf)  }
0x22b: {  	s20 =	smax.f32 s20, s25;
	s26 =	spop (v2sf)  }
0x22c: {  	s21 =	smax.f32 s20, s26  }
0x22d: {  	vm9 =	veq.f32 v9, s21  }
0x22e: {  	v63 =	vnsel vm9, $0xFFFFFFFF, v1;
	vm9 =	veq.f32 v10, s21  }
0x22f: {  	(xrf0) =	vmin.scan.msk.u32 $0xffff, v63;
	v16 =	vnsel vm9, $0xFFFFFFFF, v2  }
0x230: {  	vm9 =	veq.f32 v11, s21;
	(xrf0) =	vmin.scan.msk.u32 $0xffff, v16  }
0x231: {  	v17 =	vnsel vm9, $0xFFFFFFFF, v3  }
0x232: {  	vm9 =	veq.f32 v12, s21;
	(xrf0) =	vmin.scan.msk.u32 $0xffff, v17  }
0x233: {  	v18 =	vnsel vm9, $0xFFFFFFFF, v4  }
0x234: {  	(xrf0) =	vmin.scan.msk.u32 $0xffff, v18  }
0x235: {  	v19, _, _ =	vpop (xrf0)  }
0x236: {  	(v2sf) =	vpush v19, $0xF;
	v20, _, _ =	vpop (xrf0)  }
0x237: {  	(v2sf) =	vpush v20, $0xF  }
0x238: {  	v21, _, _ =	vpop (xrf0)  }
0x239: {  	(v2sf) =	vpush v21, $0xF  }
0x23a: {  	v22, _, _ =	vpop (xrf0)  }
0x23b: {  	(v2sf) =	vpush v22, $0xF;
	_ =	sdelay $0x9  }
0x23c: {  	s28 =	spop (v2sf)  }
0x23d: {  	s22 =	spop (v2sf)  }
0x23e: {  	s20 =	sxor.u32 $0x80000000, s28;
	s22 =	sxor.u32 $0x80000000, s22  }
0x23f: {  	s23 =	spop (v2sf);
	p2 =	slt.s32 s20, s22  }
0x240: {  	s23 =	sxor.u32 $0x80000000, s23;
	s22 =	smov.u32 @p2 s20  }
0x241: {  	s29 =	spop (v2sf);
	p2 =	slt.s32 s22, s23  }
0x242: {  	s20 =	sxor.u32 $0x80000000, s29;
	s23 =	smov.u32 @p2 s22  }
0x243: {  	p2 =	slt.s32 s23, s20  }
0x244: {  	s20 =	smov.u32 @p2 s23  }
0x245: {  	v23 =	vmov s20  }
0x246: {  	vm9 =	veq.s32 v23, v0  }
0x247: {  	v9 =	vsel vm9, $0xFF61B1E6, v9;
	vm9 =	veq.s32 v23, v5  }
0x248: {  	v10 =	vsel vm9, $0xFF61B1E6, v10;
	vm9 =	veq.s32 v23, v6;
	(xrf0) =	vmax.scan.msk.f32 $0xffff, v9  }
0x249: {  	v11 =	vsel vm9, $0xFF61B1E6, v11;
	vm9 =	veq.s32 v23, v7;
	(xrf0) =	vmax.scan.msk.f32 $0xffff, v10  }
0x24a: {  	v12 =	vsel vm9, $0xFF61B1E6, v12;
	(xrf0) =	vmax.scan.msk.f32 $0xffff, v11  }
0x24b: {  	(xrf0) =	vmax.scan.msk.f32 $0xffff, v12;
	_ =	sdelay $0x2  }
0x24c: {  	v24, _, _ =	vpop (xrf0)  }
0x24d: {  	(v2sf) =	vpush v24, $0xF;
	v25, _, _ =	vpop (xrf0)  }
0x24e: {  	(v2sf) =	vpush v25, $0xF;
	v26, _, _ =	vpop (xrf0)  }
0x24f: {  	(v2sf) =	vpush v26, $0xF;
	v27, _, _ =	vpop (xrf0)  }
0x250: {  	(v2sf) =	vpush v27, $0xF;
	_ =	sdelay $0xb  }
0x251: {  	s30 =	spop (v2sf)  }
0x252: {  	s31 =	spop (v2sf)  }
0x253: {  	s22 =	smax.f32 s30, s31;
	s24 =	spop (v2sf)  }
0x254: {  	s22 =	smax.f32 s22, s24;
	s25 =	spop (v2sf)  }
0x255: {  	s23 =	smax.f32 s22, s25  }
0x256: {  	vm9 =	veq.f32 v9, s23  }
0x257: {  	v28 =	vnsel vm9, $0xFFFFFFFF, v1;
	vm9 =	veq.f32 v10, s23  }
0x258: {  	(xrf0) =	vmin.scan.msk.u32 $0xffff, v28;
	v29 =	vnsel vm9, $0xFFFFFFFF, v2  }
0x259: {  	vm9 =	veq.f32 v11, s23;
	(xrf0) =	vmin.scan.msk.u32 $0xffff, v29  }
0x25a: {  	v30 =	vnsel vm9, $0xFFFFFFFF, v3  }
0x25b: {  	vm9 =	veq.f32 v12, s23;
	(xrf0) =	vmin.scan.msk.u32 $0xffff, v30  }
0x25c: {  	v31 =	vnsel vm9, $0xFFFFFFFF, v4  }
0x25d: {  	(xrf0) =	vmin.scan.msk.u32 $0xffff, v31  }
0x25e: {  	v32, _, _ =	vpop (xrf0)  }
0x25f: {  	(v2sf) =	vpush v32, $0xF;
	v33, _, _ =	vpop (xrf0)  }
0x260: {  	(v2sf) =	vpush v33, $0xF  }
0x261: {  	v34, _, _ =	vpop (xrf0)  }
0x262: {  	(v2sf) =	vpush v34, $0xF  }
0x263: {  	v35, _, _ =	vpop (xrf0)  }
0x264: {  	(v2sf) =	vpush v35, $0xF;
	_ =	sdelay $0x9  }
0x265: {  	s26 =	spop (v2sf)  }
0x266: {  	s24 =	spop (v2sf)  }
0x267: {  	s22 =	sxor.u32 $0x80000000, s26;
	s24 =	sxor.u32 $0x80000000, s24  }
0x268: {  	s25 =	spop (v2sf);
	p2 =	slt.s32 s22, s24  }
0x269: {  	s25 =	sxor.u32 $0x80000000, s25;
	s24 =	smov.u32 @p2 s22  }
0x26a: {  	s28 =	spop (v2sf);
	p2 =	slt.s32 s24, s25  }
0x26b: {  	s22 =	sxor.u32 $0x80000000, s28;
	s25 =	smov.u32 @p2 s24  }
0x26c: {  	p2 =	slt.s32 s25, s22  }
0x26d: {  	s22 =	smov.u32 @p2 s25  }
0x26e: {  	v36 =	vmov s22  }
0x26f: {  	vm9 =	veq.s32 v36, v0  }
0x270: {  	v9 =	vsel vm9, $0xFF61B1E6, v9;
	vm9 =	veq.s32 v36, v5  }
0x271: {  	v10 =	vsel vm9, $0xFF61B1E6, v10;
	vm9 =	veq.s32 v36, v6;
	(xrf0) =	vmax.scan.msk.f32 $0xffff, v9  }
0x272: {  	v11 =	vsel vm9, $0xFF61B1E6, v11;
	vm9 =	veq.s32 v36, v7;
	(xrf0) =	vmax.scan.msk.f32 $0xffff, v10  }
0x273: {  	v12 =	vsel vm9, $0xFF61B1E6, v12;
	(xrf0) =	vmax.scan.msk.f32 $0xffff, v11  }
0x274: {  	(xrf0) =	vmax.scan.msk.f32 $0xffff, v12;
	_ =	sdelay $0x2  }
0x275: {  	v37, _, _ =	vpop (xrf0)  }
0x276: {  	(v2sf) =	vpush v37, $0xF;
	v38, _, _ =	vpop (xrf0)  }
0x277: {  	(v2sf) =	vpush v38, $0xF;
	v39, _, _ =	vpop (xrf0)  }
0x278: {  	(v2sf) =	vpush v39, $0xF;
	v40, _, _ =	vpop (xrf0)  }
0x279: {  	(v2sf) =	vpush v40, $0xF;
	_ =	sdelay $0xb  }
0x27a: {  	s29 =	spop (v2sf)  }
0x27b: {  	s30 =	spop (v2sf)  }
0x27c: {  	s24 =	smax.f32 s29, s30;
	s31 =	spop (v2sf)  }
0x27d: {  	s24 =	smax.f32 s24, s31;
	s26 =	spop (v2sf)  }
0x27e: {  	s25 =	smax.f32 s24, s26  }
0x27f: {  	vm9 =	veq.f32 v9, s25  }
0x280: {  	v41 =	vnsel vm9, $0xFFFFFFFF, v1;
	vm9 =	veq.f32 v10, s25  }
0x281: {  	(xrf0) =	vmin.scan.msk.u32 $0xffff, v41;
	v42 =	vnsel vm9, $0xFFFFFFFF, v2  }
0x282: {  	vm9 =	veq.f32 v11, s25;
	(xrf0) =	vmin.scan.msk.u32 $0xffff, v42  }
0x283: {  	v43 =	vnsel vm9, $0xFFFFFFFF, v3  }
0x284: {  	vm9 =	veq.f32 v12, s25;
	(xrf0) =	vmin.scan.msk.u32 $0xffff, v43  }
0x285: {  	v44 =	vnsel vm9, $0xFFFFFFFF, v4  }
0x286: {  	(xrf0) =	vmin.scan.msk.u32 $0xffff, v44  }
0x287: {  	v45, _, _ =	vpop (xrf0)  }
0x288: {  	(v2sf) =	vpush v45, $0xF;
	v46, _, _ =	vpop (xrf0)  }
0x289: {  	(v2sf) =	vpush v46, $0xF  }
0x28a: {  	v47, _, _ =	vpop (xrf0)  }
0x28b: {  	(v2sf) =	vpush v47, $0xF  }
0x28c: {  	v48, _, _ =	vpop (xrf0)  }
0x28d: {  	(v2sf) =	vpush v48, $0xF;
	_ =	sdelay $0x9  }
0x28e: {  	s28 =	spop (v2sf)  }
0x28f: {  	s26 =	spop (v2sf)  }
0x290: {  	s24 =	sxor.u32 $0x80000000, s28;
	s26 =	sxor.u32 $0x80000000, s26  }
0x291: {  	s28 =	spop (v2sf);
	p2 =	slt.s32 s24, s26  }
0x292: {  	s28 =	sxor.u32 $0x80000000, s28;
	s26 =	smov.u32 @p2 s24  }
0x293: {  	s29 =	spop (v2sf);
	p2 =	slt.s32 s26, s28  }
0x294: {  	s24 =	sxor.u32 $0x80000000, s29;
	s28 =	smov.u32 @p2 s26  }
0x295: {  	p2 =	slt.s32 s28, s24  }
0x296: {  	s24 =	smov.u32 @p2 s28  }
0x297: {  	v49 =	vmov s24  }
0x298: {  	vm9 =	veq.s32 v49, v0  }
0x299: {  	v9 =	vsel vm9, $0xFF61B1E6, v9;
	vm9 =	veq.s32 v49, v5  }
0x29a: {  	v10 =	vsel vm9, $0xFF61B1E6, v10;
	vm9 =	veq.s32 v49, v6;
	(xrf0) =	vmax.scan.msk.f32 $0xffff, v9  }
0x29b: {  	v11 =	vsel vm9, $0xFF61B1E6, v11;
	vm9 =	veq.s32 v49, v7;
	(xrf0) =	vmax.scan.msk.f32 $0xffff, v10  }
0x29c: {  	v12 =	vsel vm9, $0xFF61B1E6, v12;
	(xrf0) =	vmax.scan.msk.f32 $0xffff, v11  }
0x29d: {  	(xrf0) =	vmax.scan.msk.f32 $0xffff, v12;
	_ =	sdelay $0x2  }
0x29e: {  	v50, _, _ =	vpop (xrf0)  }
0x29f: {  	(v2sf) =	vpush v50, $0xF;
	v51, _, _ =	vpop (xrf0)  }
0x2a0: {  	(v2sf) =	vpush v51, $0xF;
	v52, _, _ =	vpop (xrf0)  }
0x2a1: {  	(v2sf) =	vpush v52, $0xF;
	v53, _, _ =	vpop (xrf0)  }
0x2a2: {  	(v2sf) =	vpush v53, $0xF;
	_ =	sdelay $0xb  }
0x2a3: {  	s30 =	spop (v2sf)  }
0x2a4: {  	s31 =	spop (v2sf)  }
0x2a5: {  	v54 =	vmov s13;
	s29 =	smax.f32 s30, s31;
	s30 =	spop (v2sf)  }
0x2a6: {  	v13 =	vnsel vm0, $0xFF61B1E6, v54;
	s13 =	smax.f32 s29, s30;
	s31 =	spop (v2sf)  }
0x2a7: {  	v13 =	vsel vm1, s15, v13;
	s13 =	smax.f32 s13, s31  }
0x2a8: {  	v13 =	vnsel vm2, s17, v13;
	vm9 =	veq.f32 v9, s13  }
0x2a9: {  	v55 =	vnsel vm3, s19, v13;
	v56 =	vnsel vm9, $0xFFFFFFFF, v1;
	vm9 =	veq.f32 v10, s13  }
0x2aa: {  	v9 =	vnsel vm4, s21, v55;
	(xrf0) =	vmin.scan.msk.u32 $0xffff, v56;
	v10 =	vnsel vm9, $0xFFFFFFFF, v2;
	vm9 =	veq.f32 v11, s13  }
0x2ab: {  	v9 =	vnsel vm5, s23, v9;
	(xrf0) =	vmin.scan.msk.u32 $0xffff, v10;
	v57 =	vnsel vm9, $0xFFFFFFFF, v3;
	vm9 =	veq.f32 v12, s13  }
0x2ac: {  	v9 =	vnsel vm6, s25, v9;
	(xrf0) =	vmin.scan.msk.u32 $0xffff, v57;
	v58 =	vnsel vm9, $0xFFFFFFFF, v4  }
0x2ad: {  	v9 =	vnsel vm7, s13, v9;
	(xrf0) =	vmin.scan.msk.u32 $0xffff, v58  }
0x2ae: {  	(xrf0) =	vmax.scan.msk.f32 $0xffff, v9;
	_ =	sdelay $0x1  }
0x2af: {  	v59, _, _ =	vpop (xrf0)  }
0x2b0: {  	v60, _, _ =	vpop (xrf0)  }
0x2b1: {  	v61, _, _ =	vpop (xrf0)  }
0x2b2: {  	v62, _, _ =	vpop (xrf0)  }
0x2b3: {  	v14, _, _ =	vpop (xrf0)  }
0x2b4: {  	v14 =	vbroadcast v14, $0xF;
	_ =	sdelay $0x1  }
0x2b5: {  	v9 =	vsub.f32 v9, v14;
	_ =	sdelay $0x1  }
0x2b6: {  	v9 =	vmul.f32 $1.442695020e+00, v9;
	_ =	sdelay $0x1  }
0x2b7: {  	(erf) = vpow2.f32 v9;
	_ =	sdelay $0x8  }
0x2b8: {  	v9 =	vpop (erf)  }
0x2b9: {  	(v2sf) =	vpush v59, $0xF;
	v9 =	vnsel vm8, $0x0, v9  }
0x2ba: {  	(v2sf) =	vpush v60, $0xF;
	(xrf2) =	vadd.scan.msk.f32 $0xffff, v9;
	_ =	sdelay $0x1  }
0x2bb: {  	(v2sf) =	vpush v61, $0xF;
	_ =	sdelay $0x1  }
0x2bc: {  	(v2sf) =	vpush v62, $0xF;
	_ =	sdelay $0x5  }
0x2bd: {  	v63, _, _ =	vpop (xrf2)  }
0x2be: {  	v10 =	vbroadcast v63, $0xF;
	_ =	sdelay $0x1  }
0x2bf: {  	(erf) = vrcp.f32 v10  }
0x2c0: {  	s28 =	spop (v2sf)  }
0x2c1: {  	s29 =	spop (v2sf)  }
0x2c2: {  	v8 =	vnsel vm0, $0x0, v8;
	s13 =	sxor.u32 $0x80000000, s28;
	s15 =	sxor.u32 $0x80000000, s29  }
0x2c3: {  	v8 =	vsel vm1, s14, v8;
	s30 =	spop (v2sf);
	p2 =	slt.s32 s13, s15  }
0x2c4: {  	v8 =	vnsel vm2, s16, v8;
	s15 =	smov.u32 @p2 s13;
	s13 =	sxor.u32 $0x80000000, s30  }
0x2c5: {  	v8 =	vnsel vm3, s18, v8;
	s31 =	spop (v2sf);
	p2 =	slt.s32 s15, s13  }
0x2c6: {  	v8 =	vnsel vm4, s20, v8;
	s14 =	sxor.u32 $0x80000000, s31;
	s13 =	smov.u32 @p2 s15  }
0x2c7: {  	v8 =	vnsel vm5, s22, v8;
	p2 =	slt.s32 s13, s14  }
0x2c8: {  	v8 =	vnsel vm6, s24, v8;
	vm9 =	veq.s32 v0, $0x7;
	s14 =	smov.u32 @p2 s13;
	v10 =	vpop (erf)  }
0x2c9: {  	v8 =	vsel vm9, s14, v8;
	v9 =	vmul.f32 v10, v9  }
0x2ca: {  	[tilespmem:$0x80] =	vst v8  }
0x2cb: {  	[tilespmem:$0x100] =	vst v9  }
0x2cc: {  	[hbm4b:s6+s9] =	stream.linear.scatter [tilespmem:s11], [sflag:$0x1], $0x80, $0x38;
	[tilespmem:$0x180] =	vst v63  }
0x2cd: {  	_ =	swait.ge [sflag:s10], $0x80  }
0x2ce: {  	[sflag:s10] =	ssyncset.done $0x0  }
.Ltmp4:
0x2cf: {  	[sflag:s10] =	ssyncadd.s32 $0xFFFFFF80;
	(pc) =	sbr.rel .LBB2_5-.Ltmp4, $4  }
0x2d0: {  	[hbm4b:s7+s9] =	stream.linear.scatter [tilespmem:s12], [sflag:$0x1], $0x80, $0x38;
	[tilespmem:$0x180] =	vst v63  }
0x2d1: {  	_ =	swait.ge [sflag:s10], $0x80  }
0x2d2: {  	[sflag:s10] =	ssyncset.done $0x0  }
0x2d3: {  	[sflag:s10] =	ssyncadd.s32 $0xFFFFFF80  }
.LBB2_6:
0x2d4: {  	_ =	sfence.sel $0x180000  }
0x2d5: {  	[bflag:$0x0] =	sbarrier.arrive $0xFFFF  }
0x2d6: {  	p0 =	sne.s32 s5, $0x0;
	_ =	strace $0x90000047  }
0x2d7: {  	s0 =	sadd.s32 @!p0 $0x100000, s0;
	[bflag:$0x2] =	sbarrier.arrive $0xFFFF  }
0x2d8: {  	[sflag:s0] =	ssyncadd.tile.s32 @!p0 $0x1;
	_ =	shalt  }
.Lfunc_end2:
_tile_overlayer_lowered:
.L_overlay_start_2:
0x2d9: {  	(tag) =	ssettag $0x2  }
0x2da: {  	s0 =	rddreg [dreg:$0x0];
	s2 =	stileid.u32  }
0x2db: {  	s1 =	rddreg [dreg:$0x1];
	p0 =	sne.s32 s2, $0x0  }
0x2dc: {  	s3 =	rddreg [dreg:$0x2];
	[bflag:$0x3] =	sbarrier.arrive $0xFFFF;
	s2 =	simm.s32 @!p0 $0x1C01  }
0x2dd: {  	[timem:s3], [sflag:s2] =	dma.local @!p0 [hbm:s0], s1  }
0x2de: {  	s0 =	simm.s32 @!p0 $0x1  }
0x2df: {  	_ =	swait.ge @!p0 [sflag:s0], s1  }
0x2e0: {  	s1 =	ssub.s32 @!p0 $0x0, s1;
	[sflag:s0] =	ssyncset.done @!p0 $0x0  }
0x2e1: {  	[sflag:s0] =	ssyncadd.s32 @!p0 s1  }
0x2e2: {  	[bflag:$0x3] =	sbarrier.arrive $0xFFFF  }
0x2e3: {  	_ =	shalt  }

</sc_bundles>
